<compile_context>
chip_gen: v7x
topology: tpu7x:2x2x1
jax: 0.10.2.dev20260603
libtpu: 0.0.44.dev20260713+nightly
codegen_flags: <defaults>
</compile_context>

<pallas_src>
import functools

import jax
import jax.numpy as jnp
from jax import lax
from jax.experimental import pallas as pl
from jax.experimental.pallas import tpu as pltpu
from jax.experimental.pallas import tpu_sc as plsc

_N = 10000
_E = 320000
_HID = 64
_NG = 16
_NC = 2
_NS = 16
_NP = 10240
_RPT = _NP // _NS
_BLK = 128
_NBLK = _E // _BLK
_NBT = 78
_RING = 6
_RG = 10
_RB = _N // _RG

_mesh = plsc.VectorSubcoreMesh(core_axis_name="c", subcore_axis_name="s")
_sc_params = pltpu.CompilerParams(use_tc_tiling_on_sc=False)


@functools.partial(
    pl.kernel,
    out_type=jax.ShapeDtypeStruct((_NC * _NP,), jnp.float32),
    mesh=_mesh,
    compiler_params=_sc_params,
    scratch_types=[
        pltpu.VMEM((_NBT + 1, _BLK), jnp.int32),
        pltpu.VMEM((_BLK,), jnp.float32),
        pltpu.VMEM((_RPT,), jnp.float32),
        pltpu.VMEM_SHARED((_NP,), jnp.float32),
        pltpu.SemaphoreType.DMA,
    ],
)
def _sc_degree(dst_hbm, out_hbm, idx_v, ones_v, zero_v, acc_sh, sem):
    c = lax.axis_index("c")
    s = lax.axis_index("s")
    wid = c * _NS + s

    @pl.loop(0, _BLK, step=16)
    def _(i):
        ones_v[pl.ds(i, 16)] = jnp.ones((16,), jnp.float32)

    @pl.loop(0, _RPT, step=16)
    def _(i):
        zero_v[pl.ds(i, 16)] = jnp.zeros((16,), jnp.float32)

    pltpu.sync_copy(zero_v, acc_sh.at[pl.ds(s * _RPT, _RPT)])
    pltpu.sync_copy(dst_hbm.at[pl.ds(wid * _NBT, _NBT)],
                    idx_v.at[pl.ds(0, _NBT)])

    @pl.when(wid < _NBLK - _NC * _NS * _NBT)
    def _():
        pltpu.sync_copy(dst_hbm.at[pl.ds(_NC * _NS * _NBT + wid, 1)],
                        idx_v.at[pl.ds(_NBT, 1)])

    plsc.subcore_barrier()

    @pl.loop(0, _NBT, step=13)
    def _(k):
        for j in range(13):
            pltpu.async_copy(ones_v, acc_sh.at[idx_v.at[k + j]], sem,
                             add=True)
        for j in range(13):
            pltpu.make_async_copy(ones_v, acc_sh.at[idx_v.at[k + j]],
                                  sem).wait()

    @pl.when(wid < _NBLK - _NC * _NS * _NBT)
    def _():
        pltpu.sync_copy(ones_v, acc_sh.at[idx_v.at[_NBT]], add=True)

    plsc.subcore_barrier()
    pltpu.sync_copy(acc_sh.at[pl.ds(s * _RPT, _RPT)], zero_v)
    pltpu.sync_copy(zero_v, out_hbm.at[pl.ds(c * _NP + s * _RPT, _RPT)])


@functools.partial(
    pl.kernel,
    out_type=jax.ShapeDtypeStruct((_NC, _NP, _HID), jnp.float32),
    mesh=_mesh,
    compiler_params=_sc_params,
    scratch_types=[
        pltpu.VMEM((_NBT + 1, _BLK), jnp.int32),
        pltpu.VMEM((_NBT + 1, _BLK), jnp.int32),
        pltpu.VMEM((_RING, _BLK, _HID), jnp.float32),
        pltpu.VMEM_SHARED((_NP, _HID), jnp.float32),
        pltpu.SemaphoreType.DMA,
    ] + [pltpu.SemaphoreType.DMA] * (2 * _RING),
)
def _sc_aggregate(table_hbm, src_hbm, dst_hbm, out_hbm,
                  isrc_v, idst_v, rows_v, acc_sh, sem, *slot_sems):
    c = lax.axis_index("c")
    s = lax.axis_index("s")
    wid = c * _NS + s
    extra = wid < _NBLK - _NC * _NS * _NBT
    sg = slot_sems[:_RING]
    ss = slot_sems[_RING:]

    def fire_gather(blk, b):
        pltpu.async_copy(table_hbm.at[isrc_v.at[blk]], rows_v.at[b], sg[b])

    def wait_gather(blk, b):
        pltpu.make_async_copy(table_hbm.at[isrc_v.at[blk]], rows_v.at[b],
                              sg[b]).wait()

    def fire_scatter(blk, b):
        pltpu.async_copy(rows_v.at[b], acc_sh.at[idst_v.at[blk]], ss[b],
                         add=True)

    def wait_scatter(blk, b):
        pltpu.make_async_copy(rows_v.at[b], acc_sh.at[idst_v.at[blk]],
                              ss[b]).wait()

    @pl.loop(0, _BLK)
    def _(r):
        @pl.loop(0, _HID, step=16)
        def _(j):
            rows_v[0, r, pl.ds(j, 16)] = jnp.zeros((16,), jnp.float32)

    @pl.loop(0, _RPT, step=_BLK)
    def _(r):
        pltpu.sync_copy(rows_v.at[0], acc_sh.at[pl.ds(s * _RPT + r, _BLK)])

    pltpu.sync_copy(src_hbm.at[pl.ds(wid * _NBT, _NBT)],
                    isrc_v.at[pl.ds(0, _NBT)])
    pltpu.sync_copy(dst_hbm.at[pl.ds(wid * _NBT, _NBT)],
                    idst_v.at[pl.ds(0, _NBT)])

    @pl.when(extra)
    def _():
        pltpu.sync_copy(src_hbm.at[pl.ds(_NC * _NS * _NBT + wid, 1)],
                        isrc_v.at[pl.ds(_NBT, 1)])
        pltpu.sync_copy(dst_hbm.at[pl.ds(_NC * _NS * _NBT + wid, 1)],
                        idst_v.at[pl.ds(_NBT, 1)])

    plsc.subcore_barrier()

    for b in range(_RING):
        fire_gather(b, b)
    for b in range(_RING):
        wait_gather(b, b)
        fire_scatter(b, b)

    @pl.loop(_RING, _NBT, step=_RING)
    def _(g):
        for b in range(_RING):
            wait_scatter(g - _RING + b, b)
            fire_gather(g + b, b)
        for b in range(_RING):
            wait_gather(g + b, b)
            fire_scatter(g + b, b)

    for b in range(_RING):
        wait_scatter(_NBT - _RING + b, b)

    @pl.when(extra)
    def _():
        pltpu.sync_copy(table_hbm.at[isrc_v.at[_NBT]], rows_v.at[0])
        pltpu.sync_copy(rows_v.at[0], acc_sh.at[idst_v.at[_NBT]], add=True)

    plsc.subcore_barrier()
    @pl.loop(0, _RPT, step=_BLK)
    def _(r):
        pltpu.sync_copy(acc_sh.at[pl.ds(s * _RPT + r, _BLK)], rows_v.at[0])
        pltpu.sync_copy(rows_v.at[0], out_hbm.at[c, pl.ds(s * _RPT + r, _BLK)])


def _dot(a, b):
    return jnp.dot(a, b, preferred_element_type=jnp.float32,
                   precision=lax.Precision.HIGHEST)


_NF = _NP // 2
_NFR = _N // 2


def _tc_first_body(x_ref, w_ref, degp_ref, o_ref, od_ref):
    deg = degp_ref[:_N] + degp_ref[_NP:_NP + _N] + 1.0
    dinv = lax.rsqrt(deg)[:, None]
    g = dinv * _dot(x_ref[...], w_ref[...])
    zpad = jnp.zeros((_NP - _N, _HID), jnp.float32)
    o_ref[...] = jnp.concatenate(
        [g[:_NF, :], jnp.concatenate([g[_NF:, :], zpad], 0)], 1)
    db = jnp.broadcast_to(dinv, (_N, _HID))
    od_ref[...] = jnp.concatenate(
        [db[:_NF, :],
         jnp.concatenate([db[_NF:, :], zpad + 1.0], 0)], 1)


_tc_first = pl.pallas_call(
    _tc_first_body,
    out_shape=[jax.ShapeDtypeStruct((_NF, 128), jnp.float32),
               jax.ShapeDtypeStruct((_NF, 128), jnp.float32)],
)


def _blockdiag(w):
    z = jnp.zeros((_HID, _HID), jnp.float32)
    return jnp.concatenate([jnp.concatenate([w, z], 1),
                            jnp.concatenate([z, w], 1)], 0)


def _tc_mid_body(p_ref, g_ref, dinv_ref, b_ref, w_ref, o_ref):
    dinv = dinv_ref[...]
    b2 = jnp.concatenate([b_ref[...], b_ref[...]])[None, :]
    h = p_ref[0] + p_ref[1] + g_ref[...]
    h = jnp.maximum(dinv * h + b2, 0.0)
    o_ref[...] = dinv * _dot(h, _blockdiag(w_ref[...]))


_tc_mid = pl.pallas_call(
    _tc_mid_body,
    out_shape=jax.ShapeDtypeStruct((_NF, 128), jnp.float32),
)


def _tc_final_body(p_ref, g_ref, dinv_ref, b_ref, batch_ref, lw_ref, lb_ref,
                   o_ref):
    b2 = jnp.concatenate([b_ref[...], b_ref[...]])[None, :]
    h = p_ref[0] + p_ref[1] + g_ref[...]
    h = jnp.maximum(dinv_ref[...] * h + b2, 0.0)
    labels = lax.broadcasted_iota(jnp.int32, (1, _NG), 1)
    oh_e = (batch_ref[:, 0][:, None] == labels).astype(jnp.float32)
    oh_o = (batch_ref[:, 1][:, None] == labels).astype(jnp.float32)
    dn = (((0,), (0,)), ((), ()))
    sums = (lax.dot_general(oh_e, h[:, :_HID], dn,
                            preferred_element_type=jnp.float32,
                            precision=lax.Precision.HIGHEST)
            + lax.dot_general(oh_o, h[:, _HID:], dn,
                              preferred_element_type=jnp.float32,
                              precision=lax.Precision.HIGHEST))
    counts = (jnp.sum(oh_e, axis=0) + jnp.sum(oh_o, axis=0))[:, None]
    pooled = sums / jnp.maximum(counts, 1.0)
    o_ref[...] = _dot(pooled, lw_ref[...]) + lb_ref[...][None, :]


_tc_final = pl.pallas_call(
    _tc_final_body,
    out_shape=jax.ShapeDtypeStruct((_NG, 2), jnp.float32),
)


def kernel(x, edge_index, batch, W1, b1, W2, b2, W3, b3, lin_W, lin_b):
    ei = edge_index.astype(jnp.int32)
    remap = lambda v: jnp.where(v < _NF, 2 * v, 2 * v - (_NP - 1))
    src2r = remap(ei[0]).reshape(_NBLK, _BLK)
    dst2r = remap(ei[1]).reshape(_NBLK, _BLK)
    dst2 = ei[1].reshape(_NBLK, _BLK)
    batchp = jnp.concatenate([batch.astype(jnp.int32),
                              jnp.full((_NP - _N,), -1, jnp.int32)])
    batch2 = batchp.reshape(2, _NF).T

    def unfold(t):
        return t.reshape(_NP, _HID)

    def fold(p):
        return p.reshape(2, _NF, 128)

    degp = _sc_degree(dst2)
    g1, dinvf = _tc_first(x, W1, degp)
    p1 = _sc_aggregate(unfold(g1), src2r, dst2r)
    g2 = _tc_mid(fold(p1), g1, dinvf, b1, W2)
    p2 = _sc_aggregate(unfold(g2), src2r, dst2r)
    g3 = _tc_mid(fold(p2), g2, dinvf, b2, W3)
    p3 = _sc_aggregate(unfold(g3), src2r, dst2r)
    return _tc_final(fold(p3), g3, dinvf, b3, batch2, lin_W, lin_b)

# --- scband reference (transcript-rebuilt; emitter-appended) ---
"""Pipeline reference for scband-gnn-76338748719623 (READ-ONLY COPY).

The authoritative reference and input builder live on the scoring server;
editing this copy changes nothing except your own understanding.
"""

import jax, jax.numpy as jnp
import numpy as np

N = 10000
E = 320000
IN_CH = 128
HID = 64
NUM_GRAPHS = 16


def setup_inputs(seed: int = 0) -> dict:
    key = jax.random.key(seed)
    ks = jax.random.split(key, 12)
    x = jax.random.normal(ks[0], (N, IN_CH), dtype=jnp.float32)
    edge_index = jax.random.randint(ks[1], (2, E), 0, N)
    batch = jnp.sort(jax.random.randint(ks[2], (N,), 0, NUM_GRAPHS))
    W1 = jax.random.normal(ks[3], (IN_CH, HID), dtype=jnp.float32) * 0.05
    b1 = jnp.zeros((HID,), dtype=jnp.float32)
    W2 = jax.random.normal(ks[4], (HID, HID), dtype=jnp.float32) * 0.05
    b2 = jnp.zeros((HID,), dtype=jnp.float32)
    W3 = jax.random.normal(ks[5], (HID, HID), dtype=jnp.float32) * 0.05
    b3 = jnp.zeros((HID,), dtype=jnp.float32)
    lin_W = jax.random.normal(ks[6], (HID, 2), dtype=jnp.float32) * 0.05
    lin_b = jnp.zeros((2,), dtype=jnp.float32)
    return {"x": x, "edge_index": edge_index, "batch": batch,
            "W1": W1, "b1": b1, "W2": W2, "b2": b2,
            "W3": W3, "b3": b3, "lin_W": lin_W, "lin_b": lin_b}


def _gcn_conv(x, src, dst, norm, W, b, num_nodes):
    # GCNConv: out = D^{-1/2}(A+I)D^{-1/2} (x W) + b
    h = x @ W
    msg = h[src] * norm[:, None]
    out = jax.ops.segment_sum(msg, dst, num_segments=num_nodes)
    return out + b


def _build_norm(edge_index, num_nodes):
    loop = jnp.arange(num_nodes)
    src = jnp.concatenate([edge_index[0], loop])
    dst = jnp.concatenate([edge_index[1], loop])
    deg = jax.ops.segment_sum(jnp.ones_like(dst, dtype=jnp.float32), dst,
                              num_segments=num_nodes)
    dinv = jnp.where(deg > 0, deg ** -0.5, 0.0)
    norm = dinv[src] * dinv[dst]
    return src, dst, norm


def reference(x, edge_index, batch, W1, b1, W2, b2, W3, b3, lin_W, lin_b):
    num_nodes = x.shape[0]
    src, dst, norm = _build_norm(edge_index, num_nodes)
    h = _gcn_conv(x, src, dst, norm, W1, b1, num_nodes)
    h = jax.nn.relu(h)
    # dropout is identity in eval mode
    h = _gcn_conv(h, src, dst, norm, W2, b2, num_nodes)
    h = jax.nn.relu(h)
    h = _gcn_conv(h, src, dst, norm, W3, b3, num_nodes)
    h = jax.nn.relu(h)
    # global mean pool over batch assignment
    sums = jax.ops.segment_sum(h, batch, num_segments=NUM_GRAPHS)
    counts = jax.ops.segment_sum(jnp.ones((num_nodes,), dtype=jnp.float32),
                                 batch, num_segments=NUM_GRAPHS)
    pooled = sums / jnp.clip(counts, 1.0)[:, None]
    return pooled @ lin_W + lin_b

if __name__ == "__main__":
    import jax
    _d = setup_inputs()
    print(jax.jit(kernel)(*tuple(_d.values())))

</pallas_src>

<mosaic_0001>
#map = affine_map<(d0, d1) -> (0, 0)>
#map1 = affine_map<(d0, d1) -> (0, 0, 0)>
module attributes {stable_mosaic.version = 14 : i64} {
  func.func @_sc_aggregate(%arg0: i32, %arg1: i32, %arg2: memref<10240x64xf32, #tpu.memory_space<hbm>>, %arg3: memref<2500x128xi32, #tpu.memory_space<hbm>>, %arg4: memref<2500x128xi32, #tpu.memory_space<hbm>>, %arg5: memref<2x10240x64xf32, #tpu.memory_space<hbm>>, %arg6: memref<79x128xi32, #tpu.memory_space<vmem>>, %arg7: memref<79x128xi32, #tpu.memory_space<vmem>>, %arg8: memref<6x128x64xf32, #tpu.memory_space<vmem>>, %arg9: memref<10240x64xf32, #tpu.memory_space<vmem_shared>>, %arg10: memref<!tpu.dma_semaphore, #tpu.memory_space<semaphore_mem>>, %arg11: memref<!tpu.dma_semaphore, #tpu.memory_space<semaphore_mem>>, %arg12: memref<!tpu.dma_semaphore, #tpu.memory_space<semaphore_mem>>, %arg13: memref<!tpu.dma_semaphore, #tpu.memory_space<semaphore_mem>>, %arg14: memref<!tpu.dma_semaphore, #tpu.memory_space<semaphore_mem>>, %arg15: memref<!tpu.dma_semaphore, #tpu.memory_space<semaphore_mem>>, %arg16: memref<!tpu.dma_semaphore, #tpu.memory_space<semaphore_mem>>, %arg17: memref<!tpu.dma_semaphore, #tpu.memory_space<semaphore_mem>>, %arg18: memref<!tpu.dma_semaphore, #tpu.memory_space<semaphore_mem>>, %arg19: memref<!tpu.dma_semaphore, #tpu.memory_space<semaphore_mem>>, %arg20: memref<!tpu.dma_semaphore, #tpu.memory_space<semaphore_mem>>, %arg21: memref<!tpu.dma_semaphore, #tpu.memory_space<semaphore_mem>>, %arg22: memref<!tpu.dma_semaphore, #tpu.memory_space<semaphore_mem>>) attributes {dimension_semantics = [#tpu.dimension_semantics<core_parallel>, #tpu.dimension_semantics<subcore_parallel>], iteration_bounds = array<i64: 2, 16>, scalar_prefetch = 0 : i64, scratch_operands = 17 : i64, tpu.core_type = #tpu.core_type<sc_vector_subcore>, window_params = [{transform_indices = #map}, {transform_indices = #map}, {transform_indices = #map}, {transform_indices = #map1}]} {
    %mul3A = arith.constant 16 : i32
    %mul3A_0 = arith.muli %arg0, %mul3A : i32
    %add3A = arith.addi %mul3A_0, %arg1 : i32
    %lt3A = arith.constant 4 : i32
    %lt3A_1 = arith.cmpi slt, %add3A, %lt3A : i32
    %scan3A = arith.constant 0 : i32
    %scan3A_2 = arith.constant 128 : i32
    %scan3A_3 = arith.addi %scan3A, %scan3A_2 : i32
    %scan3A_4 = arith.constant 1 : i32
    scf.for %scan3A_316 = %scan3A to %scan3A_3 step %scan3A_4  : i32 {
      %mul3A_317 = arith.constant 1 : i32
      %mul3A_318 = arith.muli %scan3A_316, %mul3A_317 : i32
      %add3A_319 = arith.constant 0 : i32
      %add3A_320 = arith.addi %add3A_319, %mul3A_318 : i32
      %scan3A_321 = arith.constant 0 : i32
      %scan3A_322 = arith.constant 4 : i32
      %scan3A_323 = arith.addi %scan3A_321, %scan3A_322 : i32
      %scan3A_324 = arith.constant 1 : i32
      scf.for %scan3A_326 = %scan3A_321 to %scan3A_323 step %scan3A_324  : i32 {
        %mul3A_327 = arith.constant 16 : i32
        %mul3A_328 = arith.muli %scan3A_326, %mul3A_327 : i32
        %add3A_329 = arith.constant 0 : i32
        %add3A_330 = arith.addi %add3A_329, %mul3A_328 : i32
        %broadcast_in_dim3A = arith.constant 0.000000e+00 : f32
        %broadcast_in_dim3A_331 = vector.broadcast %broadcast_in_dim3A : f32 to vector<16xf32>
        %swap3A = arith.constant 0 : i32
        %swap3A_332 = arith.index_cast %swap3A : i32 to index
        %swap3A_333 = arith.index_cast %add3A_320 : i32 to index
        %swap3A_334 = arith.index_cast %add3A_330 : i32 to index
        %swap3A_335 = tpu.vector_load %arg8[%swap3A_332, %swap3A_333, %swap3A_334] {strides = array<i32>} : memref<6x128x64xf32, #tpu.memory_space<vmem>>, vector<1x1x16xf32>,
        %swap3A_336 = vector.shape_cast %swap3A_335 : vector<1x1x16xf32> to vector<16xf32>
        %swap3A_337 = vector.shape_cast %broadcast_in_dim3A_331 : vector<16xf32> to vector<1x1x16xf32>
        tpu.vector_store %arg8[%swap3A_332, %swap3A_333, %swap3A_334], %swap3A_337 {strides = array<i32>} : memref<6x128x64xf32, #tpu.memory_space<vmem>>, vector<1x1x16xf32>,
      }
      %scan3A_325 = arith.constant 4 : i32
    }
    %scan3A_5 = arith.constant 128 : i32
    %scan3A_6 = arith.constant 0 : i32
    %scan3A_7 = arith.constant 5 : i32
    %scan3A_8 = arith.addi %scan3A_6, %scan3A_7 : i32
    %scan3A_9 = arith.constant 1 : i32
    scf.for %scan3A_316 = %scan3A_6 to %scan3A_8 step %scan3A_9  : i32 {
      %mul3A_317 = arith.constant 128 : i32
      %mul3A_318 = arith.muli %scan3A_316, %mul3A_317 : i32
      %add3A_319 = arith.constant 0 : i32
      %add3A_320 = arith.addi %add3A_319, %mul3A_318 : i32
      %mul3A_321 = arith.constant 640 : i32
      %mul3A_322 = arith.muli %arg1, %mul3A_321 : i32
      %add3A_323 = arith.addi %mul3A_322, %add3A_320 : i32
      %run_scoped3A = arith.constant 0 : i32
      "tpu.region"() ({
        %run_scoped3A_324 = tpu.sem_alloc : memref<!tpu.dma_semaphore, #tpu.memory_space<semaphore_mem>>
        %dma_start3A_325 = arith.constant 0 : i32
        %dma_start3A_326 = arith.constant 0 : i32
        %dma_start3A_327 = tpu.memref_slice %arg8[%run_scoped3A, %dma_start3A_325, %dma_start3A_326] : memref<6x128x64xf32, #tpu.memory_space<vmem>> -> memref<1x128x64xf32, #tpu.memory_space<vmem>>
        %dma_start3A_328 = tpu.memref_squeeze %dma_start3A_327 : memref<1x128x64xf32, #tpu.memory_space<vmem>> -> memref<128x64xf32, #tpu.memory_space<vmem>>
        %dma_start3A_329 = arith.constant 0 : i32
        %dma_start3A_330 = tpu.memref_slice %arg9[%add3A_323, %dma_start3A_329] : memref<10240x64xf32, #tpu.memory_space<vmem_shared>> -> memref<128x64xf32, #tpu.memory_space<vmem_shared>>
        %dma_start3A_331 = arith.constant 0 : i32
        %dma_start3A_332 = tpu.memref_slice %arg9[%add3A_323, %dma_start3A_331] : memref<10240x64xf32, #tpu.memory_space<vmem_shared>> -> memref<128x64xf32, #tpu.memory_space<vmem_shared>>
        %dma_start3A_333 = arith.constant 0 : i32
        %dma_start3A_334 = arith.constant 0 : i32
        %dma_start3A_335 = tpu.memref_slice %arg8[%run_scoped3A, %dma_start3A_333, %dma_start3A_334] : memref<6x128x64xf32, #tpu.memory_space<vmem>> -> memref<1x128x64xf32, #tpu.memory_space<vmem>>
        %dma_start3A_336 = tpu.memref_squeeze %dma_start3A_335 : memref<1x128x64xf32, #tpu.memory_space<vmem>> -> memref<128x64xf32, #tpu.memory_space<vmem>>
        tpu.enqueue_dma source(%dma_start3A_336 : memref<128x64xf32, #tpu.memory_space<vmem>>) target(%dma_start3A_332 : memref<128x64xf32, #tpu.memory_space<vmem_shared>>) target_semaphore(%run_scoped3A_324 : memref<!tpu.dma_semaphore, #tpu.memory_space<semaphore_mem>>)
        %dma_wait3A_337 = arith.constant 0 : i32
        %dma_wait3A_338 = arith.constant 0 : i32
        %dma_wait3A_339 = tpu.memref_slice %arg8[%run_scoped3A, %dma_wait3A_337, %dma_wait3A_338] : memref<6x128x64xf32, #tpu.memory_space<vmem>> -> memref<1x128x64xf32, #tpu.memory_space<vmem>>
        %dma_wait3A_340 = tpu.memref_squeeze %dma_wait3A_339 : memref<1x128x64xf32, #tpu.memory_space<vmem>> -> memref<128x64xf32, #tpu.memory_space<vmem>>
        %dma_wait3A_341 = arith.constant 0 : i32
        %dma_wait3A_342 = tpu.memref_slice %arg9[%add3A_323, %dma_wait3A_341] : memref<10240x64xf32, #tpu.memory_space<vmem_shared>> -> memref<128x64xf32, #tpu.memory_space<vmem_shared>>
        %dma_wait3A_343 = arith.constant 0 : i32
        %dma_wait3A_344 = tpu.memref_slice %arg9[%add3A_323, %dma_wait3A_343] : memref<10240x64xf32, #tpu.memory_space<vmem_shared>> -> memref<128x64xf32, #tpu.memory_space<vmem_shared>>
        %dma_wait3A_345 = arith.constant 0 : i32
        %dma_wait3A_346 = arith.constant 0 : i32
        %dma_wait3A_347 = tpu.memref_slice %arg8[%run_scoped3A, %dma_wait3A_345, %dma_wait3A_346] : memref<6x128x64xf32, #tpu.memory_space<vmem>> -> memref<1x128x64xf32, #tpu.memory_space<vmem>>
        %dma_wait3A_348 = tpu.memref_squeeze %dma_wait3A_347 : memref<1x128x64xf32, #tpu.memory_space<vmem>> -> memref<128x64xf32, #tpu.memory_space<vmem>>
        tpu.wait_dma2 semaphore(%run_scoped3A_324 : memref<!tpu.dma_semaphore, #tpu.memory_space<semaphore_mem>>) src(%dma_wait3A_348 : memref<128x64xf32, #tpu.memory_space<vmem>>) dst(%dma_wait3A_344 : memref<128x64xf32, #tpu.memory_space<vmem_shared>>)
        tpu.yield
      }) : () -> ()
    }
    %scan3A_10 = arith.constant 5 : i32
    %mul3A_11 = arith.constant 78 : i32
    %mul3A_12 = arith.muli %add3A, %mul3A_11 : i32
    "tpu.region"() ({
      %run_scoped3A = tpu.sem_alloc : memref<!tpu.dma_semaphore, #tpu.memory_space<semaphore_mem>>
      %dma_start3A_316 = arith.constant 0 : i32
      %dma_start3A_317 = arith.constant 0 : i32
      %dma_start3A_318 = tpu.memref_slice %arg6[%dma_start3A_316, %dma_start3A_317] : memref<79x128xi32, #tpu.memory_space<vmem>> -> memref<78x128xi32, #tpu.memory_space<vmem>>
      %dma_start3A_319 = arith.constant 0 : i32
      %dma_start3A_320 = tpu.memref_slice %arg3[%mul3A_12, %dma_start3A_319] : memref<2500x128xi32, #tpu.memory_space<hbm>> -> memref<78x128xi32, #tpu.memory_space<hbm>>
      %dma_start3A_321 = arith.constant 0 : i32
      %dma_start3A_322 = arith.constant 0 : i32
      %dma_start3A_323 = tpu.memref_slice %arg6[%dma_start3A_321, %dma_start3A_322] : memref<79x128xi32, #tpu.memory_space<vmem>> -> memref<78x128xi32, #tpu.memory_space<vmem>>
      %dma_start3A_324 = arith.constant 0 : i32
      %dma_start3A_325 = tpu.memref_slice %arg3[%mul3A_12, %dma_start3A_324] : memref<2500x128xi32, #tpu.memory_space<hbm>> -> memref<78x128xi32, #tpu.memory_space<hbm>>
      tpu.enqueue_dma source(%dma_start3A_325 : memref<78x128xi32, #tpu.memory_space<hbm>>) target(%dma_start3A_323 : memref<78x128xi32, #tpu.memory_space<vmem>>) target_semaphore(%run_scoped3A : memref<!tpu.dma_semaphore, #tpu.memory_space<semaphore_mem>>)
      %dma_wait3A_326 = arith.constant 0 : i32
      %dma_wait3A_327 = arith.constant 0 : i32
      %dma_wait3A_328 = tpu.memref_slice %arg6[%dma_wait3A_326, %dma_wait3A_327] : memref<79x128xi32, #tpu.memory_space<vmem>> -> memref<78x128xi32, #tpu.memory_space<vmem>>
      %dma_wait3A_329 = arith.constant 0 : i32
      %dma_wait3A_330 = tpu.memref_slice %arg3[%mul3A_12, %dma_wait3A_329] : memref<2500x128xi32, #tpu.memory_space<hbm>> -> memref<78x128xi32, #tpu.memory_space<hbm>>
      %dma_wait3A_331 = arith.constant 0 : i32
      %dma_wait3A_332 = arith.constant 0 : i32
      %dma_wait3A_333 = tpu.memref_slice %arg6[%dma_wait3A_331, %dma_wait3A_332] : memref<79x128xi32, #tpu.memory_space<vmem>> -> memref<78x128xi32, #tpu.memory_space<vmem>>
      %dma_wait3A_334 = arith.constant 0 : i32
      %dma_wait3A_335 = tpu.memref_slice %arg3[%mul3A_12, %dma_wait3A_334] : memref<2500x128xi32, #tpu.memory_space<hbm>> -> memref<78x128xi32, #tpu.memory_space<hbm>>
      tpu.wait_dma2 semaphore(%run_scoped3A : memref<!tpu.dma_semaphore, #tpu.memory_space<semaphore_mem>>) src(%dma_wait3A_335 : memref<78x128xi32, #tpu.memory_space<hbm>>) dst(%dma_wait3A_333 : memref<78x128xi32, #tpu.memory_space<vmem>>)
      tpu.yield
    }) : () -> ()
    %mul3A_13 = arith.constant 78 : i32
    %mul3A_14 = arith.muli %add3A, %mul3A_13 : i32
    "tpu.region"() ({
      %run_scoped3A = tpu.sem_alloc : memref<!tpu.dma_semaphore, #tpu.memory_space<semaphore_mem>>
      %dma_start3A_316 = arith.constant 0 : i32
      %dma_start3A_317 = arith.constant 0 : i32
      %dma_start3A_318 = tpu.memref_slice %arg7[%dma_start3A_316, %dma_start3A_317] : memref<79x128xi32, #tpu.memory_space<vmem>> -> memref<78x128xi32, #tpu.memory_space<vmem>>
      %dma_start3A_319 = arith.constant 0 : i32
      %dma_start3A_320 = tpu.memref_slice %arg4[%mul3A_14, %dma_start3A_319] : memref<2500x128xi32, #tpu.memory_space<hbm>> -> memref<78x128xi32, #tpu.memory_space<hbm>>
      %dma_start3A_321 = arith.constant 0 : i32
      %dma_start3A_322 = arith.constant 0 : i32
      %dma_start3A_323 = tpu.memref_slice %arg7[%dma_start3A_321, %dma_start3A_322] : memref<79x128xi32, #tpu.memory_space<vmem>> -> memref<78x128xi32, #tpu.memory_space<vmem>>
      %dma_start3A_324 = arith.constant 0 : i32
      %dma_start3A_325 = tpu.memref_slice %arg4[%mul3A_14, %dma_start3A_324] : memref<2500x128xi32, #tpu.memory_space<hbm>> -> memref<78x128xi32, #tpu.memory_space<hbm>>
      tpu.enqueue_dma source(%dma_start3A_325 : memref<78x128xi32, #tpu.memory_space<hbm>>) target(%dma_start3A_323 : memref<78x128xi32, #tpu.memory_space<vmem>>) target_semaphore(%run_scoped3A : memref<!tpu.dma_semaphore, #tpu.memory_space<semaphore_mem>>)
      %dma_wait3A_326 = arith.constant 0 : i32
      %dma_wait3A_327 = arith.constant 0 : i32
      %dma_wait3A_328 = tpu.memref_slice %arg7[%dma_wait3A_326, %dma_wait3A_327] : memref<79x128xi32, #tpu.memory_space<vmem>> -> memref<78x128xi32, #tpu.memory_space<vmem>>
      %dma_wait3A_329 = arith.constant 0 : i32
      %dma_wait3A_330 = tpu.memref_slice %arg4[%mul3A_14, %dma_wait3A_329] : memref<2500x128xi32, #tpu.memory_space<hbm>> -> memref<78x128xi32, #tpu.memory_space<hbm>>
      %dma_wait3A_331 = arith.constant 0 : i32
      %dma_wait3A_332 = arith.constant 0 : i32
      %dma_wait3A_333 = tpu.memref_slice %arg7[%dma_wait3A_331, %dma_wait3A_332] : memref<79x128xi32, #tpu.memory_space<vmem>> -> memref<78x128xi32, #tpu.memory_space<vmem>>
      %dma_wait3A_334 = arith.constant 0 : i32
      %dma_wait3A_335 = tpu.memref_slice %arg4[%mul3A_14, %dma_wait3A_334] : memref<2500x128xi32, #tpu.memory_space<hbm>> -> memref<78x128xi32, #tpu.memory_space<hbm>>
      tpu.wait_dma2 semaphore(%run_scoped3A : memref<!tpu.dma_semaphore, #tpu.memory_space<semaphore_mem>>) src(%dma_wait3A_335 : memref<78x128xi32, #tpu.memory_space<hbm>>) dst(%dma_wait3A_333 : memref<78x128xi32, #tpu.memory_space<vmem>>)
      tpu.yield
    }) : () -> ()
    %convert_element_type3A = arith.extui %lt3A_1 : i1 to i32
    %cond3A = arith.constant 0 : i32
    %cond3A_15 = arith.cmpi ne, %convert_element_type3A, %cond3A : i32
    scf.if %cond3A_15 {
      %add3A_316 = arith.constant 2496 : i32
      %add3A_317 = arith.addi %add3A_316, %add3A : i32
      "tpu.region"() ({
        %run_scoped3A = tpu.sem_alloc : memref<!tpu.dma_semaphore, #tpu.memory_space<semaphore_mem>>
        %dma_start3A_320 = arith.constant 78 : i32
        %dma_start3A_321 = arith.constant 0 : i32
        %dma_start3A_322 = tpu.memref_slice %arg6[%dma_start3A_320, %dma_start3A_321] : memref<79x128xi32, #tpu.memory_space<vmem>> -> memref<1x128xi32, #tpu.memory_space<vmem>>
        %dma_start3A_323 = arith.constant 0 : i32
        %dma_start3A_324 = tpu.memref_slice %arg3[%add3A_317, %dma_start3A_323] : memref<2500x128xi32, #tpu.memory_space<hbm>> -> memref<1x128xi32, #tpu.memory_space<hbm>>
        %dma_start3A_325 = arith.constant 78 : i32
        %dma_start3A_326 = arith.constant 0 : i32
        %dma_start3A_327 = tpu.memref_slice %arg6[%dma_start3A_325, %dma_start3A_326] : memref<79x128xi32, #tpu.memory_space<vmem>> -> memref<1x128xi32, #tpu.memory_space<vmem>>
        %dma_start3A_328 = arith.constant 0 : i32
        %dma_start3A_329 = tpu.memref_slice %arg3[%add3A_317, %dma_start3A_328] : memref<2500x128xi32, #tpu.memory_space<hbm>> -> memref<1x128xi32, #tpu.memory_space<hbm>>
        tpu.enqueue_dma source(%dma_start3A_329 : memref<1x128xi32, #tpu.memory_space<hbm>>) target(%dma_start3A_327 : memref<1x128xi32, #tpu.memory_space<vmem>>) target_semaphore(%run_scoped3A : memref<!tpu.dma_semaphore, #tpu.memory_space<semaphore_mem>>)
        %dma_wait3A_330 = arith.constant 78 : i32
        %dma_wait3A_331 = arith.constant 0 : i32
        %dma_wait3A_332 = tpu.memref_slice %arg6[%dma_wait3A_330, %dma_wait3A_331] : memref<79x128xi32, #tpu.memory_space<vmem>> -> memref<1x128xi32, #tpu.memory_space<vmem>>
        %dma_wait3A_333 = arith.constant 0 : i32
        %dma_wait3A_334 = tpu.memref_slice %arg3[%add3A_317, %dma_wait3A_333] : memref<2500x128xi32, #tpu.memory_space<hbm>> -> memref<1x128xi32, #tpu.memory_space<hbm>>
        %dma_wait3A_335 = arith.constant 78 : i32
        %dma_wait3A_336 = arith.constant 0 : i32
        %dma_wait3A_337 = tpu.memref_slice %arg6[%dma_wait3A_335, %dma_wait3A_336] : memref<79x128xi32, #tpu.memory_space<vmem>> -> memref<1x128xi32, #tpu.memory_space<vmem>>
        %dma_wait3A_338 = arith.constant 0 : i32
        %dma_wait3A_339 = tpu.memref_slice %arg3[%add3A_317, %dma_wait3A_338] : memref<2500x128xi32, #tpu.memory_space<hbm>> -> memref<1x128xi32, #tpu.memory_space<hbm>>
        tpu.wait_dma2 semaphore(%run_scoped3A : memref<!tpu.dma_semaphore, #tpu.memory_space<semaphore_mem>>) src(%dma_wait3A_339 : memref<1x128xi32, #tpu.memory_space<hbm>>) dst(%dma_wait3A_337 : memref<1x128xi32, #tpu.memory_space<vmem>>)
        tpu.yield
      }) : () -> ()
      %add3A_318 = arith.constant 2496 : i32
      %add3A_319 = arith.addi %add3A_318, %add3A : i32
      "tpu.region"() ({
        %run_scoped3A = tpu.sem_alloc : memref<!tpu.dma_semaphore, #tpu.memory_space<semaphore_mem>>
        %dma_start3A_320 = arith.constant 78 : i32
        %dma_start3A_321 = arith.constant 0 : i32
        %dma_start3A_322 = tpu.memref_slice %arg7[%dma_start3A_320, %dma_start3A_321] : memref<79x128xi32, #tpu.memory_space<vmem>> -> memref<1x128xi32, #tpu.memory_space<vmem>>
        %dma_start3A_323 = arith.constant 0 : i32
        %dma_start3A_324 = tpu.memref_slice %arg4[%add3A_319, %dma_start3A_323] : memref<2500x128xi32, #tpu.memory_space<hbm>> -> memref<1x128xi32, #tpu.memory_space<hbm>>
        %dma_start3A_325 = arith.constant 78 : i32
        %dma_start3A_326 = arith.constant 0 : i32
        %dma_start3A_327 = tpu.memref_slice %arg7[%dma_start3A_325, %dma_start3A_326] : memref<79x128xi32, #tpu.memory_space<vmem>> -> memref<1x128xi32, #tpu.memory_space<vmem>>
        %dma_start3A_328 = arith.constant 0 : i32
        %dma_start3A_329 = tpu.memref_slice %arg4[%add3A_319, %dma_start3A_328] : memref<2500x128xi32, #tpu.memory_space<hbm>> -> memref<1x128xi32, #tpu.memory_space<hbm>>
        tpu.enqueue_dma source(%dma_start3A_329 : memref<1x128xi32, #tpu.memory_space<hbm>>) target(%dma_start3A_327 : memref<1x128xi32, #tpu.memory_space<vmem>>) target_semaphore(%run_scoped3A : memref<!tpu.dma_semaphore, #tpu.memory_space<semaphore_mem>>)
        %dma_wait3A_330 = arith.constant 78 : i32
        %dma_wait3A_331 = arith.constant 0 : i32
        %dma_wait3A_332 = tpu.memref_slice %arg7[%dma_wait3A_330, %dma_wait3A_331] : memref<79x128xi32, #tpu.memory_space<vmem>> -> memref<1x128xi32, #tpu.memory_space<vmem>>
        %dma_wait3A_333 = arith.constant 0 : i32
        %dma_wait3A_334 = tpu.memref_slice %arg4[%add3A_319, %dma_wait3A_333] : memref<2500x128xi32, #tpu.memory_space<hbm>> -> memref<1x128xi32, #tpu.memory_space<hbm>>
        %dma_wait3A_335 = arith.constant 78 : i32
        %dma_wait3A_336 = arith.constant 0 : i32
        %dma_wait3A_337 = tpu.memref_slice %arg7[%dma_wait3A_335, %dma_wait3A_336] : memref<79x128xi32, #tpu.memory_space<vmem>> -> memref<1x128xi32, #tpu.memory_space<vmem>>
        %dma_wait3A_338 = arith.constant 0 : i32
        %dma_wait3A_339 = tpu.memref_slice %arg4[%add3A_319, %dma_wait3A_338] : memref<2500x128xi32, #tpu.memory_space<hbm>> -> memref<1x128xi32, #tpu.memory_space<hbm>>
        tpu.wait_dma2 semaphore(%run_scoped3A : memref<!tpu.dma_semaphore, #tpu.memory_space<semaphore_mem>>) src(%dma_wait3A_339 : memref<1x128xi32, #tpu.memory_space<hbm>>) dst(%dma_wait3A_337 : memref<1x128xi32, #tpu.memory_space<vmem>>)
        tpu.yield
      }) : () -> ()
    } else {
    }
    %barrier3A = arith.constant 0 : index
    tpu.barrier barrier_id(%barrier3A)
    %dma_start3A = arith.constant 0 : i32
    %dma_start3A_16 = arith.constant 0 : i32
    %dma_start3A_17 = arith.constant 0 : i32
    %dma_start3A_18 = arith.constant 0 : i32
    %dma_start3A_19 = tpu.memref_slice %arg8[%dma_start3A_16, %dma_start3A_17, %dma_start3A_18] : memref<6x128x64xf32, #tpu.memory_space<vmem>> -> memref<1x128x64xf32, #tpu.memory_space<vmem>>
    %dma_start3A_20 = tpu.memref_squeeze %dma_start3A_19 : memref<1x128x64xf32, #tpu.memory_space<vmem>> -> memref<128x64xf32, #tpu.memory_space<vmem>>
    %dma_start3A_21 = arith.constant 0 : i32
    %dma_start3A_22 = tpu.memref_slice %arg6[%dma_start3A, %dma_start3A_21] : memref<79x128xi32, #tpu.memory_space<vmem>> -> memref<1x128xi32, #tpu.memory_space<vmem>>
    %dma_start3A_23 = tpu.memref_squeeze %dma_start3A_22 : memref<1x128xi32, #tpu.memory_space<vmem>> -> memref<128xi32, #tpu.memory_space<vmem>>
    %dma_start3A_24 = arith.constant 0 : i32
    %dma_start3A_25 = arith.constant 0 : i32
    %dma_start3A_26 = tpu.memref_slice %arg2[%dma_start3A_24, %dma_start3A_25] : memref<10240x64xf32, #tpu.memory_space<hbm>> -> memref<10240x64xf32, #tpu.memory_space<hbm>>
    tpu.enqueue_indirect_dma source(%dma_start3A_26 : memref<10240x64xf32, #tpu.memory_space<hbm>>) target(%dma_start3A_20 : memref<128x64xf32, #tpu.memory_space<vmem>>) offsets(%dma_start3A_23 : memref<128xi32, #tpu.memory_space<vmem>>) semaphore(%arg11 : memref<!tpu.dma_semaphore, #tpu.memory_space<semaphore_mem>>)
    %dma_start3A_27 = arith.constant 1 : i32
    %dma_start3A_28 = arith.constant 1 : i32
    %dma_start3A_29 = arith.constant 0 : i32
    %dma_start3A_30 = arith.constant 0 : i32
    %dma_start3A_31 = tpu.memref_slice %arg8[%dma_start3A_28, %dma_start3A_29, %dma_start3A_30] : memref<6x128x64xf32, #tpu.memory_space<vmem>> -> memref<1x128x64xf32, #tpu.memory_space<vmem>>
    %dma_start3A_32 = tpu.memref_squeeze %dma_start3A_31 : memref<1x128x64xf32, #tpu.memory_space<vmem>> -> memref<128x64xf32, #tpu.memory_space<vmem>>
    %dma_start3A_33 = arith.constant 0 : i32
    %dma_start3A_34 = tpu.memref_slice %arg6[%dma_start3A_27, %dma_start3A_33] : memref<79x128xi32, #tpu.memory_space<vmem>> -> memref<1x128xi32, #tpu.memory_space<vmem>>
    %dma_start3A_35 = tpu.memref_squeeze %dma_start3A_34 : memref<1x128xi32, #tpu.memory_space<vmem>> -> memref<128xi32, #tpu.memory_space<vmem>>
    %dma_start3A_36 = arith.constant 0 : i32
    %dma_start3A_37 = arith.constant 0 : i32
    %dma_start3A_38 = tpu.memref_slice %arg2[%dma_start3A_36, %dma_start3A_37] : memref<10240x64xf32, #tpu.memory_space<hbm>> -> memref<10240x64xf32, #tpu.memory_space<hbm>>
    tpu.enqueue_indirect_dma source(%dma_start3A_38 : memref<10240x64xf32, #tpu.memory_space<hbm>>) target(%dma_start3A_32 : memref<128x64xf32, #tpu.memory_space<vmem>>) offsets(%dma_start3A_35 : memref<128xi32, #tpu.memory_space<vmem>>) semaphore(%arg12 : memref<!tpu.dma_semaphore, #tpu.memory_space<semaphore_mem>>)
    %dma_start3A_39 = arith.constant 2 : i32
    %dma_start3A_40 = arith.constant 2 : i32
    %dma_start3A_41 = arith.constant 0 : i32
    %dma_start3A_42 = arith.constant 0 : i32
    %dma_start3A_43 = tpu.memref_slice %arg8[%dma_start3A_40, %dma_start3A_41, %dma_start3A_42] : memref<6x128x64xf32, #tpu.memory_space<vmem>> -> memref<1x128x64xf32, #tpu.memory_space<vmem>>
    %dma_start3A_44 = tpu.memref_squeeze %dma_start3A_43 : memref<1x128x64xf32, #tpu.memory_space<vmem>> -> memref<128x64xf32, #tpu.memory_space<vmem>>
    %dma_start3A_45 = arith.constant 0 : i32
    %dma_start3A_46 = tpu.memref_slice %arg6[%dma_start3A_39, %dma_start3A_45] : memref<79x128xi32, #tpu.memory_space<vmem>> -> memref<1x128xi32, #tpu.memory_space<vmem>>
    %dma_start3A_47 = tpu.memref_squeeze %dma_start3A_46 : memref<1x128xi32, #tpu.memory_space<vmem>> -> memref<128xi32, #tpu.memory_space<vmem>>
    %dma_start3A_48 = arith.constant 0 : i32
    %dma_start3A_49 = arith.constant 0 : i32
    %dma_start3A_50 = tpu.memref_slice %arg2[%dma_start3A_48, %dma_start3A_49] : memref<10240x64xf32, #tpu.memory_space<hbm>> -> memref<10240x64xf32, #tpu.memory_space<hbm>>
    tpu.enqueue_indirect_dma source(%dma_start3A_50 : memref<10240x64xf32, #tpu.memory_space<hbm>>) target(%dma_start3A_44 : memref<128x64xf32, #tpu.memory_space<vmem>>) offsets(%dma_start3A_47 : memref<128xi32, #tpu.memory_space<vmem>>) semaphore(%arg13 : memref<!tpu.dma_semaphore, #tpu.memory_space<semaphore_mem>>)
    %dma_start3A_51 = arith.constant 3 : i32
    %dma_start3A_52 = arith.constant 3 : i32
    %dma_start3A_53 = arith.constant 0 : i32
    %dma_start3A_54 = arith.constant 0 : i32
    %dma_start3A_55 = tpu.memref_slice %arg8[%dma_start3A_52, %dma_start3A_53, %dma_start3A_54] : memref<6x128x64xf32, #tpu.memory_space<vmem>> -> memref<1x128x64xf32, #tpu.memory_space<vmem>>
    %dma_start3A_56 = tpu.memref_squeeze %dma_start3A_55 : memref<1x128x64xf32, #tpu.memory_space<vmem>> -> memref<128x64xf32, #tpu.memory_space<vmem>>
    %dma_start3A_57 = arith.constant 0 : i32
    %dma_start3A_58 = tpu.memref_slice %arg6[%dma_start3A_51, %dma_start3A_57] : memref<79x128xi32, #tpu.memory_space<vmem>> -> memref<1x128xi32, #tpu.memory_space<vmem>>
    %dma_start3A_59 = tpu.memref_squeeze %dma_start3A_58 : memref<1x128xi32, #tpu.memory_space<vmem>> -> memref<128xi32, #tpu.memory_space<vmem>>
    %dma_start3A_60 = arith.constant 0 : i32
    %dma_start3A_61 = arith.constant 0 : i32
    %dma_start3A_62 = tpu.memref_slice %arg2[%dma_start3A_60, %dma_start3A_61] : memref<10240x64xf32, #tpu.memory_space<hbm>> -> memref<10240x64xf32, #tpu.memory_space<hbm>>
    tpu.enqueue_indirect_dma source(%dma_start3A_62 : memref<10240x64xf32, #tpu.memory_space<hbm>>) target(%dma_start3A_56 : memref<128x64xf32, #tpu.memory_space<vmem>>) offsets(%dma_start3A_59 : memref<128xi32, #tpu.memory_space<vmem>>) semaphore(%arg14 : memref<!tpu.dma_semaphore, #tpu.memory_space<semaphore_mem>>)
    %dma_start3A_63 = arith.constant 4 : i32
    %dma_start3A_64 = arith.constant 4 : i32
    %dma_start3A_65 = arith.constant 0 : i32
    %dma_start3A_66 = arith.constant 0 : i32
    %dma_start3A_67 = tpu.memref_slice %arg8[%dma_start3A_64, %dma_start3A_65, %dma_start3A_66] : memref<6x128x64xf32, #tpu.memory_space<vmem>> -> memref<1x128x64xf32, #tpu.memory_space<vmem>>
    %dma_start3A_68 = tpu.memref_squeeze %dma_start3A_67 : memref<1x128x64xf32, #tpu.memory_space<vmem>> -> memref<128x64xf32, #tpu.memory_space<vmem>>
    %dma_start3A_69 = arith.constant 0 : i32
    %dma_start3A_70 = tpu.memref_slice %arg6[%dma_start3A_63, %dma_start3A_69] : memref<79x128xi32, #tpu.memory_space<vmem>> -> memref<1x128xi32, #tpu.memory_space<vmem>>
    %dma_start3A_71 = tpu.memref_squeeze %dma_start3A_70 : memref<1x128xi32, #tpu.memory_space<vmem>> -> memref<128xi32, #tpu.memory_space<vmem>>
    %dma_start3A_72 = arith.constant 0 : i32
    %dma_start3A_73 = arith.constant 0 : i32
    %dma_start3A_74 = tpu.memref_slice %arg2[%dma_start3A_72, %dma_start3A_73] : memref<10240x64xf32, #tpu.memory_space<hbm>> -> memref<10240x64xf32, #tpu.memory_space<hbm>>
    tpu.enqueue_indirect_dma source(%dma_start3A_74 : memref<10240x64xf32, #tpu.memory_space<hbm>>) target(%dma_start3A_68 : memref<128x64xf32, #tpu.memory_space<vmem>>) offsets(%dma_start3A_71 : memref<128xi32, #tpu.memory_space<vmem>>) semaphore(%arg15 : memref<!tpu.dma_semaphore, #tpu.memory_space<semaphore_mem>>)
    %dma_start3A_75 = arith.constant 5 : i32
    %dma_start3A_76 = arith.constant 5 : i32
    %dma_start3A_77 = arith.constant 0 : i32
    %dma_start3A_78 = arith.constant 0 : i32
    %dma_start3A_79 = tpu.memref_slice %arg8[%dma_start3A_76, %dma_start3A_77, %dma_start3A_78] : memref<6x128x64xf32, #tpu.memory_space<vmem>> -> memref<1x128x64xf32, #tpu.memory_space<vmem>>
    %dma_start3A_80 = tpu.memref_squeeze %dma_start3A_79 : memref<1x128x64xf32, #tpu.memory_space<vmem>> -> memref<128x64xf32, #tpu.memory_space<vmem>>
    %dma_start3A_81 = arith.constant 0 : i32
    %dma_start3A_82 = tpu.memref_slice %arg6[%dma_start3A_75, %dma_start3A_81] : memref<79x128xi32, #tpu.memory_space<vmem>> -> memref<1x128xi32, #tpu.memory_space<vmem>>
    %dma_start3A_83 = tpu.memref_squeeze %dma_start3A_82 : memref<1x128xi32, #tpu.memory_space<vmem>> -> memref<128xi32, #tpu.memory_space<vmem>>
    %dma_start3A_84 = arith.constant 0 : i32
    %dma_start3A_85 = arith.constant 0 : i32
    %dma_start3A_86 = tpu.memref_slice %arg2[%dma_start3A_84, %dma_start3A_85] : memref<10240x64xf32, #tpu.memory_space<hbm>> -> memref<10240x64xf32, #tpu.memory_space<hbm>>
    tpu.enqueue_indirect_dma source(%dma_start3A_86 : memref<10240x64xf32, #tpu.memory_space<hbm>>) target(%dma_start3A_80 : memref<128x64xf32, #tpu.memory_space<vmem>>) offsets(%dma_start3A_83 : memref<128xi32, #tpu.memory_space<vmem>>) semaphore(%arg16 : memref<!tpu.dma_semaphore, #tpu.memory_space<semaphore_mem>>)
    %dma_wait3A = arith.constant 0 : i32
    %dma_wait3A_87 = arith.constant 0 : i32
    %dma_wait3A_88 = arith.constant 0 : i32
    %dma_wait3A_89 = arith.constant 0 : i32
    %dma_wait3A_90 = tpu.memref_slice %arg8[%dma_wait3A_87, %dma_wait3A_88, %dma_wait3A_89] : memref<6x128x64xf32, #tpu.memory_space<vmem>> -> memref<1x128x64xf32, #tpu.memory_space<vmem>>
    %dma_wait3A_91 = tpu.memref_squeeze %dma_wait3A_90 : memref<1x128x64xf32, #tpu.memory_space<vmem>> -> memref<128x64xf32, #tpu.memory_space<vmem>>
    %dma_wait3A_92 = arith.constant 0 : i32
    %dma_wait3A_93 = tpu.memref_slice %arg6[%dma_wait3A, %dma_wait3A_92] : memref<79x128xi32, #tpu.memory_space<vmem>> -> memref<1x128xi32, #tpu.memory_space<vmem>>
    %dma_wait3A_94 = tpu.memref_squeeze %dma_wait3A_93 : memref<1x128xi32, #tpu.memory_space<vmem>> -> memref<128xi32, #tpu.memory_space<vmem>>
    %dma_wait3A_95 = arith.constant 0 : i32
    %dma_wait3A_96 = arith.constant 0 : i32
    %dma_wait3A_97 = tpu.memref_slice %arg2[%dma_wait3A_95, %dma_wait3A_96] : memref<10240x64xf32, #tpu.memory_space<hbm>> -> memref<10240x64xf32, #tpu.memory_space<hbm>>
    tpu.wait_indirect_dma semaphore(%arg11 : memref<!tpu.dma_semaphore, #tpu.memory_space<semaphore_mem>>) src(%dma_wait3A_97 : memref<10240x64xf32, #tpu.memory_space<hbm>>) dst(%dma_wait3A_91 : memref<128x64xf32, #tpu.memory_space<vmem>>)
    %dma_start3A_98 = arith.constant 0 : i32
    %dma_start3A_99 = arith.constant 0 : i32
    %dma_start3A_100 = arith.constant 0 : i32
    %dma_start3A_101 = arith.constant 0 : i32
    %dma_start3A_102 = tpu.memref_slice %arg8[%dma_start3A_98, %dma_start3A_100, %dma_start3A_101] : memref<6x128x64xf32, #tpu.memory_space<vmem>> -> memref<1x128x64xf32, #tpu.memory_space<vmem>>
    %dma_start3A_103 = tpu.memref_squeeze %dma_start3A_102 : memref<1x128x64xf32, #tpu.memory_space<vmem>> -> memref<128x64xf32, #tpu.memory_space<vmem>>
    %dma_start3A_104 = arith.constant 0 : i32
    %dma_start3A_105 = tpu.memref_slice %arg7[%dma_start3A_99, %dma_start3A_104] : memref<79x128xi32, #tpu.memory_space<vmem>> -> memref<1x128xi32, #tpu.memory_space<vmem>>
    %dma_start3A_106 = tpu.memref_squeeze %dma_start3A_105 : memref<1x128xi32, #tpu.memory_space<vmem>> -> memref<128xi32, #tpu.memory_space<vmem>>
    %dma_start3A_107 = arith.constant 0 : i32
    %dma_start3A_108 = arith.constant 0 : i32
    %dma_start3A_109 = tpu.memref_slice %arg9[%dma_start3A_107, %dma_start3A_108] : memref<10240x64xf32, #tpu.memory_space<vmem_shared>> -> memref<10240x64xf32, #tpu.memory_space<vmem_shared>>
    tpu.enqueue_indirect_dma source(%dma_start3A_103 : memref<128x64xf32, #tpu.memory_space<vmem>>) target(%dma_start3A_109 : memref<10240x64xf32, #tpu.memory_space<vmem_shared>>) offsets(%dma_start3A_106 : memref<128xi32, #tpu.memory_space<vmem>>) semaphore(%arg17 : memref<!tpu.dma_semaphore, #tpu.memory_space<semaphore_mem>>) {add = true}
    %dma_wait3A_110 = arith.constant 1 : i32
    %dma_wait3A_111 = arith.constant 1 : i32
    %dma_wait3A_112 = arith.constant 0 : i32
    %dma_wait3A_113 = arith.constant 0 : i32
    %dma_wait3A_114 = tpu.memref_slice %arg8[%dma_wait3A_111, %dma_wait3A_112, %dma_wait3A_113] : memref<6x128x64xf32, #tpu.memory_space<vmem>> -> memref<1x128x64xf32, #tpu.memory_space<vmem>>
    %dma_wait3A_115 = tpu.memref_squeeze %dma_wait3A_114 : memref<1x128x64xf32, #tpu.memory_space<vmem>> -> memref<128x64xf32, #tpu.memory_space<vmem>>
    %dma_wait3A_116 = arith.constant 0 : i32
    %dma_wait3A_117 = tpu.memref_slice %arg6[%dma_wait3A_110, %dma_wait3A_116] : memref<79x128xi32, #tpu.memory_space<vmem>> -> memref<1x128xi32, #tpu.memory_space<vmem>>
    %dma_wait3A_118 = tpu.memref_squeeze %dma_wait3A_117 : memref<1x128xi32, #tpu.memory_space<vmem>> -> memref<128xi32, #tpu.memory_space<vmem>>
    %dma_wait3A_119 = arith.constant 0 : i32
    %dma_wait3A_120 = arith.constant 0 : i32
    %dma_wait3A_121 = tpu.memref_slice %arg2[%dma_wait3A_119, %dma_wait3A_120] : memref<10240x64xf32, #tpu.memory_space<hbm>> -> memref<10240x64xf32, #tpu.memory_space<hbm>>
    tpu.wait_indirect_dma semaphore(%arg12 : memref<!tpu.dma_semaphore, #tpu.memory_space<semaphore_mem>>) src(%dma_wait3A_121 : memref<10240x64xf32, #tpu.memory_space<hbm>>) dst(%dma_wait3A_115 : memref<128x64xf32, #tpu.memory_space<vmem>>)
    %dma_start3A_122 = arith.constant 1 : i32
    %dma_start3A_123 = arith.constant 1 : i32
    %dma_start3A_124 = arith.constant 0 : i32
    %dma_start3A_125 = arith.constant 0 : i32
    %dma_start3A_126 = tpu.memref_slice %arg8[%dma_start3A_122, %dma_start3A_124, %dma_start3A_125] : memref<6x128x64xf32, #tpu.memory_space<vmem>> -> memref<1x128x64xf32, #tpu.memory_space<vmem>>
    %dma_start3A_127 = tpu.memref_squeeze %dma_start3A_126 : memref<1x128x64xf32, #tpu.memory_space<vmem>> -> memref<128x64xf32, #tpu.memory_space<vmem>>
    %dma_start3A_128 = arith.constant 0 : i32
    %dma_start3A_129 = tpu.memref_slice %arg7[%dma_start3A_123, %dma_start3A_128] : memref<79x128xi32, #tpu.memory_space<vmem>> -> memref<1x128xi32, #tpu.memory_space<vmem>>
    %dma_start3A_130 = tpu.memref_squeeze %dma_start3A_129 : memref<1x128xi32, #tpu.memory_space<vmem>> -> memref<128xi32, #tpu.memory_space<vmem>>
    %dma_start3A_131 = arith.constant 0 : i32
    %dma_start3A_132 = arith.constant 0 : i32
    %dma_start3A_133 = tpu.memref_slice %arg9[%dma_start3A_131, %dma_start3A_132] : memref<10240x64xf32, #tpu.memory_space<vmem_shared>> -> memref<10240x64xf32, #tpu.memory_space<vmem_shared>>
    tpu.enqueue_indirect_dma source(%dma_start3A_127 : memref<128x64xf32, #tpu.memory_space<vmem>>) target(%dma_start3A_133 : memref<10240x64xf32, #tpu.memory_space<vmem_shared>>) offsets(%dma_start3A_130 : memref<128xi32, #tpu.memory_space<vmem>>) semaphore(%arg18 : memref<!tpu.dma_semaphore, #tpu.memory_space<semaphore_mem>>) {add = true}
    %dma_wait3A_134 = arith.constant 2 : i32
    %dma_wait3A_135 = arith.constant 2 : i32
    %dma_wait3A_136 = arith.constant 0 : i32
    %dma_wait3A_137 = arith.constant 0 : i32
    %dma_wait3A_138 = tpu.memref_slice %arg8[%dma_wait3A_135, %dma_wait3A_136, %dma_wait3A_137] : memref<6x128x64xf32, #tpu.memory_space<vmem>> -> memref<1x128x64xf32, #tpu.memory_space<vmem>>
    %dma_wait3A_139 = tpu.memref_squeeze %dma_wait3A_138 : memref<1x128x64xf32, #tpu.memory_space<vmem>> -> memref<128x64xf32, #tpu.memory_space<vmem>>
    %dma_wait3A_140 = arith.constant 0 : i32
    %dma_wait3A_141 = tpu.memref_slice %arg6[%dma_wait3A_134, %dma_wait3A_140] : memref<79x128xi32, #tpu.memory_space<vmem>> -> memref<1x128xi32, #tpu.memory_space<vmem>>
    %dma_wait3A_142 = tpu.memref_squeeze %dma_wait3A_141 : memref<1x128xi32, #tpu.memory_space<vmem>> -> memref<128xi32, #tpu.memory_space<vmem>>
    %dma_wait3A_143 = arith.constant 0 : i32
    %dma_wait3A_144 = arith.constant 0 : i32
    %dma_wait3A_145 = tpu.memref_slice %arg2[%dma_wait3A_143, %dma_wait3A_144] : memref<10240x64xf32, #tpu.memory_space<hbm>> -> memref<10240x64xf32, #tpu.memory_space<hbm>>
    tpu.wait_indirect_dma semaphore(%arg13 : memref<!tpu.dma_semaphore, #tpu.memory_space<semaphore_mem>>) src(%dma_wait3A_145 : memref<10240x64xf32, #tpu.memory_space<hbm>>) dst(%dma_wait3A_139 : memref<128x64xf32, #tpu.memory_space<vmem>>)
    %dma_start3A_146 = arith.constant 2 : i32
    %dma_start3A_147 = arith.constant 2 : i32
    %dma_start3A_148 = arith.constant 0 : i32
    %dma_start3A_149 = arith.constant 0 : i32
    %dma_start3A_150 = tpu.memref_slice %arg8[%dma_start3A_146, %dma_start3A_148, %dma_start3A_149] : memref<6x128x64xf32, #tpu.memory_space<vmem>> -> memref<1x128x64xf32, #tpu.memory_space<vmem>>
    %dma_start3A_151 = tpu.memref_squeeze %dma_start3A_150 : memref<1x128x64xf32, #tpu.memory_space<vmem>> -> memref<128x64xf32, #tpu.memory_space<vmem>>
    %dma_start3A_152 = arith.constant 0 : i32
    %dma_start3A_153 = tpu.memref_slice %arg7[%dma_start3A_147, %dma_start3A_152] : memref<79x128xi32, #tpu.memory_space<vmem>> -> memref<1x128xi32, #tpu.memory_space<vmem>>
    %dma_start3A_154 = tpu.memref_squeeze %dma_start3A_153 : memref<1x128xi32, #tpu.memory_space<vmem>> -> memref<128xi32, #tpu.memory_space<vmem>>
    %dma_start3A_155 = arith.constant 0 : i32
    %dma_start3A_156 = arith.constant 0 : i32
    %dma_start3A_157 = tpu.memref_slice %arg9[%dma_start3A_155, %dma_start3A_156] : memref<10240x64xf32, #tpu.memory_space<vmem_shared>> -> memref<10240x64xf32, #tpu.memory_space<vmem_shared>>
    tpu.enqueue_indirect_dma source(%dma_start3A_151 : memref<128x64xf32, #tpu.memory_space<vmem>>) target(%dma_start3A_157 : memref<10240x64xf32, #tpu.memory_space<vmem_shared>>) offsets(%dma_start3A_154 : memref<128xi32, #tpu.memory_space<vmem>>) semaphore(%arg19 : memref<!tpu.dma_semaphore, #tpu.memory_space<semaphore_mem>>) {add = true}
    %dma_wait3A_158 = arith.constant 3 : i32
    %dma_wait3A_159 = arith.constant 3 : i32
    %dma_wait3A_160 = arith.constant 0 : i32
    %dma_wait3A_161 = arith.constant 0 : i32
    %dma_wait3A_162 = tpu.memref_slice %arg8[%dma_wait3A_159, %dma_wait3A_160, %dma_wait3A_161] : memref<6x128x64xf32, #tpu.memory_space<vmem>> -> memref<1x128x64xf32, #tpu.memory_space<vmem>>
    %dma_wait3A_163 = tpu.memref_squeeze %dma_wait3A_162 : memref<1x128x64xf32, #tpu.memory_space<vmem>> -> memref<128x64xf32, #tpu.memory_space<vmem>>
    %dma_wait3A_164 = arith.constant 0 : i32
    %dma_wait3A_165 = tpu.memref_slice %arg6[%dma_wait3A_158, %dma_wait3A_164] : memref<79x128xi32, #tpu.memory_space<vmem>> -> memref<1x128xi32, #tpu.memory_space<vmem>>
    %dma_wait3A_166 = tpu.memref_squeeze %dma_wait3A_165 : memref<1x128xi32, #tpu.memory_space<vmem>> -> memref<128xi32, #tpu.memory_space<vmem>>
    %dma_wait3A_167 = arith.constant 0 : i32
    %dma_wait3A_168 = arith.constant 0 : i32
    %dma_wait3A_169 = tpu.memref_slice %arg2[%dma_wait3A_167, %dma_wait3A_168] : memref<10240x64xf32, #tpu.memory_space<hbm>> -> memref<10240x64xf32, #tpu.memory_space<hbm>>
    tpu.wait_indirect_dma semaphore(%arg14 : memref<!tpu.dma_semaphore, #tpu.memory_space<semaphore_mem>>) src(%dma_wait3A_169 : memref<10240x64xf32, #tpu.memory_space<hbm>>) dst(%dma_wait3A_163 : memref<128x64xf32, #tpu.memory_space<vmem>>)
    %dma_start3A_170 = arith.constant 3 : i32
    %dma_start3A_171 = arith.constant 3 : i32
    %dma_start3A_172 = arith.constant 0 : i32
    %dma_start3A_173 = arith.constant 0 : i32
    %dma_start3A_174 = tpu.memref_slice %arg8[%dma_start3A_170, %dma_start3A_172, %dma_start3A_173] : memref<6x128x64xf32, #tpu.memory_space<vmem>> -> memref<1x128x64xf32, #tpu.memory_space<vmem>>
    %dma_start3A_175 = tpu.memref_squeeze %dma_start3A_174 : memref<1x128x64xf32, #tpu.memory_space<vmem>> -> memref<128x64xf32, #tpu.memory_space<vmem>>
    %dma_start3A_176 = arith.constant 0 : i32
    %dma_start3A_177 = tpu.memref_slice %arg7[%dma_start3A_171, %dma_start3A_176] : memref<79x128xi32, #tpu.memory_space<vmem>> -> memref<1x128xi32, #tpu.memory_space<vmem>>
    %dma_start3A_178 = tpu.memref_squeeze %dma_start3A_177 : memref<1x128xi32, #tpu.memory_space<vmem>> -> memref<128xi32, #tpu.memory_space<vmem>>
    %dma_start3A_179 = arith.constant 0 : i32
    %dma_start3A_180 = arith.constant 0 : i32
    %dma_start3A_181 = tpu.memref_slice %arg9[%dma_start3A_179, %dma_start3A_180] : memref<10240x64xf32, #tpu.memory_space<vmem_shared>> -> memref<10240x64xf32, #tpu.memory_space<vmem_shared>>
    tpu.enqueue_indirect_dma source(%dma_start3A_175 : memref<128x64xf32, #tpu.memory_space<vmem>>) target(%dma_start3A_181 : memref<10240x64xf32, #tpu.memory_space<vmem_shared>>) offsets(%dma_start3A_178 : memref<128xi32, #tpu.memory_space<vmem>>) semaphore(%arg20 : memref<!tpu.dma_semaphore, #tpu.memory_space<semaphore_mem>>) {add = true}
    %dma_wait3A_182 = arith.constant 4 : i32
    %dma_wait3A_183 = arith.constant 4 : i32
    %dma_wait3A_184 = arith.constant 0 : i32
    %dma_wait3A_185 = arith.constant 0 : i32
    %dma_wait3A_186 = tpu.memref_slice %arg8[%dma_wait3A_183, %dma_wait3A_184, %dma_wait3A_185] : memref<6x128x64xf32, #tpu.memory_space<vmem>> -> memref<1x128x64xf32, #tpu.memory_space<vmem>>
    %dma_wait3A_187 = tpu.memref_squeeze %dma_wait3A_186 : memref<1x128x64xf32, #tpu.memory_space<vmem>> -> memref<128x64xf32, #tpu.memory_space<vmem>>
    %dma_wait3A_188 = arith.constant 0 : i32
    %dma_wait3A_189 = tpu.memref_slice %arg6[%dma_wait3A_182, %dma_wait3A_188] : memref<79x128xi32, #tpu.memory_space<vmem>> -> memref<1x128xi32, #tpu.memory_space<vmem>>
    %dma_wait3A_190 = tpu.memref_squeeze %dma_wait3A_189 : memref<1x128xi32, #tpu.memory_space<vmem>> -> memref<128xi32, #tpu.memory_space<vmem>>
    %dma_wait3A_191 = arith.constant 0 : i32
    %dma_wait3A_192 = arith.constant 0 : i32
    %dma_wait3A_193 = tpu.memref_slice %arg2[%dma_wait3A_191, %dma_wait3A_192] : memref<10240x64xf32, #tpu.memory_space<hbm>> -> memref<10240x64xf32, #tpu.memory_space<hbm>>
    tpu.wait_indirect_dma semaphore(%arg15 : memref<!tpu.dma_semaphore, #tpu.memory_space<semaphore_mem>>) src(%dma_wait3A_193 : memref<10240x64xf32, #tpu.memory_space<hbm>>) dst(%dma_wait3A_187 : memref<128x64xf32, #tpu.memory_space<vmem>>)
    %dma_start3A_194 = arith.constant 4 : i32
    %dma_start3A_195 = arith.constant 4 : i32
    %dma_start3A_196 = arith.constant 0 : i32
    %dma_start3A_197 = arith.constant 0 : i32
    %dma_start3A_198 = tpu.memref_slice %arg8[%dma_start3A_194, %dma_start3A_196, %dma_start3A_197] : memref<6x128x64xf32, #tpu.memory_space<vmem>> -> memref<1x128x64xf32, #tpu.memory_space<vmem>>
    %dma_start3A_199 = tpu.memref_squeeze %dma_start3A_198 : memref<1x128x64xf32, #tpu.memory_space<vmem>> -> memref<128x64xf32, #tpu.memory_space<vmem>>
    %dma_start3A_200 = arith.constant 0 : i32
    %dma_start3A_201 = tpu.memref_slice %arg7[%dma_start3A_195, %dma_start3A_200] : memref<79x128xi32, #tpu.memory_space<vmem>> -> memref<1x128xi32, #tpu.memory_space<vmem>>
    %dma_start3A_202 = tpu.memref_squeeze %dma_start3A_201 : memref<1x128xi32, #tpu.memory_space<vmem>> -> memref<128xi32, #tpu.memory_space<vmem>>
    %dma_start3A_203 = arith.constant 0 : i32
    %dma_start3A_204 = arith.constant 0 : i32
    %dma_start3A_205 = tpu.memref_slice %arg9[%dma_start3A_203, %dma_start3A_204] : memref<10240x64xf32, #tpu.memory_space<vmem_shared>> -> memref<10240x64xf32, #tpu.memory_space<vmem_shared>>
    tpu.enqueue_indirect_dma source(%dma_start3A_199 : memref<128x64xf32, #tpu.memory_space<vmem>>) target(%dma_start3A_205 : memref<10240x64xf32, #tpu.memory_space<vmem_shared>>) offsets(%dma_start3A_202 : memref<128xi32, #tpu.memory_space<vmem>>) semaphore(%arg21 : memref<!tpu.dma_semaphore, #tpu.memory_space<semaphore_mem>>) {add = true}
    %dma_wait3A_206 = arith.constant 5 : i32
    %dma_wait3A_207 = arith.constant 5 : i32
    %dma_wait3A_208 = arith.constant 0 : i32
    %dma_wait3A_209 = arith.constant 0 : i32
    %dma_wait3A_210 = tpu.memref_slice %arg8[%dma_wait3A_207, %dma_wait3A_208, %dma_wait3A_209] : memref<6x128x64xf32, #tpu.memory_space<vmem>> -> memref<1x128x64xf32, #tpu.memory_space<vmem>>
    %dma_wait3A_211 = tpu.memref_squeeze %dma_wait3A_210 : memref<1x128x64xf32, #tpu.memory_space<vmem>> -> memref<128x64xf32, #tpu.memory_space<vmem>>
    %dma_wait3A_212 = arith.constant 0 : i32
    %dma_wait3A_213 = tpu.memref_slice %arg6[%dma_wait3A_206, %dma_wait3A_212] : memref<79x128xi32, #tpu.memory_space<vmem>> -> memref<1x128xi32, #tpu.memory_space<vmem>>
    %dma_wait3A_214 = tpu.memref_squeeze %dma_wait3A_213 : memref<1x128xi32, #tpu.memory_space<vmem>> -> memref<128xi32, #tpu.memory_space<vmem>>
    %dma_wait3A_215 = arith.constant 0 : i32
    %dma_wait3A_216 = arith.constant 0 : i32
    %dma_wait3A_217 = tpu.memref_slice %arg2[%dma_wait3A_215, %dma_wait3A_216] : memref<10240x64xf32, #tpu.memory_space<hbm>> -> memref<10240x64xf32, #tpu.memory_space<hbm>>
    tpu.wait_indirect_dma semaphore(%arg16 : memref<!tpu.dma_semaphore, #tpu.memory_space<semaphore_mem>>) src(%dma_wait3A_217 : memref<10240x64xf32, #tpu.memory_space<hbm>>) dst(%dma_wait3A_211 : memref<128x64xf32, #tpu.memory_space<vmem>>)
    %dma_start3A_218 = arith.constant 5 : i32
    %dma_start3A_219 = arith.constant 5 : i32
    %dma_start3A_220 = arith.constant 0 : i32
    %dma_start3A_221 = arith.constant 0 : i32
    %dma_start3A_222 = tpu.memref_slice %arg8[%dma_start3A_218, %dma_start3A_220, %dma_start3A_221] : memref<6x128x64xf32, #tpu.memory_space<vmem>> -> memref<1x128x64xf32, #tpu.memory_space<vmem>>
    %dma_start3A_223 = tpu.memref_squeeze %dma_start3A_222 : memref<1x128x64xf32, #tpu.memory_space<vmem>> -> memref<128x64xf32, #tpu.memory_space<vmem>>
    %dma_start3A_224 = arith.constant 0 : i32
    %dma_start3A_225 = tpu.memref_slice %arg7[%dma_start3A_219, %dma_start3A_224] : memref<79x128xi32, #tpu.memory_space<vmem>> -> memref<1x128xi32, #tpu.memory_space<vmem>>
    %dma_start3A_226 = tpu.memref_squeeze %dma_start3A_225 : memref<1x128xi32, #tpu.memory_space<vmem>> -> memref<128xi32, #tpu.memory_space<vmem>>
    %dma_start3A_227 = arith.constant 0 : i32
    %dma_start3A_228 = arith.constant 0 : i32
    %dma_start3A_229 = tpu.memref_slice %arg9[%dma_start3A_227, %dma_start3A_228] : memref<10240x64xf32, #tpu.memory_space<vmem_shared>> -> memref<10240x64xf32, #tpu.memory_space<vmem_shared>>
    tpu.enqueue_indirect_dma source(%dma_start3A_223 : memref<128x64xf32, #tpu.memory_space<vmem>>) target(%dma_start3A_229 : memref<10240x64xf32, #tpu.memory_space<vmem_shared>>) offsets(%dma_start3A_226 : memref<128xi32, #tpu.memory_space<vmem>>) semaphore(%arg22 : memref<!tpu.dma_semaphore, #tpu.memory_space<semaphore_mem>>) {add = true}
    %scan3A_230 = arith.constant 0 : i32
    %scan3A_231 = arith.constant 12 : i32
    %scan3A_232 = arith.addi %scan3A_230, %scan3A_231 : i32
    %scan3A_233 = arith.constant 1 : i32
    scf.for %scan3A_316 = %scan3A_230 to %scan3A_232 step %scan3A_233  : i32 {
      %mul3A_317 = arith.constant 6 : i32
      %mul3A_318 = arith.muli %scan3A_316, %mul3A_317 : i32
      %add3A_319 = arith.constant 6 : i32
      %add3A_320 = arith.addi %add3A_319, %mul3A_318 : i32
      %sub3A = arith.constant 6 : i32
      %sub3A_321 = arith.subi %add3A_320, %sub3A : i32
      %add3A_322 = arith.constant 0 : i32
      %add3A_323 = arith.addi %sub3A_321, %add3A_322 : i32
      %dma_wait3A_324 = arith.constant 0 : i32
      %dma_wait3A_325 = arith.constant 0 : i32
      %dma_wait3A_326 = arith.constant 0 : i32
      %dma_wait3A_327 = tpu.memref_slice %arg8[%dma_wait3A_324, %dma_wait3A_325, %dma_wait3A_326] : memref<6x128x64xf32, #tpu.memory_space<vmem>> -> memref<1x128x64xf32, #tpu.memory_space<vmem>>
      %dma_wait3A_328 = tpu.memref_squeeze %dma_wait3A_327 : memref<1x128x64xf32, #tpu.memory_space<vmem>> -> memref<128x64xf32, #tpu.memory_space<vmem>>
      %dma_wait3A_329 = arith.constant 0 : i32
      %dma_wait3A_330 = tpu.memref_slice %arg7[%add3A_323, %dma_wait3A_329] : memref<79x128xi32, #tpu.memory_space<vmem>> -> memref<1x128xi32, #tpu.memory_space<vmem>>
      %dma_wait3A_331 = tpu.memref_squeeze %dma_wait3A_330 : memref<1x128xi32, #tpu.memory_space<vmem>> -> memref<128xi32, #tpu.memory_space<vmem>>
      %dma_wait3A_332 = arith.constant 0 : i32
      %dma_wait3A_333 = arith.constant 0 : i32
      %dma_wait3A_334 = tpu.memref_slice %arg9[%dma_wait3A_332, %dma_wait3A_333] : memref<10240x64xf32, #tpu.memory_space<vmem_shared>> -> memref<10240x64xf32, #tpu.memory_space<vmem_shared>>
      tpu.wait_indirect_dma semaphore(%arg17 : memref<!tpu.dma_semaphore, #tpu.memory_space<semaphore_mem>>) src(%dma_wait3A_328 : memref<128x64xf32, #tpu.memory_space<vmem>>) dst(%dma_wait3A_334 : memref<10240x64xf32, #tpu.memory_space<vmem_shared>>)
      %add3A_335 = arith.constant 0 : i32
      %add3A_336 = arith.addi %add3A_320, %add3A_335 : i32
      %dma_start3A_337 = arith.constant 0 : i32
      %dma_start3A_338 = arith.constant 0 : i32
      %dma_start3A_339 = arith.constant 0 : i32
      %dma_start3A_340 = tpu.memref_slice %arg8[%dma_start3A_337, %dma_start3A_338, %dma_start3A_339] : memref<6x128x64xf32, #tpu.memory_space<vmem>> -> memref<1x128x64xf32, #tpu.memory_space<vmem>>
      %dma_start3A_341 = tpu.memref_squeeze %dma_start3A_340 : memref<1x128x64xf32, #tpu.memory_space<vmem>> -> memref<128x64xf32, #tpu.memory_space<vmem>>
      %dma_start3A_342 = arith.constant 0 : i32
      %dma_start3A_343 = tpu.memref_slice %arg6[%add3A_336, %dma_start3A_342] : memref<79x128xi32, #tpu.memory_space<vmem>> -> memref<1x128xi32, #tpu.memory_space<vmem>>
      %dma_start3A_344 = tpu.memref_squeeze %dma_start3A_343 : memref<1x128xi32, #tpu.memory_space<vmem>> -> memref<128xi32, #tpu.memory_space<vmem>>
      %dma_start3A_345 = arith.constant 0 : i32
      %dma_start3A_346 = arith.constant 0 : i32
      %dma_start3A_347 = tpu.memref_slice %arg2[%dma_start3A_345, %dma_start3A_346] : memref<10240x64xf32, #tpu.memory_space<hbm>> -> memref<10240x64xf32, #tpu.memory_space<hbm>>
      tpu.enqueue_indirect_dma source(%dma_start3A_347 : memref<10240x64xf32, #tpu.memory_space<hbm>>) target(%dma_start3A_341 : memref<128x64xf32, #tpu.memory_space<vmem>>) offsets(%dma_start3A_344 : memref<128xi32, #tpu.memory_space<vmem>>) semaphore(%arg11 : memref<!tpu.dma_semaphore, #tpu.memory_space<semaphore_mem>>)
      %sub3A_348 = arith.constant 6 : i32
      %sub3A_349 = arith.subi %add3A_320, %sub3A_348 : i32
      %add3A_350 = arith.constant 1 : i32
      %add3A_351 = arith.addi %sub3A_349, %add3A_350 : i32
      %dma_wait3A_352 = arith.constant 1 : i32
      %dma_wait3A_353 = arith.constant 0 : i32
      %dma_wait3A_354 = arith.constant 0 : i32
      %dma_wait3A_355 = tpu.memref_slice %arg8[%dma_wait3A_352, %dma_wait3A_353, %dma_wait3A_354] : memref<6x128x64xf32, #tpu.memory_space<vmem>> -> memref<1x128x64xf32, #tpu.memory_space<vmem>>
      %dma_wait3A_356 = tpu.memref_squeeze %dma_wait3A_355 : memref<1x128x64xf32, #tpu.memory_space<vmem>> -> memref<128x64xf32, #tpu.memory_space<vmem>>
      %dma_wait3A_357 = arith.constant 0 : i32
      %dma_wait3A_358 = tpu.memref_slice %arg7[%add3A_351, %dma_wait3A_357] : memref<79x128xi32, #tpu.memory_space<vmem>> -> memref<1x128xi32, #tpu.memory_space<vmem>>
      %dma_wait3A_359 = tpu.memref_squeeze %dma_wait3A_358 : memref<1x128xi32, #tpu.memory_space<vmem>> -> memref<128xi32, #tpu.memory_space<vmem>>
      %dma_wait3A_360 = arith.constant 0 : i32
      %dma_wait3A_361 = arith.constant 0 : i32
      %dma_wait3A_362 = tpu.memref_slice %arg9[%dma_wait3A_360, %dma_wait3A_361] : memref<10240x64xf32, #tpu.memory_space<vmem_shared>> -> memref<10240x64xf32, #tpu.memory_space<vmem_shared>>
      tpu.wait_indirect_dma semaphore(%arg18 : memref<!tpu.dma_semaphore, #tpu.memory_space<semaphore_mem>>) src(%dma_wait3A_356 : memref<128x64xf32, #tpu.memory_space<vmem>>) dst(%dma_wait3A_362 : memref<10240x64xf32, #tpu.memory_space<vmem_shared>>)
      %add3A_363 = arith.constant 1 : i32
      %add3A_364 = arith.addi %add3A_320, %add3A_363 : i32
      %dma_start3A_365 = arith.constant 1 : i32
      %dma_start3A_366 = arith.constant 0 : i32
      %dma_start3A_367 = arith.constant 0 : i32
      %dma_start3A_368 = tpu.memref_slice %arg8[%dma_start3A_365, %dma_start3A_366, %dma_start3A_367] : memref<6x128x64xf32, #tpu.memory_space<vmem>> -> memref<1x128x64xf32, #tpu.memory_space<vmem>>
      %dma_start3A_369 = tpu.memref_squeeze %dma_start3A_368 : memref<1x128x64xf32, #tpu.memory_space<vmem>> -> memref<128x64xf32, #tpu.memory_space<vmem>>
      %dma_start3A_370 = arith.constant 0 : i32
      %dma_start3A_371 = tpu.memref_slice %arg6[%add3A_364, %dma_start3A_370] : memref<79x128xi32, #tpu.memory_space<vmem>> -> memref<1x128xi32, #tpu.memory_space<vmem>>
      %dma_start3A_372 = tpu.memref_squeeze %dma_start3A_371 : memref<1x128xi32, #tpu.memory_space<vmem>> -> memref<128xi32, #tpu.memory_space<vmem>>
      %dma_start3A_373 = arith.constant 0 : i32
      %dma_start3A_374 = arith.constant 0 : i32
      %dma_start3A_375 = tpu.memref_slice %arg2[%dma_start3A_373, %dma_start3A_374] : memref<10240x64xf32, #tpu.memory_space<hbm>> -> memref<10240x64xf32, #tpu.memory_space<hbm>>
      tpu.enqueue_indirect_dma source(%dma_start3A_375 : memref<10240x64xf32, #tpu.memory_space<hbm>>) target(%dma_start3A_369 : memref<128x64xf32, #tpu.memory_space<vmem>>) offsets(%dma_start3A_372 : memref<128xi32, #tpu.memory_space<vmem>>) semaphore(%arg12 : memref<!tpu.dma_semaphore, #tpu.memory_space<semaphore_mem>>)
      %sub3A_376 = arith.constant 6 : i32
      %sub3A_377 = arith.subi %add3A_320, %sub3A_376 : i32
      %add3A_378 = arith.constant 2 : i32
      %add3A_379 = arith.addi %sub3A_377, %add3A_378 : i32
      %dma_wait3A_380 = arith.constant 2 : i32
      %dma_wait3A_381 = arith.constant 0 : i32
      %dma_wait3A_382 = arith.constant 0 : i32
      %dma_wait3A_383 = tpu.memref_slice %arg8[%dma_wait3A_380, %dma_wait3A_381, %dma_wait3A_382] : memref<6x128x64xf32, #tpu.memory_space<vmem>> -> memref<1x128x64xf32, #tpu.memory_space<vmem>>
      %dma_wait3A_384 = tpu.memref_squeeze %dma_wait3A_383 : memref<1x128x64xf32, #tpu.memory_space<vmem>> -> memref<128x64xf32, #tpu.memory_space<vmem>>
      %dma_wait3A_385 = arith.constant 0 : i32
      %dma_wait3A_386 = tpu.memref_slice %arg7[%add3A_379, %dma_wait3A_385] : memref<79x128xi32, #tpu.memory_space<vmem>> -> memref<1x128xi32, #tpu.memory_space<vmem>>
      %dma_wait3A_387 = tpu.memref_squeeze %dma_wait3A_386 : memref<1x128xi32, #tpu.memory_space<vmem>> -> memref<128xi32, #tpu.memory_space<vmem>>
      %dma_wait3A_388 = arith.constant 0 : i32
      %dma_wait3A_389 = arith.constant 0 : i32
      %dma_wait3A_390 = tpu.memref_slice %arg9[%dma_wait3A_388, %dma_wait3A_389] : memref<10240x64xf32, #tpu.memory_space<vmem_shared>> -> memref<10240x64xf32, #tpu.memory_space<vmem_shared>>
      tpu.wait_indirect_dma semaphore(%arg19 : memref<!tpu.dma_semaphore, #tpu.memory_space<semaphore_mem>>) src(%dma_wait3A_384 : memref<128x64xf32, #tpu.memory_space<vmem>>) dst(%dma_wait3A_390 : memref<10240x64xf32, #tpu.memory_space<vmem_shared>>)
      %add3A_391 = arith.constant 2 : i32
      %add3A_392 = arith.addi %add3A_320, %add3A_391 : i32
      %dma_start3A_393 = arith.constant 2 : i32
      %dma_start3A_394 = arith.constant 0 : i32
      %dma_start3A_395 = arith.constant 0 : i32
      %dma_start3A_396 = tpu.memref_slice %arg8[%dma_start3A_393, %dma_start3A_394, %dma_start3A_395] : memref<6x128x64xf32, #tpu.memory_space<vmem>> -> memref<1x128x64xf32, #tpu.memory_space<vmem>>
      %dma_start3A_397 = tpu.memref_squeeze %dma_start3A_396 : memref<1x128x64xf32, #tpu.memory_space<vmem>> -> memref<128x64xf32, #tpu.memory_space<vmem>>
      %dma_start3A_398 = arith.constant 0 : i32
      %dma_start3A_399 = tpu.memref_slice %arg6[%add3A_392, %dma_start3A_398] : memref<79x128xi32, #tpu.memory_space<vmem>> -> memref<1x128xi32, #tpu.memory_space<vmem>>
      %dma_start3A_400 = tpu.memref_squeeze %dma_start3A_399 : memref<1x128xi32, #tpu.memory_space<vmem>> -> memref<128xi32, #tpu.memory_space<vmem>>
      %dma_start3A_401 = arith.constant 0 : i32
      %dma_start3A_402 = arith.constant 0 : i32
      %dma_start3A_403 = tpu.memref_slice %arg2[%dma_start3A_401, %dma_start3A_402] : memref<10240x64xf32, #tpu.memory_space<hbm>> -> memref<10240x64xf32, #tpu.memory_space<hbm>>
      tpu.enqueue_indirect_dma source(%dma_start3A_403 : memref<10240x64xf32, #tpu.memory_space<hbm>>) target(%dma_start3A_397 : memref<128x64xf32, #tpu.memory_space<vmem>>) offsets(%dma_start3A_400 : memref<128xi32, #tpu.memory_space<vmem>>) semaphore(%arg13 : memref<!tpu.dma_semaphore, #tpu.memory_space<semaphore_mem>>)
      %sub3A_404 = arith.constant 6 : i32
      %sub3A_405 = arith.subi %add3A_320, %sub3A_404 : i32
      %add3A_406 = arith.constant 3 : i32
      %add3A_407 = arith.addi %sub3A_405, %add3A_406 : i32
      %dma_wait3A_408 = arith.constant 3 : i32
      %dma_wait3A_409 = arith.constant 0 : i32
      %dma_wait3A_410 = arith.constant 0 : i32
      %dma_wait3A_411 = tpu.memref_slice %arg8[%dma_wait3A_408, %dma_wait3A_409, %dma_wait3A_410] : memref<6x128x64xf32, #tpu.memory_space<vmem>> -> memref<1x128x64xf32, #tpu.memory_space<vmem>>
      %dma_wait3A_412 = tpu.memref_squeeze %dma_wait3A_411 : memref<1x128x64xf32, #tpu.memory_space<vmem>> -> memref<128x64xf32, #tpu.memory_space<vmem>>
      %dma_wait3A_413 = arith.constant 0 : i32
      %dma_wait3A_414 = tpu.memref_slice %arg7[%add3A_407, %dma_wait3A_413] : memref<79x128xi32, #tpu.memory_space<vmem>> -> memref<1x128xi32, #tpu.memory_space<vmem>>
      %dma_wait3A_415 = tpu.memref_squeeze %dma_wait3A_414 : memref<1x128xi32, #tpu.memory_space<vmem>> -> memref<128xi32, #tpu.memory_space<vmem>>
      %dma_wait3A_416 = arith.constant 0 : i32
      %dma_wait3A_417 = arith.constant 0 : i32
      %dma_wait3A_418 = tpu.memref_slice %arg9[%dma_wait3A_416, %dma_wait3A_417] : memref<10240x64xf32, #tpu.memory_space<vmem_shared>> -> memref<10240x64xf32, #tpu.memory_space<vmem_shared>>
      tpu.wait_indirect_dma semaphore(%arg20 : memref<!tpu.dma_semaphore, #tpu.memory_space<semaphore_mem>>) src(%dma_wait3A_412 : memref<128x64xf32, #tpu.memory_space<vmem>>) dst(%dma_wait3A_418 : memref<10240x64xf32, #tpu.memory_space<vmem_shared>>)
      %add3A_419 = arith.constant 3 : i32
      %add3A_420 = arith.addi %add3A_320, %add3A_419 : i32
      %dma_start3A_421 = arith.constant 3 : i32
      %dma_start3A_422 = arith.constant 0 : i32
      %dma_start3A_423 = arith.constant 0 : i32
      %dma_start3A_424 = tpu.memref_slice %arg8[%dma_start3A_421, %dma_start3A_422, %dma_start3A_423] : memref<6x128x64xf32, #tpu.memory_space<vmem>> -> memref<1x128x64xf32, #tpu.memory_space<vmem>>
      %dma_start3A_425 = tpu.memref_squeeze %dma_start3A_424 : memref<1x128x64xf32, #tpu.memory_space<vmem>> -> memref<128x64xf32, #tpu.memory_space<vmem>>
      %dma_start3A_426 = arith.constant 0 : i32
      %dma_start3A_427 = tpu.memref_slice %arg6[%add3A_420, %dma_start3A_426] : memref<79x128xi32, #tpu.memory_space<vmem>> -> memref<1x128xi32, #tpu.memory_space<vmem>>
      %dma_start3A_428 = tpu.memref_squeeze %dma_start3A_427 : memref<1x128xi32, #tpu.memory_space<vmem>> -> memref<128xi32, #tpu.memory_space<vmem>>
      %dma_start3A_429 = arith.constant 0 : i32
      %dma_start3A_430 = arith.constant 0 : i32
      %dma_start3A_431 = tpu.memref_slice %arg2[%dma_start3A_429, %dma_start3A_430] : memref<10240x64xf32, #tpu.memory_space<hbm>> -> memref<10240x64xf32, #tpu.memory_space<hbm>>
      tpu.enqueue_indirect_dma source(%dma_start3A_431 : memref<10240x64xf32, #tpu.memory_space<hbm>>) target(%dma_start3A_425 : memref<128x64xf32, #tpu.memory_space<vmem>>) offsets(%dma_start3A_428 : memref<128xi32, #tpu.memory_space<vmem>>) semaphore(%arg14 : memref<!tpu.dma_semaphore, #tpu.memory_space<semaphore_mem>>)
      %sub3A_432 = arith.constant 6 : i32
      %sub3A_433 = arith.subi %add3A_320, %sub3A_432 : i32
      %add3A_434 = arith.constant 4 : i32
      %add3A_435 = arith.addi %sub3A_433, %add3A_434 : i32
      %dma_wait3A_436 = arith.constant 4 : i32
      %dma_wait3A_437 = arith.constant 0 : i32
      %dma_wait3A_438 = arith.constant 0 : i32
      %dma_wait3A_439 = tpu.memref_slice %arg8[%dma_wait3A_436, %dma_wait3A_437, %dma_wait3A_438] : memref<6x128x64xf32, #tpu.memory_space<vmem>> -> memref<1x128x64xf32, #tpu.memory_space<vmem>>
      %dma_wait3A_440 = tpu.memref_squeeze %dma_wait3A_439 : memref<1x128x64xf32, #tpu.memory_space<vmem>> -> memref<128x64xf32, #tpu.memory_space<vmem>>
      %dma_wait3A_441 = arith.constant 0 : i32
      %dma_wait3A_442 = tpu.memref_slice %arg7[%add3A_435, %dma_wait3A_441] : memref<79x128xi32, #tpu.memory_space<vmem>> -> memref<1x128xi32, #tpu.memory_space<vmem>>
      %dma_wait3A_443 = tpu.memref_squeeze %dma_wait3A_442 : memref<1x128xi32, #tpu.memory_space<vmem>> -> memref<128xi32, #tpu.memory_space<vmem>>
      %dma_wait3A_444 = arith.constant 0 : i32
      %dma_wait3A_445 = arith.constant 0 : i32
      %dma_wait3A_446 = tpu.memref_slice %arg9[%dma_wait3A_444, %dma_wait3A_445] : memref<10240x64xf32, #tpu.memory_space<vmem_shared>> -> memref<10240x64xf32, #tpu.memory_space<vmem_shared>>
      tpu.wait_indirect_dma semaphore(%arg21 : memref<!tpu.dma_semaphore, #tpu.memory_space<semaphore_mem>>) src(%dma_wait3A_440 : memref<128x64xf32, #tpu.memory_space<vmem>>) dst(%dma_wait3A_446 : memref<10240x64xf32, #tpu.memory_space<vmem_shared>>)
      %add3A_447 = arith.constant 4 : i32
      %add3A_448 = arith.addi %add3A_320, %add3A_447 : i32
      %dma_start3A_449 = arith.constant 4 : i32
      %dma_start3A_450 = arith.constant 0 : i32
      %dma_start3A_451 = arith.constant 0 : i32
      %dma_start3A_452 = tpu.memref_slice %arg8[%dma_start3A_449, %dma_start3A_450, %dma_start3A_451] : memref<6x128x64xf32, #tpu.memory_space<vmem>> -> memref<1x128x64xf32, #tpu.memory_space<vmem>>
      %dma_start3A_453 = tpu.memref_squeeze %dma_start3A_452 : memref<1x128x64xf32, #tpu.memory_space<vmem>> -> memref<128x64xf32, #tpu.memory_space<vmem>>
      %dma_start3A_454 = arith.constant 0 : i32
      %dma_start3A_455 = tpu.memref_slice %arg6[%add3A_448, %dma_start3A_454] : memref<79x128xi32, #tpu.memory_space<vmem>> -> memref<1x128xi32, #tpu.memory_space<vmem>>
      %dma_start3A_456 = tpu.memref_squeeze %dma_start3A_455 : memref<1x128xi32, #tpu.memory_space<vmem>> -> memref<128xi32, #tpu.memory_space<vmem>>
      %dma_start3A_457 = arith.constant 0 : i32
      %dma_start3A_458 = arith.constant 0 : i32
      %dma_start3A_459 = tpu.memref_slice %arg2[%dma_start3A_457, %dma_start3A_458] : memref<10240x64xf32, #tpu.memory_space<hbm>> -> memref<10240x64xf32, #tpu.memory_space<hbm>>
      tpu.enqueue_indirect_dma source(%dma_start3A_459 : memref<10240x64xf32, #tpu.memory_space<hbm>>) target(%dma_start3A_453 : memref<128x64xf32, #tpu.memory_space<vmem>>) offsets(%dma_start3A_456 : memref<128xi32, #tpu.memory_space<vmem>>) semaphore(%arg15 : memref<!tpu.dma_semaphore, #tpu.memory_space<semaphore_mem>>)
      %sub3A_460 = arith.constant 6 : i32
      %sub3A_461 = arith.subi %add3A_320, %sub3A_460 : i32
      %add3A_462 = arith.constant 5 : i32
      %add3A_463 = arith.addi %sub3A_461, %add3A_462 : i32
      %dma_wait3A_464 = arith.constant 5 : i32
      %dma_wait3A_465 = arith.constant 0 : i32
      %dma_wait3A_466 = arith.constant 0 : i32
      %dma_wait3A_467 = tpu.memref_slice %arg8[%dma_wait3A_464, %dma_wait3A_465, %dma_wait3A_466] : memref<6x128x64xf32, #tpu.memory_space<vmem>> -> memref<1x128x64xf32, #tpu.memory_space<vmem>>
      %dma_wait3A_468 = tpu.memref_squeeze %dma_wait3A_467 : memref<1x128x64xf32, #tpu.memory_space<vmem>> -> memref<128x64xf32, #tpu.memory_space<vmem>>
      %dma_wait3A_469 = arith.constant 0 : i32
      %dma_wait3A_470 = tpu.memref_slice %arg7[%add3A_463, %dma_wait3A_469] : memref<79x128xi32, #tpu.memory_space<vmem>> -> memref<1x128xi32, #tpu.memory_space<vmem>>
      %dma_wait3A_471 = tpu.memref_squeeze %dma_wait3A_470 : memref<1x128xi32, #tpu.memory_space<vmem>> -> memref<128xi32, #tpu.memory_space<vmem>>
      %dma_wait3A_472 = arith.constant 0 : i32
      %dma_wait3A_473 = arith.constant 0 : i32
      %dma_wait3A_474 = tpu.memref_slice %arg9[%dma_wait3A_472, %dma_wait3A_473] : memref<10240x64xf32, #tpu.memory_space<vmem_shared>> -> memref<10240x64xf32, #tpu.memory_space<vmem_shared>>
      tpu.wait_indirect_dma semaphore(%arg22 : memref<!tpu.dma_semaphore, #tpu.memory_space<semaphore_mem>>) src(%dma_wait3A_468 : memref<128x64xf32, #tpu.memory_space<vmem>>) dst(%dma_wait3A_474 : memref<10240x64xf32, #tpu.memory_space<vmem_shared>>)
      %add3A_475 = arith.constant 5 : i32
      %add3A_476 = arith.addi %add3A_320, %add3A_475 : i32
      %dma_start3A_477 = arith.constant 5 : i32
      %dma_start3A_478 = arith.constant 0 : i32
      %dma_start3A_479 = arith.constant 0 : i32
      %dma_start3A_480 = tpu.memref_slice %arg8[%dma_start3A_477, %dma_start3A_478, %dma_start3A_479] : memref<6x128x64xf32, #tpu.memory_space<vmem>> -> memref<1x128x64xf32, #tpu.memory_space<vmem>>
      %dma_start3A_481 = tpu.memref_squeeze %dma_start3A_480 : memref<1x128x64xf32, #tpu.memory_space<vmem>> -> memref<128x64xf32, #tpu.memory_space<vmem>>
      %dma_start3A_482 = arith.constant 0 : i32
      %dma_start3A_483 = tpu.memref_slice %arg6[%add3A_476, %dma_start3A_482] : memref<79x128xi32, #tpu.memory_space<vmem>> -> memref<1x128xi32, #tpu.memory_space<vmem>>
      %dma_start3A_484 = tpu.memref_squeeze %dma_start3A_483 : memref<1x128xi32, #tpu.memory_space<vmem>> -> memref<128xi32, #tpu.memory_space<vmem>>
      %dma_start3A_485 = arith.constant 0 : i32
      %dma_start3A_486 = arith.constant 0 : i32
      %dma_start3A_487 = tpu.memref_slice %arg2[%dma_start3A_485, %dma_start3A_486] : memref<10240x64xf32, #tpu.memory_space<hbm>> -> memref<10240x64xf32, #tpu.memory_space<hbm>>
      tpu.enqueue_indirect_dma source(%dma_start3A_487 : memref<10240x64xf32, #tpu.memory_space<hbm>>) target(%dma_start3A_481 : memref<128x64xf32, #tpu.memory_space<vmem>>) offsets(%dma_start3A_484 : memref<128xi32, #tpu.memory_space<vmem>>) semaphore(%arg16 : memref<!tpu.dma_semaphore, #tpu.memory_space<semaphore_mem>>)
      %add3A_488 = arith.constant 0 : i32
      %add3A_489 = arith.addi %add3A_320, %add3A_488 : i32
      %dma_wait3A_490 = arith.constant 0 : i32
      %dma_wait3A_491 = arith.constant 0 : i32
      %dma_wait3A_492 = arith.constant 0 : i32
      %dma_wait3A_493 = tpu.memref_slice %arg8[%dma_wait3A_490, %dma_wait3A_491, %dma_wait3A_492] : memref<6x128x64xf32, #tpu.memory_space<vmem>> -> memref<1x128x64xf32, #tpu.memory_space<vmem>>
      %dma_wait3A_494 = tpu.memref_squeeze %dma_wait3A_493 : memref<1x128x64xf32, #tpu.memory_space<vmem>> -> memref<128x64xf32, #tpu.memory_space<vmem>>
      %dma_wait3A_495 = arith.constant 0 : i32
      %dma_wait3A_496 = tpu.memref_slice %arg6[%add3A_489, %dma_wait3A_495] : memref<79x128xi32, #tpu.memory_space<vmem>> -> memref<1x128xi32, #tpu.memory_space<vmem>>
      %dma_wait3A_497 = tpu.memref_squeeze %dma_wait3A_496 : memref<1x128xi32, #tpu.memory_space<vmem>> -> memref<128xi32, #tpu.memory_space<vmem>>
      %dma_wait3A_498 = arith.constant 0 : i32
      %dma_wait3A_499 = arith.constant 0 : i32
      %dma_wait3A_500 = tpu.memref_slice %arg2[%dma_wait3A_498, %dma_wait3A_499] : memref<10240x64xf32, #tpu.memory_space<hbm>> -> memref<10240x64xf32, #tpu.memory_space<hbm>>
      tpu.wait_indirect_dma semaphore(%arg11 : memref<!tpu.dma_semaphore, #tpu.memory_space<semaphore_mem>>) src(%dma_wait3A_500 : memref<10240x64xf32, #tpu.memory_space<hbm>>) dst(%dma_wait3A_494 : memref<128x64xf32, #tpu.memory_space<vmem>>)
      %add3A_501 = arith.constant 0 : i32
      %add3A_502 = arith.addi %add3A_320, %add3A_501 : i32
      %dma_start3A_503 = arith.constant 0 : i32
      %dma_start3A_504 = arith.constant 0 : i32
      %dma_start3A_505 = arith.constant 0 : i32
      %dma_start3A_506 = tpu.memref_slice %arg8[%dma_start3A_503, %dma_start3A_504, %dma_start3A_505] : memref<6x128x64xf32, #tpu.memory_space<vmem>> -> memref<1x128x64xf32, #tpu.memory_space<vmem>>
      %dma_start3A_507 = tpu.memref_squeeze %dma_start3A_506 : memref<1x128x64xf32, #tpu.memory_space<vmem>> -> memref<128x64xf32, #tpu.memory_space<vmem>>
      %dma_start3A_508 = arith.constant 0 : i32
      %dma_start3A_509 = tpu.memref_slice %arg7[%add3A_502, %dma_start3A_508] : memref<79x128xi32, #tpu.memory_space<vmem>> -> memref<1x128xi32, #tpu.memory_space<vmem>>
      %dma_start3A_510 = tpu.memref_squeeze %dma_start3A_509 : memref<1x128xi32, #tpu.memory_space<vmem>> -> memref<128xi32, #tpu.memory_space<vmem>>
      %dma_start3A_511 = arith.constant 0 : i32
      %dma_start3A_512 = arith.constant 0 : i32
      %dma_start3A_513 = tpu.memref_slice %arg9[%dma_start3A_511, %dma_start3A_512] : memref<10240x64xf32, #tpu.memory_space<vmem_shared>> -> memref<10240x64xf32, #tpu.memory_space<vmem_shared>>
      tpu.enqueue_indirect_dma source(%dma_start3A_507 : memref<128x64xf32, #tpu.memory_space<vmem>>) target(%dma_start3A_513 : memref<10240x64xf32, #tpu.memory_space<vmem_shared>>) offsets(%dma_start3A_510 : memref<128xi32, #tpu.memory_space<vmem>>) semaphore(%arg17 : memref<!tpu.dma_semaphore, #tpu.memory_space<semaphore_mem>>) {add = true}
      %add3A_514 = arith.constant 1 : i32
      %add3A_515 = arith.addi %add3A_320, %add3A_514 : i32
      %dma_wait3A_516 = arith.constant 1 : i32
      %dma_wait3A_517 = arith.constant 0 : i32
      %dma_wait3A_518 = arith.constant 0 : i32
      %dma_wait3A_519 = tpu.memref_slice %arg8[%dma_wait3A_516, %dma_wait3A_517, %dma_wait3A_518] : memref<6x128x64xf32, #tpu.memory_space<vmem>> -> memref<1x128x64xf32, #tpu.memory_space<vmem>>
      %dma_wait3A_520 = tpu.memref_squeeze %dma_wait3A_519 : memref<1x128x64xf32, #tpu.memory_space<vmem>> -> memref<128x64xf32, #tpu.memory_space<vmem>>
      %dma_wait3A_521 = arith.constant 0 : i32
      %dma_wait3A_522 = tpu.memref_slice %arg6[%add3A_515, %dma_wait3A_521] : memref<79x128xi32, #tpu.memory_space<vmem>> -> memref<1x128xi32, #tpu.memory_space<vmem>>
      %dma_wait3A_523 = tpu.memref_squeeze %dma_wait3A_522 : memref<1x128xi32, #tpu.memory_space<vmem>> -> memref<128xi32, #tpu.memory_space<vmem>>
      %dma_wait3A_524 = arith.constant 0 : i32
      %dma_wait3A_525 = arith.constant 0 : i32
      %dma_wait3A_526 = tpu.memref_slice %arg2[%dma_wait3A_524, %dma_wait3A_525] : memref<10240x64xf32, #tpu.memory_space<hbm>> -> memref<10240x64xf32, #tpu.memory_space<hbm>>
      tpu.wait_indirect_dma semaphore(%arg12 : memref<!tpu.dma_semaphore, #tpu.memory_space<semaphore_mem>>) src(%dma_wait3A_526 : memref<10240x64xf32, #tpu.memory_space<hbm>>) dst(%dma_wait3A_520 : memref<128x64xf32, #tpu.memory_space<vmem>>)
      %add3A_527 = arith.constant 1 : i32
      %add3A_528 = arith.addi %add3A_320, %add3A_527 : i32
      %dma_start3A_529 = arith.constant 1 : i32
      %dma_start3A_530 = arith.constant 0 : i32
      %dma_start3A_531 = arith.constant 0 : i32
      %dma_start3A_532 = tpu.memref_slice %arg8[%dma_start3A_529, %dma_start3A_530, %dma_start3A_531] : memref<6x128x64xf32, #tpu.memory_space<vmem>> -> memref<1x128x64xf32, #tpu.memory_space<vmem>>
      %dma_start3A_533 = tpu.memref_squeeze %dma_start3A_532 : memref<1x128x64xf32, #tpu.memory_space<vmem>> -> memref<128x64xf32, #tpu.memory_space<vmem>>
      %dma_start3A_534 = arith.constant 0 : i32
      %dma_start3A_535 = tpu.memref_slice %arg7[%add3A_528, %dma_start3A_534] : memref<79x128xi32, #tpu.memory_space<vmem>> -> memref<1x128xi32, #tpu.memory_space<vmem>>
      %dma_start3A_536 = tpu.memref_squeeze %dma_start3A_535 : memref<1x128xi32, #tpu.memory_space<vmem>> -> memref<128xi32, #tpu.memory_space<vmem>>
      %dma_start3A_537 = arith.constant 0 : i32
      %dma_start3A_538 = arith.constant 0 : i32
      %dma_start3A_539 = tpu.memref_slice %arg9[%dma_start3A_537, %dma_start3A_538] : memref<10240x64xf32, #tpu.memory_space<vmem_shared>> -> memref<10240x64xf32, #tpu.memory_space<vmem_shared>>
      tpu.enqueue_indirect_dma source(%dma_start3A_533 : memref<128x64xf32, #tpu.memory_space<vmem>>) target(%dma_start3A_539 : memref<10240x64xf32, #tpu.memory_space<vmem_shared>>) offsets(%dma_start3A_536 : memref<128xi32, #tpu.memory_space<vmem>>) semaphore(%arg18 : memref<!tpu.dma_semaphore, #tpu.memory_space<semaphore_mem>>) {add = true}
      %add3A_540 = arith.constant 2 : i32
      %add3A_541 = arith.addi %add3A_320, %add3A_540 : i32
      %dma_wait3A_542 = arith.constant 2 : i32
      %dma_wait3A_543 = arith.constant 0 : i32
      %dma_wait3A_544 = arith.constant 0 : i32
      %dma_wait3A_545 = tpu.memref_slice %arg8[%dma_wait3A_542, %dma_wait3A_543, %dma_wait3A_544] : memref<6x128x64xf32, #tpu.memory_space<vmem>> -> memref<1x128x64xf32, #tpu.memory_space<vmem>>
      %dma_wait3A_546 = tpu.memref_squeeze %dma_wait3A_545 : memref<1x128x64xf32, #tpu.memory_space<vmem>> -> memref<128x64xf32, #tpu.memory_space<vmem>>
      %dma_wait3A_547 = arith.constant 0 : i32
      %dma_wait3A_548 = tpu.memref_slice %arg6[%add3A_541, %dma_wait3A_547] : memref<79x128xi32, #tpu.memory_space<vmem>> -> memref<1x128xi32, #tpu.memory_space<vmem>>
      %dma_wait3A_549 = tpu.memref_squeeze %dma_wait3A_548 : memref<1x128xi32, #tpu.memory_space<vmem>> -> memref<128xi32, #tpu.memory_space<vmem>>
      %dma_wait3A_550 = arith.constant 0 : i32
      %dma_wait3A_551 = arith.constant 0 : i32
      %dma_wait3A_552 = tpu.memref_slice %arg2[%dma_wait3A_550, %dma_wait3A_551] : memref<10240x64xf32, #tpu.memory_space<hbm>> -> memref<10240x64xf32, #tpu.memory_space<hbm>>
      tpu.wait_indirect_dma semaphore(%arg13 : memref<!tpu.dma_semaphore, #tpu.memory_space<semaphore_mem>>) src(%dma_wait3A_552 : memref<10240x64xf32, #tpu.memory_space<hbm>>) dst(%dma_wait3A_546 : memref<128x64xf32, #tpu.memory_space<vmem>>)
      %add3A_553 = arith.constant 2 : i32
      %add3A_554 = arith.addi %add3A_320, %add3A_553 : i32
      %dma_start3A_555 = arith.constant 2 : i32
      %dma_start3A_556 = arith.constant 0 : i32
      %dma_start3A_557 = arith.constant 0 : i32
      %dma_start3A_558 = tpu.memref_slice %arg8[%dma_start3A_555, %dma_start3A_556, %dma_start3A_557] : memref<6x128x64xf32, #tpu.memory_space<vmem>> -> memref<1x128x64xf32, #tpu.memory_space<vmem>>
      %dma_start3A_559 = tpu.memref_squeeze %dma_start3A_558 : memref<1x128x64xf32, #tpu.memory_space<vmem>> -> memref<128x64xf32, #tpu.memory_space<vmem>>
      %dma_start3A_560 = arith.constant 0 : i32
      %dma_start3A_561 = tpu.memref_slice %arg7[%add3A_554, %dma_start3A_560] : memref<79x128xi32, #tpu.memory_space<vmem>> -> memref<1x128xi32, #tpu.memory_space<vmem>>
      %dma_start3A_562 = tpu.memref_squeeze %dma_start3A_561 : memref<1x128xi32, #tpu.memory_space<vmem>> -> memref<128xi32, #tpu.memory_space<vmem>>
      %dma_start3A_563 = arith.constant 0 : i32
      %dma_start3A_564 = arith.constant 0 : i32
      %dma_start3A_565 = tpu.memref_slice %arg9[%dma_start3A_563, %dma_start3A_564] : memref<10240x64xf32, #tpu.memory_space<vmem_shared>> -> memref<10240x64xf32, #tpu.memory_space<vmem_shared>>
      tpu.enqueue_indirect_dma source(%dma_start3A_559 : memref<128x64xf32, #tpu.memory_space<vmem>>) target(%dma_start3A_565 : memref<10240x64xf32, #tpu.memory_space<vmem_shared>>) offsets(%dma_start3A_562 : memref<128xi32, #tpu.memory_space<vmem>>) semaphore(%arg19 : memref<!tpu.dma_semaphore, #tpu.memory_space<semaphore_mem>>) {add = true}
      %add3A_566 = arith.constant 3 : i32
      %add3A_567 = arith.addi %add3A_320, %add3A_566 : i32
      %dma_wait3A_568 = arith.constant 3 : i32
      %dma_wait3A_569 = arith.constant 0 : i32
      %dma_wait3A_570 = arith.constant 0 : i32
      %dma_wait3A_571 = tpu.memref_slice %arg8[%dma_wait3A_568, %dma_wait3A_569, %dma_wait3A_570] : memref<6x128x64xf32, #tpu.memory_space<vmem>> -> memref<1x128x64xf32, #tpu.memory_space<vmem>>
      %dma_wait3A_572 = tpu.memref_squeeze %dma_wait3A_571 : memref<1x128x64xf32, #tpu.memory_space<vmem>> -> memref<128x64xf32, #tpu.memory_space<vmem>>
      %dma_wait3A_573 = arith.constant 0 : i32
      %dma_wait3A_574 = tpu.memref_slice %arg6[%add3A_567, %dma_wait3A_573] : memref<79x128xi32, #tpu.memory_space<vmem>> -> memref<1x128xi32, #tpu.memory_space<vmem>>
      %dma_wait3A_575 = tpu.memref_squeeze %dma_wait3A_574 : memref<1x128xi32, #tpu.memory_space<vmem>> -> memref<128xi32, #tpu.memory_space<vmem>>
      %dma_wait3A_576 = arith.constant 0 : i32
      %dma_wait3A_577 = arith.constant 0 : i32
      %dma_wait3A_578 = tpu.memref_slice %arg2[%dma_wait3A_576, %dma_wait3A_577] : memref<10240x64xf32, #tpu.memory_space<hbm>> -> memref<10240x64xf32, #tpu.memory_space<hbm>>
      tpu.wait_indirect_dma semaphore(%arg14 : memref<!tpu.dma_semaphore, #tpu.memory_space<semaphore_mem>>) src(%dma_wait3A_578 : memref<10240x64xf32, #tpu.memory_space<hbm>>) dst(%dma_wait3A_572 : memref<128x64xf32, #tpu.memory_space<vmem>>)
      %add3A_579 = arith.constant 3 : i32
      %add3A_580 = arith.addi %add3A_320, %add3A_579 : i32
      %dma_start3A_581 = arith.constant 3 : i32
      %dma_start3A_582 = arith.constant 0 : i32
      %dma_start3A_583 = arith.constant 0 : i32
      %dma_start3A_584 = tpu.memref_slice %arg8[%dma_start3A_581, %dma_start3A_582, %dma_start3A_583] : memref<6x128x64xf32, #tpu.memory_space<vmem>> -> memref<1x128x64xf32, #tpu.memory_space<vmem>>
      %dma_start3A_585 = tpu.memref_squeeze %dma_start3A_584 : memref<1x128x64xf32, #tpu.memory_space<vmem>> -> memref<128x64xf32, #tpu.memory_space<vmem>>
      %dma_start3A_586 = arith.constant 0 : i32
      %dma_start3A_587 = tpu.memref_slice %arg7[%add3A_580, %dma_start3A_586] : memref<79x128xi32, #tpu.memory_space<vmem>> -> memref<1x128xi32, #tpu.memory_space<vmem>>
      %dma_start3A_588 = tpu.memref_squeeze %dma_start3A_587 : memref<1x128xi32, #tpu.memory_space<vmem>> -> memref<128xi32, #tpu.memory_space<vmem>>
      %dma_start3A_589 = arith.constant 0 : i32
      %dma_start3A_590 = arith.constant 0 : i32
      %dma_start3A_591 = tpu.memref_slice %arg9[%dma_start3A_589, %dma_start3A_590] : memref<10240x64xf32, #tpu.memory_space<vmem_shared>> -> memref<10240x64xf32, #tpu.memory_space<vmem_shared>>
      tpu.enqueue_indirect_dma source(%dma_start3A_585 : memref<128x64xf32, #tpu.memory_space<vmem>>) target(%dma_start3A_591 : memref<10240x64xf32, #tpu.memory_space<vmem_shared>>) offsets(%dma_start3A_588 : memref<128xi32, #tpu.memory_space<vmem>>) semaphore(%arg20 : memref<!tpu.dma_semaphore, #tpu.memory_space<semaphore_mem>>) {add = true}
      %add3A_592 = arith.constant 4 : i32
      %add3A_593 = arith.addi %add3A_320, %add3A_592 : i32
      %dma_wait3A_594 = arith.constant 4 : i32
      %dma_wait3A_595 = arith.constant 0 : i32
      %dma_wait3A_596 = arith.constant 0 : i32
      %dma_wait3A_597 = tpu.memref_slice %arg8[%dma_wait3A_594, %dma_wait3A_595, %dma_wait3A_596] : memref<6x128x64xf32, #tpu.memory_space<vmem>> -> memref<1x128x64xf32, #tpu.memory_space<vmem>>
      %dma_wait3A_598 = tpu.memref_squeeze %dma_wait3A_597 : memref<1x128x64xf32, #tpu.memory_space<vmem>> -> memref<128x64xf32, #tpu.memory_space<vmem>>
      %dma_wait3A_599 = arith.constant 0 : i32
      %dma_wait3A_600 = tpu.memref_slice %arg6[%add3A_593, %dma_wait3A_599] : memref<79x128xi32, #tpu.memory_space<vmem>> -> memref<1x128xi32, #tpu.memory_space<vmem>>
      %dma_wait3A_601 = tpu.memref_squeeze %dma_wait3A_600 : memref<1x128xi32, #tpu.memory_space<vmem>> -> memref<128xi32, #tpu.memory_space<vmem>>
      %dma_wait3A_602 = arith.constant 0 : i32
      %dma_wait3A_603 = arith.constant 0 : i32
      %dma_wait3A_604 = tpu.memref_slice %arg2[%dma_wait3A_602, %dma_wait3A_603] : memref<10240x64xf32, #tpu.memory_space<hbm>> -> memref<10240x64xf32, #tpu.memory_space<hbm>>
      tpu.wait_indirect_dma semaphore(%arg15 : memref<!tpu.dma_semaphore, #tpu.memory_space<semaphore_mem>>) src(%dma_wait3A_604 : memref<10240x64xf32, #tpu.memory_space<hbm>>) dst(%dma_wait3A_598 : memref<128x64xf32, #tpu.memory_space<vmem>>)
      %add3A_605 = arith.constant 4 : i32
      %add3A_606 = arith.addi %add3A_320, %add3A_605 : i32
      %dma_start3A_607 = arith.constant 4 : i32
      %dma_start3A_608 = arith.constant 0 : i32
      %dma_start3A_609 = arith.constant 0 : i32
      %dma_start3A_610 = tpu.memref_slice %arg8[%dma_start3A_607, %dma_start3A_608, %dma_start3A_609] : memref<6x128x64xf32, #tpu.memory_space<vmem>> -> memref<1x128x64xf32, #tpu.memory_space<vmem>>
      %dma_start3A_611 = tpu.memref_squeeze %dma_start3A_610 : memref<1x128x64xf32, #tpu.memory_space<vmem>> -> memref<128x64xf32, #tpu.memory_space<vmem>>
      %dma_start3A_612 = arith.constant 0 : i32
      %dma_start3A_613 = tpu.memref_slice %arg7[%add3A_606, %dma_start3A_612] : memref<79x128xi32, #tpu.memory_space<vmem>> -> memref<1x128xi32, #tpu.memory_space<vmem>>
      %dma_start3A_614 = tpu.memref_squeeze %dma_start3A_613 : memref<1x128xi32, #tpu.memory_space<vmem>> -> memref<128xi32, #tpu.memory_space<vmem>>
      %dma_start3A_615 = arith.constant 0 : i32
      %dma_start3A_616 = arith.constant 0 : i32
      %dma_start3A_617 = tpu.memref_slice %arg9[%dma_start3A_615, %dma_start3A_616] : memref<10240x64xf32, #tpu.memory_space<vmem_shared>> -> memref<10240x64xf32, #tpu.memory_space<vmem_shared>>
      tpu.enqueue_indirect_dma source(%dma_start3A_611 : memref<128x64xf32, #tpu.memory_space<vmem>>) target(%dma_start3A_617 : memref<10240x64xf32, #tpu.memory_space<vmem_shared>>) offsets(%dma_start3A_614 : memref<128xi32, #tpu.memory_space<vmem>>) semaphore(%arg21 : memref<!tpu.dma_semaphore, #tpu.memory_space<semaphore_mem>>) {add = true}
      %add3A_618 = arith.constant 5 : i32
      %add3A_619 = arith.addi %add3A_320, %add3A_618 : i32
      %dma_wait3A_620 = arith.constant 5 : i32
      %dma_wait3A_621 = arith.constant 0 : i32
      %dma_wait3A_622 = arith.constant 0 : i32
      %dma_wait3A_623 = tpu.memref_slice %arg8[%dma_wait3A_620, %dma_wait3A_621, %dma_wait3A_622] : memref<6x128x64xf32, #tpu.memory_space<vmem>> -> memref<1x128x64xf32, #tpu.memory_space<vmem>>
      %dma_wait3A_624 = tpu.memref_squeeze %dma_wait3A_623 : memref<1x128x64xf32, #tpu.memory_space<vmem>> -> memref<128x64xf32, #tpu.memory_space<vmem>>
      %dma_wait3A_625 = arith.constant 0 : i32
      %dma_wait3A_626 = tpu.memref_slice %arg6[%add3A_619, %dma_wait3A_625] : memref<79x128xi32, #tpu.memory_space<vmem>> -> memref<1x128xi32, #tpu.memory_space<vmem>>
      %dma_wait3A_627 = tpu.memref_squeeze %dma_wait3A_626 : memref<1x128xi32, #tpu.memory_space<vmem>> -> memref<128xi32, #tpu.memory_space<vmem>>
      %dma_wait3A_628 = arith.constant 0 : i32
      %dma_wait3A_629 = arith.constant 0 : i32
      %dma_wait3A_630 = tpu.memref_slice %arg2[%dma_wait3A_628, %dma_wait3A_629] : memref<10240x64xf32, #tpu.memory_space<hbm>> -> memref<10240x64xf32, #tpu.memory_space<hbm>>
      tpu.wait_indirect_dma semaphore(%arg16 : memref<!tpu.dma_semaphore, #tpu.memory_space<semaphore_mem>>) src(%dma_wait3A_630 : memref<10240x64xf32, #tpu.memory_space<hbm>>) dst(%dma_wait3A_624 : memref<128x64xf32, #tpu.memory_space<vmem>>)
      %add3A_631 = arith.constant 5 : i32
      %add3A_632 = arith.addi %add3A_320, %add3A_631 : i32
      %dma_start3A_633 = arith.constant 5 : i32
      %dma_start3A_634 = arith.constant 0 : i32
      %dma_start3A_635 = arith.constant 0 : i32
      %dma_start3A_636 = tpu.memref_slice %arg8[%dma_start3A_633, %dma_start3A_634, %dma_start3A_635] : memref<6x128x64xf32, #tpu.memory_space<vmem>> -> memref<1x128x64xf32, #tpu.memory_space<vmem>>
      %dma_start3A_637 = tpu.memref_squeeze %dma_start3A_636 : memref<1x128x64xf32, #tpu.memory_space<vmem>> -> memref<128x64xf32, #tpu.memory_space<vmem>>
      %dma_start3A_638 = arith.constant 0 : i32
      %dma_start3A_639 = tpu.memref_slice %arg7[%add3A_632, %dma_start3A_638] : memref<79x128xi32, #tpu.memory_space<vmem>> -> memref<1x128xi32, #tpu.memory_space<vmem>>
      %dma_start3A_640 = tpu.memref_squeeze %dma_start3A_639 : memref<1x128xi32, #tpu.memory_space<vmem>> -> memref<128xi32, #tpu.memory_space<vmem>>
      %dma_start3A_641 = arith.constant 0 : i32
      %dma_start3A_642 = arith.constant 0 : i32
      %dma_start3A_643 = tpu.memref_slice %arg9[%dma_start3A_641, %dma_start3A_642] : memref<10240x64xf32, #tpu.memory_space<vmem_shared>> -> memref<10240x64xf32, #tpu.memory_space<vmem_shared>>
      tpu.enqueue_indirect_dma source(%dma_start3A_637 : memref<128x64xf32, #tpu.memory_space<vmem>>) target(%dma_start3A_643 : memref<10240x64xf32, #tpu.memory_space<vmem_shared>>) offsets(%dma_start3A_640 : memref<128xi32, #tpu.memory_space<vmem>>) semaphore(%arg22 : memref<!tpu.dma_semaphore, #tpu.memory_space<semaphore_mem>>) {add = true}
    }
    %scan3A_234 = arith.constant 12 : i32
    %dma_wait3A_235 = arith.constant 0 : i32
    %dma_wait3A_236 = arith.constant 72 : i32
    %dma_wait3A_237 = arith.constant 0 : i32
    %dma_wait3A_238 = arith.constant 0 : i32
    %dma_wait3A_239 = tpu.memref_slice %arg8[%dma_wait3A_235, %dma_wait3A_237, %dma_wait3A_238] : memref<6x128x64xf32, #tpu.memory_space<vmem>> -> memref<1x128x64xf32, #tpu.memory_space<vmem>>
    %dma_wait3A_240 = tpu.memref_squeeze %dma_wait3A_239 : memref<1x128x64xf32, #tpu.memory_space<vmem>> -> memref<128x64xf32, #tpu.memory_space<vmem>>
    %dma_wait3A_241 = arith.constant 0 : i32
    %dma_wait3A_242 = tpu.memref_slice %arg7[%dma_wait3A_236, %dma_wait3A_241] : memref<79x128xi32, #tpu.memory_space<vmem>> -> memref<1x128xi32, #tpu.memory_space<vmem>>
    %dma_wait3A_243 = tpu.memref_squeeze %dma_wait3A_242 : memref<1x128xi32, #tpu.memory_space<vmem>> -> memref<128xi32, #tpu.memory_space<vmem>>
    %dma_wait3A_244 = arith.constant 0 : i32
    %dma_wait3A_245 = arith.constant 0 : i32
    %dma_wait3A_246 = tpu.memref_slice %arg9[%dma_wait3A_244, %dma_wait3A_245] : memref<10240x64xf32, #tpu.memory_space<vmem_shared>> -> memref<10240x64xf32, #tpu.memory_space<vmem_shared>>
    tpu.wait_indirect_dma semaphore(%arg17 : memref<!tpu.dma_semaphore, #tpu.memory_space<semaphore_mem>>) src(%dma_wait3A_240 : memref<128x64xf32, #tpu.memory_space<vmem>>) dst(%dma_wait3A_246 : memref<10240x64xf32, #tpu.memory_space<vmem_shared>>)
    %dma_wait3A_247 = arith.constant 1 : i32
    %dma_wait3A_248 = arith.constant 73 : i32
    %dma_wait3A_249 = arith.constant 0 : i32
    %dma_wait3A_250 = arith.constant 0 : i32
    %dma_wait3A_251 = tpu.memref_slice %arg8[%dma_wait3A_247, %dma_wait3A_249, %dma_wait3A_250] : memref<6x128x64xf32, #tpu.memory_space<vmem>> -> memref<1x128x64xf32, #tpu.memory_space<vmem>>
    %dma_wait3A_252 = tpu.memref_squeeze %dma_wait3A_251 : memref<1x128x64xf32, #tpu.memory_space<vmem>> -> memref<128x64xf32, #tpu.memory_space<vmem>>
    %dma_wait3A_253 = arith.constant 0 : i32
    %dma_wait3A_254 = tpu.memref_slice %arg7[%dma_wait3A_248, %dma_wait3A_253] : memref<79x128xi32, #tpu.memory_space<vmem>> -> memref<1x128xi32, #tpu.memory_space<vmem>>
    %dma_wait3A_255 = tpu.memref_squeeze %dma_wait3A_254 : memref<1x128xi32, #tpu.memory_space<vmem>> -> memref<128xi32, #tpu.memory_space<vmem>>
    %dma_wait3A_256 = arith.constant 0 : i32
    %dma_wait3A_257 = arith.constant 0 : i32
    %dma_wait3A_258 = tpu.memref_slice %arg9[%dma_wait3A_256, %dma_wait3A_257] : memref<10240x64xf32, #tpu.memory_space<vmem_shared>> -> memref<10240x64xf32, #tpu.memory_space<vmem_shared>>
    tpu.wait_indirect_dma semaphore(%arg18 : memref<!tpu.dma_semaphore, #tpu.memory_space<semaphore_mem>>) src(%dma_wait3A_252 : memref<128x64xf32, #tpu.memory_space<vmem>>) dst(%dma_wait3A_258 : memref<10240x64xf32, #tpu.memory_space<vmem_shared>>)
    %dma_wait3A_259 = arith.constant 2 : i32
    %dma_wait3A_260 = arith.constant 74 : i32
    %dma_wait3A_261 = arith.constant 0 : i32
    %dma_wait3A_262 = arith.constant 0 : i32
    %dma_wait3A_263 = tpu.memref_slice %arg8[%dma_wait3A_259, %dma_wait3A_261, %dma_wait3A_262] : memref<6x128x64xf32, #tpu.memory_space<vmem>> -> memref<1x128x64xf32, #tpu.memory_space<vmem>>
    %dma_wait3A_264 = tpu.memref_squeeze %dma_wait3A_263 : memref<1x128x64xf32, #tpu.memory_space<vmem>> -> memref<128x64xf32, #tpu.memory_space<vmem>>
    %dma_wait3A_265 = arith.constant 0 : i32
    %dma_wait3A_266 = tpu.memref_slice %arg7[%dma_wait3A_260, %dma_wait3A_265] : memref<79x128xi32, #tpu.memory_space<vmem>> -> memref<1x128xi32, #tpu.memory_space<vmem>>
    %dma_wait3A_267 = tpu.memref_squeeze %dma_wait3A_266 : memref<1x128xi32, #tpu.memory_space<vmem>> -> memref<128xi32, #tpu.memory_space<vmem>>
    %dma_wait3A_268 = arith.constant 0 : i32
    %dma_wait3A_269 = arith.constant 0 : i32
    %dma_wait3A_270 = tpu.memref_slice %arg9[%dma_wait3A_268, %dma_wait3A_269] : memref<10240x64xf32, #tpu.memory_space<vmem_shared>> -> memref<10240x64xf32, #tpu.memory_space<vmem_shared>>
    tpu.wait_indirect_dma semaphore(%arg19 : memref<!tpu.dma_semaphore, #tpu.memory_space<semaphore_mem>>) src(%dma_wait3A_264 : memref<128x64xf32, #tpu.memory_space<vmem>>) dst(%dma_wait3A_270 : memref<10240x64xf32, #tpu.memory_space<vmem_shared>>)
    %dma_wait3A_271 = arith.constant 3 : i32
    %dma_wait3A_272 = arith.constant 75 : i32
    %dma_wait3A_273 = arith.constant 0 : i32
    %dma_wait3A_274 = arith.constant 0 : i32
    %dma_wait3A_275 = tpu.memref_slice %arg8[%dma_wait3A_271, %dma_wait3A_273, %dma_wait3A_274] : memref<6x128x64xf32, #tpu.memory_space<vmem>> -> memref<1x128x64xf32, #tpu.memory_space<vmem>>
    %dma_wait3A_276 = tpu.memref_squeeze %dma_wait3A_275 : memref<1x128x64xf32, #tpu.memory_space<vmem>> -> memref<128x64xf32, #tpu.memory_space<vmem>>
    %dma_wait3A_277 = arith.constant 0 : i32
    %dma_wait3A_278 = tpu.memref_slice %arg7[%dma_wait3A_272, %dma_wait3A_277] : memref<79x128xi32, #tpu.memory_space<vmem>> -> memref<1x128xi32, #tpu.memory_space<vmem>>
    %dma_wait3A_279 = tpu.memref_squeeze %dma_wait3A_278 : memref<1x128xi32, #tpu.memory_space<vmem>> -> memref<128xi32, #tpu.memory_space<vmem>>
    %dma_wait3A_280 = arith.constant 0 : i32
    %dma_wait3A_281 = arith.constant 0 : i32
    %dma_wait3A_282 = tpu.memref_slice %arg9[%dma_wait3A_280, %dma_wait3A_281] : memref<10240x64xf32, #tpu.memory_space<vmem_shared>> -> memref<10240x64xf32, #tpu.memory_space<vmem_shared>>
    tpu.wait_indirect_dma semaphore(%arg20 : memref<!tpu.dma_semaphore, #tpu.memory_space<semaphore_mem>>) src(%dma_wait3A_276 : memref<128x64xf32, #tpu.memory_space<vmem>>) dst(%dma_wait3A_282 : memref<10240x64xf32, #tpu.memory_space<vmem_shared>>)
    %dma_wait3A_283 = arith.constant 4 : i32
    %dma_wait3A_284 = arith.constant 76 : i32
    %dma_wait3A_285 = arith.constant 0 : i32
    %dma_wait3A_286 = arith.constant 0 : i32
    %dma_wait3A_287 = tpu.memref_slice %arg8[%dma_wait3A_283, %dma_wait3A_285, %dma_wait3A_286] : memref<6x128x64xf32, #tpu.memory_space<vmem>> -> memref<1x128x64xf32, #tpu.memory_space<vmem>>
    %dma_wait3A_288 = tpu.memref_squeeze %dma_wait3A_287 : memref<1x128x64xf32, #tpu.memory_space<vmem>> -> memref<128x64xf32, #tpu.memory_space<vmem>>
    %dma_wait3A_289 = arith.constant 0 : i32
    %dma_wait3A_290 = tpu.memref_slice %arg7[%dma_wait3A_284, %dma_wait3A_289] : memref<79x128xi32, #tpu.memory_space<vmem>> -> memref<1x128xi32, #tpu.memory_space<vmem>>
    %dma_wait3A_291 = tpu.memref_squeeze %dma_wait3A_290 : memref<1x128xi32, #tpu.memory_space<vmem>> -> memref<128xi32, #tpu.memory_space<vmem>>
    %dma_wait3A_292 = arith.constant 0 : i32
    %dma_wait3A_293 = arith.constant 0 : i32
    %dma_wait3A_294 = tpu.memref_slice %arg9[%dma_wait3A_292, %dma_wait3A_293] : memref<10240x64xf32, #tpu.memory_space<vmem_shared>> -> memref<10240x64xf32, #tpu.memory_space<vmem_shared>>
    tpu.wait_indirect_dma semaphore(%arg21 : memref<!tpu.dma_semaphore, #tpu.memory_space<semaphore_mem>>) src(%dma_wait3A_288 : memref<128x64xf32, #tpu.memory_space<vmem>>) dst(%dma_wait3A_294 : memref<10240x64xf32, #tpu.memory_space<vmem_shared>>)
    %dma_wait3A_295 = arith.constant 5 : i32
    %dma_wait3A_296 = arith.constant 77 : i32
    %dma_wait3A_297 = arith.constant 0 : i32
    %dma_wait3A_298 = arith.constant 0 : i32
    %dma_wait3A_299 = tpu.memref_slice %arg8[%dma_wait3A_295, %dma_wait3A_297, %dma_wait3A_298] : memref<6x128x64xf32, #tpu.memory_space<vmem>> -> memref<1x128x64xf32, #tpu.memory_space<vmem>>
    %dma_wait3A_300 = tpu.memref_squeeze %dma_wait3A_299 : memref<1x128x64xf32, #tpu.memory_space<vmem>> -> memref<128x64xf32, #tpu.memory_space<vmem>>
    %dma_wait3A_301 = arith.constant 0 : i32
    %dma_wait3A_302 = tpu.memref_slice %arg7[%dma_wait3A_296, %dma_wait3A_301] : memref<79x128xi32, #tpu.memory_space<vmem>> -> memref<1x128xi32, #tpu.memory_space<vmem>>
    %dma_wait3A_303 = tpu.memref_squeeze %dma_wait3A_302 : memref<1x128xi32, #tpu.memory_space<vmem>> -> memref<128xi32, #tpu.memory_space<vmem>>
    %dma_wait3A_304 = arith.constant 0 : i32
    %dma_wait3A_305 = arith.constant 0 : i32
    %dma_wait3A_306 = tpu.memref_slice %arg9[%dma_wait3A_304, %dma_wait3A_305] : memref<10240x64xf32, #tpu.memory_space<vmem_shared>> -> memref<10240x64xf32, #tpu.memory_space<vmem_shared>>
    tpu.wait_indirect_dma semaphore(%arg22 : memref<!tpu.dma_semaphore, #tpu.memory_space<semaphore_mem>>) src(%dma_wait3A_300 : memref<128x64xf32, #tpu.memory_space<vmem>>) dst(%dma_wait3A_306 : memref<10240x64xf32, #tpu.memory_space<vmem_shared>>)
    %convert_element_type3A_307 = arith.extui %lt3A_1 : i1 to i32
    %cond3A_308 = arith.constant 0 : i32
    %cond3A_309 = arith.cmpi ne, %convert_element_type3A_307, %cond3A_308 : i32
    scf.if %cond3A_309 {
      %run_scoped3A = arith.constant 78 : i32
      %run_scoped3A_316 = arith.constant 0 : i32
      "tpu.region"() ({
        %run_scoped3A_319 = tpu.sem_alloc : memref<!tpu.dma_semaphore, #tpu.memory_space<semaphore_mem>>
        %dma_start3A_320 = arith.constant 0 : i32
        %dma_start3A_321 = arith.constant 0 : i32
        %dma_start3A_322 = tpu.memref_slice %arg8[%run_scoped3A_316, %dma_start3A_320, %dma_start3A_321] : memref<6x128x64xf32, #tpu.memory_space<vmem>> -> memref<1x128x64xf32, #tpu.memory_space<vmem>>
        %dma_start3A_323 = tpu.memref_squeeze %dma_start3A_322 : memref<1x128x64xf32, #tpu.memory_space<vmem>> -> memref<128x64xf32, #tpu.memory_space<vmem>>
        %dma_start3A_324 = arith.constant 0 : i32
        %dma_start3A_325 = tpu.memref_slice %arg6[%run_scoped3A, %dma_start3A_324] : memref<79x128xi32, #tpu.memory_space<vmem>> -> memref<1x128xi32, #tpu.memory_space<vmem>>
        %dma_start3A_326 = tpu.memref_squeeze %dma_start3A_325 : memref<1x128xi32, #tpu.memory_space<vmem>> -> memref<128xi32, #tpu.memory_space<vmem>>
        %dma_start3A_327 = arith.constant 0 : i32
        %dma_start3A_328 = arith.constant 0 : i32
        %dma_start3A_329 = tpu.memref_slice %arg2[%dma_start3A_327, %dma_start3A_328] : memref<10240x64xf32, #tpu.memory_space<hbm>> -> memref<10240x64xf32, #tpu.memory_space<hbm>>
        tpu.enqueue_indirect_dma source(%dma_start3A_329 : memref<10240x64xf32, #tpu.memory_space<hbm>>) target(%dma_start3A_323 : memref<128x64xf32, #tpu.memory_space<vmem>>) offsets(%dma_start3A_326 : memref<128xi32, #tpu.memory_space<vmem>>) semaphore(%run_scoped3A_319 : memref<!tpu.dma_semaphore, #tpu.memory_space<semaphore_mem>>)
        %dma_wait3A_330 = arith.constant 0 : i32
        %dma_wait3A_331 = arith.constant 0 : i32
        %dma_wait3A_332 = tpu.memref_slice %arg8[%run_scoped3A_316, %dma_wait3A_330, %dma_wait3A_331] : memref<6x128x64xf32, #tpu.memory_space<vmem>> -> memref<1x128x64xf32, #tpu.memory_space<vmem>>
        %dma_wait3A_333 = tpu.memref_squeeze %dma_wait3A_332 : memref<1x128x64xf32, #tpu.memory_space<vmem>> -> memref<128x64xf32, #tpu.memory_space<vmem>>
        %dma_wait3A_334 = arith.constant 0 : i32
        %dma_wait3A_335 = tpu.memref_slice %arg6[%run_scoped3A, %dma_wait3A_334] : memref<79x128xi32, #tpu.memory_space<vmem>> -> memref<1x128xi32, #tpu.memory_space<vmem>>
        %dma_wait3A_336 = tpu.memref_squeeze %dma_wait3A_335 : memref<1x128xi32, #tpu.memory_space<vmem>> -> memref<128xi32, #tpu.memory_space<vmem>>
        %dma_wait3A_337 = arith.constant 0 : i32
        %dma_wait3A_338 = arith.constant 0 : i32
        %dma_wait3A_339 = tpu.memref_slice %arg2[%dma_wait3A_337, %dma_wait3A_338] : memref<10240x64xf32, #tpu.memory_space<hbm>> -> memref<10240x64xf32, #tpu.memory_space<hbm>>
        tpu.wait_indirect_dma semaphore(%run_scoped3A_319 : memref<!tpu.dma_semaphore, #tpu.memory_space<semaphore_mem>>) src(%dma_wait3A_339 : memref<10240x64xf32, #tpu.memory_space<hbm>>) dst(%dma_wait3A_333 : memref<128x64xf32, #tpu.memory_space<vmem>>)
        tpu.yield
      }) : () -> ()
      %run_scoped3A_317 = arith.constant 0 : i32
      %run_scoped3A_318 = arith.constant 78 : i32
      "tpu.region"() ({
        %run_scoped3A_319 = tpu.sem_alloc : memref<!tpu.dma_semaphore, #tpu.memory_space<semaphore_mem>>
        %dma_start3A_320 = arith.constant 0 : i32
        %dma_start3A_321 = arith.constant 0 : i32
        %dma_start3A_322 = tpu.memref_slice %arg8[%run_scoped3A_317, %dma_start3A_320, %dma_start3A_321] : memref<6x128x64xf32, #tpu.memory_space<vmem>> -> memref<1x128x64xf32, #tpu.memory_space<vmem>>
        %dma_start3A_323 = tpu.memref_squeeze %dma_start3A_322 : memref<1x128x64xf32, #tpu.memory_space<vmem>> -> memref<128x64xf32, #tpu.memory_space<vmem>>
        %dma_start3A_324 = arith.constant 0 : i32
        %dma_start3A_325 = tpu.memref_slice %arg7[%run_scoped3A_318, %dma_start3A_324] : memref<79x128xi32, #tpu.memory_space<vmem>> -> memref<1x128xi32, #tpu.memory_space<vmem>>
        %dma_start3A_326 = tpu.memref_squeeze %dma_start3A_325 : memref<1x128xi32, #tpu.memory_space<vmem>> -> memref<128xi32, #tpu.memory_space<vmem>>
        %dma_start3A_327 = arith.constant 0 : i32
        %dma_start3A_328 = arith.constant 0 : i32
        %dma_start3A_329 = tpu.memref_slice %arg9[%dma_start3A_327, %dma_start3A_328] : memref<10240x64xf32, #tpu.memory_space<vmem_shared>> -> memref<10240x64xf32, #tpu.memory_space<vmem_shared>>
        tpu.enqueue_indirect_dma source(%dma_start3A_323 : memref<128x64xf32, #tpu.memory_space<vmem>>) target(%dma_start3A_329 : memref<10240x64xf32, #tpu.memory_space<vmem_shared>>) offsets(%dma_start3A_326 : memref<128xi32, #tpu.memory_space<vmem>>) semaphore(%run_scoped3A_319 : memref<!tpu.dma_semaphore, #tpu.memory_space<semaphore_mem>>) {add = true}
        %dma_wait3A_330 = arith.constant 0 : i32
        %dma_wait3A_331 = arith.constant 0 : i32
        %dma_wait3A_332 = tpu.memref_slice %arg8[%run_scoped3A_317, %dma_wait3A_330, %dma_wait3A_331] : memref<6x128x64xf32, #tpu.memory_space<vmem>> -> memref<1x128x64xf32, #tpu.memory_space<vmem>>
        %dma_wait3A_333 = tpu.memref_squeeze %dma_wait3A_332 : memref<1x128x64xf32, #tpu.memory_space<vmem>> -> memref<128x64xf32, #tpu.memory_space<vmem>>
        %dma_wait3A_334 = arith.constant 0 : i32
        %dma_wait3A_335 = tpu.memref_slice %arg7[%run_scoped3A_318, %dma_wait3A_334] : memref<79x128xi32, #tpu.memory_space<vmem>> -> memref<1x128xi32, #tpu.memory_space<vmem>>
        %dma_wait3A_336 = tpu.memref_squeeze %dma_wait3A_335 : memref<1x128xi32, #tpu.memory_space<vmem>> -> memref<128xi32, #tpu.memory_space<vmem>>
        %dma_wait3A_337 = arith.constant 0 : i32
        %dma_wait3A_338 = arith.constant 0 : i32
        %dma_wait3A_339 = tpu.memref_slice %arg9[%dma_wait3A_337, %dma_wait3A_338] : memref<10240x64xf32, #tpu.memory_space<vmem_shared>> -> memref<10240x64xf32, #tpu.memory_space<vmem_shared>>
        tpu.wait_indirect_dma semaphore(%run_scoped3A_319 : memref<!tpu.dma_semaphore, #tpu.memory_space<semaphore_mem>>) src(%dma_wait3A_333 : memref<128x64xf32, #tpu.memory_space<vmem>>) dst(%dma_wait3A_339 : memref<10240x64xf32, #tpu.memory_space<vmem_shared>>)
        tpu.yield
      }) : () -> ()
    } else {
    }
    %barrier3A_310 = arith.constant 0 : index
    tpu.barrier barrier_id(%barrier3A_310)
    %scan3A_311 = arith.constant 0 : i32
    %scan3A_312 = arith.constant 5 : i32
    %scan3A_313 = arith.addi %scan3A_311, %scan3A_312 : i32
    %scan3A_314 = arith.constant 1 : i32
    scf.for %scan3A_316 = %scan3A_311 to %scan3A_313 step %scan3A_314  : i32 {
      %mul3A_317 = arith.constant 128 : i32
      %mul3A_318 = arith.muli %scan3A_316, %mul3A_317 : i32
      %add3A_319 = arith.constant 0 : i32
      %add3A_320 = arith.addi %add3A_319, %mul3A_318 : i32
      %mul3A_321 = arith.constant 640 : i32
      %mul3A_322 = arith.muli %arg1, %mul3A_321 : i32
      %add3A_323 = arith.addi %mul3A_322, %add3A_320 : i32
      %run_scoped3A = arith.constant 0 : i32
      "tpu.region"() ({
        %run_scoped3A_328 = tpu.sem_alloc : memref<!tpu.dma_semaphore, #tpu.memory_space<semaphore_mem>>
        %dma_start3A_329 = arith.constant 0 : i32
        %dma_start3A_330 = arith.constant 0 : i32
        %dma_start3A_331 = tpu.memref_slice %arg8[%run_scoped3A, %dma_start3A_329, %dma_start3A_330] : memref<6x128x64xf32, #tpu.memory_space<vmem>> -> memref<1x128x64xf32, #tpu.memory_space<vmem>>
        %dma_start3A_332 = tpu.memref_squeeze %dma_start3A_331 : memref<1x128x64xf32, #tpu.memory_space<vmem>> -> memref<128x64xf32, #tpu.memory_space<vmem>>
        %dma_start3A_333 = arith.constant 0 : i32
        %dma_start3A_334 = tpu.memref_slice %arg9[%add3A_323, %dma_start3A_333] : memref<10240x64xf32, #tpu.memory_space<vmem_shared>> -> memref<128x64xf32, #tpu.memory_space<vmem_shared>>
        %dma_start3A_335 = arith.constant 0 : i32
        %dma_start3A_336 = arith.constant 0 : i32
        %dma_start3A_337 = tpu.memref_slice %arg8[%run_scoped3A, %dma_start3A_335, %dma_start3A_336] : memref<6x128x64xf32, #tpu.memory_space<vmem>> -> memref<1x128x64xf32, #tpu.memory_space<vmem>>
        %dma_start3A_338 = tpu.memref_squeeze %dma_start3A_337 : memref<1x128x64xf32, #tpu.memory_space<vmem>> -> memref<128x64xf32, #tpu.memory_space<vmem>>
        %dma_start3A_339 = arith.constant 0 : i32
        %dma_start3A_340 = tpu.memref_slice %arg9[%add3A_323, %dma_start3A_339] : memref<10240x64xf32, #tpu.memory_space<vmem_shared>> -> memref<128x64xf32, #tpu.memory_space<vmem_shared>>
        tpu.enqueue_dma source(%dma_start3A_340 : memref<128x64xf32, #tpu.memory_space<vmem_shared>>) target(%dma_start3A_338 : memref<128x64xf32, #tpu.memory_space<vmem>>) target_semaphore(%run_scoped3A_328 : memref<!tpu.dma_semaphore, #tpu.memory_space<semaphore_mem>>)
        %dma_wait3A_341 = arith.constant 0 : i32
        %dma_wait3A_342 = arith.constant 0 : i32
        %dma_wait3A_343 = tpu.memref_slice %arg8[%run_scoped3A, %dma_wait3A_341, %dma_wait3A_342] : memref<6x128x64xf32, #tpu.memory_space<vmem>> -> memref<1x128x64xf32, #tpu.memory_space<vmem>>
        %dma_wait3A_344 = tpu.memref_squeeze %dma_wait3A_343 : memref<1x128x64xf32, #tpu.memory_space<vmem>> -> memref<128x64xf32, #tpu.memory_space<vmem>>
        %dma_wait3A_345 = arith.constant 0 : i32
        %dma_wait3A_346 = tpu.memref_slice %arg9[%add3A_323, %dma_wait3A_345] : memref<10240x64xf32, #tpu.memory_space<vmem_shared>> -> memref<128x64xf32, #tpu.memory_space<vmem_shared>>
        %dma_wait3A_347 = arith.constant 0 : i32
        %dma_wait3A_348 = arith.constant 0 : i32
        %dma_wait3A_349 = tpu.memref_slice %arg8[%run_scoped3A, %dma_wait3A_347, %dma_wait3A_348] : memref<6x128x64xf32, #tpu.memory_space<vmem>> -> memref<1x128x64xf32, #tpu.memory_space<vmem>>
        %dma_wait3A_350 = tpu.memref_squeeze %dma_wait3A_349 : memref<1x128x64xf32, #tpu.memory_space<vmem>> -> memref<128x64xf32, #tpu.memory_space<vmem>>
        %dma_wait3A_351 = arith.constant 0 : i32
        %dma_wait3A_352 = tpu.memref_slice %arg9[%add3A_323, %dma_wait3A_351] : memref<10240x64xf32, #tpu.memory_space<vmem_shared>> -> memref<128x64xf32, #tpu.memory_space<vmem_shared>>
        tpu.wait_dma2 semaphore(%run_scoped3A_328 : memref<!tpu.dma_semaphore, #tpu.memory_space<semaphore_mem>>) src(%dma_wait3A_352 : memref<128x64xf32, #tpu.memory_space<vmem_shared>>) dst(%dma_wait3A_350 : memref<128x64xf32, #tpu.memory_space<vmem>>)
        tpu.yield
      }) : () -> ()
      %mul3A_324 = arith.constant 640 : i32
      %mul3A_325 = arith.muli %arg1, %mul3A_324 : i32
      %add3A_326 = arith.addi %mul3A_325, %add3A_320 : i32
      %run_scoped3A_327 = arith.constant 0 : i32
      "tpu.region"() ({
        %run_scoped3A_328 = tpu.sem_alloc : memref<!tpu.dma_semaphore, #tpu.memory_space<semaphore_mem>>
        %dma_start3A_329 = arith.constant 0 : i32
        %dma_start3A_330 = arith.constant 0 : i32
        %dma_start3A_331 = tpu.memref_slice %arg8[%run_scoped3A_327, %dma_start3A_329, %dma_start3A_330] : memref<6x128x64xf32, #tpu.memory_space<vmem>> -> memref<1x128x64xf32, #tpu.memory_space<vmem>>
        %dma_start3A_332 = tpu.memref_squeeze %dma_start3A_331 : memref<1x128x64xf32, #tpu.memory_space<vmem>> -> memref<128x64xf32, #tpu.memory_space<vmem>>
        %dma_start3A_333 = arith.constant 0 : i32
        %dma_start3A_334 = tpu.memref_slice %arg5[%arg0, %add3A_326, %dma_start3A_333] : memref<2x10240x64xf32, #tpu.memory_space<hbm>> -> memref<1x128x64xf32, #tpu.memory_space<hbm>>
        %dma_start3A_335 = tpu.memref_squeeze %dma_start3A_334 : memref<1x128x64xf32, #tpu.memory_space<hbm>> -> memref<128x64xf32, #tpu.memory_space<hbm>>
        %dma_start3A_336 = arith.constant 0 : i32
        %dma_start3A_337 = tpu.memref_slice %arg5[%arg0, %add3A_326, %dma_start3A_336] : memref<2x10240x64xf32, #tpu.memory_space<hbm>> -> memref<1x128x64xf32, #tpu.memory_space<hbm>>
        %dma_start3A_338 = tpu.memref_squeeze %dma_start3A_337 : memref<1x128x64xf32, #tpu.memory_space<hbm>> -> memref<128x64xf32, #tpu.memory_space<hbm>>
        %dma_start3A_339 = arith.constant 0 : i32
        %dma_start3A_340 = arith.constant 0 : i32
        %dma_start3A_341 = tpu.memref_slice %arg8[%run_scoped3A_327, %dma_start3A_339, %dma_start3A_340] : memref<6x128x64xf32, #tpu.memory_space<vmem>> -> memref<1x128x64xf32, #tpu.memory_space<vmem>>
        %dma_start3A_342 = tpu.memref_squeeze %dma_start3A_341 : memref<1x128x64xf32, #tpu.memory_space<vmem>> -> memref<128x64xf32, #tpu.memory_space<vmem>>
        tpu.enqueue_dma source(%dma_start3A_342 : memref<128x64xf32, #tpu.memory_space<vmem>>) target(%dma_start3A_338 : memref<128x64xf32, #tpu.memory_space<hbm>>) target_semaphore(%run_scoped3A_328 : memref<!tpu.dma_semaphore, #tpu.memory_space<semaphore_mem>>)
        %dma_wait3A_343 = arith.constant 0 : i32
        %dma_wait3A_344 = arith.constant 0 : i32
        %dma_wait3A_345 = tpu.memref_slice %arg8[%run_scoped3A_327, %dma_wait3A_343, %dma_wait3A_344] : memref<6x128x64xf32, #tpu.memory_space<vmem>> -> memref<1x128x64xf32, #tpu.memory_space<vmem>>
        %dma_wait3A_346 = tpu.memref_squeeze %dma_wait3A_345 : memref<1x128x64xf32, #tpu.memory_space<vmem>> -> memref<128x64xf32, #tpu.memory_space<vmem>>
        %dma_wait3A_347 = arith.constant 0 : i32
        %dma_wait3A_348 = tpu.memref_slice %arg5[%arg0, %add3A_326, %dma_wait3A_347] : memref<2x10240x64xf32, #tpu.memory_space<hbm>> -> memref<1x128x64xf32, #tpu.memory_space<hbm>>
        %dma_wait3A_349 = tpu.memref_squeeze %dma_wait3A_348 : memref<1x128x64xf32, #tpu.memory_space<hbm>> -> memref<128x64xf32, #tpu.memory_space<hbm>>
        %dma_wait3A_350 = arith.constant 0 : i32
        %dma_wait3A_351 = tpu.memref_slice %arg5[%arg0, %add3A_326, %dma_wait3A_350] : memref<2x10240x64xf32, #tpu.memory_space<hbm>> -> memref<1x128x64xf32, #tpu.memory_space<hbm>>
        %dma_wait3A_352 = tpu.memref_squeeze %dma_wait3A_351 : memref<1x128x64xf32, #tpu.memory_space<hbm>> -> memref<128x64xf32, #tpu.memory_space<hbm>>
        %dma_wait3A_353 = arith.constant 0 : i32
        %dma_wait3A_354 = arith.constant 0 : i32
        %dma_wait3A_355 = tpu.memref_slice %arg8[%run_scoped3A_327, %dma_wait3A_353, %dma_wait3A_354] : memref<6x128x64xf32, #tpu.memory_space<vmem>> -> memref<1x128x64xf32, #tpu.memory_space<vmem>>
        %dma_wait3A_356 = tpu.memref_squeeze %dma_wait3A_355 : memref<1x128x64xf32, #tpu.memory_space<vmem>> -> memref<128x64xf32, #tpu.memory_space<vmem>>
        tpu.wait_dma2 semaphore(%run_scoped3A_328 : memref<!tpu.dma_semaphore, #tpu.memory_space<semaphore_mem>>) src(%dma_wait3A_356 : memref<128x64xf32, #tpu.memory_space<vmem>>) dst(%dma_wait3A_352 : memref<128x64xf32, #tpu.memory_space<hbm>>)
        tpu.yield
      }) : () -> ()
    }
    %scan3A_315 = arith.constant 5 : i32
    return
  }
}

#map = affine_map<(d0, d1) -> (0, 0)>
#map1 = affine_map<(d0, d1) -> (0, 0, 0)>
module attributes {stable_mosaic.version = 14 : i64} {
  func.func @_sc_aggregate(%arg0: i32, %arg1: i32, %arg2: memref<10240x64xf32, #tpu.memory_space<hbm>>, %arg3: memref<2500x128xi32, #tpu.memory_space<hbm>>, %arg4: memref<2500x128xi32, #tpu.memory_space<hbm>>, %arg5: memref<2x10240x64xf32, #tpu.memory_space<hbm>>, %arg6: memref<79x128xi32, #tpu.memory_space<vmem>>, %arg7: memref<79x128xi32, #tpu.memory_space<vmem>>, %arg8: memref<6x128x64xf32, #tpu.memory_space<vmem>>, %arg9: memref<10240x64xf32, #tpu.memory_space<vmem_shared>>, %arg10: memref<!tpu.dma_semaphore, #tpu.memory_space<semaphore_mem>>, %arg11: memref<!tpu.dma_semaphore, #tpu.memory_space<semaphore_mem>>, %arg12: memref<!tpu.dma_semaphore, #tpu.memory_space<semaphore_mem>>, %arg13: memref<!tpu.dma_semaphore, #tpu.memory_space<semaphore_mem>>, %arg14: memref<!tpu.dma_semaphore, #tpu.memory_space<semaphore_mem>>, %arg15: memref<!tpu.dma_semaphore, #tpu.memory_space<semaphore_mem>>, %arg16: memref<!tpu.dma_semaphore, #tpu.memory_space<semaphore_mem>>, %arg17: memref<!tpu.dma_semaphore, #tpu.memory_space<semaphore_mem>>, %arg18: memref<!tpu.dma_semaphore, #tpu.memory_space<semaphore_mem>>, %arg19: memref<!tpu.dma_semaphore, #tpu.memory_space<semaphore_mem>>, %arg20: memref<!tpu.dma_semaphore, #tpu.memory_space<semaphore_mem>>, %arg21: memref<!tpu.dma_semaphore, #tpu.memory_space<semaphore_mem>>, %arg22: memref<!tpu.dma_semaphore, #tpu.memory_space<semaphore_mem>>) attributes {dimension_semantics = [#tpu.dimension_semantics<core_parallel>, #tpu.dimension_semantics<subcore_parallel>], iteration_bounds = array<i64: 2, 16>, scalar_prefetch = 0 : i64, scratch_operands = 17 : i64, tpu.core_type = #tpu.core_type<sc_vector_subcore>, window_params = [{transform_indices = #map}, {transform_indices = #map}, {transform_indices = #map}, {transform_indices = #map1}]} {
    %mul3A = arith.constant 16 : i32
    %mul3A_0 = arith.muli %arg0, %mul3A : i32
    %add3A = arith.addi %mul3A_0, %arg1 : i32
    %lt3A = arith.constant 4 : i32
    %lt3A_1 = arith.cmpi slt, %add3A, %lt3A : i32
    %scan3A = arith.constant 0 : i32
    %scan3A_2 = arith.constant 128 : i32
    %scan3A_3 = arith.addi %scan3A, %scan3A_2 : i32
    %scan3A_4 = arith.constant 1 : i32
    scf.for %scan3A_316 = %scan3A to %scan3A_3 step %scan3A_4  : i32 {
      %mul3A_317 = arith.constant 1 : i32
      %mul3A_318 = arith.muli %scan3A_316, %mul3A_317 : i32
      %add3A_319 = arith.constant 0 : i32
      %add3A_320 = arith.addi %add3A_319, %mul3A_318 : i32
      %scan3A_321 = arith.constant 0 : i32
      %scan3A_322 = arith.constant 4 : i32
      %scan3A_323 = arith.addi %scan3A_321, %scan3A_322 : i32
      %scan3A_324 = arith.constant 1 : i32
      scf.for %scan3A_326 = %scan3A_321 to %scan3A_323 step %scan3A_324  : i32 {
        %mul3A_327 = arith.constant 16 : i32
        %mul3A_328 = arith.muli %scan3A_326, %mul3A_327 : i32
        %add3A_329 = arith.constant 0 : i32
        %add3A_330 = arith.addi %add3A_329, %mul3A_328 : i32
        %broadcast_in_dim3A = arith.constant 0.000000e+00 : f32
        %broadcast_in_dim3A_331 = vector.broadcast %broadcast_in_dim3A : f32 to vector<16xf32>
        %swap3A = arith.constant 0 : i32
        %swap3A_332 = arith.index_cast %swap3A : i32 to index
        %swap3A_333 = arith.index_cast %add3A_320 : i32 to index
        %swap3A_334 = arith.index_cast %add3A_330 : i32 to index
        %swap3A_335 = tpu.vector_load %arg8[%swap3A_332, %swap3A_333, %swap3A_334] {strides = array<i32>} : memref<6x128x64xf32, #tpu.memory_space<vmem>>, vector<1x1x16xf32>,
        %swap3A_336 = vector.shape_cast %swap3A_335 : vector<1x1x16xf32> to vector<16xf32>
        %swap3A_337 = vector.shape_cast %broadcast_in_dim3A_331 : vector<16xf32> to vector<1x1x16xf32>
        tpu.vector_store %arg8[%swap3A_332, %swap3A_333, %swap3A_334], %swap3A_337 {strides = array<i32>} : memref<6x128x64xf32, #tpu.memory_space<vmem>>, vector<1x1x16xf32>,
      }
      %scan3A_325 = arith.constant 4 : i32
    }
    %scan3A_5 = arith.constant 128 : i32
    %scan3A_6 = arith.constant 0 : i32
    %scan3A_7 = arith.constant 5 : i32
    %scan3A_8 = arith.addi %scan3A_6, %scan3A_7 : i32
    %scan3A_9 = arith.constant 1 : i32
    scf.for %scan3A_316 = %scan3A_6 to %scan3A_8 step %scan3A_9  : i32 {
      %mul3A_317 = arith.constant 128 : i32
      %mul3A_318 = arith.muli %scan3A_316, %mul3A_317 : i32
      %add3A_319 = arith.constant 0 : i32
      %add3A_320 = arith.addi %add3A_319, %mul3A_318 : i32
      %mul3A_321 = arith.constant 640 : i32
      %mul3A_322 = arith.muli %arg1, %mul3A_321 : i32
      %add3A_323 = arith.addi %mul3A_322, %add3A_320 : i32
      %run_scoped3A = arith.constant 0 : i32
      "tpu.region"() ({
        %run_scoped3A_324 = tpu.sem_alloc : memref<!tpu.dma_semaphore, #tpu.memory_space<semaphore_mem>>
        %dma_start3A_325 = arith.constant 0 : i32
        %dma_start3A_326 = arith.constant 0 : i32
        %dma_start3A_327 = tpu.memref_slice %arg8[%run_scoped3A, %dma_start3A_325, %dma_start3A_326] : memref<6x128x64xf32, #tpu.memory_space<vmem>> -> memref<1x128x64xf32, #tpu.memory_space<vmem>>
        %dma_start3A_328 = tpu.memref_squeeze %dma_start3A_327 : memref<1x128x64xf32, #tpu.memory_space<vmem>> -> memref<128x64xf32, #tpu.memory_space<vmem>>
        %dma_start3A_329 = arith.constant 0 : i32
        %dma_start3A_330 = tpu.memref_slice %arg9[%add3A_323, %dma_start3A_329] : memref<10240x64xf32, #tpu.memory_space<vmem_shared>> -> memref<128x64xf32, #tpu.memory_space<vmem_shared>>
        %dma_start3A_331 = arith.constant 0 : i32
        %dma_start3A_332 = tpu.memref_slice %arg9[%add3A_323, %dma_start3A_331] : memref<10240x64xf32, #tpu.memory_space<vmem_shared>> -> memref<128x64xf32, #tpu.memory_space<vmem_shared>>
        %dma_start3A_333 = arith.constant 0 : i32
        %dma_start3A_334 = arith.constant 0 : i32
        %dma_start3A_335 = tpu.memref_slice %arg8[%run_scoped3A, %dma_start3A_333, %dma_start3A_334] : memref<6x128x64xf32, #tpu.memory_space<vmem>> -> memref<1x128x64xf32, #tpu.memory_space<vmem>>
        %dma_start3A_336 = tpu.memref_squeeze %dma_start3A_335 : memref<1x128x64xf32, #tpu.memory_space<vmem>> -> memref<128x64xf32, #tpu.memory_space<vmem>>
        tpu.enqueue_dma source(%dma_start3A_336 : memref<128x64xf32, #tpu.memory_space<vmem>>) target(%dma_start3A_332 : memref<128x64xf32, #tpu.memory_space<vmem_shared>>) target_semaphore(%run_scoped3A_324 : memref<!tpu.dma_semaphore, #tpu.memory_space<semaphore_mem>>)
        %dma_wait3A_337 = arith.constant 0 : i32
        %dma_wait3A_338 = arith.constant 0 : i32
        %dma_wait3A_339 = tpu.memref_slice %arg8[%run_scoped3A, %dma_wait3A_337, %dma_wait3A_338] : memref<6x128x64xf32, #tpu.memory_space<vmem>> -> memref<1x128x64xf32, #tpu.memory_space<vmem>>
        %dma_wait3A_340 = tpu.memref_squeeze %dma_wait3A_339 : memref<1x128x64xf32, #tpu.memory_space<vmem>> -> memref<128x64xf32, #tpu.memory_space<vmem>>
        %dma_wait3A_341 = arith.constant 0 : i32
        %dma_wait3A_342 = tpu.memref_slice %arg9[%add3A_323, %dma_wait3A_341] : memref<10240x64xf32, #tpu.memory_space<vmem_shared>> -> memref<128x64xf32, #tpu.memory_space<vmem_shared>>
        %dma_wait3A_343 = arith.constant 0 : i32
        %dma_wait3A_344 = tpu.memref_slice %arg9[%add3A_323, %dma_wait3A_343] : memref<10240x64xf32, #tpu.memory_space<vmem_shared>> -> memref<128x64xf32, #tpu.memory_space<vmem_shared>>
        %dma_wait3A_345 = arith.constant 0 : i32
        %dma_wait3A_346 = arith.constant 0 : i32
        %dma_wait3A_347 = tpu.memref_slice %arg8[%run_scoped3A, %dma_wait3A_345, %dma_wait3A_346] : memref<6x128x64xf32, #tpu.memory_space<vmem>> -> memref<1x128x64xf32, #tpu.memory_space<vmem>>
        %dma_wait3A_348 = tpu.memref_squeeze %dma_wait3A_347 : memref<1x128x64xf32, #tpu.memory_space<vmem>> -> memref<128x64xf32, #tpu.memory_space<vmem>>
        tpu.wait_dma2 semaphore(%run_scoped3A_324 : memref<!tpu.dma_semaphore, #tpu.memory_space<semaphore_mem>>) src(%dma_wait3A_348 : memref<128x64xf32, #tpu.memory_space<vmem>>) dst(%dma_wait3A_344 : memref<128x64xf32, #tpu.memory_space<vmem_shared>>)
        tpu.yield
      }) : () -> ()
    }
    %scan3A_10 = arith.constant 5 : i32
    %mul3A_11 = arith.constant 78 : i32
    %mul3A_12 = arith.muli %add3A, %mul3A_11 : i32
    "tpu.region"() ({
      %run_scoped3A = tpu.sem_alloc : memref<!tpu.dma_semaphore, #tpu.memory_space<semaphore_mem>>
      %dma_start3A_316 = arith.constant 0 : i32
      %dma_start3A_317 = arith.constant 0 : i32
      %dma_start3A_318 = tpu.memref_slice %arg6[%dma_start3A_316, %dma_start3A_317] : memref<79x128xi32, #tpu.memory_space<vmem>> -> memref<78x128xi32, #tpu.memory_space<vmem>>
      %dma_start3A_319 = arith.constant 0 : i32
      %dma_start3A_320 = tpu.memref_slice %arg3[%mul3A_12, %dma_start3A_319] : memref<2500x128xi32, #tpu.memory_space<hbm>> -> memref<78x128xi32, #tpu.memory_space<hbm>>
      %dma_start3A_321 = arith.constant 0 : i32
      %dma_start3A_322 = arith.constant 0 : i32
      %dma_start3A_323 = tpu.memref_slice %arg6[%dma_start3A_321, %dma_start3A_322] : memref<79x128xi32, #tpu.memory_space<vmem>> -> memref<78x128xi32, #tpu.memory_space<vmem>>
      %dma_start3A_324 = arith.constant 0 : i32
      %dma_start3A_325 = tpu.memref_slice %arg3[%mul3A_12, %dma_start3A_324] : memref<2500x128xi32, #tpu.memory_space<hbm>> -> memref<78x128xi32, #tpu.memory_space<hbm>>
      tpu.enqueue_dma source(%dma_start3A_325 : memref<78x128xi32, #tpu.memory_space<hbm>>) target(%dma_start3A_323 : memref<78x128xi32, #tpu.memory_space<vmem>>) target_semaphore(%run_scoped3A : memref<!tpu.dma_semaphore, #tpu.memory_space<semaphore_mem>>)
      %dma_wait3A_326 = arith.constant 0 : i32
      %dma_wait3A_327 = arith.constant 0 : i32
      %dma_wait3A_328 = tpu.memref_slice %arg6[%dma_wait3A_326, %dma_wait3A_327] : memref<79x128xi32, #tpu.memory_space<vmem>> -> memref<78x128xi32, #tpu.memory_space<vmem>>
      %dma_wait3A_329 = arith.constant 0 : i32
      %dma_wait3A_330 = tpu.memref_slice %arg3[%mul3A_12, %dma_wait3A_329] : memref<2500x128xi32, #tpu.memory_space<hbm>> -> memref<78x128xi32, #tpu.memory_space<hbm>>
      %dma_wait3A_331 = arith.constant 0 : i32
      %dma_wait3A_332 = arith.constant 0 : i32
      %dma_wait3A_333 = tpu.memref_slice %arg6[%dma_wait3A_331, %dma_wait3A_332] : memref<79x128xi32, #tpu.memory_space<vmem>> -> memref<78x128xi32, #tpu.memory_space<vmem>>
      %dma_wait3A_334 = arith.constant 0 : i32
      %dma_wait3A_335 = tpu.memref_slice %arg3[%mul3A_12, %dma_wait3A_334] : memref<2500x128xi32, #tpu.memory_space<hbm>> -> memref<78x128xi32, #tpu.memory_space<hbm>>
      tpu.wait_dma2 semaphore(%run_scoped3A : memref<!tpu.dma_semaphore, #tpu.memory_space<semaphore_mem>>) src(%dma_wait3A_335 : memref<78x128xi32, #tpu.memory_space<hbm>>) dst(%dma_wait3A_333 : memref<78x128xi32, #tpu.memory_space<vmem>>)
      tpu.yield
    }) : () -> ()
    %mul3A_13 = arith.constant 78 : i32
    %mul3A_14 = arith.muli %add3A, %mul3A_13 : i32
    "tpu.region"() ({
      %run_scoped3A = tpu.sem_alloc : memref<!tpu.dma_semaphore, #tpu.memory_space<semaphore_mem>>
      %dma_start3A_316 = arith.constant 0 : i32
      %dma_start3A_317 = arith.constant 0 : i32
      %dma_start3A_318 = tpu.memref_slice %arg7[%dma_start3A_316, %dma_start3A_317] : memref<79x128xi32, #tpu.memory_space<vmem>> -> memref<78x128xi32, #tpu.memory_space<vmem>>
      %dma_start3A_319 = arith.constant 0 : i32
      %dma_start3A_320 = tpu.memref_slice %arg4[%mul3A_14, %dma_start3A_319] : memref<2500x128xi32, #tpu.memory_space<hbm>> -> memref<78x128xi32, #tpu.memory_space<hbm>>
      %dma_start3A_321 = arith.constant 0 : i32
      %dma_start3A_322 = arith.constant 0 : i32
      %dma_start3A_323 = tpu.memref_slice %arg7[%dma_start3A_321, %dma_start3A_322] : memref<79x128xi32, #tpu.memory_space<vmem>> -> memref<78x128xi32, #tpu.memory_space<vmem>>
      %dma_start3A_324 = arith.constant 0 : i32
      %dma_start3A_325 = tpu.memref_slice %arg4[%mul3A_14, %dma_start3A_324] : memref<2500x128xi32, #tpu.memory_space<hbm>> -> memref<78x128xi32, #tpu.memory_space<hbm>>
      tpu.enqueue_dma source(%dma_start3A_325 : memref<78x128xi32, #tpu.memory_space<hbm>>) target(%dma_start3A_323 : memref<78x128xi32, #tpu.memory_space<vmem>>) target_semaphore(%run_scoped3A : memref<!tpu.dma_semaphore, #tpu.memory_space<semaphore_mem>>)
      %dma_wait3A_326 = arith.constant 0 : i32
      %dma_wait3A_327 = arith.constant 0 : i32
      %dma_wait3A_328 = tpu.memref_slice %arg7[%dma_wait3A_326, %dma_wait3A_327] : memref<79x128xi32, #tpu.memory_space<vmem>> -> memref<78x128xi32, #tpu.memory_space<vmem>>
      %dma_wait3A_329 = arith.constant 0 : i32
      %dma_wait3A_330 = tpu.memref_slice %arg4[%mul3A_14, %dma_wait3A_329] : memref<2500x128xi32, #tpu.memory_space<hbm>> -> memref<78x128xi32, #tpu.memory_space<hbm>>
      %dma_wait3A_331 = arith.constant 0 : i32
      %dma_wait3A_332 = arith.constant 0 : i32
      %dma_wait3A_333 = tpu.memref_slice %arg7[%dma_wait3A_331, %dma_wait3A_332] : memref<79x128xi32, #tpu.memory_space<vmem>> -> memref<78x128xi32, #tpu.memory_space<vmem>>
      %dma_wait3A_334 = arith.constant 0 : i32
      %dma_wait3A_335 = tpu.memref_slice %arg4[%mul3A_14, %dma_wait3A_334] : memref<2500x128xi32, #tpu.memory_space<hbm>> -> memref<78x128xi32, #tpu.memory_space<hbm>>
      tpu.wait_dma2 semaphore(%run_scoped3A : memref<!tpu.dma_semaphore, #tpu.memory_space<semaphore_mem>>) src(%dma_wait3A_335 : memref<78x128xi32, #tpu.memory_space<hbm>>) dst(%dma_wait3A_333 : memref<78x128xi32, #tpu.memory_space<vmem>>)
      tpu.yield
    }) : () -> ()
    %convert_element_type3A = arith.extui %lt3A_1 : i1 to i32
    %cond3A = arith.constant 0 : i32
    %cond3A_15 = arith.cmpi ne, %convert_element_type3A, %cond3A : i32
    scf.if %cond3A_15 {
      %add3A_316 = arith.constant 2496 : i32
      %add3A_317 = arith.addi %add3A_316, %add3A : i32
      "tpu.region"() ({
        %run_scoped3A = tpu.sem_alloc : memref<!tpu.dma_semaphore, #tpu.memory_space<semaphore_mem>>
        %dma_start3A_320 = arith.constant 78 : i32
        %dma_start3A_321 = arith.constant 0 : i32
        %dma_start3A_322 = tpu.memref_slice %arg6[%dma_start3A_320, %dma_start3A_321] : memref<79x128xi32, #tpu.memory_space<vmem>> -> memref<1x128xi32, #tpu.memory_space<vmem>>
        %dma_start3A_323 = arith.constant 0 : i32
        %dma_start3A_324 = tpu.memref_slice %arg3[%add3A_317, %dma_start3A_323] : memref<2500x128xi32, #tpu.memory_space<hbm>> -> memref<1x128xi32, #tpu.memory_space<hbm>>
        %dma_start3A_325 = arith.constant 78 : i32
        %dma_start3A_326 = arith.constant 0 : i32
        %dma_start3A_327 = tpu.memref_slice %arg6[%dma_start3A_325, %dma_start3A_326] : memref<79x128xi32, #tpu.memory_space<vmem>> -> memref<1x128xi32, #tpu.memory_space<vmem>>
        %dma_start3A_328 = arith.constant 0 : i32
        %dma_start3A_329 = tpu.memref_slice %arg3[%add3A_317, %dma_start3A_328] : memref<2500x128xi32, #tpu.memory_space<hbm>> -> memref<1x128xi32, #tpu.memory_space<hbm>>
        tpu.enqueue_dma source(%dma_start3A_329 : memref<1x128xi32, #tpu.memory_space<hbm>>) target(%dma_start3A_327 : memref<1x128xi32, #tpu.memory_space<vmem>>) target_semaphore(%run_scoped3A : memref<!tpu.dma_semaphore, #tpu.memory_space<semaphore_mem>>)
        %dma_wait3A_330 = arith.constant 78 : i32
        %dma_wait3A_331 = arith.constant 0 : i32
        %dma_wait3A_332 = tpu.memref_slice %arg6[%dma_wait3A_330, %dma_wait3A_331] : memref<79x128xi32, #tpu.memory_space<vmem>> -> memref<1x128xi32, #tpu.memory_space<vmem>>
        %dma_wait3A_333 = arith.constant 0 : i32
        %dma_wait3A_334 = tpu.memref_slice %arg3[%add3A_317, %dma_wait3A_333] : memref<2500x128xi32, #tpu.memory_space<hbm>> -> memref<1x128xi32, #tpu.memory_space<hbm>>
        %dma_wait3A_335 = arith.constant 78 : i32
        %dma_wait3A_336 = arith.constant 0 : i32
        %dma_wait3A_337 = tpu.memref_slice %arg6[%dma_wait3A_335, %dma_wait3A_336] : memref<79x128xi32, #tpu.memory_space<vmem>> -> memref<1x128xi32, #tpu.memory_space<vmem>>
        %dma_wait3A_338 = arith.constant 0 : i32
        %dma_wait3A_339 = tpu.memref_slice %arg3[%add3A_317, %dma_wait3A_338] : memref<2500x128xi32, #tpu.memory_space<hbm>> -> memref<1x128xi32, #tpu.memory_space<hbm>>
        tpu.wait_dma2 semaphore(%run_scoped3A : memref<!tpu.dma_semaphore, #tpu.memory_space<semaphore_mem>>) src(%dma_wait3A_339 : memref<1x128xi32, #tpu.memory_space<hbm>>) dst(%dma_wait3A_337 : memref<1x128xi32, #tpu.memory_space<vmem>>)
        tpu.yield
      }) : () -> ()
      %add3A_318 = arith.constant 2496 : i32
      %add3A_319 = arith.addi %add3A_318, %add3A : i32
      "tpu.region"() ({
        %run_scoped3A = tpu.sem_alloc : memref<!tpu.dma_semaphore, #tpu.memory_space<semaphore_mem>>
        %dma_start3A_320 = arith.constant 78 : i32
        %dma_start3A_321 = arith.constant 0 : i32
        %dma_start3A_322 = tpu.memref_slice %arg7[%dma_start3A_320, %dma_start3A_321] : memref<79x128xi32, #tpu.memory_space<vmem>> -> memref<1x128xi32, #tpu.memory_space<vmem>>
        %dma_start3A_323 = arith.constant 0 : i32
        %dma_start3A_324 = tpu.memref_slice %arg4[%add3A_319, %dma_start3A_323] : memref<2500x128xi32, #tpu.memory_space<hbm>> -> memref<1x128xi32, #tpu.memory_space<hbm>>
        %dma_start3A_325 = arith.constant 78 : i32
        %dma_start3A_326 = arith.constant 0 : i32
        %dma_start3A_327 = tpu.memref_slice %arg7[%dma_start3A_325, %dma_start3A_326] : memref<79x128xi32, #tpu.memory_space<vmem>> -> memref<1x128xi32, #tpu.memory_space<vmem>>
        %dma_start3A_328 = arith.constant 0 : i32
        %dma_start3A_329 = tpu.memref_slice %arg4[%add3A_319, %dma_start3A_328] : memref<2500x128xi32, #tpu.memory_space<hbm>> -> memref<1x128xi32, #tpu.memory_space<hbm>>
        tpu.enqueue_dma source(%dma_start3A_329 : memref<1x128xi32, #tpu.memory_space<hbm>>) target(%dma_start3A_327 : memref<1x128xi32, #tpu.memory_space<vmem>>) target_semaphore(%run_scoped3A : memref<!tpu.dma_semaphore, #tpu.memory_space<semaphore_mem>>)
        %dma_wait3A_330 = arith.constant 78 : i32
        %dma_wait3A_331 = arith.constant 0 : i32
        %dma_wait3A_332 = tpu.memref_slice %arg7[%dma_wait3A_330, %dma_wait3A_331] : memref<79x128xi32, #tpu.memory_space<vmem>> -> memref<1x128xi32, #tpu.memory_space<vmem>>
        %dma_wait3A_333 = arith.constant 0 : i32
        %dma_wait3A_334 = tpu.memref_slice %arg4[%add3A_319, %dma_wait3A_333] : memref<2500x128xi32, #tpu.memory_space<hbm>> -> memref<1x128xi32, #tpu.memory_space<hbm>>
        %dma_wait3A_335 = arith.constant 78 : i32
        %dma_wait3A_336 = arith.constant 0 : i32
        %dma_wait3A_337 = tpu.memref_slice %arg7[%dma_wait3A_335, %dma_wait3A_336] : memref<79x128xi32, #tpu.memory_space<vmem>> -> memref<1x128xi32, #tpu.memory_space<vmem>>
        %dma_wait3A_338 = arith.constant 0 : i32
        %dma_wait3A_339 = tpu.memref_slice %arg4[%add3A_319, %dma_wait3A_338] : memref<2500x128xi32, #tpu.memory_space<hbm>> -> memref<1x128xi32, #tpu.memory_space<hbm>>
        tpu.wait_dma2 semaphore(%run_scoped3A : memref<!tpu.dma_semaphore, #tpu.memory_space<semaphore_mem>>) src(%dma_wait3A_339 : memref<1x128xi32, #tpu.memory_space<hbm>>) dst(%dma_wait3A_337 : memref<1x128xi32, #tpu.memory_space<vmem>>)
        tpu.yield
      }) : () -> ()
    } else {
    }
    %barrier3A = arith.constant 0 : index
    tpu.barrier barrier_id(%barrier3A)
    %dma_start3A = arith.constant 0 : i32
    %dma_start3A_16 = arith.constant 0 : i32
    %dma_start3A_17 = arith.constant 0 : i32
    %dma_start3A_18 = arith.constant 0 : i32
    %dma_start3A_19 = tpu.memref_slice %arg8[%dma_start3A_16, %dma_start3A_17, %dma_start3A_18] : memref<6x128x64xf32, #tpu.memory_space<vmem>> -> memref<1x128x64xf32, #tpu.memory_space<vmem>>
    %dma_start3A_20 = tpu.memref_squeeze %dma_start3A_19 : memref<1x128x64xf32, #tpu.memory_space<vmem>> -> memref<128x64xf32, #tpu.memory_space<vmem>>
    %dma_start3A_21 = arith.constant 0 : i32
    %dma_start3A_22 = tpu.memref_slice %arg6[%dma_start3A, %dma_start3A_21] : memref<79x128xi32, #tpu.memory_space<vmem>> -> memref<1x128xi32, #tpu.memory_space<vmem>>
    %dma_start3A_23 = tpu.memref_squeeze %dma_start3A_22 : memref<1x128xi32, #tpu.memory_space<vmem>> -> memref<128xi32, #tpu.memory_space<vmem>>
    %dma_start3A_24 = arith.constant 0 : i32
    %dma_start3A_25 = arith.constant 0 : i32
    %dma_start3A_26 = tpu.memref_slice %arg2[%dma_start3A_24, %dma_start3A_25] : memref<10240x64xf32, #tpu.memory_space<hbm>> -> memref<10240x64xf32, #tpu.memory_space<hbm>>
    tpu.enqueue_indirect_dma source(%dma_start3A_26 : memref<10240x64xf32, #tpu.memory_space<hbm>>) target(%dma_start3A_20 : memref<128x64xf32, #tpu.memory_space<vmem>>) offsets(%dma_start3A_23 : memref<128xi32, #tpu.memory_space<vmem>>) semaphore(%arg11 : memref<!tpu.dma_semaphore, #tpu.memory_space<semaphore_mem>>)
    %dma_start3A_27 = arith.constant 1 : i32
    %dma_start3A_28 = arith.constant 1 : i32
    %dma_start3A_29 = arith.constant 0 : i32
    %dma_start3A_30 = arith.constant 0 : i32
    %dma_start3A_31 = tpu.memref_slice %arg8[%dma_start3A_28, %dma_start3A_29, %dma_start3A_30] : memref<6x128x64xf32, #tpu.memory_space<vmem>> -> memref<1x128x64xf32, #tpu.memory_space<vmem>>
    %dma_start3A_32 = tpu.memref_squeeze %dma_start3A_31 : memref<1x128x64xf32, #tpu.memory_space<vmem>> -> memref<128x64xf32, #tpu.memory_space<vmem>>
    %dma_start3A_33 = arith.constant 0 : i32
    %dma_start3A_34 = tpu.memref_slice %arg6[%dma_start3A_27, %dma_start3A_33] : memref<79x128xi32, #tpu.memory_space<vmem>> -> memref<1x128xi32, #tpu.memory_space<vmem>>
    %dma_start3A_35 = tpu.memref_squeeze %dma_start3A_34 : memref<1x128xi32, #tpu.memory_space<vmem>> -> memref<128xi32, #tpu.memory_space<vmem>>
    %dma_start3A_36 = arith.constant 0 : i32
    %dma_start3A_37 = arith.constant 0 : i32
    %dma_start3A_38 = tpu.memref_slice %arg2[%dma_start3A_36, %dma_start3A_37] : memref<10240x64xf32, #tpu.memory_space<hbm>> -> memref<10240x64xf32, #tpu.memory_space<hbm>>
    tpu.enqueue_indirect_dma source(%dma_start3A_38 : memref<10240x64xf32, #tpu.memory_space<hbm>>) target(%dma_start3A_32 : memref<128x64xf32, #tpu.memory_space<vmem>>) offsets(%dma_start3A_35 : memref<128xi32, #tpu.memory_space<vmem>>) semaphore(%arg12 : memref<!tpu.dma_semaphore, #tpu.memory_space<semaphore_mem>>)
    %dma_start3A_39 = arith.constant 2 : i32
    %dma_start3A_40 = arith.constant 2 : i32
    %dma_start3A_41 = arith.constant 0 : i32
    %dma_start3A_42 = arith.constant 0 : i32
    %dma_start3A_43 = tpu.memref_slice %arg8[%dma_start3A_40, %dma_start3A_41, %dma_start3A_42] : memref<6x128x64xf32, #tpu.memory_space<vmem>> -> memref<1x128x64xf32, #tpu.memory_space<vmem>>
    %dma_start3A_44 = tpu.memref_squeeze %dma_start3A_43 : memref<1x128x64xf32, #tpu.memory_space<vmem>> -> memref<128x64xf32, #tpu.memory_space<vmem>>
    %dma_start3A_45 = arith.constant 0 : i32
    %dma_start3A_46 = tpu.memref_slice %arg6[%dma_start3A_39, %dma_start3A_45] : memref<79x128xi32, #tpu.memory_space<vmem>> -> memref<1x128xi32, #tpu.memory_space<vmem>>
    %dma_start3A_47 = tpu.memref_squeeze %dma_start3A_46 : memref<1x128xi32, #tpu.memory_space<vmem>> -> memref<128xi32, #tpu.memory_space<vmem>>
    %dma_start3A_48 = arith.constant 0 : i32
    %dma_start3A_49 = arith.constant 0 : i32
    %dma_start3A_50 = tpu.memref_slice %arg2[%dma_start3A_48, %dma_start3A_49] : memref<10240x64xf32, #tpu.memory_space<hbm>> -> memref<10240x64xf32, #tpu.memory_space<hbm>>
    tpu.enqueue_indirect_dma source(%dma_start3A_50 : memref<10240x64xf32, #tpu.memory_space<hbm>>) target(%dma_start3A_44 : memref<128x64xf32, #tpu.memory_space<vmem>>) offsets(%dma_start3A_47 : memref<128xi32, #tpu.memory_space<vmem>>) semaphore(%arg13 : memref<!tpu.dma_semaphore, #tpu.memory_space<semaphore_mem>>)
    %dma_start3A_51 = arith.constant 3 : i32
    %dma_start3A_52 = arith.constant 3 : i32
    %dma_start3A_53 = arith.constant 0 : i32
    %dma_start3A_54 = arith.constant 0 : i32
    %dma_start3A_55 = tpu.memref_slice %arg8[%dma_start3A_52, %dma_start3A_53, %dma_start3A_54] : memref<6x128x64xf32, #tpu.memory_space<vmem>> -> memref<1x128x64xf32, #tpu.memory_space<vmem>>
    %dma_start3A_56 = tpu.memref_squeeze %dma_start3A_55 : memref<1x128x64xf32, #tpu.memory_space<vmem>> -> memref<128x64xf32, #tpu.memory_space<vmem>>
    %dma_start3A_57 = arith.constant 0 : i32
    %dma_start3A_58 = tpu.memref_slice %arg6[%dma_start3A_51, %dma_start3A_57] : memref<79x128xi32, #tpu.memory_space<vmem>> -> memref<1x128xi32, #tpu.memory_space<vmem>>
    %dma_start3A_59 = tpu.memref_squeeze %dma_start3A_58 : memref<1x128xi32, #tpu.memory_space<vmem>> -> memref<128xi32, #tpu.memory_space<vmem>>
    %dma_start3A_60 = arith.constant 0 : i32
    %dma_start3A_61 = arith.constant 0 : i32
    %dma_start3A_62 = tpu.memref_slice %arg2[%dma_start3A_60, %dma_start3A_61] : memref<10240x64xf32, #tpu.memory_space<hbm>> -> memref<10240x64xf32, #tpu.memory_space<hbm>>
    tpu.enqueue_indirect_dma source(%dma_start3A_62 : memref<10240x64xf32, #tpu.memory_space<hbm>>) target(%dma_start3A_56 : memref<128x64xf32, #tpu.memory_space<vmem>>) offsets(%dma_start3A_59 : memref<128xi32, #tpu.memory_space<vmem>>) semaphore(%arg14 : memref<!tpu.dma_semaphore, #tpu.memory_space<semaphore_mem>>)
    %dma_start3A_63 = arith.constant 4 : i32
    %dma_start3A_64 = arith.constant 4 : i32
    %dma_start3A_65 = arith.constant 0 : i32
    %dma_start3A_66 = arith.constant 0 : i32
    %dma_start3A_67 = tpu.memref_slice %arg8[%dma_start3A_64, %dma_start3A_65, %dma_start3A_66] : memref<6x128x64xf32, #tpu.memory_space<vmem>> -> memref<1x128x64xf32, #tpu.memory_space<vmem>>
    %dma_start3A_68 = tpu.memref_squeeze %dma_start3A_67 : memref<1x128x64xf32, #tpu.memory_space<vmem>> -> memref<128x64xf32, #tpu.memory_space<vmem>>
    %dma_start3A_69 = arith.constant 0 : i32
    %dma_start3A_70 = tpu.memref_slice %arg6[%dma_start3A_63, %dma_start3A_69] : memref<79x128xi32, #tpu.memory_space<vmem>> -> memref<1x128xi32, #tpu.memory_space<vmem>>
    %dma_start3A_71 = tpu.memref_squeeze %dma_start3A_70 : memref<1x128xi32, #tpu.memory_space<vmem>> -> memref<128xi32, #tpu.memory_space<vmem>>
    %dma_start3A_72 = arith.constant 0 : i32
    %dma_start3A_73 = arith.constant 0 : i32
    %dma_start3A_74 = tpu.memref_slice %arg2[%dma_start3A_72, %dma_start3A_73] : memref<10240x64xf32, #tpu.memory_space<hbm>> -> memref<10240x64xf32, #tpu.memory_space<hbm>>
    tpu.enqueue_indirect_dma source(%dma_start3A_74 : memref<10240x64xf32, #tpu.memory_space<hbm>>) target(%dma_start3A_68 : memref<128x64xf32, #tpu.memory_space<vmem>>) offsets(%dma_start3A_71 : memref<128xi32, #tpu.memory_space<vmem>>) semaphore(%arg15 : memref<!tpu.dma_semaphore, #tpu.memory_space<semaphore_mem>>)
    %dma_start3A_75 = arith.constant 5 : i32
    %dma_start3A_76 = arith.constant 5 : i32
    %dma_start3A_77 = arith.constant 0 : i32
    %dma_start3A_78 = arith.constant 0 : i32
    %dma_start3A_79 = tpu.memref_slice %arg8[%dma_start3A_76, %dma_start3A_77, %dma_start3A_78] : memref<6x128x64xf32, #tpu.memory_space<vmem>> -> memref<1x128x64xf32, #tpu.memory_space<vmem>>
    %dma_start3A_80 = tpu.memref_squeeze %dma_start3A_79 : memref<1x128x64xf32, #tpu.memory_space<vmem>> -> memref<128x64xf32, #tpu.memory_space<vmem>>
    %dma_start3A_81 = arith.constant 0 : i32
    %dma_start3A_82 = tpu.memref_slice %arg6[%dma_start3A_75, %dma_start3A_81] : memref<79x128xi32, #tpu.memory_space<vmem>> -> memref<1x128xi32, #tpu.memory_space<vmem>>
    %dma_start3A_83 = tpu.memref_squeeze %dma_start3A_82 : memref<1x128xi32, #tpu.memory_space<vmem>> -> memref<128xi32, #tpu.memory_space<vmem>>
    %dma_start3A_84 = arith.constant 0 : i32
    %dma_start3A_85 = arith.constant 0 : i32
    %dma_start3A_86 = tpu.memref_slice %arg2[%dma_start3A_84, %dma_start3A_85] : memref<10240x64xf32, #tpu.memory_space<hbm>> -> memref<10240x64xf32, #tpu.memory_space<hbm>>
    tpu.enqueue_indirect_dma source(%dma_start3A_86 : memref<10240x64xf32, #tpu.memory_space<hbm>>) target(%dma_start3A_80 : memref<128x64xf32, #tpu.memory_space<vmem>>) offsets(%dma_start3A_83 : memref<128xi32, #tpu.memory_space<vmem>>) semaphore(%arg16 : memref<!tpu.dma_semaphore, #tpu.memory_space<semaphore_mem>>)
    %dma_wait3A = arith.constant 0 : i32
    %dma_wait3A_87 = arith.constant 0 : i32
    %dma_wait3A_88 = arith.constant 0 : i32
    %dma_wait3A_89 = arith.constant 0 : i32
    %dma_wait3A_90 = tpu.memref_slice %arg8[%dma_wait3A_87, %dma_wait3A_88, %dma_wait3A_89] : memref<6x128x64xf32, #tpu.memory_space<vmem>> -> memref<1x128x64xf32, #tpu.memory_space<vmem>>
    %dma_wait3A_91 = tpu.memref_squeeze %dma_wait3A_90 : memref<1x128x64xf32, #tpu.memory_space<vmem>> -> memref<128x64xf32, #tpu.memory_space<vmem>>
    %dma_wait3A_92 = arith.constant 0 : i32
    %dma_wait3A_93 = tpu.memref_slice %arg6[%dma_wait3A, %dma_wait3A_92] : memref<79x128xi32, #tpu.memory_space<vmem>> -> memref<1x128xi32, #tpu.memory_space<vmem>>
    %dma_wait3A_94 = tpu.memref_squeeze %dma_wait3A_93 : memref<1x128xi32, #tpu.memory_space<vmem>> -> memref<128xi32, #tpu.memory_space<vmem>>
    %dma_wait3A_95 = arith.constant 0 : i32
    %dma_wait3A_96 = arith.constant 0 : i32
    %dma_wait3A_97 = tpu.memref_slice %arg2[%dma_wait3A_95, %dma_wait3A_96] : memref<10240x64xf32, #tpu.memory_space<hbm>> -> memref<10240x64xf32, #tpu.memory_space<hbm>>
    tpu.wait_indirect_dma semaphore(%arg11 : memref<!tpu.dma_semaphore, #tpu.memory_space<semaphore_mem>>) src(%dma_wait3A_97 : memref<10240x64xf32, #tpu.memory_space<hbm>>) dst(%dma_wait3A_91 : memref<128x64xf32, #tpu.memory_space<vmem>>)
    %dma_start3A_98 = arith.constant 0 : i32
    %dma_start3A_99 = arith.constant 0 : i32
    %dma_start3A_100 = arith.constant 0 : i32
    %dma_start3A_101 = arith.constant 0 : i32
    %dma_start3A_102 = tpu.memref_slice %arg8[%dma_start3A_98, %dma_start3A_100, %dma_start3A_101] : memref<6x128x64xf32, #tpu.memory_space<vmem>> -> memref<1x128x64xf32, #tpu.memory_space<vmem>>
    %dma_start3A_103 = tpu.memref_squeeze %dma_start3A_102 : memref<1x128x64xf32, #tpu.memory_space<vmem>> -> memref<128x64xf32, #tpu.memory_space<vmem>>
    %dma_start3A_104 = arith.constant 0 : i32
    %dma_start3A_105 = tpu.memref_slice %arg7[%dma_start3A_99, %dma_start3A_104] : memref<79x128xi32, #tpu.memory_space<vmem>> -> memref<1x128xi32, #tpu.memory_space<vmem>>
    %dma_start3A_106 = tpu.memref_squeeze %dma_start3A_105 : memref<1x128xi32, #tpu.memory_space<vmem>> -> memref<128xi32, #tpu.memory_space<vmem>>
    %dma_start3A_107 = arith.constant 0 : i32
    %dma_start3A_108 = arith.constant 0 : i32
    %dma_start3A_109 = tpu.memref_slice %arg9[%dma_start3A_107, %dma_start3A_108] : memref<10240x64xf32, #tpu.memory_space<vmem_shared>> -> memref<10240x64xf32, #tpu.memory_space<vmem_shared>>
    tpu.enqueue_indirect_dma source(%dma_start3A_103 : memref<128x64xf32, #tpu.memory_space<vmem>>) target(%dma_start3A_109 : memref<10240x64xf32, #tpu.memory_space<vmem_shared>>) offsets(%dma_start3A_106 : memref<128xi32, #tpu.memory_space<vmem>>) semaphore(%arg17 : memref<!tpu.dma_semaphore, #tpu.memory_space<semaphore_mem>>) {add = true}
    %dma_wait3A_110 = arith.constant 1 : i32
    %dma_wait3A_111 = arith.constant 1 : i32
    %dma_wait3A_112 = arith.constant 0 : i32
    %dma_wait3A_113 = arith.constant 0 : i32
    %dma_wait3A_114 = tpu.memref_slice %arg8[%dma_wait3A_111, %dma_wait3A_112, %dma_wait3A_113] : memref<6x128x64xf32, #tpu.memory_space<vmem>> -> memref<1x128x64xf32, #tpu.memory_space<vmem>>
    %dma_wait3A_115 = tpu.memref_squeeze %dma_wait3A_114 : memref<1x128x64xf32, #tpu.memory_space<vmem>> -> memref<128x64xf32, #tpu.memory_space<vmem>>
    %dma_wait3A_116 = arith.constant 0 : i32
    %dma_wait3A_117 = tpu.memref_slice %arg6[%dma_wait3A_110, %dma_wait3A_116] : memref<79x128xi32, #tpu.memory_space<vmem>> -> memref<1x128xi32, #tpu.memory_space<vmem>>
    %dma_wait3A_118 = tpu.memref_squeeze %dma_wait3A_117 : memref<1x128xi32, #tpu.memory_space<vmem>> -> memref<128xi32, #tpu.memory_space<vmem>>
    %dma_wait3A_119 = arith.constant 0 : i32
    %dma_wait3A_120 = arith.constant 0 : i32
    %dma_wait3A_121 = tpu.memref_slice %arg2[%dma_wait3A_119, %dma_wait3A_120] : memref<10240x64xf32, #tpu.memory_space<hbm>> -> memref<10240x64xf32, #tpu.memory_space<hbm>>
    tpu.wait_indirect_dma semaphore(%arg12 : memref<!tpu.dma_semaphore, #tpu.memory_space<semaphore_mem>>) src(%dma_wait3A_121 : memref<10240x64xf32, #tpu.memory_space<hbm>>) dst(%dma_wait3A_115 : memref<128x64xf32, #tpu.memory_space<vmem>>)
    %dma_start3A_122 = arith.constant 1 : i32
    %dma_start3A_123 = arith.constant 1 : i32
    %dma_start3A_124 = arith.constant 0 : i32
    %dma_start3A_125 = arith.constant 0 : i32
    %dma_start3A_126 = tpu.memref_slice %arg8[%dma_start3A_122, %dma_start3A_124, %dma_start3A_125] : memref<6x128x64xf32, #tpu.memory_space<vmem>> -> memref<1x128x64xf32, #tpu.memory_space<vmem>>
    %dma_start3A_127 = tpu.memref_squeeze %dma_start3A_126 : memref<1x128x64xf32, #tpu.memory_space<vmem>> -> memref<128x64xf32, #tpu.memory_space<vmem>>
    %dma_start3A_128 = arith.constant 0 : i32
    %dma_start3A_129 = tpu.memref_slice %arg7[%dma_start3A_123, %dma_start3A_128] : memref<79x128xi32, #tpu.memory_space<vmem>> -> memref<1x128xi32, #tpu.memory_space<vmem>>
    %dma_start3A_130 = tpu.memref_squeeze %dma_start3A_129 : memref<1x128xi32, #tpu.memory_space<vmem>> -> memref<128xi32, #tpu.memory_space<vmem>>
    %dma_start3A_131 = arith.constant 0 : i32
    %dma_start3A_132 = arith.constant 0 : i32
    %dma_start3A_133 = tpu.memref_slice %arg9[%dma_start3A_131, %dma_start3A_132] : memref<10240x64xf32, #tpu.memory_space<vmem_shared>> -> memref<10240x64xf32, #tpu.memory_space<vmem_shared>>
    tpu.enqueue_indirect_dma source(%dma_start3A_127 : memref<128x64xf32, #tpu.memory_space<vmem>>) target(%dma_start3A_133 : memref<10240x64xf32, #tpu.memory_space<vmem_shared>>) offsets(%dma_start3A_130 : memref<128xi32, #tpu.memory_space<vmem>>) semaphore(%arg18 : memref<!tpu.dma_semaphore, #tpu.memory_space<semaphore_mem>>) {add = true}
    %dma_wait3A_134 = arith.constant 2 : i32
    %dma_wait3A_135 = arith.constant 2 : i32
    %dma_wait3A_136 = arith.constant 0 : i32
    %dma_wait3A_137 = arith.constant 0 : i32
    %dma_wait3A_138 = tpu.memref_slice %arg8[%dma_wait3A_135, %dma_wait3A_136, %dma_wait3A_137] : memref<6x128x64xf32, #tpu.memory_space<vmem>> -> memref<1x128x64xf32, #tpu.memory_space<vmem>>
    %dma_wait3A_139 = tpu.memref_squeeze %dma_wait3A_138 : memref<1x128x64xf32, #tpu.memory_space<vmem>> -> memref<128x64xf32, #tpu.memory_space<vmem>>
    %dma_wait3A_140 = arith.constant 0 : i32
    %dma_wait3A_141 = tpu.memref_slice %arg6[%dma_wait3A_134, %dma_wait3A_140] : memref<79x128xi32, #tpu.memory_space<vmem>> -> memref<1x128xi32, #tpu.memory_space<vmem>>
    %dma_wait3A_142 = tpu.memref_squeeze %dma_wait3A_141 : memref<1x128xi32, #tpu.memory_space<vmem>> -> memref<128xi32, #tpu.memory_space<vmem>>
    %dma_wait3A_143 = arith.constant 0 : i32
    %dma_wait3A_144 = arith.constant 0 : i32
    %dma_wait3A_145 = tpu.memref_slice %arg2[%dma_wait3A_143, %dma_wait3A_144] : memref<10240x64xf32, #tpu.memory_space<hbm>> -> memref<10240x64xf32, #tpu.memory_space<hbm>>
    tpu.wait_indirect_dma semaphore(%arg13 : memref<!tpu.dma_semaphore, #tpu.memory_space<semaphore_mem>>) src(%dma_wait3A_145 : memref<10240x64xf32, #tpu.memory_space<hbm>>) dst(%dma_wait3A_139 : memref<128x64xf32, #tpu.memory_space<vmem>>)
    %dma_start3A_146 = arith.constant 2 : i32
    %dma_start3A_147 = arith.constant 2 : i32
    %dma_start3A_148 = arith.constant 0 : i32
    %dma_start3A_149 = arith.constant 0 : i32
    %dma_start3A_150 = tpu.memref_slice %arg8[%dma_start3A_146, %dma_start3A_148, %dma_start3A_149] : memref<6x128x64xf32, #tpu.memory_space<vmem>> -> memref<1x128x64xf32, #tpu.memory_space<vmem>>
    %dma_start3A_151 = tpu.memref_squeeze %dma_start3A_150 : memref<1x128x64xf32, #tpu.memory_space<vmem>> -> memref<128x64xf32, #tpu.memory_space<vmem>>
    %dma_start3A_152 = arith.constant 0 : i32
    %dma_start3A_153 = tpu.memref_slice %arg7[%dma_start3A_147, %dma_start3A_152] : memref<79x128xi32, #tpu.memory_space<vmem>> -> memref<1x128xi32, #tpu.memory_space<vmem>>
    %dma_start3A_154 = tpu.memref_squeeze %dma_start3A_153 : memref<1x128xi32, #tpu.memory_space<vmem>> -> memref<128xi32, #tpu.memory_space<vmem>>
    %dma_start3A_155 = arith.constant 0 : i32
    %dma_start3A_156 = arith.constant 0 : i32
    %dma_start3A_157 = tpu.memref_slice %arg9[%dma_start3A_155, %dma_start3A_156] : memref<10240x64xf32, #tpu.memory_space<vmem_shared>> -> memref<10240x64xf32, #tpu.memory_space<vmem_shared>>
    tpu.enqueue_indirect_dma source(%dma_start3A_151 : memref<128x64xf32, #tpu.memory_space<vmem>>) target(%dma_start3A_157 : memref<10240x64xf32, #tpu.memory_space<vmem_shared>>) offsets(%dma_start3A_154 : memref<128xi32, #tpu.memory_space<vmem>>) semaphore(%arg19 : memref<!tpu.dma_semaphore, #tpu.memory_space<semaphore_mem>>) {add = true}
    %dma_wait3A_158 = arith.constant 3 : i32
    %dma_wait3A_159 = arith.constant 3 : i32
    %dma_wait3A_160 = arith.constant 0 : i32
    %dma_wait3A_161 = arith.constant 0 : i32
    %dma_wait3A_162 = tpu.memref_slice %arg8[%dma_wait3A_159, %dma_wait3A_160, %dma_wait3A_161] : memref<6x128x64xf32, #tpu.memory_space<vmem>> -> memref<1x128x64xf32, #tpu.memory_space<vmem>>
    %dma_wait3A_163 = tpu.memref_squeeze %dma_wait3A_162 : memref<1x128x64xf32, #tpu.memory_space<vmem>> -> memref<128x64xf32, #tpu.memory_space<vmem>>
    %dma_wait3A_164 = arith.constant 0 : i32
    %dma_wait3A_165 = tpu.memref_slice %arg6[%dma_wait3A_158, %dma_wait3A_164] : memref<79x128xi32, #tpu.memory_space<vmem>> -> memref<1x128xi32, #tpu.memory_space<vmem>>
    %dma_wait3A_166 = tpu.memref_squeeze %dma_wait3A_165 : memref<1x128xi32, #tpu.memory_space<vmem>> -> memref<128xi32, #tpu.memory_space<vmem>>
    %dma_wait3A_167 = arith.constant 0 : i32
    %dma_wait3A_168 = arith.constant 0 : i32
    %dma_wait3A_169 = tpu.memref_slice %arg2[%dma_wait3A_167, %dma_wait3A_168] : memref<10240x64xf32, #tpu.memory_space<hbm>> -> memref<10240x64xf32, #tpu.memory_space<hbm>>
    tpu.wait_indirect_dma semaphore(%arg14 : memref<!tpu.dma_semaphore, #tpu.memory_space<semaphore_mem>>) src(%dma_wait3A_169 : memref<10240x64xf32, #tpu.memory_space<hbm>>) dst(%dma_wait3A_163 : memref<128x64xf32, #tpu.memory_space<vmem>>)
    %dma_start3A_170 = arith.constant 3 : i32
    %dma_start3A_171 = arith.constant 3 : i32
    %dma_start3A_172 = arith.constant 0 : i32
    %dma_start3A_173 = arith.constant 0 : i32
    %dma_start3A_174 = tpu.memref_slice %arg8[%dma_start3A_170, %dma_start3A_172, %dma_start3A_173] : memref<6x128x64xf32, #tpu.memory_space<vmem>> -> memref<1x128x64xf32, #tpu.memory_space<vmem>>
    %dma_start3A_175 = tpu.memref_squeeze %dma_start3A_174 : memref<1x128x64xf32, #tpu.memory_space<vmem>> -> memref<128x64xf32, #tpu.memory_space<vmem>>
    %dma_start3A_176 = arith.constant 0 : i32
    %dma_start3A_177 = tpu.memref_slice %arg7[%dma_start3A_171, %dma_start3A_176] : memref<79x128xi32, #tpu.memory_space<vmem>> -> memref<1x128xi32, #tpu.memory_space<vmem>>
    %dma_start3A_178 = tpu.memref_squeeze %dma_start3A_177 : memref<1x128xi32, #tpu.memory_space<vmem>> -> memref<128xi32, #tpu.memory_space<vmem>>
    %dma_start3A_179 = arith.constant 0 : i32
    %dma_start3A_180 = arith.constant 0 : i32
    %dma_start3A_181 = tpu.memref_slice %arg9[%dma_start3A_179, %dma_start3A_180] : memref<10240x64xf32, #tpu.memory_space<vmem_shared>> -> memref<10240x64xf32, #tpu.memory_space<vmem_shared>>
    tpu.enqueue_indirect_dma source(%dma_start3A_175 : memref<128x64xf32, #tpu.memory_space<vmem>>) target(%dma_start3A_181 : memref<10240x64xf32, #tpu.memory_space<vmem_shared>>) offsets(%dma_start3A_178 : memref<128xi32, #tpu.memory_space<vmem>>) semaphore(%arg20 : memref<!tpu.dma_semaphore, #tpu.memory_space<semaphore_mem>>) {add = true}
    %dma_wait3A_182 = arith.constant 4 : i32
    %dma_wait3A_183 = arith.constant 4 : i32
    %dma_wait3A_184 = arith.constant 0 : i32
    %dma_wait3A_185 = arith.constant 0 : i32
    %dma_wait3A_186 = tpu.memref_slice %arg8[%dma_wait3A_183, %dma_wait3A_184, %dma_wait3A_185] : memref<6x128x64xf32, #tpu.memory_space<vmem>> -> memref<1x128x64xf32, #tpu.memory_space<vmem>>
    %dma_wait3A_187 = tpu.memref_squeeze %dma_wait3A_186 : memref<1x128x64xf32, #tpu.memory_space<vmem>> -> memref<128x64xf32, #tpu.memory_space<vmem>>
    %dma_wait3A_188 = arith.constant 0 : i32
    %dma_wait3A_189 = tpu.memref_slice %arg6[%dma_wait3A_182, %dma_wait3A_188] : memref<79x128xi32, #tpu.memory_space<vmem>> -> memref<1x128xi32, #tpu.memory_space<vmem>>
    %dma_wait3A_190 = tpu.memref_squeeze %dma_wait3A_189 : memref<1x128xi32, #tpu.memory_space<vmem>> -> memref<128xi32, #tpu.memory_space<vmem>>
    %dma_wait3A_191 = arith.constant 0 : i32
    %dma_wait3A_192 = arith.constant 0 : i32
    %dma_wait3A_193 = tpu.memref_slice %arg2[%dma_wait3A_191, %dma_wait3A_192] : memref<10240x64xf32, #tpu.memory_space<hbm>> -> memref<10240x64xf32, #tpu.memory_space<hbm>>
    tpu.wait_indirect_dma semaphore(%arg15 : memref<!tpu.dma_semaphore, #tpu.memory_space<semaphore_mem>>) src(%dma_wait3A_193 : memref<10240x64xf32, #tpu.memory_space<hbm>>) dst(%dma_wait3A_187 : memref<128x64xf32, #tpu.memory_space<vmem>>)
    %dma_start3A_194 = arith.constant 4 : i32
    %dma_start3A_195 = arith.constant 4 : i32
    %dma_start3A_196 = arith.constant 0 : i32
    %dma_start3A_197 = arith.constant 0 : i32
    %dma_start3A_198 = tpu.memref_slice %arg8[%dma_start3A_194, %dma_start3A_196, %dma_start3A_197] : memref<6x128x64xf32, #tpu.memory_space<vmem>> -> memref<1x128x64xf32, #tpu.memory_space<vmem>>
    %dma_start3A_199 = tpu.memref_squeeze %dma_start3A_198 : memref<1x128x64xf32, #tpu.memory_space<vmem>> -> memref<128x64xf32, #tpu.memory_space<vmem>>
    %dma_start3A_200 = arith.constant 0 : i32
    %dma_start3A_201 = tpu.memref_slice %arg7[%dma_start3A_195, %dma_start3A_200] : memref<79x128xi32, #tpu.memory_space<vmem>> -> memref<1x128xi32, #tpu.memory_space<vmem>>
    %dma_start3A_202 = tpu.memref_squeeze %dma_start3A_201 : memref<1x128xi32, #tpu.memory_space<vmem>> -> memref<128xi32, #tpu.memory_space<vmem>>
    %dma_start3A_203 = arith.constant 0 : i32
    %dma_start3A_204 = arith.constant 0 : i32
    %dma_start3A_205 = tpu.memref_slice %arg9[%dma_start3A_203, %dma_start3A_204] : memref<10240x64xf32, #tpu.memory_space<vmem_shared>> -> memref<10240x64xf32, #tpu.memory_space<vmem_shared>>
    tpu.enqueue_indirect_dma source(%dma_start3A_199 : memref<128x64xf32, #tpu.memory_space<vmem>>) target(%dma_start3A_205 : memref<10240x64xf32, #tpu.memory_space<vmem_shared>>) offsets(%dma_start3A_202 : memref<128xi32, #tpu.memory_space<vmem>>) semaphore(%arg21 : memref<!tpu.dma_semaphore, #tpu.memory_space<semaphore_mem>>) {add = true}
    %dma_wait3A_206 = arith.constant 5 : i32
    %dma_wait3A_207 = arith.constant 5 : i32
    %dma_wait3A_208 = arith.constant 0 : i32
    %dma_wait3A_209 = arith.constant 0 : i32
    %dma_wait3A_210 = tpu.memref_slice %arg8[%dma_wait3A_207, %dma_wait3A_208, %dma_wait3A_209] : memref<6x128x64xf32, #tpu.memory_space<vmem>> -> memref<1x128x64xf32, #tpu.memory_space<vmem>>
    %dma_wait3A_211 = tpu.memref_squeeze %dma_wait3A_210 : memref<1x128x64xf32, #tpu.memory_space<vmem>> -> memref<128x64xf32, #tpu.memory_space<vmem>>
    %dma_wait3A_212 = arith.constant 0 : i32
    %dma_wait3A_213 = tpu.memref_slice %arg6[%dma_wait3A_206, %dma_wait3A_212] : memref<79x128xi32, #tpu.memory_space<vmem>> -> memref<1x128xi32, #tpu.memory_space<vmem>>
    %dma_wait3A_214 = tpu.memref_squeeze %dma_wait3A_213 : memref<1x128xi32, #tpu.memory_space<vmem>> -> memref<128xi32, #tpu.memory_space<vmem>>
    %dma_wait3A_215 = arith.constant 0 : i32
    %dma_wait3A_216 = arith.constant 0 : i32
    %dma_wait3A_217 = tpu.memref_slice %arg2[%dma_wait3A_215, %dma_wait3A_216] : memref<10240x64xf32, #tpu.memory_space<hbm>> -> memref<10240x64xf32, #tpu.memory_space<hbm>>
    tpu.wait_indirect_dma semaphore(%arg16 : memref<!tpu.dma_semaphore, #tpu.memory_space<semaphore_mem>>) src(%dma_wait3A_217 : memref<10240x64xf32, #tpu.memory_space<hbm>>) dst(%dma_wait3A_211 : memref<128x64xf32, #tpu.memory_space<vmem>>)
    %dma_start3A_218 = arith.constant 5 : i32
    %dma_start3A_219 = arith.constant 5 : i32
    %dma_start3A_220 = arith.constant 0 : i32
    %dma_start3A_221 = arith.constant 0 : i32
    %dma_start3A_222 = tpu.memref_slice %arg8[%dma_start3A_218, %dma_start3A_220, %dma_start3A_221] : memref<6x128x64xf32, #tpu.memory_space<vmem>> -> memref<1x128x64xf32, #tpu.memory_space<vmem>>
    %dma_start3A_223 = tpu.memref_squeeze %dma_start3A_222 : memref<1x128x64xf32, #tpu.memory_space<vmem>> -> memref<128x64xf32, #tpu.memory_space<vmem>>
    %dma_start3A_224 = arith.constant 0 : i32
    %dma_start3A_225 = tpu.memref_slice %arg7[%dma_start3A_219, %dma_start3A_224] : memref<79x128xi32, #tpu.memory_space<vmem>> -> memref<1x128xi32, #tpu.memory_space<vmem>>
    %dma_start3A_226 = tpu.memref_squeeze %dma_start3A_225 : memref<1x128xi32, #tpu.memory_space<vmem>> -> memref<128xi32, #tpu.memory_space<vmem>>
    %dma_start3A_227 = arith.constant 0 : i32
    %dma_start3A_228 = arith.constant 0 : i32
    %dma_start3A_229 = tpu.memref_slice %arg9[%dma_start3A_227, %dma_start3A_228] : memref<10240x64xf32, #tpu.memory_space<vmem_shared>> -> memref<10240x64xf32, #tpu.memory_space<vmem_shared>>
    tpu.enqueue_indirect_dma source(%dma_start3A_223 : memref<128x64xf32, #tpu.memory_space<vmem>>) target(%dma_start3A_229 : memref<10240x64xf32, #tpu.memory_space<vmem_shared>>) offsets(%dma_start3A_226 : memref<128xi32, #tpu.memory_space<vmem>>) semaphore(%arg22 : memref<!tpu.dma_semaphore, #tpu.memory_space<semaphore_mem>>) {add = true}
    %scan3A_230 = arith.constant 0 : i32
    %scan3A_231 = arith.constant 12 : i32
    %scan3A_232 = arith.addi %scan3A_230, %scan3A_231 : i32
    %scan3A_233 = arith.constant 1 : i32
    scf.for %scan3A_316 = %scan3A_230 to %scan3A_232 step %scan3A_233  : i32 {
      %mul3A_317 = arith.constant 6 : i32
      %mul3A_318 = arith.muli %scan3A_316, %mul3A_317 : i32
      %add3A_319 = arith.constant 6 : i32
      %add3A_320 = arith.addi %add3A_319, %mul3A_318 : i32
      %sub3A = arith.constant 6 : i32
      %sub3A_321 = arith.subi %add3A_320, %sub3A : i32
      %add3A_322 = arith.constant 0 : i32
      %add3A_323 = arith.addi %sub3A_321, %add3A_322 : i32
      %dma_wait3A_324 = arith.constant 0 : i32
      %dma_wait3A_325 = arith.constant 0 : i32
      %dma_wait3A_326 = arith.constant 0 : i32
      %dma_wait3A_327 = tpu.memref_slice %arg8[%dma_wait3A_324, %dma_wait3A_325, %dma_wait3A_326] : memref<6x128x64xf32, #tpu.memory_space<vmem>> -> memref<1x128x64xf32, #tpu.memory_space<vmem>>
      %dma_wait3A_328 = tpu.memref_squeeze %dma_wait3A_327 : memref<1x128x64xf32, #tpu.memory_space<vmem>> -> memref<128x64xf32, #tpu.memory_space<vmem>>
      %dma_wait3A_329 = arith.constant 0 : i32
      %dma_wait3A_330 = tpu.memref_slice %arg7[%add3A_323, %dma_wait3A_329] : memref<79x128xi32, #tpu.memory_space<vmem>> -> memref<1x128xi32, #tpu.memory_space<vmem>>
      %dma_wait3A_331 = tpu.memref_squeeze %dma_wait3A_330 : memref<1x128xi32, #tpu.memory_space<vmem>> -> memref<128xi32, #tpu.memory_space<vmem>>
      %dma_wait3A_332 = arith.constant 0 : i32
      %dma_wait3A_333 = arith.constant 0 : i32
      %dma_wait3A_334 = tpu.memref_slice %arg9[%dma_wait3A_332, %dma_wait3A_333] : memref<10240x64xf32, #tpu.memory_space<vmem_shared>> -> memref<10240x64xf32, #tpu.memory_space<vmem_shared>>
      tpu.wait_indirect_dma semaphore(%arg17 : memref<!tpu.dma_semaphore, #tpu.memory_space<semaphore_mem>>) src(%dma_wait3A_328 : memref<128x64xf32, #tpu.memory_space<vmem>>) dst(%dma_wait3A_334 : memref<10240x64xf32, #tpu.memory_space<vmem_shared>>)
      %add3A_335 = arith.constant 0 : i32
      %add3A_336 = arith.addi %add3A_320, %add3A_335 : i32
      %dma_start3A_337 = arith.constant 0 : i32
      %dma_start3A_338 = arith.constant 0 : i32
      %dma_start3A_339 = arith.constant 0 : i32
      %dma_start3A_340 = tpu.memref_slice %arg8[%dma_start3A_337, %dma_start3A_338, %dma_start3A_339] : memref<6x128x64xf32, #tpu.memory_space<vmem>> -> memref<1x128x64xf32, #tpu.memory_space<vmem>>
      %dma_start3A_341 = tpu.memref_squeeze %dma_start3A_340 : memref<1x128x64xf32, #tpu.memory_space<vmem>> -> memref<128x64xf32, #tpu.memory_space<vmem>>
      %dma_start3A_342 = arith.constant 0 : i32
      %dma_start3A_343 = tpu.memref_slice %arg6[%add3A_336, %dma_start3A_342] : memref<79x128xi32, #tpu.memory_space<vmem>> -> memref<1x128xi32, #tpu.memory_space<vmem>>
      %dma_start3A_344 = tpu.memref_squeeze %dma_start3A_343 : memref<1x128xi32, #tpu.memory_space<vmem>> -> memref<128xi32, #tpu.memory_space<vmem>>
      %dma_start3A_345 = arith.constant 0 : i32
      %dma_start3A_346 = arith.constant 0 : i32
      %dma_start3A_347 = tpu.memref_slice %arg2[%dma_start3A_345, %dma_start3A_346] : memref<10240x64xf32, #tpu.memory_space<hbm>> -> memref<10240x64xf32, #tpu.memory_space<hbm>>
      tpu.enqueue_indirect_dma source(%dma_start3A_347 : memref<10240x64xf32, #tpu.memory_space<hbm>>) target(%dma_start3A_341 : memref<128x64xf32, #tpu.memory_space<vmem>>) offsets(%dma_start3A_344 : memref<128xi32, #tpu.memory_space<vmem>>) semaphore(%arg11 : memref<!tpu.dma_semaphore, #tpu.memory_space<semaphore_mem>>)
      %sub3A_348 = arith.constant 6 : i32
      %sub3A_349 = arith.subi %add3A_320, %sub3A_348 : i32
      %add3A_350 = arith.constant 1 : i32
      %add3A_351 = arith.addi %sub3A_349, %add3A_350 : i32
      %dma_wait3A_352 = arith.constant 1 : i32
      %dma_wait3A_353 = arith.constant 0 : i32
      %dma_wait3A_354 = arith.constant 0 : i32
      %dma_wait3A_355 = tpu.memref_slice %arg8[%dma_wait3A_352, %dma_wait3A_353, %dma_wait3A_354] : memref<6x128x64xf32, #tpu.memory_space<vmem>> -> memref<1x128x64xf32, #tpu.memory_space<vmem>>
      %dma_wait3A_356 = tpu.memref_squeeze %dma_wait3A_355 : memref<1x128x64xf32, #tpu.memory_space<vmem>> -> memref<128x64xf32, #tpu.memory_space<vmem>>
      %dma_wait3A_357 = arith.constant 0 : i32
      %dma_wait3A_358 = tpu.memref_slice %arg7[%add3A_351, %dma_wait3A_357] : memref<79x128xi32, #tpu.memory_space<vmem>> -> memref<1x128xi32, #tpu.memory_space<vmem>>
      %dma_wait3A_359 = tpu.memref_squeeze %dma_wait3A_358 : memref<1x128xi32, #tpu.memory_space<vmem>> -> memref<128xi32, #tpu.memory_space<vmem>>
      %dma_wait3A_360 = arith.constant 0 : i32
      %dma_wait3A_361 = arith.constant 0 : i32
      %dma_wait3A_362 = tpu.memref_slice %arg9[%dma_wait3A_360, %dma_wait3A_361] : memref<10240x64xf32, #tpu.memory_space<vmem_shared>> -> memref<10240x64xf32, #tpu.memory_space<vmem_shared>>
      tpu.wait_indirect_dma semaphore(%arg18 : memref<!tpu.dma_semaphore, #tpu.memory_space<semaphore_mem>>) src(%dma_wait3A_356 : memref<128x64xf32, #tpu.memory_space<vmem>>) dst(%dma_wait3A_362 : memref<10240x64xf32, #tpu.memory_space<vmem_shared>>)
      %add3A_363 = arith.constant 1 : i32
      %add3A_364 = arith.addi %add3A_320, %add3A_363 : i32
      %dma_start3A_365 = arith.constant 1 : i32
      %dma_start3A_366 = arith.constant 0 : i32
      %dma_start3A_367 = arith.constant 0 : i32
      %dma_start3A_368 = tpu.memref_slice %arg8[%dma_start3A_365, %dma_start3A_366, %dma_start3A_367] : memref<6x128x64xf32, #tpu.memory_space<vmem>> -> memref<1x128x64xf32, #tpu.memory_space<vmem>>
      %dma_start3A_369 = tpu.memref_squeeze %dma_start3A_368 : memref<1x128x64xf32, #tpu.memory_space<vmem>> -> memref<128x64xf32, #tpu.memory_space<vmem>>
      %dma_start3A_370 = arith.constant 0 : i32
      %dma_start3A_371 = tpu.memref_slice %arg6[%add3A_364, %dma_start3A_370] : memref<79x128xi32, #tpu.memory_space<vmem>> -> memref<1x128xi32, #tpu.memory_space<vmem>>
      %dma_start3A_372 = tpu.memref_squeeze %dma_start3A_371 : memref<1x128xi32, #tpu.memory_space<vmem>> -> memref<128xi32, #tpu.memory_space<vmem>>
      %dma_start3A_373 = arith.constant 0 : i32
      %dma_start3A_374 = arith.constant 0 : i32
      %dma_start3A_375 = tpu.memref_slice %arg2[%dma_start3A_373, %dma_start3A_374] : memref<10240x64xf32, #tpu.memory_space<hbm>> -> memref<10240x64xf32, #tpu.memory_space<hbm>>
      tpu.enqueue_indirect_dma source(%dma_start3A_375 : memref<10240x64xf32, #tpu.memory_space<hbm>>) target(%dma_start3A_369 : memref<128x64xf32, #tpu.memory_space<vmem>>) offsets(%dma_start3A_372 : memref<128xi32, #tpu.memory_space<vmem>>) semaphore(%arg12 : memref<!tpu.dma_semaphore, #tpu.memory_space<semaphore_mem>>)
      %sub3A_376 = arith.constant 6 : i32
      %sub3A_377 = arith.subi %add3A_320, %sub3A_376 : i32
      %add3A_378 = arith.constant 2 : i32
      %add3A_379 = arith.addi %sub3A_377, %add3A_378 : i32
      %dma_wait3A_380 = arith.constant 2 : i32
      %dma_wait3A_381 = arith.constant 0 : i32
      %dma_wait3A_382 = arith.constant 0 : i32
      %dma_wait3A_383 = tpu.memref_slice %arg8[%dma_wait3A_380, %dma_wait3A_381, %dma_wait3A_382] : memref<6x128x64xf32, #tpu.memory_space<vmem>> -> memref<1x128x64xf32, #tpu.memory_space<vmem>>
      %dma_wait3A_384 = tpu.memref_squeeze %dma_wait3A_383 : memref<1x128x64xf32, #tpu.memory_space<vmem>> -> memref<128x64xf32, #tpu.memory_space<vmem>>
      %dma_wait3A_385 = arith.constant 0 : i32
      %dma_wait3A_386 = tpu.memref_slice %arg7[%add3A_379, %dma_wait3A_385] : memref<79x128xi32, #tpu.memory_space<vmem>> -> memref<1x128xi32, #tpu.memory_space<vmem>>
      %dma_wait3A_387 = tpu.memref_squeeze %dma_wait3A_386 : memref<1x128xi32, #tpu.memory_space<vmem>> -> memref<128xi32, #tpu.memory_space<vmem>>
      %dma_wait3A_388 = arith.constant 0 : i32
      %dma_wait3A_389 = arith.constant 0 : i32
      %dma_wait3A_390 = tpu.memref_slice %arg9[%dma_wait3A_388, %dma_wait3A_389] : memref<10240x64xf32, #tpu.memory_space<vmem_shared>> -> memref<10240x64xf32, #tpu.memory_space<vmem_shared>>
      tpu.wait_indirect_dma semaphore(%arg19 : memref<!tpu.dma_semaphore, #tpu.memory_space<semaphore_mem>>) src(%dma_wait3A_384 : memref<128x64xf32, #tpu.memory_space<vmem>>) dst(%dma_wait3A_390 : memref<10240x64xf32, #tpu.memory_space<vmem_shared>>)
      %add3A_391 = arith.constant 2 : i32
      %add3A_392 = arith.addi %add3A_320, %add3A_391 : i32
      %dma_start3A_393 = arith.constant 2 : i32
      %dma_start3A_394 = arith.constant 0 : i32
      %dma_start3A_395 = arith.constant 0 : i32
      %dma_start3A_396 = tpu.memref_slice %arg8[%dma_start3A_393, %dma_start3A_394, %dma_start3A_395] : memref<6x128x64xf32, #tpu.memory_space<vmem>> -> memref<1x128x64xf32, #tpu.memory_space<vmem>>
      %dma_start3A_397 = tpu.memref_squeeze %dma_start3A_396 : memref<1x128x64xf32, #tpu.memory_space<vmem>> -> memref<128x64xf32, #tpu.memory_space<vmem>>
      %dma_start3A_398 = arith.constant 0 : i32
      %dma_start3A_399 = tpu.memref_slice %arg6[%add3A_392, %dma_start3A_398] : memref<79x128xi32, #tpu.memory_space<vmem>> -> memref<1x128xi32, #tpu.memory_space<vmem>>
      %dma_start3A_400 = tpu.memref_squeeze %dma_start3A_399 : memref<1x128xi32, #tpu.memory_space<vmem>> -> memref<128xi32, #tpu.memory_space<vmem>>
      %dma_start3A_401 = arith.constant 0 : i32
      %dma_start3A_402 = arith.constant 0 : i32
      %dma_start3A_403 = tpu.memref_slice %arg2[%dma_start3A_401, %dma_start3A_402] : memref<10240x64xf32, #tpu.memory_space<hbm>> -> memref<10240x64xf32, #tpu.memory_space<hbm>>
      tpu.enqueue_indirect_dma source(%dma_start3A_403 : memref<10240x64xf32, #tpu.memory_space<hbm>>) target(%dma_start3A_397 : memref<128x64xf32, #tpu.memory_space<vmem>>) offsets(%dma_start3A_400 : memref<128xi32, #tpu.memory_space<vmem>>) semaphore(%arg13 : memref<!tpu.dma_semaphore, #tpu.memory_space<semaphore_mem>>)
      %sub3A_404 = arith.constant 6 : i32
      %sub3A_405 = arith.subi %add3A_320, %sub3A_404 : i32
      %add3A_406 = arith.constant 3 : i32
      %add3A_407 = arith.addi %sub3A_405, %add3A_406 : i32
      %dma_wait3A_408 = arith.constant 3 : i32
      %dma_wait3A_409 = arith.constant 0 : i32
      %dma_wait3A_410 = arith.constant 0 : i32
      %dma_wait3A_411 = tpu.memref_slice %arg8[%dma_wait3A_408, %dma_wait3A_409, %dma_wait3A_410] : memref<6x128x64xf32, #tpu.memory_space<vmem>> -> memref<1x128x64xf32, #tpu.memory_space<vmem>>
      %dma_wait3A_412 = tpu.memref_squeeze %dma_wait3A_411 : memref<1x128x64xf32, #tpu.memory_space<vmem>> -> memref<128x64xf32, #tpu.memory_space<vmem>>
      %dma_wait3A_413 = arith.constant 0 : i32
      %dma_wait3A_414 = tpu.memref_slice %arg7[%add3A_407, %dma_wait3A_413] : memref<79x128xi32, #tpu.memory_space<vmem>> -> memref<1x128xi32, #tpu.memory_space<vmem>>
      %dma_wait3A_415 = tpu.memref_squeeze %dma_wait3A_414 : memref<1x128xi32, #tpu.memory_space<vmem>> -> memref<128xi32, #tpu.memory_space<vmem>>
      %dma_wait3A_416 = arith.constant 0 : i32
      %dma_wait3A_417 = arith.constant 0 : i32
      %dma_wait3A_418 = tpu.memref_slice %arg9[%dma_wait3A_416, %dma_wait3A_417] : memref<10240x64xf32, #tpu.memory_space<vmem_shared>> -> memref<10240x64xf32, #tpu.memory_space<vmem_shared>>
      tpu.wait_indirect_dma semaphore(%arg20 : memref<!tpu.dma_semaphore, #tpu.memory_space<semaphore_mem>>) src(%dma_wait3A_412 : memref<128x64xf32, #tpu.memory_space<vmem>>) dst(%dma_wait3A_418 : memref<10240x64xf32, #tpu.memory_space<vmem_shared>>)
      %add3A_419 = arith.constant 3 : i32
      %add3A_420 = arith.addi %add3A_320, %add3A_419 : i32
      %dma_start3A_421 = arith.constant 3 : i32
      %dma_start3A_422 = arith.constant 0 : i32
      %dma_start3A_423 = arith.constant 0 : i32
      %dma_start3A_424 = tpu.memref_slice %arg8[%dma_start3A_421, %dma_start3A_422, %dma_start3A_423] : memref<6x128x64xf32, #tpu.memory_space<vmem>> -> memref<1x128x64xf32, #tpu.memory_space<vmem>>
      %dma_start3A_425 = tpu.memref_squeeze %dma_start3A_424 : memref<1x128x64xf32, #tpu.memory_space<vmem>> -> memref<128x64xf32, #tpu.memory_space<vmem>>
      %dma_start3A_426 = arith.constant 0 : i32
      %dma_start3A_427 = tpu.memref_slice %arg6[%add3A_420, %dma_start3A_426] : memref<79x128xi32, #tpu.memory_space<vmem>> -> memref<1x128xi32, #tpu.memory_space<vmem>>
      %dma_start3A_428 = tpu.memref_squeeze %dma_start3A_427 : memref<1x128xi32, #tpu.memory_space<vmem>> -> memref<128xi32, #tpu.memory_space<vmem>>
      %dma_start3A_429 = arith.constant 0 : i32
      %dma_start3A_430 = arith.constant 0 : i32
      %dma_start3A_431 = tpu.memref_slice %arg2[%dma_start3A_429, %dma_start3A_430] : memref<10240x64xf32, #tpu.memory_space<hbm>> -> memref<10240x64xf32, #tpu.memory_space<hbm>>
      tpu.enqueue_indirect_dma source(%dma_start3A_431 : memref<10240x64xf32, #tpu.memory_space<hbm>>) target(%dma_start3A_425 : memref<128x64xf32, #tpu.memory_space<vmem>>) offsets(%dma_start3A_428 : memref<128xi32, #tpu.memory_space<vmem>>) semaphore(%arg14 : memref<!tpu.dma_semaphore, #tpu.memory_space<semaphore_mem>>)
      %sub3A_432 = arith.constant 6 : i32
      %sub3A_433 = arith.subi %add3A_320, %sub3A_432 : i32
      %add3A_434 = arith.constant 4 : i32
      %add3A_435 = arith.addi %sub3A_433, %add3A_434 : i32
      %dma_wait3A_436 = arith.constant 4 : i32
      %dma_wait3A_437 = arith.constant 0 : i32
      %dma_wait3A_438 = arith.constant 0 : i32
      %dma_wait3A_439 = tpu.memref_slice %arg8[%dma_wait3A_436, %dma_wait3A_437, %dma_wait3A_438] : memref<6x128x64xf32, #tpu.memory_space<vmem>> -> memref<1x128x64xf32, #tpu.memory_space<vmem>>
      %dma_wait3A_440 = tpu.memref_squeeze %dma_wait3A_439 : memref<1x128x64xf32, #tpu.memory_space<vmem>> -> memref<128x64xf32, #tpu.memory_space<vmem>>
      %dma_wait3A_441 = arith.constant 0 : i32
      %dma_wait3A_442 = tpu.memref_slice %arg7[%add3A_435, %dma_wait3A_441] : memref<79x128xi32, #tpu.memory_space<vmem>> -> memref<1x128xi32, #tpu.memory_space<vmem>>
      %dma_wait3A_443 = tpu.memref_squeeze %dma_wait3A_442 : memref<1x128xi32, #tpu.memory_space<vmem>> -> memref<128xi32, #tpu.memory_space<vmem>>
      %dma_wait3A_444 = arith.constant 0 : i32
      %dma_wait3A_445 = arith.constant 0 : i32
      %dma_wait3A_446 = tpu.memref_slice %arg9[%dma_wait3A_444, %dma_wait3A_445] : memref<10240x64xf32, #tpu.memory_space<vmem_shared>> -> memref<10240x64xf32, #tpu.memory_space<vmem_shared>>
      tpu.wait_indirect_dma semaphore(%arg21 : memref<!tpu.dma_semaphore, #tpu.memory_space<semaphore_mem>>) src(%dma_wait3A_440 : memref<128x64xf32, #tpu.memory_space<vmem>>) dst(%dma_wait3A_446 : memref<10240x64xf32, #tpu.memory_space<vmem_shared>>)
      %add3A_447 = arith.constant 4 : i32
      %add3A_448 = arith.addi %add3A_320, %add3A_447 : i32
      %dma_start3A_449 = arith.constant 4 : i32
      %dma_start3A_450 = arith.constant 0 : i32
      %dma_start3A_451 = arith.constant 0 : i32
      %dma_start3A_452 = tpu.memref_slice %arg8[%dma_start3A_449, %dma_start3A_450, %dma_start3A_451] : memref<6x128x64xf32, #tpu.memory_space<vmem>> -> memref<1x128x64xf32, #tpu.memory_space<vmem>>
      %dma_start3A_453 = tpu.memref_squeeze %dma_start3A_452 : memref<1x128x64xf32, #tpu.memory_space<vmem>> -> memref<128x64xf32, #tpu.memory_space<vmem>>
      %dma_start3A_454 = arith.constant 0 : i32
      %dma_start3A_455 = tpu.memref_slice %arg6[%add3A_448, %dma_start3A_454] : memref<79x128xi32, #tpu.memory_space<vmem>> -> memref<1x128xi32, #tpu.memory_space<vmem>>
      %dma_start3A_456 = tpu.memref_squeeze %dma_start3A_455 : memref<1x128xi32, #tpu.memory_space<vmem>> -> memref<128xi32, #tpu.memory_space<vmem>>
      %dma_start3A_457 = arith.constant 0 : i32
      %dma_start3A_458 = arith.constant 0 : i32
      %dma_start3A_459 = tpu.memref_slice %arg2[%dma_start3A_457, %dma_start3A_458] : memref<10240x64xf32, #tpu.memory_space<hbm>> -> memref<10240x64xf32, #tpu.memory_space<hbm>>
      tpu.enqueue_indirect_dma source(%dma_start3A_459 : memref<10240x64xf32, #tpu.memory_space<hbm>>) target(%dma_start3A_453 : memref<128x64xf32, #tpu.memory_space<vmem>>) offsets(%dma_start3A_456 : memref<128xi32, #tpu.memory_space<vmem>>) semaphore(%arg15 : memref<!tpu.dma_semaphore, #tpu.memory_space<semaphore_mem>>)
      %sub3A_460 = arith.constant 6 : i32
      %sub3A_461 = arith.subi %add3A_320, %sub3A_460 : i32
      %add3A_462 = arith.constant 5 : i32
      %add3A_463 = arith.addi %sub3A_461, %add3A_462 : i32
      %dma_wait3A_464 = arith.constant 5 : i32
      %dma_wait3A_465 = arith.constant 0 : i32
      %dma_wait3A_466 = arith.constant 0 : i32
      %dma_wait3A_467 = tpu.memref_slice %arg8[%dma_wait3A_464, %dma_wait3A_465, %dma_wait3A_466] : memref<6x128x64xf32, #tpu.memory_space<vmem>> -> memref<1x128x64xf32, #tpu.memory_space<vmem>>
      %dma_wait3A_468 = tpu.memref_squeeze %dma_wait3A_467 : memref<1x128x64xf32, #tpu.memory_space<vmem>> -> memref<128x64xf32, #tpu.memory_space<vmem>>
      %dma_wait3A_469 = arith.constant 0 : i32
      %dma_wait3A_470 = tpu.memref_slice %arg7[%add3A_463, %dma_wait3A_469] : memref<79x128xi32, #tpu.memory_space<vmem>> -> memref<1x128xi32, #tpu.memory_space<vmem>>
      %dma_wait3A_471 = tpu.memref_squeeze %dma_wait3A_470 : memref<1x128xi32, #tpu.memory_space<vmem>> -> memref<128xi32, #tpu.memory_space<vmem>>
      %dma_wait3A_472 = arith.constant 0 : i32
      %dma_wait3A_473 = arith.constant 0 : i32
      %dma_wait3A_474 = tpu.memref_slice %arg9[%dma_wait3A_472, %dma_wait3A_473] : memref<10240x64xf32, #tpu.memory_space<vmem_shared>> -> memref<10240x64xf32, #tpu.memory_space<vmem_shared>>
      tpu.wait_indirect_dma semaphore(%arg22 : memref<!tpu.dma_semaphore, #tpu.memory_space<semaphore_mem>>) src(%dma_wait3A_468 : memref<128x64xf32, #tpu.memory_space<vmem>>) dst(%dma_wait3A_474 : memref<10240x64xf32, #tpu.memory_space<vmem_shared>>)
      %add3A_475 = arith.constant 5 : i32
      %add3A_476 = arith.addi %add3A_320, %add3A_475 : i32
      %dma_start3A_477 = arith.constant 5 : i32
      %dma_start3A_478 = arith.constant 0 : i32
      %dma_start3A_479 = arith.constant 0 : i32
      %dma_start3A_480 = tpu.memref_slice %arg8[%dma_start3A_477, %dma_start3A_478, %dma_start3A_479] : memref<6x128x64xf32, #tpu.memory_space<vmem>> -> memref<1x128x64xf32, #tpu.memory_space<vmem>>
      %dma_start3A_481 = tpu.memref_squeeze %dma_start3A_480 : memref<1x128x64xf32, #tpu.memory_space<vmem>> -> memref<128x64xf32, #tpu.memory_space<vmem>>
      %dma_start3A_482 = arith.constant 0 : i32
      %dma_start3A_483 = tpu.memref_slice %arg6[%add3A_476, %dma_start3A_482] : memref<79x128xi32, #tpu.memory_space<vmem>> -> memref<1x128xi32, #tpu.memory_space<vmem>>
      %dma_start3A_484 = tpu.memref_squeeze %dma_start3A_483 : memref<1x128xi32, #tpu.memory_space<vmem>> -> memref<128xi32, #tpu.memory_space<vmem>>
      %dma_start3A_485 = arith.constant 0 : i32
      %dma_start3A_486 = arith.constant 0 : i32
      %dma_start3A_487 = tpu.memref_slice %arg2[%dma_start3A_485, %dma_start3A_486] : memref<10240x64xf32, #tpu.memory_space<hbm>> -> memref<10240x64xf32, #tpu.memory_space<hbm>>
      tpu.enqueue_indirect_dma source(%dma_start3A_487 : memref<10240x64xf32, #tpu.memory_space<hbm>>) target(%dma_start3A_481 : memref<128x64xf32, #tpu.memory_space<vmem>>) offsets(%dma_start3A_484 : memref<128xi32, #tpu.memory_space<vmem>>) semaphore(%arg16 : memref<!tpu.dma_semaphore, #tpu.memory_space<semaphore_mem>>)
      %add3A_488 = arith.constant 0 : i32
      %add3A_489 = arith.addi %add3A_320, %add3A_488 : i32
      %dma_wait3A_490 = arith.constant 0 : i32
      %dma_wait3A_491 = arith.constant 0 : i32
      %dma_wait3A_492 = arith.constant 0 : i32
      %dma_wait3A_493 = tpu.memref_slice %arg8[%dma_wait3A_490, %dma_wait3A_491, %dma_wait3A_492] : memref<6x128x64xf32, #tpu.memory_space<vmem>> -> memref<1x128x64xf32, #tpu.memory_space<vmem>>
      %dma_wait3A_494 = tpu.memref_squeeze %dma_wait3A_493 : memref<1x128x64xf32, #tpu.memory_space<vmem>> -> memref<128x64xf32, #tpu.memory_space<vmem>>
      %dma_wait3A_495 = arith.constant 0 : i32
      %dma_wait3A_496 = tpu.memref_slice %arg6[%add3A_489, %dma_wait3A_495] : memref<79x128xi32, #tpu.memory_space<vmem>> -> memref<1x128xi32, #tpu.memory_space<vmem>>
      %dma_wait3A_497 = tpu.memref_squeeze %dma_wait3A_496 : memref<1x128xi32, #tpu.memory_space<vmem>> -> memref<128xi32, #tpu.memory_space<vmem>>
      %dma_wait3A_498 = arith.constant 0 : i32
      %dma_wait3A_499 = arith.constant 0 : i32
      %dma_wait3A_500 = tpu.memref_slice %arg2[%dma_wait3A_498, %dma_wait3A_499] : memref<10240x64xf32, #tpu.memory_space<hbm>> -> memref<10240x64xf32, #tpu.memory_space<hbm>>
      tpu.wait_indirect_dma semaphore(%arg11 : memref<!tpu.dma_semaphore, #tpu.memory_space<semaphore_mem>>) src(%dma_wait3A_500 : memref<10240x64xf32, #tpu.memory_space<hbm>>) dst(%dma_wait3A_494 : memref<128x64xf32, #tpu.memory_space<vmem>>)
      %add3A_501 = arith.constant 0 : i32
      %add3A_502 = arith.addi %add3A_320, %add3A_501 : i32
      %dma_start3A_503 = arith.constant 0 : i32
      %dma_start3A_504 = arith.constant 0 : i32
      %dma_start3A_505 = arith.constant 0 : i32
      %dma_start3A_506 = tpu.memref_slice %arg8[%dma_start3A_503, %dma_start3A_504, %dma_start3A_505] : memref<6x128x64xf32, #tpu.memory_space<vmem>> -> memref<1x128x64xf32, #tpu.memory_space<vmem>>
      %dma_start3A_507 = tpu.memref_squeeze %dma_start3A_506 : memref<1x128x64xf32, #tpu.memory_space<vmem>> -> memref<128x64xf32, #tpu.memory_space<vmem>>
      %dma_start3A_508 = arith.constant 0 : i32
      %dma_start3A_509 = tpu.memref_slice %arg7[%add3A_502, %dma_start3A_508] : memref<79x128xi32, #tpu.memory_space<vmem>> -> memref<1x128xi32, #tpu.memory_space<vmem>>
      %dma_start3A_510 = tpu.memref_squeeze %dma_start3A_509 : memref<1x128xi32, #tpu.memory_space<vmem>> -> memref<128xi32, #tpu.memory_space<vmem>>
      %dma_start3A_511 = arith.constant 0 : i32
      %dma_start3A_512 = arith.constant 0 : i32
      %dma_start3A_513 = tpu.memref_slice %arg9[%dma_start3A_511, %dma_start3A_512] : memref<10240x64xf32, #tpu.memory_space<vmem_shared>> -> memref<10240x64xf32, #tpu.memory_space<vmem_shared>>
      tpu.enqueue_indirect_dma source(%dma_start3A_507 : memref<128x64xf32, #tpu.memory_space<vmem>>) target(%dma_start3A_513 : memref<10240x64xf32, #tpu.memory_space<vmem_shared>>) offsets(%dma_start3A_510 : memref<128xi32, #tpu.memory_space<vmem>>) semaphore(%arg17 : memref<!tpu.dma_semaphore, #tpu.memory_space<semaphore_mem>>) {add = true}
      %add3A_514 = arith.constant 1 : i32
      %add3A_515 = arith.addi %add3A_320, %add3A_514 : i32
      %dma_wait3A_516 = arith.constant 1 : i32
      %dma_wait3A_517 = arith.constant 0 : i32
      %dma_wait3A_518 = arith.constant 0 : i32
      %dma_wait3A_519 = tpu.memref_slice %arg8[%dma_wait3A_516, %dma_wait3A_517, %dma_wait3A_518] : memref<6x128x64xf32, #tpu.memory_space<vmem>> -> memref<1x128x64xf32, #tpu.memory_space<vmem>>
      %dma_wait3A_520 = tpu.memref_squeeze %dma_wait3A_519 : memref<1x128x64xf32, #tpu.memory_space<vmem>> -> memref<128x64xf32, #tpu.memory_space<vmem>>
      %dma_wait3A_521 = arith.constant 0 : i32
      %dma_wait3A_522 = tpu.memref_slice %arg6[%add3A_515, %dma_wait3A_521] : memref<79x128xi32, #tpu.memory_space<vmem>> -> memref<1x128xi32, #tpu.memory_space<vmem>>
      %dma_wait3A_523 = tpu.memref_squeeze %dma_wait3A_522 : memref<1x128xi32, #tpu.memory_space<vmem>> -> memref<128xi32, #tpu.memory_space<vmem>>
      %dma_wait3A_524 = arith.constant 0 : i32
      %dma_wait3A_525 = arith.constant 0 : i32
      %dma_wait3A_526 = tpu.memref_slice %arg2[%dma_wait3A_524, %dma_wait3A_525] : memref<10240x64xf32, #tpu.memory_space<hbm>> -> memref<10240x64xf32, #tpu.memory_space<hbm>>
      tpu.wait_indirect_dma semaphore(%arg12 : memref<!tpu.dma_semaphore, #tpu.memory_space<semaphore_mem>>) src(%dma_wait3A_526 : memref<10240x64xf32, #tpu.memory_space<hbm>>) dst(%dma_wait3A_520 : memref<128x64xf32, #tpu.memory_space<vmem>>)
      %add3A_527 = arith.constant 1 : i32
      %add3A_528 = arith.addi %add3A_320, %add3A_527 : i32
      %dma_start3A_529 = arith.constant 1 : i32
      %dma_start3A_530 = arith.constant 0 : i32
      %dma_start3A_531 = arith.constant 0 : i32
      %dma_start3A_532 = tpu.memref_slice %arg8[%dma_start3A_529, %dma_start3A_530, %dma_start3A_531] : memref<6x128x64xf32, #tpu.memory_space<vmem>> -> memref<1x128x64xf32, #tpu.memory_space<vmem>>
      %dma_start3A_533 = tpu.memref_squeeze %dma_start3A_532 : memref<1x128x64xf32, #tpu.memory_space<vmem>> -> memref<128x64xf32, #tpu.memory_space<vmem>>
      %dma_start3A_534 = arith.constant 0 : i32
      %dma_start3A_535 = tpu.memref_slice %arg7[%add3A_528, %dma_start3A_534] : memref<79x128xi32, #tpu.memory_space<vmem>> -> memref<1x128xi32, #tpu.memory_space<vmem>>
      %dma_start3A_536 = tpu.memref_squeeze %dma_start3A_535 : memref<1x128xi32, #tpu.memory_space<vmem>> -> memref<128xi32, #tpu.memory_space<vmem>>
      %dma_start3A_537 = arith.constant 0 : i32
      %dma_start3A_538 = arith.constant 0 : i32
      %dma_start3A_539 = tpu.memref_slice %arg9[%dma_start3A_537, %dma_start3A_538] : memref<10240x64xf32, #tpu.memory_space<vmem_shared>> -> memref<10240x64xf32, #tpu.memory_space<vmem_shared>>
      tpu.enqueue_indirect_dma source(%dma_start3A_533 : memref<128x64xf32, #tpu.memory_space<vmem>>) target(%dma_start3A_539 : memref<10240x64xf32, #tpu.memory_space<vmem_shared>>) offsets(%dma_start3A_536 : memref<128xi32, #tpu.memory_space<vmem>>) semaphore(%arg18 : memref<!tpu.dma_semaphore, #tpu.memory_space<semaphore_mem>>) {add = true}
      %add3A_540 = arith.constant 2 : i32
      %add3A_541 = arith.addi %add3A_320, %add3A_540 : i32
      %dma_wait3A_542 = arith.constant 2 : i32
      %dma_wait3A_543 = arith.constant 0 : i32
      %dma_wait3A_544 = arith.constant 0 : i32
      %dma_wait3A_545 = tpu.memref_slice %arg8[%dma_wait3A_542, %dma_wait3A_543, %dma_wait3A_544] : memref<6x128x64xf32, #tpu.memory_space<vmem>> -> memref<1x128x64xf32, #tpu.memory_space<vmem>>
      %dma_wait3A_546 = tpu.memref_squeeze %dma_wait3A_545 : memref<1x128x64xf32, #tpu.memory_space<vmem>> -> memref<128x64xf32, #tpu.memory_space<vmem>>
      %dma_wait3A_547 = arith.constant 0 : i32
      %dma_wait3A_548 = tpu.memref_slice %arg6[%add3A_541, %dma_wait3A_547] : memref<79x128xi32, #tpu.memory_space<vmem>> -> memref<1x128xi32, #tpu.memory_space<vmem>>
      %dma_wait3A_549 = tpu.memref_squeeze %dma_wait3A_548 : memref<1x128xi32, #tpu.memory_space<vmem>> -> memref<128xi32, #tpu.memory_space<vmem>>
      %dma_wait3A_550 = arith.constant 0 : i32
      %dma_wait3A_551 = arith.constant 0 : i32
      %dma_wait3A_552 = tpu.memref_slice %arg2[%dma_wait3A_550, %dma_wait3A_551] : memref<10240x64xf32, #tpu.memory_space<hbm>> -> memref<10240x64xf32, #tpu.memory_space<hbm>>
      tpu.wait_indirect_dma semaphore(%arg13 : memref<!tpu.dma_semaphore, #tpu.memory_space<semaphore_mem>>) src(%dma_wait3A_552 : memref<10240x64xf32, #tpu.memory_space<hbm>>) dst(%dma_wait3A_546 : memref<128x64xf32, #tpu.memory_space<vmem>>)
      %add3A_553 = arith.constant 2 : i32
      %add3A_554 = arith.addi %add3A_320, %add3A_553 : i32
      %dma_start3A_555 = arith.constant 2 : i32
      %dma_start3A_556 = arith.constant 0 : i32
      %dma_start3A_557 = arith.constant 0 : i32
      %dma_start3A_558 = tpu.memref_slice %arg8[%dma_start3A_555, %dma_start3A_556, %dma_start3A_557] : memref<6x128x64xf32, #tpu.memory_space<vmem>> -> memref<1x128x64xf32, #tpu.memory_space<vmem>>
      %dma_start3A_559 = tpu.memref_squeeze %dma_start3A_558 : memref<1x128x64xf32, #tpu.memory_space<vmem>> -> memref<128x64xf32, #tpu.memory_space<vmem>>
      %dma_start3A_560 = arith.constant 0 : i32
      %dma_start3A_561 = tpu.memref_slice %arg7[%add3A_554, %dma_start3A_560] : memref<79x128xi32, #tpu.memory_space<vmem>> -> memref<1x128xi32, #tpu.memory_space<vmem>>
      %dma_start3A_562 = tpu.memref_squeeze %dma_start3A_561 : memref<1x128xi32, #tpu.memory_space<vmem>> -> memref<128xi32, #tpu.memory_space<vmem>>
      %dma_start3A_563 = arith.constant 0 : i32
      %dma_start3A_564 = arith.constant 0 : i32
      %dma_start3A_565 = tpu.memref_slice %arg9[%dma_start3A_563, %dma_start3A_564] : memref<10240x64xf32, #tpu.memory_space<vmem_shared>> -> memref<10240x64xf32, #tpu.memory_space<vmem_shared>>
      tpu.enqueue_indirect_dma source(%dma_start3A_559 : memref<128x64xf32, #tpu.memory_space<vmem>>) target(%dma_start3A_565 : memref<10240x64xf32, #tpu.memory_space<vmem_shared>>) offsets(%dma_start3A_562 : memref<128xi32, #tpu.memory_space<vmem>>) semaphore(%arg19 : memref<!tpu.dma_semaphore, #tpu.memory_space<semaphore_mem>>) {add = true}
      %add3A_566 = arith.constant 3 : i32
      %add3A_567 = arith.addi %add3A_320, %add3A_566 : i32
      %dma_wait3A_568 = arith.constant 3 : i32
      %dma_wait3A_569 = arith.constant 0 : i32
      %dma_wait3A_570 = arith.constant 0 : i32
      %dma_wait3A_571 = tpu.memref_slice %arg8[%dma_wait3A_568, %dma_wait3A_569, %dma_wait3A_570] : memref<6x128x64xf32, #tpu.memory_space<vmem>> -> memref<1x128x64xf32, #tpu.memory_space<vmem>>
      %dma_wait3A_572 = tpu.memref_squeeze %dma_wait3A_571 : memref<1x128x64xf32, #tpu.memory_space<vmem>> -> memref<128x64xf32, #tpu.memory_space<vmem>>
      %dma_wait3A_573 = arith.constant 0 : i32
      %dma_wait3A_574 = tpu.memref_slice %arg6[%add3A_567, %dma_wait3A_573] : memref<79x128xi32, #tpu.memory_space<vmem>> -> memref<1x128xi32, #tpu.memory_space<vmem>>
      %dma_wait3A_575 = tpu.memref_squeeze %dma_wait3A_574 : memref<1x128xi32, #tpu.memory_space<vmem>> -> memref<128xi32, #tpu.memory_space<vmem>>
      %dma_wait3A_576 = arith.constant 0 : i32
      %dma_wait3A_577 = arith.constant 0 : i32
      %dma_wait3A_578 = tpu.memref_slice %arg2[%dma_wait3A_576, %dma_wait3A_577] : memref<10240x64xf32, #tpu.memory_space<hbm>> -> memref<10240x64xf32, #tpu.memory_space<hbm>>
      tpu.wait_indirect_dma semaphore(%arg14 : memref<!tpu.dma_semaphore, #tpu.memory_space<semaphore_mem>>) src(%dma_wait3A_578 : memref<10240x64xf32, #tpu.memory_space<hbm>>) dst(%dma_wait3A_572 : memref<128x64xf32, #tpu.memory_space<vmem>>)
      %add3A_579 = arith.constant 3 : i32
      %add3A_580 = arith.addi %add3A_320, %add3A_579 : i32
      %dma_start3A_581 = arith.constant 3 : i32
      %dma_start3A_582 = arith.constant 0 : i32
      %dma_start3A_583 = arith.constant 0 : i32
      %dma_start3A_584 = tpu.memref_slice %arg8[%dma_start3A_581, %dma_start3A_582, %dma_start3A_583] : memref<6x128x64xf32, #tpu.memory_space<vmem>> -> memref<1x128x64xf32, #tpu.memory_space<vmem>>
      %dma_start3A_585 = tpu.memref_squeeze %dma_start3A_584 : memref<1x128x64xf32, #tpu.memory_space<vmem>> -> memref<128x64xf32, #tpu.memory_space<vmem>>
      %dma_start3A_586 = arith.constant 0 : i32
      %dma_start3A_587 = tpu.memref_slice %arg7[%add3A_580, %dma_start3A_586] : memref<79x128xi32, #tpu.memory_space<vmem>> -> memref<1x128xi32, #tpu.memory_space<vmem>>
      %dma_start3A_588 = tpu.memref_squeeze %dma_start3A_587 : memref<1x128xi32, #tpu.memory_space<vmem>> -> memref<128xi32, #tpu.memory_space<vmem>>
      %dma_start3A_589 = arith.constant 0 : i32
      %dma_start3A_590 = arith.constant 0 : i32
      %dma_start3A_591 = tpu.memref_slice %arg9[%dma_start3A_589, %dma_start3A_590] : memref<10240x64xf32, #tpu.memory_space<vmem_shared>> -> memref<10240x64xf32, #tpu.memory_space<vmem_shared>>
      tpu.enqueue_indirect_dma source(%dma_start3A_585 : memref<128x64xf32, #tpu.memory_space<vmem>>) target(%dma_start3A_591 : memref<10240x64xf32, #tpu.memory_space<vmem_shared>>) offsets(%dma_start3A_588 : memref<128xi32, #tpu.memory_space<vmem>>) semaphore(%arg20 : memref<!tpu.dma_semaphore, #tpu.memory_space<semaphore_mem>>) {add = true}
      %add3A_592 = arith.constant 4 : i32
      %add3A_593 = arith.addi %add3A_320, %add3A_592 : i32
      %dma_wait3A_594 = arith.constant 4 : i32
      %dma_wait3A_595 = arith.constant 0 : i32
      %dma_wait3A_596 = arith.constant 0 : i32
      %dma_wait3A_597 = tpu.memref_slice %arg8[%dma_wait3A_594, %dma_wait3A_595, %dma_wait3A_596] : memref<6x128x64xf32, #tpu.memory_space<vmem>> -> memref<1x128x64xf32, #tpu.memory_space<vmem>>
      %dma_wait3A_598 = tpu.memref_squeeze %dma_wait3A_597 : memref<1x128x64xf32, #tpu.memory_space<vmem>> -> memref<128x64xf32, #tpu.memory_space<vmem>>
      %dma_wait3A_599 = arith.constant 0 : i32
      %dma_wait3A_600 = tpu.memref_slice %arg6[%add3A_593, %dma_wait3A_599] : memref<79x128xi32, #tpu.memory_space<vmem>> -> memref<1x128xi32, #tpu.memory_space<vmem>>
      %dma_wait3A_601 = tpu.memref_squeeze %dma_wait3A_600 : memref<1x128xi32, #tpu.memory_space<vmem>> -> memref<128xi32, #tpu.memory_space<vmem>>
      %dma_wait3A_602 = arith.constant 0 : i32
      %dma_wait3A_603 = arith.constant 0 : i32
      %dma_wait3A_604 = tpu.memref_slice %arg2[%dma_wait3A_602, %dma_wait3A_603] : memref<10240x64xf32, #tpu.memory_space<hbm>> -> memref<10240x64xf32, #tpu.memory_space<hbm>>
      tpu.wait_indirect_dma semaphore(%arg15 : memref<!tpu.dma_semaphore, #tpu.memory_space<semaphore_mem>>) src(%dma_wait3A_604 : memref<10240x64xf32, #tpu.memory_space<hbm>>) dst(%dma_wait3A_598 : memref<128x64xf32, #tpu.memory_space<vmem>>)
      %add3A_605 = arith.constant 4 : i32
      %add3A_606 = arith.addi %add3A_320, %add3A_605 : i32
      %dma_start3A_607 = arith.constant 4 : i32
      %dma_start3A_608 = arith.constant 0 : i32
      %dma_start3A_609 = arith.constant 0 : i32
      %dma_start3A_610 = tpu.memref_slice %arg8[%dma_start3A_607, %dma_start3A_608, %dma_start3A_609] : memref<6x128x64xf32, #tpu.memory_space<vmem>> -> memref<1x128x64xf32, #tpu.memory_space<vmem>>
      %dma_start3A_611 = tpu.memref_squeeze %dma_start3A_610 : memref<1x128x64xf32, #tpu.memory_space<vmem>> -> memref<128x64xf32, #tpu.memory_space<vmem>>
      %dma_start3A_612 = arith.constant 0 : i32
      %dma_start3A_613 = tpu.memref_slice %arg7[%add3A_606, %dma_start3A_612] : memref<79x128xi32, #tpu.memory_space<vmem>> -> memref<1x128xi32, #tpu.memory_space<vmem>>
      %dma_start3A_614 = tpu.memref_squeeze %dma_start3A_613 : memref<1x128xi32, #tpu.memory_space<vmem>> -> memref<128xi32, #tpu.memory_space<vmem>>
      %dma_start3A_615 = arith.constant 0 : i32
      %dma_start3A_616 = arith.constant 0 : i32
      %dma_start3A_617 = tpu.memref_slice %arg9[%dma_start3A_615, %dma_start3A_616] : memref<10240x64xf32, #tpu.memory_space<vmem_shared>> -> memref<10240x64xf32, #tpu.memory_space<vmem_shared>>
      tpu.enqueue_indirect_dma source(%dma_start3A_611 : memref<128x64xf32, #tpu.memory_space<vmem>>) target(%dma_start3A_617 : memref<10240x64xf32, #tpu.memory_space<vmem_shared>>) offsets(%dma_start3A_614 : memref<128xi32, #tpu.memory_space<vmem>>) semaphore(%arg21 : memref<!tpu.dma_semaphore, #tpu.memory_space<semaphore_mem>>) {add = true}
      %add3A_618 = arith.constant 5 : i32
      %add3A_619 = arith.addi %add3A_320, %add3A_618 : i32
      %dma_wait3A_620 = arith.constant 5 : i32
      %dma_wait3A_621 = arith.constant 0 : i32
      %dma_wait3A_622 = arith.constant 0 : i32
      %dma_wait3A_623 = tpu.memref_slice %arg8[%dma_wait3A_620, %dma_wait3A_621, %dma_wait3A_622] : memref<6x128x64xf32, #tpu.memory_space<vmem>> -> memref<1x128x64xf32, #tpu.memory_space<vmem>>
      %dma_wait3A_624 = tpu.memref_squeeze %dma_wait3A_623 : memref<1x128x64xf32, #tpu.memory_space<vmem>> -> memref<128x64xf32, #tpu.memory_space<vmem>>
      %dma_wait3A_625 = arith.constant 0 : i32
      %dma_wait3A_626 = tpu.memref_slice %arg6[%add3A_619, %dma_wait3A_625] : memref<79x128xi32, #tpu.memory_space<vmem>> -> memref<1x128xi32, #tpu.memory_space<vmem>>
      %dma_wait3A_627 = tpu.memref_squeeze %dma_wait3A_626 : memref<1x128xi32, #tpu.memory_space<vmem>> -> memref<128xi32, #tpu.memory_space<vmem>>
      %dma_wait3A_628 = arith.constant 0 : i32
      %dma_wait3A_629 = arith.constant 0 : i32
      %dma_wait3A_630 = tpu.memref_slice %arg2[%dma_wait3A_628, %dma_wait3A_629] : memref<10240x64xf32, #tpu.memory_space<hbm>> -> memref<10240x64xf32, #tpu.memory_space<hbm>>
      tpu.wait_indirect_dma semaphore(%arg16 : memref<!tpu.dma_semaphore, #tpu.memory_space<semaphore_mem>>) src(%dma_wait3A_630 : memref<10240x64xf32, #tpu.memory_space<hbm>>) dst(%dma_wait3A_624 : memref<128x64xf32, #tpu.memory_space<vmem>>)
      %add3A_631 = arith.constant 5 : i32
      %add3A_632 = arith.addi %add3A_320, %add3A_631 : i32
      %dma_start3A_633 = arith.constant 5 : i32
      %dma_start3A_634 = arith.constant 0 : i32
      %dma_start3A_635 = arith.constant 0 : i32
      %dma_start3A_636 = tpu.memref_slice %arg8[%dma_start3A_633, %dma_start3A_634, %dma_start3A_635] : memref<6x128x64xf32, #tpu.memory_space<vmem>> -> memref<1x128x64xf32, #tpu.memory_space<vmem>>
      %dma_start3A_637 = tpu.memref_squeeze %dma_start3A_636 : memref<1x128x64xf32, #tpu.memory_space<vmem>> -> memref<128x64xf32, #tpu.memory_space<vmem>>
      %dma_start3A_638 = arith.constant 0 : i32
      %dma_start3A_639 = tpu.memref_slice %arg7[%add3A_632, %dma_start3A_638] : memref<79x128xi32, #tpu.memory_space<vmem>> -> memref<1x128xi32, #tpu.memory_space<vmem>>
      %dma_start3A_640 = tpu.memref_squeeze %dma_start3A_639 : memref<1x128xi32, #tpu.memory_space<vmem>> -> memref<128xi32, #tpu.memory_space<vmem>>
      %dma_start3A_641 = arith.constant 0 : i32
      %dma_start3A_642 = arith.constant 0 : i32
      %dma_start3A_643 = tpu.memref_slice %arg9[%dma_start3A_641, %dma_start3A_642] : memref<10240x64xf32, #tpu.memory_space<vmem_shared>> -> memref<10240x64xf32, #tpu.memory_space<vmem_shared>>
      tpu.enqueue_indirect_dma source(%dma_start3A_637 : memref<128x64xf32, #tpu.memory_space<vmem>>) target(%dma_start3A_643 : memref<10240x64xf32, #tpu.memory_space<vmem_shared>>) offsets(%dma_start3A_640 : memref<128xi32, #tpu.memory_space<vmem>>) semaphore(%arg22 : memref<!tpu.dma_semaphore, #tpu.memory_space<semaphore_mem>>) {add = true}
    }
    %scan3A_234 = arith.constant 12 : i32
    %dma_wait3A_235 = arith.constant 0 : i32
    %dma_wait3A_236 = arith.constant 72 : i32
    %dma_wait3A_237 = arith.constant 0 : i32
    %dma_wait3A_238 = arith.constant 0 : i32
    %dma_wait3A_239 = tpu.memref_slice %arg8[%dma_wait3A_235, %dma_wait3A_237, %dma_wait3A_238] : memref<6x128x64xf32, #tpu.memory_space<vmem>> -> memref<1x128x64xf32, #tpu.memory_space<vmem>>
    %dma_wait3A_240 = tpu.memref_squeeze %dma_wait3A_239 : memref<1x128x64xf32, #tpu.memory_space<vmem>> -> memref<128x64xf32, #tpu.memory_space<vmem>>
    %dma_wait3A_241 = arith.constant 0 : i32
    %dma_wait3A_242 = tpu.memref_slice %arg7[%dma_wait3A_236, %dma_wait3A_241] : memref<79x128xi32, #tpu.memory_space<vmem>> -> memref<1x128xi32, #tpu.memory_space<vmem>>
    %dma_wait3A_243 = tpu.memref_squeeze %dma_wait3A_242 : memref<1x128xi32, #tpu.memory_space<vmem>> -> memref<128xi32, #tpu.memory_space<vmem>>
    %dma_wait3A_244 = arith.constant 0 : i32
    %dma_wait3A_245 = arith.constant 0 : i32
    %dma_wait3A_246 = tpu.memref_slice %arg9[%dma_wait3A_244, %dma_wait3A_245] : memref<10240x64xf32, #tpu.memory_space<vmem_shared>> -> memref<10240x64xf32, #tpu.memory_space<vmem_shared>>
    tpu.wait_indirect_dma semaphore(%arg17 : memref<!tpu.dma_semaphore, #tpu.memory_space<semaphore_mem>>) src(%dma_wait3A_240 : memref<128x64xf32, #tpu.memory_space<vmem>>) dst(%dma_wait3A_246 : memref<10240x64xf32, #tpu.memory_space<vmem_shared>>)
    %dma_wait3A_247 = arith.constant 1 : i32
    %dma_wait3A_248 = arith.constant 73 : i32
    %dma_wait3A_249 = arith.constant 0 : i32
    %dma_wait3A_250 = arith.constant 0 : i32
    %dma_wait3A_251 = tpu.memref_slice %arg8[%dma_wait3A_247, %dma_wait3A_249, %dma_wait3A_250] : memref<6x128x64xf32, #tpu.memory_space<vmem>> -> memref<1x128x64xf32, #tpu.memory_space<vmem>>
    %dma_wait3A_252 = tpu.memref_squeeze %dma_wait3A_251 : memref<1x128x64xf32, #tpu.memory_space<vmem>> -> memref<128x64xf32, #tpu.memory_space<vmem>>
    %dma_wait3A_253 = arith.constant 0 : i32
    %dma_wait3A_254 = tpu.memref_slice %arg7[%dma_wait3A_248, %dma_wait3A_253] : memref<79x128xi32, #tpu.memory_space<vmem>> -> memref<1x128xi32, #tpu.memory_space<vmem>>
    %dma_wait3A_255 = tpu.memref_squeeze %dma_wait3A_254 : memref<1x128xi32, #tpu.memory_space<vmem>> -> memref<128xi32, #tpu.memory_space<vmem>>
    %dma_wait3A_256 = arith.constant 0 : i32
    %dma_wait3A_257 = arith.constant 0 : i32
    %dma_wait3A_258 = tpu.memref_slice %arg9[%dma_wait3A_256, %dma_wait3A_257] : memref<10240x64xf32, #tpu.memory_space<vmem_shared>> -> memref<10240x64xf32, #tpu.memory_space<vmem_shared>>
    tpu.wait_indirect_dma semaphore(%arg18 : memref<!tpu.dma_semaphore, #tpu.memory_space<semaphore_mem>>) src(%dma_wait3A_252 : memref<128x64xf32, #tpu.memory_space<vmem>>) dst(%dma_wait3A_258 : memref<10240x64xf32, #tpu.memory_space<vmem_shared>>)
    %dma_wait3A_259 = arith.constant 2 : i32
    %dma_wait3A_260 = arith.constant 74 : i32
    %dma_wait3A_261 = arith.constant 0 : i32
    %dma_wait3A_262 = arith.constant 0 : i32
    %dma_wait3A_263 = tpu.memref_slice %arg8[%dma_wait3A_259, %dma_wait3A_261, %dma_wait3A_262] : memref<6x128x64xf32, #tpu.memory_space<vmem>> -> memref<1x128x64xf32, #tpu.memory_space<vmem>>
    %dma_wait3A_264 = tpu.memref_squeeze %dma_wait3A_263 : memref<1x128x64xf32, #tpu.memory_space<vmem>> -> memref<128x64xf32, #tpu.memory_space<vmem>>
    %dma_wait3A_265 = arith.constant 0 : i32
    %dma_wait3A_266 = tpu.memref_slice %arg7[%dma_wait3A_260, %dma_wait3A_265] : memref<79x128xi32, #tpu.memory_space<vmem>> -> memref<1x128xi32, #tpu.memory_space<vmem>>
    %dma_wait3A_267 = tpu.memref_squeeze %dma_wait3A_266 : memref<1x128xi32, #tpu.memory_space<vmem>> -> memref<128xi32, #tpu.memory_space<vmem>>
    %dma_wait3A_268 = arith.constant 0 : i32
    %dma_wait3A_269 = arith.constant 0 : i32
    %dma_wait3A_270 = tpu.memref_slice %arg9[%dma_wait3A_268, %dma_wait3A_269] : memref<10240x64xf32, #tpu.memory_space<vmem_shared>> -> memref<10240x64xf32, #tpu.memory_space<vmem_shared>>
    tpu.wait_indirect_dma semaphore(%arg19 : memref<!tpu.dma_semaphore, #tpu.memory_space<semaphore_mem>>) src(%dma_wait3A_264 : memref<128x64xf32, #tpu.memory_space<vmem>>) dst(%dma_wait3A_270 : memref<10240x64xf32, #tpu.memory_space<vmem_shared>>)
    %dma_wait3A_271 = arith.constant 3 : i32
    %dma_wait3A_272 = arith.constant 75 : i32
    %dma_wait3A_273 = arith.constant 0 : i32
    %dma_wait3A_274 = arith.constant 0 : i32
    %dma_wait3A_275 = tpu.memref_slice %arg8[%dma_wait3A_271, %dma_wait3A_273, %dma_wait3A_274] : memref<6x128x64xf32, #tpu.memory_space<vmem>> -> memref<1x128x64xf32, #tpu.memory_space<vmem>>
    %dma_wait3A_276 = tpu.memref_squeeze %dma_wait3A_275 : memref<1x128x64xf32, #tpu.memory_space<vmem>> -> memref<128x64xf32, #tpu.memory_space<vmem>>
    %dma_wait3A_277 = arith.constant 0 : i32
    %dma_wait3A_278 = tpu.memref_slice %arg7[%dma_wait3A_272, %dma_wait3A_277] : memref<79x128xi32, #tpu.memory_space<vmem>> -> memref<1x128xi32, #tpu.memory_space<vmem>>
    %dma_wait3A_279 = tpu.memref_squeeze %dma_wait3A_278 : memref<1x128xi32, #tpu.memory_space<vmem>> -> memref<128xi32, #tpu.memory_space<vmem>>
    %dma_wait3A_280 = arith.constant 0 : i32
    %dma_wait3A_281 = arith.constant 0 : i32
    %dma_wait3A_282 = tpu.memref_slice %arg9[%dma_wait3A_280, %dma_wait3A_281] : memref<10240x64xf32, #tpu.memory_space<vmem_shared>> -> memref<10240x64xf32, #tpu.memory_space<vmem_shared>>
    tpu.wait_indirect_dma semaphore(%arg20 : memref<!tpu.dma_semaphore, #tpu.memory_space<semaphore_mem>>) src(%dma_wait3A_276 : memref<128x64xf32, #tpu.memory_space<vmem>>) dst(%dma_wait3A_282 : memref<10240x64xf32, #tpu.memory_space<vmem_shared>>)
    %dma_wait3A_283 = arith.constant 4 : i32
    %dma_wait3A_284 = arith.constant 76 : i32
    %dma_wait3A_285 = arith.constant 0 : i32
    %dma_wait3A_286 = arith.constant 0 : i32
    %dma_wait3A_287 = tpu.memref_slice %arg8[%dma_wait3A_283, %dma_wait3A_285, %dma_wait3A_286] : memref<6x128x64xf32, #tpu.memory_space<vmem>> -> memref<1x128x64xf32, #tpu.memory_space<vmem>>
    %dma_wait3A_288 = tpu.memref_squeeze %dma_wait3A_287 : memref<1x128x64xf32, #tpu.memory_space<vmem>> -> memref<128x64xf32, #tpu.memory_space<vmem>>
    %dma_wait3A_289 = arith.constant 0 : i32
    %dma_wait3A_290 = tpu.memref_slice %arg7[%dma_wait3A_284, %dma_wait3A_289] : memref<79x128xi32, #tpu.memory_space<vmem>> -> memref<1x128xi32, #tpu.memory_space<vmem>>
    %dma_wait3A_291 = tpu.memref_squeeze %dma_wait3A_290 : memref<1x128xi32, #tpu.memory_space<vmem>> -> memref<128xi32, #tpu.memory_space<vmem>>
    %dma_wait3A_292 = arith.constant 0 : i32
    %dma_wait3A_293 = arith.constant 0 : i32
    %dma_wait3A_294 = tpu.memref_slice %arg9[%dma_wait3A_292, %dma_wait3A_293] : memref<10240x64xf32, #tpu.memory_space<vmem_shared>> -> memref<10240x64xf32, #tpu.memory_space<vmem_shared>>
    tpu.wait_indirect_dma semaphore(%arg21 : memref<!tpu.dma_semaphore, #tpu.memory_space<semaphore_mem>>) src(%dma_wait3A_288 : memref<128x64xf32, #tpu.memory_space<vmem>>) dst(%dma_wait3A_294 : memref<10240x64xf32, #tpu.memory_space<vmem_shared>>)
    %dma_wait3A_295 = arith.constant 5 : i32
    %dma_wait3A_296 = arith.constant 77 : i32
    %dma_wait3A_297 = arith.constant 0 : i32
    %dma_wait3A_298 = arith.constant 0 : i32
    %dma_wait3A_299 = tpu.memref_slice %arg8[%dma_wait3A_295, %dma_wait3A_297, %dma_wait3A_298] : memref<6x128x64xf32, #tpu.memory_space<vmem>> -> memref<1x128x64xf32, #tpu.memory_space<vmem>>
    %dma_wait3A_300 = tpu.memref_squeeze %dma_wait3A_299 : memref<1x128x64xf32, #tpu.memory_space<vmem>> -> memref<128x64xf32, #tpu.memory_space<vmem>>
    %dma_wait3A_301 = arith.constant 0 : i32
    %dma_wait3A_302 = tpu.memref_slice %arg7[%dma_wait3A_296, %dma_wait3A_301] : memref<79x128xi32, #tpu.memory_space<vmem>> -> memref<1x128xi32, #tpu.memory_space<vmem>>
    %dma_wait3A_303 = tpu.memref_squeeze %dma_wait3A_302 : memref<1x128xi32, #tpu.memory_space<vmem>> -> memref<128xi32, #tpu.memory_space<vmem>>
    %dma_wait3A_304 = arith.constant 0 : i32
    %dma_wait3A_305 = arith.constant 0 : i32
    %dma_wait3A_306 = tpu.memref_slice %arg9[%dma_wait3A_304, %dma_wait3A_305] : memref<10240x64xf32, #tpu.memory_space<vmem_shared>> -> memref<10240x64xf32, #tpu.memory_space<vmem_shared>>
    tpu.wait_indirect_dma semaphore(%arg22 : memref<!tpu.dma_semaphore, #tpu.memory_space<semaphore_mem>>) src(%dma_wait3A_300 : memref<128x64xf32, #tpu.memory_space<vmem>>) dst(%dma_wait3A_306 : memref<10240x64xf32, #tpu.memory_space<vmem_shared>>)
    %convert_element_type3A_307 = arith.extui %lt3A_1 : i1 to i32
    %cond3A_308 = arith.constant 0 : i32
    %cond3A_309 = arith.cmpi ne, %convert_element_type3A_307, %cond3A_308 : i32
    scf.if %cond3A_309 {
      %run_scoped3A = arith.constant 78 : i32
      %run_scoped3A_316 = arith.constant 0 : i32
      "tpu.region"() ({
        %run_scoped3A_319 = tpu.sem_alloc : memref<!tpu.dma_semaphore, #tpu.memory_space<semaphore_mem>>
        %dma_start3A_320 = arith.constant 0 : i32
        %dma_start3A_321 = arith.constant 0 : i32
        %dma_start3A_322 = tpu.memref_slice %arg8[%run_scoped3A_316, %dma_start3A_320, %dma_start3A_321] : memref<6x128x64xf32, #tpu.memory_space<vmem>> -> memref<1x128x64xf32, #tpu.memory_space<vmem>>
        %dma_start3A_323 = tpu.memref_squeeze %dma_start3A_322 : memref<1x128x64xf32, #tpu.memory_space<vmem>> -> memref<128x64xf32, #tpu.memory_space<vmem>>
        %dma_start3A_324 = arith.constant 0 : i32
        %dma_start3A_325 = tpu.memref_slice %arg6[%run_scoped3A, %dma_start3A_324] : memref<79x128xi32, #tpu.memory_space<vmem>> -> memref<1x128xi32, #tpu.memory_space<vmem>>
        %dma_start3A_326 = tpu.memref_squeeze %dma_start3A_325 : memref<1x128xi32, #tpu.memory_space<vmem>> -> memref<128xi32, #tpu.memory_space<vmem>>
        %dma_start3A_327 = arith.constant 0 : i32
        %dma_start3A_328 = arith.constant 0 : i32
        %dma_start3A_329 = tpu.memref_slice %arg2[%dma_start3A_327, %dma_start3A_328] : memref<10240x64xf32, #tpu.memory_space<hbm>> -> memref<10240x64xf32, #tpu.memory_space<hbm>>
        tpu.enqueue_indirect_dma source(%dma_start3A_329 : memref<10240x64xf32, #tpu.memory_space<hbm>>) target(%dma_start3A_323 : memref<128x64xf32, #tpu.memory_space<vmem>>) offsets(%dma_start3A_326 : memref<128xi32, #tpu.memory_space<vmem>>) semaphore(%run_scoped3A_319 : memref<!tpu.dma_semaphore, #tpu.memory_space<semaphore_mem>>)
        %dma_wait3A_330 = arith.constant 0 : i32
        %dma_wait3A_331 = arith.constant 0 : i32
        %dma_wait3A_332 = tpu.memref_slice %arg8[%run_scoped3A_316, %dma_wait3A_330, %dma_wait3A_331] : memref<6x128x64xf32, #tpu.memory_space<vmem>> -> memref<1x128x64xf32, #tpu.memory_space<vmem>>
        %dma_wait3A_333 = tpu.memref_squeeze %dma_wait3A_332 : memref<1x128x64xf32, #tpu.memory_space<vmem>> -> memref<128x64xf32, #tpu.memory_space<vmem>>
        %dma_wait3A_334 = arith.constant 0 : i32
        %dma_wait3A_335 = tpu.memref_slice %arg6[%run_scoped3A, %dma_wait3A_334] : memref<79x128xi32, #tpu.memory_space<vmem>> -> memref<1x128xi32, #tpu.memory_space<vmem>>
        %dma_wait3A_336 = tpu.memref_squeeze %dma_wait3A_335 : memref<1x128xi32, #tpu.memory_space<vmem>> -> memref<128xi32, #tpu.memory_space<vmem>>
        %dma_wait3A_337 = arith.constant 0 : i32
        %dma_wait3A_338 = arith.constant 0 : i32
        %dma_wait3A_339 = tpu.memref_slice %arg2[%dma_wait3A_337, %dma_wait3A_338] : memref<10240x64xf32, #tpu.memory_space<hbm>> -> memref<10240x64xf32, #tpu.memory_space<hbm>>
        tpu.wait_indirect_dma semaphore(%run_scoped3A_319 : memref<!tpu.dma_semaphore, #tpu.memory_space<semaphore_mem>>) src(%dma_wait3A_339 : memref<10240x64xf32, #tpu.memory_space<hbm>>) dst(%dma_wait3A_333 : memref<128x64xf32, #tpu.memory_space<vmem>>)
        tpu.yield
      }) : () -> ()
      %run_scoped3A_317 = arith.constant 0 : i32
      %run_scoped3A_318 = arith.constant 78 : i32
      "tpu.region"() ({
        %run_scoped3A_319 = tpu.sem_alloc : memref<!tpu.dma_semaphore, #tpu.memory_space<semaphore_mem>>
        %dma_start3A_320 = arith.constant 0 : i32
        %dma_start3A_321 = arith.constant 0 : i32
        %dma_start3A_322 = tpu.memref_slice %arg8[%run_scoped3A_317, %dma_start3A_320, %dma_start3A_321] : memref<6x128x64xf32, #tpu.memory_space<vmem>> -> memref<1x128x64xf32, #tpu.memory_space<vmem>>
        %dma_start3A_323 = tpu.memref_squeeze %dma_start3A_322 : memref<1x128x64xf32, #tpu.memory_space<vmem>> -> memref<128x64xf32, #tpu.memory_space<vmem>>
        %dma_start3A_324 = arith.constant 0 : i32
        %dma_start3A_325 = tpu.memref_slice %arg7[%run_scoped3A_318, %dma_start3A_324] : memref<79x128xi32, #tpu.memory_space<vmem>> -> memref<1x128xi32, #tpu.memory_space<vmem>>
        %dma_start3A_326 = tpu.memref_squeeze %dma_start3A_325 : memref<1x128xi32, #tpu.memory_space<vmem>> -> memref<128xi32, #tpu.memory_space<vmem>>
        %dma_start3A_327 = arith.constant 0 : i32
        %dma_start3A_328 = arith.constant 0 : i32
        %dma_start3A_329 = tpu.memref_slice %arg9[%dma_start3A_327, %dma_start3A_328] : memref<10240x64xf32, #tpu.memory_space<vmem_shared>> -> memref<10240x64xf32, #tpu.memory_space<vmem_shared>>
        tpu.enqueue_indirect_dma source(%dma_start3A_323 : memref<128x64xf32, #tpu.memory_space<vmem>>) target(%dma_start3A_329 : memref<10240x64xf32, #tpu.memory_space<vmem_shared>>) offsets(%dma_start3A_326 : memref<128xi32, #tpu.memory_space<vmem>>) semaphore(%run_scoped3A_319 : memref<!tpu.dma_semaphore, #tpu.memory_space<semaphore_mem>>) {add = true}
        %dma_wait3A_330 = arith.constant 0 : i32
        %dma_wait3A_331 = arith.constant 0 : i32
        %dma_wait3A_332 = tpu.memref_slice %arg8[%run_scoped3A_317, %dma_wait3A_330, %dma_wait3A_331] : memref<6x128x64xf32, #tpu.memory_space<vmem>> -> memref<1x128x64xf32, #tpu.memory_space<vmem>>
        %dma_wait3A_333 = tpu.memref_squeeze %dma_wait3A_332 : memref<1x128x64xf32, #tpu.memory_space<vmem>> -> memref<128x64xf32, #tpu.memory_space<vmem>>
        %dma_wait3A_334 = arith.constant 0 : i32
        %dma_wait3A_335 = tpu.memref_slice %arg7[%run_scoped3A_318, %dma_wait3A_334] : memref<79x128xi32, #tpu.memory_space<vmem>> -> memref<1x128xi32, #tpu.memory_space<vmem>>
        %dma_wait3A_336 = tpu.memref_squeeze %dma_wait3A_335 : memref<1x128xi32, #tpu.memory_space<vmem>> -> memref<128xi32, #tpu.memory_space<vmem>>
        %dma_wait3A_337 = arith.constant 0 : i32
        %dma_wait3A_338 = arith.constant 0 : i32
        %dma_wait3A_339 = tpu.memref_slice %arg9[%dma_wait3A_337, %dma_wait3A_338] : memref<10240x64xf32, #tpu.memory_space<vmem_shared>> -> memref<10240x64xf32, #tpu.memory_space<vmem_shared>>
        tpu.wait_indirect_dma semaphore(%run_scoped3A_319 : memref<!tpu.dma_semaphore, #tpu.memory_space<semaphore_mem>>) src(%dma_wait3A_333 : memref<128x64xf32, #tpu.memory_space<vmem>>) dst(%dma_wait3A_339 : memref<10240x64xf32, #tpu.memory_space<vmem_shared>>)
        tpu.yield
      }) : () -> ()
    } else {
    }
    %barrier3A_310 = arith.constant 0 : index
    tpu.barrier barrier_id(%barrier3A_310)
    %scan3A_311 = arith.constant 0 : i32
    %scan3A_312 = arith.constant 5 : i32
    %scan3A_313 = arith.addi %scan3A_311, %scan3A_312 : i32
    %scan3A_314 = arith.constant 1 : i32
    scf.for %scan3A_316 = %scan3A_311 to %scan3A_313 step %scan3A_314  : i32 {
      %mul3A_317 = arith.constant 128 : i32
      %mul3A_318 = arith.muli %scan3A_316, %mul3A_317 : i32
      %add3A_319 = arith.constant 0 : i32
      %add3A_320 = arith.addi %add3A_319, %mul3A_318 : i32
      %mul3A_321 = arith.constant 640 : i32
      %mul3A_322 = arith.muli %arg1, %mul3A_321 : i32
      %add3A_323 = arith.addi %mul3A_322, %add3A_320 : i32
      %run_scoped3A = arith.constant 0 : i32
      "tpu.region"() ({
        %run_scoped3A_328 = tpu.sem_alloc : memref<!tpu.dma_semaphore, #tpu.memory_space<semaphore_mem>>
        %dma_start3A_329 = arith.constant 0 : i32
        %dma_start3A_330 = arith.constant 0 : i32
        %dma_start3A_331 = tpu.memref_slice %arg8[%run_scoped3A, %dma_start3A_329, %dma_start3A_330] : memref<6x128x64xf32, #tpu.memory_space<vmem>> -> memref<1x128x64xf32, #tpu.memory_space<vmem>>
        %dma_start3A_332 = tpu.memref_squeeze %dma_start3A_331 : memref<1x128x64xf32, #tpu.memory_space<vmem>> -> memref<128x64xf32, #tpu.memory_space<vmem>>
        %dma_start3A_333 = arith.constant 0 : i32
        %dma_start3A_334 = tpu.memref_slice %arg9[%add3A_323, %dma_start3A_333] : memref<10240x64xf32, #tpu.memory_space<vmem_shared>> -> memref<128x64xf32, #tpu.memory_space<vmem_shared>>
        %dma_start3A_335 = arith.constant 0 : i32
        %dma_start3A_336 = arith.constant 0 : i32
        %dma_start3A_337 = tpu.memref_slice %arg8[%run_scoped3A, %dma_start3A_335, %dma_start3A_336] : memref<6x128x64xf32, #tpu.memory_space<vmem>> -> memref<1x128x64xf32, #tpu.memory_space<vmem>>
        %dma_start3A_338 = tpu.memref_squeeze %dma_start3A_337 : memref<1x128x64xf32, #tpu.memory_space<vmem>> -> memref<128x64xf32, #tpu.memory_space<vmem>>
        %dma_start3A_339 = arith.constant 0 : i32
        %dma_start3A_340 = tpu.memref_slice %arg9[%add3A_323, %dma_start3A_339] : memref<10240x64xf32, #tpu.memory_space<vmem_shared>> -> memref<128x64xf32, #tpu.memory_space<vmem_shared>>
        tpu.enqueue_dma source(%dma_start3A_340 : memref<128x64xf32, #tpu.memory_space<vmem_shared>>) target(%dma_start3A_338 : memref<128x64xf32, #tpu.memory_space<vmem>>) target_semaphore(%run_scoped3A_328 : memref<!tpu.dma_semaphore, #tpu.memory_space<semaphore_mem>>)
        %dma_wait3A_341 = arith.constant 0 : i32
        %dma_wait3A_342 = arith.constant 0 : i32
        %dma_wait3A_343 = tpu.memref_slice %arg8[%run_scoped3A, %dma_wait3A_341, %dma_wait3A_342] : memref<6x128x64xf32, #tpu.memory_space<vmem>> -> memref<1x128x64xf32, #tpu.memory_space<vmem>>
        %dma_wait3A_344 = tpu.memref_squeeze %dma_wait3A_343 : memref<1x128x64xf32, #tpu.memory_space<vmem>> -> memref<128x64xf32, #tpu.memory_space<vmem>>
        %dma_wait3A_345 = arith.constant 0 : i32
        %dma_wait3A_346 = tpu.memref_slice %arg9[%add3A_323, %dma_wait3A_345] : memref<10240x64xf32, #tpu.memory_space<vmem_shared>> -> memref<128x64xf32, #tpu.memory_space<vmem_shared>>
        %dma_wait3A_347 = arith.constant 0 : i32
        %dma_wait3A_348 = arith.constant 0 : i32
        %dma_wait3A_349 = tpu.memref_slice %arg8[%run_scoped3A, %dma_wait3A_347, %dma_wait3A_348] : memref<6x128x64xf32, #tpu.memory_space<vmem>> -> memref<1x128x64xf32, #tpu.memory_space<vmem>>
        %dma_wait3A_350 = tpu.memref_squeeze %dma_wait3A_349 : memref<1x128x64xf32, #tpu.memory_space<vmem>> -> memref<128x64xf32, #tpu.memory_space<vmem>>
        %dma_wait3A_351 = arith.constant 0 : i32
        %dma_wait3A_352 = tpu.memref_slice %arg9[%add3A_323, %dma_wait3A_351] : memref<10240x64xf32, #tpu.memory_space<vmem_shared>> -> memref<128x64xf32, #tpu.memory_space<vmem_shared>>
        tpu.wait_dma2 semaphore(%run_scoped3A_328 : memref<!tpu.dma_semaphore, #tpu.memory_space<semaphore_mem>>) src(%dma_wait3A_352 : memref<128x64xf32, #tpu.memory_space<vmem_shared>>) dst(%dma_wait3A_350 : memref<128x64xf32, #tpu.memory_space<vmem>>)
        tpu.yield
      }) : () -> ()
      %mul3A_324 = arith.constant 640 : i32
      %mul3A_325 = arith.muli %arg1, %mul3A_324 : i32
      %add3A_326 = arith.addi %mul3A_325, %add3A_320 : i32
      %run_scoped3A_327 = arith.constant 0 : i32
      "tpu.region"() ({
        %run_scoped3A_328 = tpu.sem_alloc : memref<!tpu.dma_semaphore, #tpu.memory_space<semaphore_mem>>
        %dma_start3A_329 = arith.constant 0 : i32
        %dma_start3A_330 = arith.constant 0 : i32
        %dma_start3A_331 = tpu.memref_slice %arg8[%run_scoped3A_327, %dma_start3A_329, %dma_start3A_330] : memref<6x128x64xf32, #tpu.memory_space<vmem>> -> memref<1x128x64xf32, #tpu.memory_space<vmem>>
        %dma_start3A_332 = tpu.memref_squeeze %dma_start3A_331 : memref<1x128x64xf32, #tpu.memory_space<vmem>> -> memref<128x64xf32, #tpu.memory_space<vmem>>
        %dma_start3A_333 = arith.constant 0 : i32
        %dma_start3A_334 = tpu.memref_slice %arg5[%arg0, %add3A_326, %dma_start3A_333] : memref<2x10240x64xf32, #tpu.memory_space<hbm>> -> memref<1x128x64xf32, #tpu.memory_space<hbm>>
        %dma_start3A_335 = tpu.memref_squeeze %dma_start3A_334 : memref<1x128x64xf32, #tpu.memory_space<hbm>> -> memref<128x64xf32, #tpu.memory_space<hbm>>
        %dma_start3A_336 = arith.constant 0 : i32
        %dma_start3A_337 = tpu.memref_slice %arg5[%arg0, %add3A_326, %dma_start3A_336] : memref<2x10240x64xf32, #tpu.memory_space<hbm>> -> memref<1x128x64xf32, #tpu.memory_space<hbm>>
        %dma_start3A_338 = tpu.memref_squeeze %dma_start3A_337 : memref<1x128x64xf32, #tpu.memory_space<hbm>> -> memref<128x64xf32, #tpu.memory_space<hbm>>
        %dma_start3A_339 = arith.constant 0 : i32
        %dma_start3A_340 = arith.constant 0 : i32
        %dma_start3A_341 = tpu.memref_slice %arg8[%run_scoped3A_327, %dma_start3A_339, %dma_start3A_340] : memref<6x128x64xf32, #tpu.memory_space<vmem>> -> memref<1x128x64xf32, #tpu.memory_space<vmem>>
        %dma_start3A_342 = tpu.memref_squeeze %dma_start3A_341 : memref<1x128x64xf32, #tpu.memory_space<vmem>> -> memref<128x64xf32, #tpu.memory_space<vmem>>
        tpu.enqueue_dma source(%dma_start3A_342 : memref<128x64xf32, #tpu.memory_space<vmem>>) target(%dma_start3A_338 : memref<128x64xf32, #tpu.memory_space<hbm>>) target_semaphore(%run_scoped3A_328 : memref<!tpu.dma_semaphore, #tpu.memory_space<semaphore_mem>>)
        %dma_wait3A_343 = arith.constant 0 : i32
        %dma_wait3A_344 = arith.constant 0 : i32
        %dma_wait3A_345 = tpu.memref_slice %arg8[%run_scoped3A_327, %dma_wait3A_343, %dma_wait3A_344] : memref<6x128x64xf32, #tpu.memory_space<vmem>> -> memref<1x128x64xf32, #tpu.memory_space<vmem>>
        %dma_wait3A_346 = tpu.memref_squeeze %dma_wait3A_345 : memref<1x128x64xf32, #tpu.memory_space<vmem>> -> memref<128x64xf32, #tpu.memory_space<vmem>>
        %dma_wait3A_347 = arith.constant 0 : i32
        %dma_wait3A_348 = tpu.memref_slice %arg5[%arg0, %add3A_326, %dma_wait3A_347] : memref<2x10240x64xf32, #tpu.memory_space<hbm>> -> memref<1x128x64xf32, #tpu.memory_space<hbm>>
        %dma_wait3A_349 = tpu.memref_squeeze %dma_wait3A_348 : memref<1x128x64xf32, #tpu.memory_space<hbm>> -> memref<128x64xf32, #tpu.memory_space<hbm>>
        %dma_wait3A_350 = arith.constant 0 : i32
        %dma_wait3A_351 = tpu.memref_slice %arg5[%arg0, %add3A_326, %dma_wait3A_350] : memref<2x10240x64xf32, #tpu.memory_space<hbm>> -> memref<1x128x64xf32, #tpu.memory_space<hbm>>
        %dma_wait3A_352 = tpu.memref_squeeze %dma_wait3A_351 : memref<1x128x64xf32, #tpu.memory_space<hbm>> -> memref<128x64xf32, #tpu.memory_space<hbm>>
        %dma_wait3A_353 = arith.constant 0 : i32
        %dma_wait3A_354 = arith.constant 0 : i32
        %dma_wait3A_355 = tpu.memref_slice %arg8[%run_scoped3A_327, %dma_wait3A_353, %dma_wait3A_354] : memref<6x128x64xf32, #tpu.memory_space<vmem>> -> memref<1x128x64xf32, #tpu.memory_space<vmem>>
        %dma_wait3A_356 = tpu.memref_squeeze %dma_wait3A_355 : memref<1x128x64xf32, #tpu.memory_space<vmem>> -> memref<128x64xf32, #tpu.memory_space<vmem>>
        tpu.wait_dma2 semaphore(%run_scoped3A_328 : memref<!tpu.dma_semaphore, #tpu.memory_space<semaphore_mem>>) src(%dma_wait3A_356 : memref<128x64xf32, #tpu.memory_space<vmem>>) dst(%dma_wait3A_352 : memref<128x64xf32, #tpu.memory_space<hbm>>)
        tpu.yield
      }) : () -> ()
    }
    %scan3A_315 = arith.constant 5 : i32
    return
  }
}

#map = affine_map<(d0, d1) -> (0, 0)>
#map1 = affine_map<(d0, d1) -> (0)>
module attributes {stable_mosaic.version = 14 : i64} {
  func.func @_sc_degree(%arg0: i32, %arg1: i32, %arg2: memref<2500x128xi32, #tpu.memory_space<hbm>>, %arg3: memref<20480xf32, #tpu.memory_space<hbm>>, %arg4: memref<79x128xi32, #tpu.memory_space<vmem>>, %arg5: memref<128xf32, #tpu.memory_space<vmem>>, %arg6: memref<640xf32, #tpu.memory_space<vmem>>, %arg7: memref<10240xf32, #tpu.memory_space<vmem_shared>>, %arg8: memref<!tpu.dma_semaphore, #tpu.memory_space<semaphore_mem>>) attributes {dimension_semantics = [#tpu.dimension_semantics<core_parallel>, #tpu.dimension_semantics<subcore_parallel>], iteration_bounds = array<i64: 2, 16>, scalar_prefetch = 0 : i64, scratch_operands = 5 : i64, tpu.core_type = #tpu.core_type<sc_vector_subcore>, window_params = [{transform_indices = #map}, {transform_indices = #map1}]} {
    %mul3A = arith.constant 16 : i32
    %mul3A_0 = arith.muli %arg0, %mul3A : i32
    %add3A = arith.addi %mul3A_0, %arg1 : i32
    %scan3A = arith.constant 0 : i32
    %scan3A_1 = arith.constant 8 : i32
    %scan3A_2 = arith.addi %scan3A, %scan3A_1 : i32
    %scan3A_3 = arith.constant 1 : i32
    scf.for %scan3A_34 = %scan3A to %scan3A_2 step %scan3A_3  : i32 {
      %mul3A_35 = arith.constant 16 : i32
      %mul3A_36 = arith.muli %scan3A_34, %mul3A_35 : i32
      %add3A_37 = arith.constant 0 : i32
      %add3A_38 = arith.addi %add3A_37, %mul3A_36 : i32
      %broadcast_in_dim3A = arith.constant 1.000000e+00 : f32
      %broadcast_in_dim3A_39 = vector.broadcast %broadcast_in_dim3A : f32 to vector<16xf32>
      %swap3A = arith.index_cast %add3A_38 : i32 to index
      %swap3A_40 = tpu.vector_load %arg5[%swap3A] {strides = array<i32>} : memref<128xf32, #tpu.memory_space<vmem>>, vector<16xf32>,
      %swap3A_41 = vector.shape_cast %swap3A_40 : vector<16xf32> to vector<16xf32>
      %swap3A_42 = vector.shape_cast %broadcast_in_dim3A_39 : vector<16xf32> to vector<16xf32>
      tpu.vector_store %arg5[%swap3A], %swap3A_42 {strides = array<i32>} : memref<128xf32, #tpu.memory_space<vmem>>, vector<16xf32>,
    }
    %scan3A_4 = arith.constant 8 : i32
    %scan3A_5 = arith.constant 0 : i32
    %scan3A_6 = arith.constant 40 : i32
    %scan3A_7 = arith.addi %scan3A_5, %scan3A_6 : i32
    %scan3A_8 = arith.constant 1 : i32
    scf.for %scan3A_34 = %scan3A_5 to %scan3A_7 step %scan3A_8  : i32 {
      %mul3A_35 = arith.constant 16 : i32
      %mul3A_36 = arith.muli %scan3A_34, %mul3A_35 : i32
      %add3A_37 = arith.constant 0 : i32
      %add3A_38 = arith.addi %add3A_37, %mul3A_36 : i32
      %broadcast_in_dim3A = arith.constant 0.000000e+00 : f32
      %broadcast_in_dim3A_39 = vector.broadcast %broadcast_in_dim3A : f32 to vector<16xf32>
      %swap3A = arith.index_cast %add3A_38 : i32 to index
      %swap3A_40 = tpu.vector_load %arg6[%swap3A] {strides = array<i32>} : memref<640xf32, #tpu.memory_space<vmem>>, vector<16xf32>,
      %swap3A_41 = vector.shape_cast %swap3A_40 : vector<16xf32> to vector<16xf32>
      %swap3A_42 = vector.shape_cast %broadcast_in_dim3A_39 : vector<16xf32> to vector<16xf32>
      tpu.vector_store %arg6[%swap3A], %swap3A_42 {strides = array<i32>} : memref<640xf32, #tpu.memory_space<vmem>>, vector<16xf32>,
    }
    %scan3A_9 = arith.constant 40 : i32
    %mul3A_10 = arith.constant 640 : i32
    %mul3A_11 = arith.muli %arg1, %mul3A_10 : i32
    "tpu.region"() ({
      %run_scoped3A = tpu.sem_alloc : memref<!tpu.dma_semaphore, #tpu.memory_space<semaphore_mem>>
      %dma_start3A = tpu.memref_slice %arg7[%mul3A_11] : memref<10240xf32, #tpu.memory_space<vmem_shared>> -> memref<640xf32, #tpu.memory_space<vmem_shared>>
      %dma_start3A_34 = tpu.memref_slice %arg7[%mul3A_11] : memref<10240xf32, #tpu.memory_space<vmem_shared>> -> memref<640xf32, #tpu.memory_space<vmem_shared>>
      tpu.enqueue_dma source(%arg6 : memref<640xf32, #tpu.memory_space<vmem>>) target(%dma_start3A_34 : memref<640xf32, #tpu.memory_space<vmem_shared>>) target_semaphore(%run_scoped3A : memref<!tpu.dma_semaphore, #tpu.memory_space<semaphore_mem>>)
      %dma_wait3A = tpu.memref_slice %arg7[%mul3A_11] : memref<10240xf32, #tpu.memory_space<vmem_shared>> -> memref<640xf32, #tpu.memory_space<vmem_shared>>
      %dma_wait3A_35 = tpu.memref_slice %arg7[%mul3A_11] : memref<10240xf32, #tpu.memory_space<vmem_shared>> -> memref<640xf32, #tpu.memory_space<vmem_shared>>
      tpu.wait_dma2 semaphore(%run_scoped3A : memref<!tpu.dma_semaphore, #tpu.memory_space<semaphore_mem>>) src(%arg6 : memref<640xf32, #tpu.memory_space<vmem>>) dst(%dma_wait3A_35 : memref<640xf32, #tpu.memory_space<vmem_shared>>)
      tpu.yield
    }) : () -> ()
    %mul3A_12 = arith.constant 78 : i32
    %mul3A_13 = arith.muli %add3A, %mul3A_12 : i32
    "tpu.region"() ({
      %run_scoped3A = tpu.sem_alloc : memref<!tpu.dma_semaphore, #tpu.memory_space<semaphore_mem>>
      %dma_start3A = arith.constant 0 : i32
      %dma_start3A_34 = arith.constant 0 : i32
      %dma_start3A_35 = tpu.memref_slice %arg4[%dma_start3A, %dma_start3A_34] : memref<79x128xi32, #tpu.memory_space<vmem>> -> memref<78x128xi32, #tpu.memory_space<vmem>>
      %dma_start3A_36 = arith.constant 0 : i32
      %dma_start3A_37 = tpu.memref_slice %arg2[%mul3A_13, %dma_start3A_36] : memref<2500x128xi32, #tpu.memory_space<hbm>> -> memref<78x128xi32, #tpu.memory_space<hbm>>
      %dma_start3A_38 = arith.constant 0 : i32
      %dma_start3A_39 = arith.constant 0 : i32
      %dma_start3A_40 = tpu.memref_slice %arg4[%dma_start3A_38, %dma_start3A_39] : memref<79x128xi32, #tpu.memory_space<vmem>> -> memref<78x128xi32, #tpu.memory_space<vmem>>
      %dma_start3A_41 = arith.constant 0 : i32
      %dma_start3A_42 = tpu.memref_slice %arg2[%mul3A_13, %dma_start3A_41] : memref<2500x128xi32, #tpu.memory_space<hbm>> -> memref<78x128xi32, #tpu.memory_space<hbm>>
      tpu.enqueue_dma source(%dma_start3A_42 : memref<78x128xi32, #tpu.memory_space<hbm>>) target(%dma_start3A_40 : memref<78x128xi32, #tpu.memory_space<vmem>>) target_semaphore(%run_scoped3A : memref<!tpu.dma_semaphore, #tpu.memory_space<semaphore_mem>>)
      %dma_wait3A = arith.constant 0 : i32
      %dma_wait3A_43 = arith.constant 0 : i32
      %dma_wait3A_44 = tpu.memref_slice %arg4[%dma_wait3A, %dma_wait3A_43] : memref<79x128xi32, #tpu.memory_space<vmem>> -> memref<78x128xi32, #tpu.memory_space<vmem>>
      %dma_wait3A_45 = arith.constant 0 : i32
      %dma_wait3A_46 = tpu.memref_slice %arg2[%mul3A_13, %dma_wait3A_45] : memref<2500x128xi32, #tpu.memory_space<hbm>> -> memref<78x128xi32, #tpu.memory_space<hbm>>
      %dma_wait3A_47 = arith.constant 0 : i32
      %dma_wait3A_48 = arith.constant 0 : i32
      %dma_wait3A_49 = tpu.memref_slice %arg4[%dma_wait3A_47, %dma_wait3A_48] : memref<79x128xi32, #tpu.memory_space<vmem>> -> memref<78x128xi32, #tpu.memory_space<vmem>>
      %dma_wait3A_50 = arith.constant 0 : i32
      %dma_wait3A_51 = tpu.memref_slice %arg2[%mul3A_13, %dma_wait3A_50] : memref<2500x128xi32, #tpu.memory_space<hbm>> -> memref<78x128xi32, #tpu.memory_space<hbm>>
      tpu.wait_dma2 semaphore(%run_scoped3A : memref<!tpu.dma_semaphore, #tpu.memory_space<semaphore_mem>>) src(%dma_wait3A_51 : memref<78x128xi32, #tpu.memory_space<hbm>>) dst(%dma_wait3A_49 : memref<78x128xi32, #tpu.memory_space<vmem>>)
      tpu.yield
    }) : () -> ()
    %lt3A = arith.constant 4 : i32
    %lt3A_14 = arith.cmpi slt, %add3A, %lt3A : i32
    %convert_element_type3A = arith.extui %lt3A_14 : i1 to i32
    %cond3A = arith.constant 0 : i32
    %cond3A_15 = arith.cmpi ne, %convert_element_type3A, %cond3A : i32
    scf.if %cond3A_15 {
      %add3A_34 = arith.constant 2496 : i32
      %add3A_35 = arith.addi %add3A_34, %add3A : i32
      "tpu.region"() ({
        %run_scoped3A = tpu.sem_alloc : memref<!tpu.dma_semaphore, #tpu.memory_space<semaphore_mem>>
        %dma_start3A = arith.constant 78 : i32
        %dma_start3A_36 = arith.constant 0 : i32
        %dma_start3A_37 = tpu.memref_slice %arg4[%dma_start3A, %dma_start3A_36] : memref<79x128xi32, #tpu.memory_space<vmem>> -> memref<1x128xi32, #tpu.memory_space<vmem>>
        %dma_start3A_38 = arith.constant 0 : i32
        %dma_start3A_39 = tpu.memref_slice %arg2[%add3A_35, %dma_start3A_38] : memref<2500x128xi32, #tpu.memory_space<hbm>> -> memref<1x128xi32, #tpu.memory_space<hbm>>
        %dma_start3A_40 = arith.constant 78 : i32
        %dma_start3A_41 = arith.constant 0 : i32
        %dma_start3A_42 = tpu.memref_slice %arg4[%dma_start3A_40, %dma_start3A_41] : memref<79x128xi32, #tpu.memory_space<vmem>> -> memref<1x128xi32, #tpu.memory_space<vmem>>
        %dma_start3A_43 = arith.constant 0 : i32
        %dma_start3A_44 = tpu.memref_slice %arg2[%add3A_35, %dma_start3A_43] : memref<2500x128xi32, #tpu.memory_space<hbm>> -> memref<1x128xi32, #tpu.memory_space<hbm>>
        tpu.enqueue_dma source(%dma_start3A_44 : memref<1x128xi32, #tpu.memory_space<hbm>>) target(%dma_start3A_42 : memref<1x128xi32, #tpu.memory_space<vmem>>) target_semaphore(%run_scoped3A : memref<!tpu.dma_semaphore, #tpu.memory_space<semaphore_mem>>)
        %dma_wait3A = arith.constant 78 : i32
        %dma_wait3A_45 = arith.constant 0 : i32
        %dma_wait3A_46 = tpu.memref_slice %arg4[%dma_wait3A, %dma_wait3A_45] : memref<79x128xi32, #tpu.memory_space<vmem>> -> memref<1x128xi32, #tpu.memory_space<vmem>>
        %dma_wait3A_47 = arith.constant 0 : i32
        %dma_wait3A_48 = tpu.memref_slice %arg2[%add3A_35, %dma_wait3A_47] : memref<2500x128xi32, #tpu.memory_space<hbm>> -> memref<1x128xi32, #tpu.memory_space<hbm>>
        %dma_wait3A_49 = arith.constant 78 : i32
        %dma_wait3A_50 = arith.constant 0 : i32
        %dma_wait3A_51 = tpu.memref_slice %arg4[%dma_wait3A_49, %dma_wait3A_50] : memref<79x128xi32, #tpu.memory_space<vmem>> -> memref<1x128xi32, #tpu.memory_space<vmem>>
        %dma_wait3A_52 = arith.constant 0 : i32
        %dma_wait3A_53 = tpu.memref_slice %arg2[%add3A_35, %dma_wait3A_52] : memref<2500x128xi32, #tpu.memory_space<hbm>> -> memref<1x128xi32, #tpu.memory_space<hbm>>
        tpu.wait_dma2 semaphore(%run_scoped3A : memref<!tpu.dma_semaphore, #tpu.memory_space<semaphore_mem>>) src(%dma_wait3A_53 : memref<1x128xi32, #tpu.memory_space<hbm>>) dst(%dma_wait3A_51 : memref<1x128xi32, #tpu.memory_space<vmem>>)
        tpu.yield
      }) : () -> ()
    } else {
    }
    %barrier3A = arith.constant 0 : index
    tpu.barrier barrier_id(%barrier3A)
    %scan3A_16 = arith.constant 0 : i32
    %scan3A_17 = arith.constant 6 : i32
    %scan3A_18 = arith.addi %scan3A_16, %scan3A_17 : i32
    %scan3A_19 = arith.constant 1 : i32
    scf.for %scan3A_34 = %scan3A_16 to %scan3A_18 step %scan3A_19  : i32 {
      %mul3A_35 = arith.constant 13 : i32
      %mul3A_36 = arith.muli %scan3A_34, %mul3A_35 : i32
      %add3A_37 = arith.constant 0 : i32
      %add3A_38 = arith.addi %add3A_37, %mul3A_36 : i32
      %add3A_39 = arith.constant 0 : i32
      %add3A_40 = arith.addi %add3A_38, %add3A_39 : i32
      %dma_start3A = arith.constant 0 : i32
      %dma_start3A_41 = tpu.memref_slice %arg4[%add3A_40, %dma_start3A] : memref<79x128xi32, #tpu.memory_space<vmem>> -> memref<1x128xi32, #tpu.memory_space<vmem>>
      %dma_start3A_42 = tpu.memref_squeeze %dma_start3A_41 : memref<1x128xi32, #tpu.memory_space<vmem>> -> memref<128xi32, #tpu.memory_space<vmem>>
      %dma_start3A_43 = arith.constant 0 : i32
      %dma_start3A_44 = tpu.memref_slice %arg7[%dma_start3A_43] : memref<10240xf32, #tpu.memory_space<vmem_shared>> -> memref<10240xf32, #tpu.memory_space<vmem_shared>>
      tpu.enqueue_indirect_dma source(%arg5 : memref<128xf32, #tpu.memory_space<vmem>>) target(%dma_start3A_44 : memref<10240xf32, #tpu.memory_space<vmem_shared>>) offsets(%dma_start3A_42 : memref<128xi32, #tpu.memory_space<vmem>>) semaphore(%arg8 : memref<!tpu.dma_semaphore, #tpu.memory_space<semaphore_mem>>) {add = true}
      %add3A_45 = arith.constant 1 : i32
      %add3A_46 = arith.addi %add3A_38, %add3A_45 : i32
      %dma_start3A_47 = arith.constant 0 : i32
      %dma_start3A_48 = tpu.memref_slice %arg4[%add3A_46, %dma_start3A_47] : memref<79x128xi32, #tpu.memory_space<vmem>> -> memref<1x128xi32, #tpu.memory_space<vmem>>
      %dma_start3A_49 = tpu.memref_squeeze %dma_start3A_48 : memref<1x128xi32, #tpu.memory_space<vmem>> -> memref<128xi32, #tpu.memory_space<vmem>>
      %dma_start3A_50 = arith.constant 0 : i32
      %dma_start3A_51 = tpu.memref_slice %arg7[%dma_start3A_50] : memref<10240xf32, #tpu.memory_space<vmem_shared>> -> memref<10240xf32, #tpu.memory_space<vmem_shared>>
      tpu.enqueue_indirect_dma source(%arg5 : memref<128xf32, #tpu.memory_space<vmem>>) target(%dma_start3A_51 : memref<10240xf32, #tpu.memory_space<vmem_shared>>) offsets(%dma_start3A_49 : memref<128xi32, #tpu.memory_space<vmem>>) semaphore(%arg8 : memref<!tpu.dma_semaphore, #tpu.memory_space<semaphore_mem>>) {add = true}
      %add3A_52 = arith.constant 2 : i32
      %add3A_53 = arith.addi %add3A_38, %add3A_52 : i32
      %dma_start3A_54 = arith.constant 0 : i32
      %dma_start3A_55 = tpu.memref_slice %arg4[%add3A_53, %dma_start3A_54] : memref<79x128xi32, #tpu.memory_space<vmem>> -> memref<1x128xi32, #tpu.memory_space<vmem>>
      %dma_start3A_56 = tpu.memref_squeeze %dma_start3A_55 : memref<1x128xi32, #tpu.memory_space<vmem>> -> memref<128xi32, #tpu.memory_space<vmem>>
      %dma_start3A_57 = arith.constant 0 : i32
      %dma_start3A_58 = tpu.memref_slice %arg7[%dma_start3A_57] : memref<10240xf32, #tpu.memory_space<vmem_shared>> -> memref<10240xf32, #tpu.memory_space<vmem_shared>>
      tpu.enqueue_indirect_dma source(%arg5 : memref<128xf32, #tpu.memory_space<vmem>>) target(%dma_start3A_58 : memref<10240xf32, #tpu.memory_space<vmem_shared>>) offsets(%dma_start3A_56 : memref<128xi32, #tpu.memory_space<vmem>>) semaphore(%arg8 : memref<!tpu.dma_semaphore, #tpu.memory_space<semaphore_mem>>) {add = true}
      %add3A_59 = arith.constant 3 : i32
      %add3A_60 = arith.addi %add3A_38, %add3A_59 : i32
      %dma_start3A_61 = arith.constant 0 : i32
      %dma_start3A_62 = tpu.memref_slice %arg4[%add3A_60, %dma_start3A_61] : memref<79x128xi32, #tpu.memory_space<vmem>> -> memref<1x128xi32, #tpu.memory_space<vmem>>
      %dma_start3A_63 = tpu.memref_squeeze %dma_start3A_62 : memref<1x128xi32, #tpu.memory_space<vmem>> -> memref<128xi32, #tpu.memory_space<vmem>>
      %dma_start3A_64 = arith.constant 0 : i32
      %dma_start3A_65 = tpu.memref_slice %arg7[%dma_start3A_64] : memref<10240xf32, #tpu.memory_space<vmem_shared>> -> memref<10240xf32, #tpu.memory_space<vmem_shared>>
      tpu.enqueue_indirect_dma source(%arg5 : memref<128xf32, #tpu.memory_space<vmem>>) target(%dma_start3A_65 : memref<10240xf32, #tpu.memory_space<vmem_shared>>) offsets(%dma_start3A_63 : memref<128xi32, #tpu.memory_space<vmem>>) semaphore(%arg8 : memref<!tpu.dma_semaphore, #tpu.memory_space<semaphore_mem>>) {add = true}
      %add3A_66 = arith.constant 4 : i32
      %add3A_67 = arith.addi %add3A_38, %add3A_66 : i32
      %dma_start3A_68 = arith.constant 0 : i32
      %dma_start3A_69 = tpu.memref_slice %arg4[%add3A_67, %dma_start3A_68] : memref<79x128xi32, #tpu.memory_space<vmem>> -> memref<1x128xi32, #tpu.memory_space<vmem>>
      %dma_start3A_70 = tpu.memref_squeeze %dma_start3A_69 : memref<1x128xi32, #tpu.memory_space<vmem>> -> memref<128xi32, #tpu.memory_space<vmem>>
      %dma_start3A_71 = arith.constant 0 : i32
      %dma_start3A_72 = tpu.memref_slice %arg7[%dma_start3A_71] : memref<10240xf32, #tpu.memory_space<vmem_shared>> -> memref<10240xf32, #tpu.memory_space<vmem_shared>>
      tpu.enqueue_indirect_dma source(%arg5 : memref<128xf32, #tpu.memory_space<vmem>>) target(%dma_start3A_72 : memref<10240xf32, #tpu.memory_space<vmem_shared>>) offsets(%dma_start3A_70 : memref<128xi32, #tpu.memory_space<vmem>>) semaphore(%arg8 : memref<!tpu.dma_semaphore, #tpu.memory_space<semaphore_mem>>) {add = true}
      %add3A_73 = arith.constant 5 : i32
      %add3A_74 = arith.addi %add3A_38, %add3A_73 : i32
      %dma_start3A_75 = arith.constant 0 : i32
      %dma_start3A_76 = tpu.memref_slice %arg4[%add3A_74, %dma_start3A_75] : memref<79x128xi32, #tpu.memory_space<vmem>> -> memref<1x128xi32, #tpu.memory_space<vmem>>
      %dma_start3A_77 = tpu.memref_squeeze %dma_start3A_76 : memref<1x128xi32, #tpu.memory_space<vmem>> -> memref<128xi32, #tpu.memory_space<vmem>>
      %dma_start3A_78 = arith.constant 0 : i32
      %dma_start3A_79 = tpu.memref_slice %arg7[%dma_start3A_78] : memref<10240xf32, #tpu.memory_space<vmem_shared>> -> memref<10240xf32, #tpu.memory_space<vmem_shared>>
      tpu.enqueue_indirect_dma source(%arg5 : memref<128xf32, #tpu.memory_space<vmem>>) target(%dma_start3A_79 : memref<10240xf32, #tpu.memory_space<vmem_shared>>) offsets(%dma_start3A_77 : memref<128xi32, #tpu.memory_space<vmem>>) semaphore(%arg8 : memref<!tpu.dma_semaphore, #tpu.memory_space<semaphore_mem>>) {add = true}
      %add3A_80 = arith.constant 6 : i32
      %add3A_81 = arith.addi %add3A_38, %add3A_80 : i32
      %dma_start3A_82 = arith.constant 0 : i32
      %dma_start3A_83 = tpu.memref_slice %arg4[%add3A_81, %dma_start3A_82] : memref<79x128xi32, #tpu.memory_space<vmem>> -> memref<1x128xi32, #tpu.memory_space<vmem>>
      %dma_start3A_84 = tpu.memref_squeeze %dma_start3A_83 : memref<1x128xi32, #tpu.memory_space<vmem>> -> memref<128xi32, #tpu.memory_space<vmem>>
      %dma_start3A_85 = arith.constant 0 : i32
      %dma_start3A_86 = tpu.memref_slice %arg7[%dma_start3A_85] : memref<10240xf32, #tpu.memory_space<vmem_shared>> -> memref<10240xf32, #tpu.memory_space<vmem_shared>>
      tpu.enqueue_indirect_dma source(%arg5 : memref<128xf32, #tpu.memory_space<vmem>>) target(%dma_start3A_86 : memref<10240xf32, #tpu.memory_space<vmem_shared>>) offsets(%dma_start3A_84 : memref<128xi32, #tpu.memory_space<vmem>>) semaphore(%arg8 : memref<!tpu.dma_semaphore, #tpu.memory_space<semaphore_mem>>) {add = true}
      %add3A_87 = arith.constant 7 : i32
      %add3A_88 = arith.addi %add3A_38, %add3A_87 : i32
      %dma_start3A_89 = arith.constant 0 : i32
      %dma_start3A_90 = tpu.memref_slice %arg4[%add3A_88, %dma_start3A_89] : memref<79x128xi32, #tpu.memory_space<vmem>> -> memref<1x128xi32, #tpu.memory_space<vmem>>
      %dma_start3A_91 = tpu.memref_squeeze %dma_start3A_90 : memref<1x128xi32, #tpu.memory_space<vmem>> -> memref<128xi32, #tpu.memory_space<vmem>>
      %dma_start3A_92 = arith.constant 0 : i32
      %dma_start3A_93 = tpu.memref_slice %arg7[%dma_start3A_92] : memref<10240xf32, #tpu.memory_space<vmem_shared>> -> memref<10240xf32, #tpu.memory_space<vmem_shared>>
      tpu.enqueue_indirect_dma source(%arg5 : memref<128xf32, #tpu.memory_space<vmem>>) target(%dma_start3A_93 : memref<10240xf32, #tpu.memory_space<vmem_shared>>) offsets(%dma_start3A_91 : memref<128xi32, #tpu.memory_space<vmem>>) semaphore(%arg8 : memref<!tpu.dma_semaphore, #tpu.memory_space<semaphore_mem>>) {add = true}
      %add3A_94 = arith.constant 8 : i32
      %add3A_95 = arith.addi %add3A_38, %add3A_94 : i32
      %dma_start3A_96 = arith.constant 0 : i32
      %dma_start3A_97 = tpu.memref_slice %arg4[%add3A_95, %dma_start3A_96] : memref<79x128xi32, #tpu.memory_space<vmem>> -> memref<1x128xi32, #tpu.memory_space<vmem>>
      %dma_start3A_98 = tpu.memref_squeeze %dma_start3A_97 : memref<1x128xi32, #tpu.memory_space<vmem>> -> memref<128xi32, #tpu.memory_space<vmem>>
      %dma_start3A_99 = arith.constant 0 : i32
      %dma_start3A_100 = tpu.memref_slice %arg7[%dma_start3A_99] : memref<10240xf32, #tpu.memory_space<vmem_shared>> -> memref<10240xf32, #tpu.memory_space<vmem_shared>>
      tpu.enqueue_indirect_dma source(%arg5 : memref<128xf32, #tpu.memory_space<vmem>>) target(%dma_start3A_100 : memref<10240xf32, #tpu.memory_space<vmem_shared>>) offsets(%dma_start3A_98 : memref<128xi32, #tpu.memory_space<vmem>>) semaphore(%arg8 : memref<!tpu.dma_semaphore, #tpu.memory_space<semaphore_mem>>) {add = true}
      %add3A_101 = arith.constant 9 : i32
      %add3A_102 = arith.addi %add3A_38, %add3A_101 : i32
      %dma_start3A_103 = arith.constant 0 : i32
      %dma_start3A_104 = tpu.memref_slice %arg4[%add3A_102, %dma_start3A_103] : memref<79x128xi32, #tpu.memory_space<vmem>> -> memref<1x128xi32, #tpu.memory_space<vmem>>
      %dma_start3A_105 = tpu.memref_squeeze %dma_start3A_104 : memref<1x128xi32, #tpu.memory_space<vmem>> -> memref<128xi32, #tpu.memory_space<vmem>>
      %dma_start3A_106 = arith.constant 0 : i32
      %dma_start3A_107 = tpu.memref_slice %arg7[%dma_start3A_106] : memref<10240xf32, #tpu.memory_space<vmem_shared>> -> memref<10240xf32, #tpu.memory_space<vmem_shared>>
      tpu.enqueue_indirect_dma source(%arg5 : memref<128xf32, #tpu.memory_space<vmem>>) target(%dma_start3A_107 : memref<10240xf32, #tpu.memory_space<vmem_shared>>) offsets(%dma_start3A_105 : memref<128xi32, #tpu.memory_space<vmem>>) semaphore(%arg8 : memref<!tpu.dma_semaphore, #tpu.memory_space<semaphore_mem>>) {add = true}
      %add3A_108 = arith.constant 10 : i32
      %add3A_109 = arith.addi %add3A_38, %add3A_108 : i32
      %dma_start3A_110 = arith.constant 0 : i32
      %dma_start3A_111 = tpu.memref_slice %arg4[%add3A_109, %dma_start3A_110] : memref<79x128xi32, #tpu.memory_space<vmem>> -> memref<1x128xi32, #tpu.memory_space<vmem>>
      %dma_start3A_112 = tpu.memref_squeeze %dma_start3A_111 : memref<1x128xi32, #tpu.memory_space<vmem>> -> memref<128xi32, #tpu.memory_space<vmem>>
      %dma_start3A_113 = arith.constant 0 : i32
      %dma_start3A_114 = tpu.memref_slice %arg7[%dma_start3A_113] : memref<10240xf32, #tpu.memory_space<vmem_shared>> -> memref<10240xf32, #tpu.memory_space<vmem_shared>>
      tpu.enqueue_indirect_dma source(%arg5 : memref<128xf32, #tpu.memory_space<vmem>>) target(%dma_start3A_114 : memref<10240xf32, #tpu.memory_space<vmem_shared>>) offsets(%dma_start3A_112 : memref<128xi32, #tpu.memory_space<vmem>>) semaphore(%arg8 : memref<!tpu.dma_semaphore, #tpu.memory_space<semaphore_mem>>) {add = true}
      %add3A_115 = arith.constant 11 : i32
      %add3A_116 = arith.addi %add3A_38, %add3A_115 : i32
      %dma_start3A_117 = arith.constant 0 : i32
      %dma_start3A_118 = tpu.memref_slice %arg4[%add3A_116, %dma_start3A_117] : memref<79x128xi32, #tpu.memory_space<vmem>> -> memref<1x128xi32, #tpu.memory_space<vmem>>
      %dma_start3A_119 = tpu.memref_squeeze %dma_start3A_118 : memref<1x128xi32, #tpu.memory_space<vmem>> -> memref<128xi32, #tpu.memory_space<vmem>>
      %dma_start3A_120 = arith.constant 0 : i32
      %dma_start3A_121 = tpu.memref_slice %arg7[%dma_start3A_120] : memref<10240xf32, #tpu.memory_space<vmem_shared>> -> memref<10240xf32, #tpu.memory_space<vmem_shared>>
      tpu.enqueue_indirect_dma source(%arg5 : memref<128xf32, #tpu.memory_space<vmem>>) target(%dma_start3A_121 : memref<10240xf32, #tpu.memory_space<vmem_shared>>) offsets(%dma_start3A_119 : memref<128xi32, #tpu.memory_space<vmem>>) semaphore(%arg8 : memref<!tpu.dma_semaphore, #tpu.memory_space<semaphore_mem>>) {add = true}
      %add3A_122 = arith.constant 12 : i32
      %add3A_123 = arith.addi %add3A_38, %add3A_122 : i32
      %dma_start3A_124 = arith.constant 0 : i32
      %dma_start3A_125 = tpu.memref_slice %arg4[%add3A_123, %dma_start3A_124] : memref<79x128xi32, #tpu.memory_space<vmem>> -> memref<1x128xi32, #tpu.memory_space<vmem>>
      %dma_start3A_126 = tpu.memref_squeeze %dma_start3A_125 : memref<1x128xi32, #tpu.memory_space<vmem>> -> memref<128xi32, #tpu.memory_space<vmem>>
      %dma_start3A_127 = arith.constant 0 : i32
      %dma_start3A_128 = tpu.memref_slice %arg7[%dma_start3A_127] : memref<10240xf32, #tpu.memory_space<vmem_shared>> -> memref<10240xf32, #tpu.memory_space<vmem_shared>>
      tpu.enqueue_indirect_dma source(%arg5 : memref<128xf32, #tpu.memory_space<vmem>>) target(%dma_start3A_128 : memref<10240xf32, #tpu.memory_space<vmem_shared>>) offsets(%dma_start3A_126 : memref<128xi32, #tpu.memory_space<vmem>>) semaphore(%arg8 : memref<!tpu.dma_semaphore, #tpu.memory_space<semaphore_mem>>) {add = true}
      %add3A_129 = arith.constant 0 : i32
      %add3A_130 = arith.addi %add3A_38, %add3A_129 : i32
      %dma_wait3A = arith.constant 0 : i32
      %dma_wait3A_131 = tpu.memref_slice %arg4[%add3A_130, %dma_wait3A] : memref<79x128xi32, #tpu.memory_space<vmem>> -> memref<1x128xi32, #tpu.memory_space<vmem>>
      %dma_wait3A_132 = tpu.memref_squeeze %dma_wait3A_131 : memref<1x128xi32, #tpu.memory_space<vmem>> -> memref<128xi32, #tpu.memory_space<vmem>>
      %dma_wait3A_133 = arith.constant 0 : i32
      %dma_wait3A_134 = tpu.memref_slice %arg7[%dma_wait3A_133] : memref<10240xf32, #tpu.memory_space<vmem_shared>> -> memref<10240xf32, #tpu.memory_space<vmem_shared>>
      tpu.wait_indirect_dma semaphore(%arg8 : memref<!tpu.dma_semaphore, #tpu.memory_space<semaphore_mem>>) src(%arg5 : memref<128xf32, #tpu.memory_space<vmem>>) dst(%dma_wait3A_134 : memref<10240xf32, #tpu.memory_space<vmem_shared>>)
      %add3A_135 = arith.constant 1 : i32
      %add3A_136 = arith.addi %add3A_38, %add3A_135 : i32
      %dma_wait3A_137 = arith.constant 0 : i32
      %dma_wait3A_138 = tpu.memref_slice %arg4[%add3A_136, %dma_wait3A_137] : memref<79x128xi32, #tpu.memory_space<vmem>> -> memref<1x128xi32, #tpu.memory_space<vmem>>
      %dma_wait3A_139 = tpu.memref_squeeze %dma_wait3A_138 : memref<1x128xi32, #tpu.memory_space<vmem>> -> memref<128xi32, #tpu.memory_space<vmem>>
      %dma_wait3A_140 = arith.constant 0 : i32
      %dma_wait3A_141 = tpu.memref_slice %arg7[%dma_wait3A_140] : memref<10240xf32, #tpu.memory_space<vmem_shared>> -> memref<10240xf32, #tpu.memory_space<vmem_shared>>
      tpu.wait_indirect_dma semaphore(%arg8 : memref<!tpu.dma_semaphore, #tpu.memory_space<semaphore_mem>>) src(%arg5 : memref<128xf32, #tpu.memory_space<vmem>>) dst(%dma_wait3A_141 : memref<10240xf32, #tpu.memory_space<vmem_shared>>)
      %add3A_142 = arith.constant 2 : i32
      %add3A_143 = arith.addi %add3A_38, %add3A_142 : i32
      %dma_wait3A_144 = arith.constant 0 : i32
      %dma_wait3A_145 = tpu.memref_slice %arg4[%add3A_143, %dma_wait3A_144] : memref<79x128xi32, #tpu.memory_space<vmem>> -> memref<1x128xi32, #tpu.memory_space<vmem>>
      %dma_wait3A_146 = tpu.memref_squeeze %dma_wait3A_145 : memref<1x128xi32, #tpu.memory_space<vmem>> -> memref<128xi32, #tpu.memory_space<vmem>>
      %dma_wait3A_147 = arith.constant 0 : i32
      %dma_wait3A_148 = tpu.memref_slice %arg7[%dma_wait3A_147] : memref<10240xf32, #tpu.memory_space<vmem_shared>> -> memref<10240xf32, #tpu.memory_space<vmem_shared>>
      tpu.wait_indirect_dma semaphore(%arg8 : memref<!tpu.dma_semaphore, #tpu.memory_space<semaphore_mem>>) src(%arg5 : memref<128xf32, #tpu.memory_space<vmem>>) dst(%dma_wait3A_148 : memref<10240xf32, #tpu.memory_space<vmem_shared>>)
      %add3A_149 = arith.constant 3 : i32
      %add3A_150 = arith.addi %add3A_38, %add3A_149 : i32
      %dma_wait3A_151 = arith.constant 0 : i32
      %dma_wait3A_152 = tpu.memref_slice %arg4[%add3A_150, %dma_wait3A_151] : memref<79x128xi32, #tpu.memory_space<vmem>> -> memref<1x128xi32, #tpu.memory_space<vmem>>
      %dma_wait3A_153 = tpu.memref_squeeze %dma_wait3A_152 : memref<1x128xi32, #tpu.memory_space<vmem>> -> memref<128xi32, #tpu.memory_space<vmem>>
      %dma_wait3A_154 = arith.constant 0 : i32
      %dma_wait3A_155 = tpu.memref_slice %arg7[%dma_wait3A_154] : memref<10240xf32, #tpu.memory_space<vmem_shared>> -> memref<10240xf32, #tpu.memory_space<vmem_shared>>
      tpu.wait_indirect_dma semaphore(%arg8 : memref<!tpu.dma_semaphore, #tpu.memory_space<semaphore_mem>>) src(%arg5 : memref<128xf32, #tpu.memory_space<vmem>>) dst(%dma_wait3A_155 : memref<10240xf32, #tpu.memory_space<vmem_shared>>)
      %add3A_156 = arith.constant 4 : i32
      %add3A_157 = arith.addi %add3A_38, %add3A_156 : i32
      %dma_wait3A_158 = arith.constant 0 : i32
      %dma_wait3A_159 = tpu.memref_slice %arg4[%add3A_157, %dma_wait3A_158] : memref<79x128xi32, #tpu.memory_space<vmem>> -> memref<1x128xi32, #tpu.memory_space<vmem>>
      %dma_wait3A_160 = tpu.memref_squeeze %dma_wait3A_159 : memref<1x128xi32, #tpu.memory_space<vmem>> -> memref<128xi32, #tpu.memory_space<vmem>>
      %dma_wait3A_161 = arith.constant 0 : i32
      %dma_wait3A_162 = tpu.memref_slice %arg7[%dma_wait3A_161] : memref<10240xf32, #tpu.memory_space<vmem_shared>> -> memref<10240xf32, #tpu.memory_space<vmem_shared>>
      tpu.wait_indirect_dma semaphore(%arg8 : memref<!tpu.dma_semaphore, #tpu.memory_space<semaphore_mem>>) src(%arg5 : memref<128xf32, #tpu.memory_space<vmem>>) dst(%dma_wait3A_162 : memref<10240xf32, #tpu.memory_space<vmem_shared>>)
      %add3A_163 = arith.constant 5 : i32
      %add3A_164 = arith.addi %add3A_38, %add3A_163 : i32
      %dma_wait3A_165 = arith.constant 0 : i32
      %dma_wait3A_166 = tpu.memref_slice %arg4[%add3A_164, %dma_wait3A_165] : memref<79x128xi32, #tpu.memory_space<vmem>> -> memref<1x128xi32, #tpu.memory_space<vmem>>
      %dma_wait3A_167 = tpu.memref_squeeze %dma_wait3A_166 : memref<1x128xi32, #tpu.memory_space<vmem>> -> memref<128xi32, #tpu.memory_space<vmem>>
      %dma_wait3A_168 = arith.constant 0 : i32
      %dma_wait3A_169 = tpu.memref_slice %arg7[%dma_wait3A_168] : memref<10240xf32, #tpu.memory_space<vmem_shared>> -> memref<10240xf32, #tpu.memory_space<vmem_shared>>
      tpu.wait_indirect_dma semaphore(%arg8 : memref<!tpu.dma_semaphore, #tpu.memory_space<semaphore_mem>>) src(%arg5 : memref<128xf32, #tpu.memory_space<vmem>>) dst(%dma_wait3A_169 : memref<10240xf32, #tpu.memory_space<vmem_shared>>)
      %add3A_170 = arith.constant 6 : i32
      %add3A_171 = arith.addi %add3A_38, %add3A_170 : i32
      %dma_wait3A_172 = arith.constant 0 : i32
      %dma_wait3A_173 = tpu.memref_slice %arg4[%add3A_171, %dma_wait3A_172] : memref<79x128xi32, #tpu.memory_space<vmem>> -> memref<1x128xi32, #tpu.memory_space<vmem>>
      %dma_wait3A_174 = tpu.memref_squeeze %dma_wait3A_173 : memref<1x128xi32, #tpu.memory_space<vmem>> -> memref<128xi32, #tpu.memory_space<vmem>>
      %dma_wait3A_175 = arith.constant 0 : i32
      %dma_wait3A_176 = tpu.memref_slice %arg7[%dma_wait3A_175] : memref<10240xf32, #tpu.memory_space<vmem_shared>> -> memref<10240xf32, #tpu.memory_space<vmem_shared>>
      tpu.wait_indirect_dma semaphore(%arg8 : memref<!tpu.dma_semaphore, #tpu.memory_space<semaphore_mem>>) src(%arg5 : memref<128xf32, #tpu.memory_space<vmem>>) dst(%dma_wait3A_176 : memref<10240xf32, #tpu.memory_space<vmem_shared>>)
      %add3A_177 = arith.constant 7 : i32
      %add3A_178 = arith.addi %add3A_38, %add3A_177 : i32
      %dma_wait3A_179 = arith.constant 0 : i32
      %dma_wait3A_180 = tpu.memref_slice %arg4[%add3A_178, %dma_wait3A_179] : memref<79x128xi32, #tpu.memory_space<vmem>> -> memref<1x128xi32, #tpu.memory_space<vmem>>
      %dma_wait3A_181 = tpu.memref_squeeze %dma_wait3A_180 : memref<1x128xi32, #tpu.memory_space<vmem>> -> memref<128xi32, #tpu.memory_space<vmem>>
      %dma_wait3A_182 = arith.constant 0 : i32
      %dma_wait3A_183 = tpu.memref_slice %arg7[%dma_wait3A_182] : memref<10240xf32, #tpu.memory_space<vmem_shared>> -> memref<10240xf32, #tpu.memory_space<vmem_shared>>
      tpu.wait_indirect_dma semaphore(%arg8 : memref<!tpu.dma_semaphore, #tpu.memory_space<semaphore_mem>>) src(%arg5 : memref<128xf32, #tpu.memory_space<vmem>>) dst(%dma_wait3A_183 : memref<10240xf32, #tpu.memory_space<vmem_shared>>)
      %add3A_184 = arith.constant 8 : i32
      %add3A_185 = arith.addi %add3A_38, %add3A_184 : i32
      %dma_wait3A_186 = arith.constant 0 : i32
      %dma_wait3A_187 = tpu.memref_slice %arg4[%add3A_185, %dma_wait3A_186] : memref<79x128xi32, #tpu.memory_space<vmem>> -> memref<1x128xi32, #tpu.memory_space<vmem>>
      %dma_wait3A_188 = tpu.memref_squeeze %dma_wait3A_187 : memref<1x128xi32, #tpu.memory_space<vmem>> -> memref<128xi32, #tpu.memory_space<vmem>>
      %dma_wait3A_189 = arith.constant 0 : i32
      %dma_wait3A_190 = tpu.memref_slice %arg7[%dma_wait3A_189] : memref<10240xf32, #tpu.memory_space<vmem_shared>> -> memref<10240xf32, #tpu.memory_space<vmem_shared>>
      tpu.wait_indirect_dma semaphore(%arg8 : memref<!tpu.dma_semaphore, #tpu.memory_space<semaphore_mem>>) src(%arg5 : memref<128xf32, #tpu.memory_space<vmem>>) dst(%dma_wait3A_190 : memref<10240xf32, #tpu.memory_space<vmem_shared>>)
      %add3A_191 = arith.constant 9 : i32
      %add3A_192 = arith.addi %add3A_38, %add3A_191 : i32
      %dma_wait3A_193 = arith.constant 0 : i32
      %dma_wait3A_194 = tpu.memref_slice %arg4[%add3A_192, %dma_wait3A_193] : memref<79x128xi32, #tpu.memory_space<vmem>> -> memref<1x128xi32, #tpu.memory_space<vmem>>
      %dma_wait3A_195 = tpu.memref_squeeze %dma_wait3A_194 : memref<1x128xi32, #tpu.memory_space<vmem>> -> memref<128xi32, #tpu.memory_space<vmem>>
      %dma_wait3A_196 = arith.constant 0 : i32
      %dma_wait3A_197 = tpu.memref_slice %arg7[%dma_wait3A_196] : memref<10240xf32, #tpu.memory_space<vmem_shared>> -> memref<10240xf32, #tpu.memory_space<vmem_shared>>
      tpu.wait_indirect_dma semaphore(%arg8 : memref<!tpu.dma_semaphore, #tpu.memory_space<semaphore_mem>>) src(%arg5 : memref<128xf32, #tpu.memory_space<vmem>>) dst(%dma_wait3A_197 : memref<10240xf32, #tpu.memory_space<vmem_shared>>)
      %add3A_198 = arith.constant 10 : i32
      %add3A_199 = arith.addi %add3A_38, %add3A_198 : i32
      %dma_wait3A_200 = arith.constant 0 : i32
      %dma_wait3A_201 = tpu.memref_slice %arg4[%add3A_199, %dma_wait3A_200] : memref<79x128xi32, #tpu.memory_space<vmem>> -> memref<1x128xi32, #tpu.memory_space<vmem>>
      %dma_wait3A_202 = tpu.memref_squeeze %dma_wait3A_201 : memref<1x128xi32, #tpu.memory_space<vmem>> -> memref<128xi32, #tpu.memory_space<vmem>>
      %dma_wait3A_203 = arith.constant 0 : i32
      %dma_wait3A_204 = tpu.memref_slice %arg7[%dma_wait3A_203] : memref<10240xf32, #tpu.memory_space<vmem_shared>> -> memref<10240xf32, #tpu.memory_space<vmem_shared>>
      tpu.wait_indirect_dma semaphore(%arg8 : memref<!tpu.dma_semaphore, #tpu.memory_space<semaphore_mem>>) src(%arg5 : memref<128xf32, #tpu.memory_space<vmem>>) dst(%dma_wait3A_204 : memref<10240xf32, #tpu.memory_space<vmem_shared>>)
      %add3A_205 = arith.constant 11 : i32
      %add3A_206 = arith.addi %add3A_38, %add3A_205 : i32
      %dma_wait3A_207 = arith.constant 0 : i32
      %dma_wait3A_208 = tpu.memref_slice %arg4[%add3A_206, %dma_wait3A_207] : memref<79x128xi32, #tpu.memory_space<vmem>> -> memref<1x128xi32, #tpu.memory_space<vmem>>
      %dma_wait3A_209 = tpu.memref_squeeze %dma_wait3A_208 : memref<1x128xi32, #tpu.memory_space<vmem>> -> memref<128xi32, #tpu.memory_space<vmem>>
      %dma_wait3A_210 = arith.constant 0 : i32
      %dma_wait3A_211 = tpu.memref_slice %arg7[%dma_wait3A_210] : memref<10240xf32, #tpu.memory_space<vmem_shared>> -> memref<10240xf32, #tpu.memory_space<vmem_shared>>
      tpu.wait_indirect_dma semaphore(%arg8 : memref<!tpu.dma_semaphore, #tpu.memory_space<semaphore_mem>>) src(%arg5 : memref<128xf32, #tpu.memory_space<vmem>>) dst(%dma_wait3A_211 : memref<10240xf32, #tpu.memory_space<vmem_shared>>)
      %add3A_212 = arith.constant 12 : i32
      %add3A_213 = arith.addi %add3A_38, %add3A_212 : i32
      %dma_wait3A_214 = arith.constant 0 : i32
      %dma_wait3A_215 = tpu.memref_slice %arg4[%add3A_213, %dma_wait3A_214] : memref<79x128xi32, #tpu.memory_space<vmem>> -> memref<1x128xi32, #tpu.memory_space<vmem>>
      %dma_wait3A_216 = tpu.memref_squeeze %dma_wait3A_215 : memref<1x128xi32, #tpu.memory_space<vmem>> -> memref<128xi32, #tpu.memory_space<vmem>>
      %dma_wait3A_217 = arith.constant 0 : i32
      %dma_wait3A_218 = tpu.memref_slice %arg7[%dma_wait3A_217] : memref<10240xf32, #tpu.memory_space<vmem_shared>> -> memref<10240xf32, #tpu.memory_space<vmem_shared>>
      tpu.wait_indirect_dma semaphore(%arg8 : memref<!tpu.dma_semaphore, #tpu.memory_space<semaphore_mem>>) src(%arg5 : memref<128xf32, #tpu.memory_space<vmem>>) dst(%dma_wait3A_218 : memref<10240xf32, #tpu.memory_space<vmem_shared>>)
    }
    %scan3A_20 = arith.constant 6 : i32
    %lt3A_21 = arith.constant 4 : i32
    %lt3A_22 = arith.cmpi slt, %add3A, %lt3A_21 : i32
    %convert_element_type3A_23 = arith.extui %lt3A_22 : i1 to i32
    %cond3A_24 = arith.constant 0 : i32
    %cond3A_25 = arith.cmpi ne, %convert_element_type3A_23, %cond3A_24 : i32
    scf.if %cond3A_25 {
      %run_scoped3A = arith.constant 78 : i32
      "tpu.region"() ({
        %run_scoped3A_34 = tpu.sem_alloc : memref<!tpu.dma_semaphore, #tpu.memory_space<semaphore_mem>>
        %dma_start3A = arith.constant 0 : i32
        %dma_start3A_35 = tpu.memref_slice %arg4[%run_scoped3A, %dma_start3A] : memref<79x128xi32, #tpu.memory_space<vmem>> -> memref<1x128xi32, #tpu.memory_space<vmem>>
        %dma_start3A_36 = tpu.memref_squeeze %dma_start3A_35 : memref<1x128xi32, #tpu.memory_space<vmem>> -> memref<128xi32, #tpu.memory_space<vmem>>
        %dma_start3A_37 = arith.constant 0 : i32
        %dma_start3A_38 = tpu.memref_slice %arg7[%dma_start3A_37] : memref<10240xf32, #tpu.memory_space<vmem_shared>> -> memref<10240xf32, #tpu.memory_space<vmem_shared>>
        tpu.enqueue_indirect_dma source(%arg5 : memref<128xf32, #tpu.memory_space<vmem>>) target(%dma_start3A_38 : memref<10240xf32, #tpu.memory_space<vmem_shared>>) offsets(%dma_start3A_36 : memref<128xi32, #tpu.memory_space<vmem>>) semaphore(%run_scoped3A_34 : memref<!tpu.dma_semaphore, #tpu.memory_space<semaphore_mem>>) {add = true}
        %dma_wait3A = arith.constant 0 : i32
        %dma_wait3A_39 = tpu.memref_slice %arg4[%run_scoped3A, %dma_wait3A] : memref<79x128xi32, #tpu.memory_space<vmem>> -> memref<1x128xi32, #tpu.memory_space<vmem>>
        %dma_wait3A_40 = tpu.memref_squeeze %dma_wait3A_39 : memref<1x128xi32, #tpu.memory_space<vmem>> -> memref<128xi32, #tpu.memory_space<vmem>>
        %dma_wait3A_41 = arith.constant 0 : i32
        %dma_wait3A_42 = tpu.memref_slice %arg7[%dma_wait3A_41] : memref<10240xf32, #tpu.memory_space<vmem_shared>> -> memref<10240xf32, #tpu.memory_space<vmem_shared>>
        tpu.wait_indirect_dma semaphore(%run_scoped3A_34 : memref<!tpu.dma_semaphore, #tpu.memory_space<semaphore_mem>>) src(%arg5 : memref<128xf32, #tpu.memory_space<vmem>>) dst(%dma_wait3A_42 : memref<10240xf32, #tpu.memory_space<vmem_shared>>)
        tpu.yield
      }) : () -> ()
    } else {
    }
    %barrier3A_26 = arith.constant 0 : index
    tpu.barrier barrier_id(%barrier3A_26)
    %mul3A_27 = arith.constant 640 : i32
    %mul3A_28 = arith.muli %arg1, %mul3A_27 : i32
    "tpu.region"() ({
      %run_scoped3A = tpu.sem_alloc : memref<!tpu.dma_semaphore, #tpu.memory_space<semaphore_mem>>
      %dma_start3A = tpu.memref_slice %arg7[%mul3A_28] : memref<10240xf32, #tpu.memory_space<vmem_shared>> -> memref<640xf32, #tpu.memory_space<vmem_shared>>
      %dma_start3A_34 = tpu.memref_slice %arg7[%mul3A_28] : memref<10240xf32, #tpu.memory_space<vmem_shared>> -> memref<640xf32, #tpu.memory_space<vmem_shared>>
      tpu.enqueue_dma source(%dma_start3A_34 : memref<640xf32, #tpu.memory_space<vmem_shared>>) target(%arg6 : memref<640xf32, #tpu.memory_space<vmem>>) target_semaphore(%run_scoped3A : memref<!tpu.dma_semaphore, #tpu.memory_space<semaphore_mem>>)
      %dma_wait3A = tpu.memref_slice %arg7[%mul3A_28] : memref<10240xf32, #tpu.memory_space<vmem_shared>> -> memref<640xf32, #tpu.memory_space<vmem_shared>>
      %dma_wait3A_35 = tpu.memref_slice %arg7[%mul3A_28] : memref<10240xf32, #tpu.memory_space<vmem_shared>> -> memref<640xf32, #tpu.memory_space<vmem_shared>>
      tpu.wait_dma2 semaphore(%run_scoped3A : memref<!tpu.dma_semaphore, #tpu.memory_space<semaphore_mem>>) src(%dma_wait3A_35 : memref<640xf32, #tpu.memory_space<vmem_shared>>) dst(%arg6 : memref<640xf32, #tpu.memory_space<vmem>>)
      tpu.yield
    }) : () -> ()
    %mul3A_29 = arith.constant 10240 : i32
    %mul3A_30 = arith.muli %arg0, %mul3A_29 : i32
    %mul3A_31 = arith.constant 640 : i32
    %mul3A_32 = arith.muli %arg1, %mul3A_31 : i32
    %add3A_33 = arith.addi %mul3A_30, %mul3A_32 : i32
    "tpu.region"() ({
      %run_scoped3A = tpu.sem_alloc : memref<!tpu.dma_semaphore, #tpu.memory_space<semaphore_mem>>
      %dma_start3A = tpu.memref_slice %arg3[%add3A_33] : memref<20480xf32, #tpu.memory_space<hbm>> -> memref<640xf32, #tpu.memory_space<hbm>>
      %dma_start3A_34 = tpu.memref_slice %arg3[%add3A_33] : memref<20480xf32, #tpu.memory_space<hbm>> -> memref<640xf32, #tpu.memory_space<hbm>>
      tpu.enqueue_dma source(%arg6 : memref<640xf32, #tpu.memory_space<vmem>>) target(%dma_start3A_34 : memref<640xf32, #tpu.memory_space<hbm>>) target_semaphore(%run_scoped3A : memref<!tpu.dma_semaphore, #tpu.memory_space<semaphore_mem>>)
      %dma_wait3A = tpu.memref_slice %arg3[%add3A_33] : memref<20480xf32, #tpu.memory_space<hbm>> -> memref<640xf32, #tpu.memory_space<hbm>>
      %dma_wait3A_35 = tpu.memref_slice %arg3[%add3A_33] : memref<20480xf32, #tpu.memory_space<hbm>> -> memref<640xf32, #tpu.memory_space<hbm>>
      tpu.wait_dma2 semaphore(%run_scoped3A : memref<!tpu.dma_semaphore, #tpu.memory_space<semaphore_mem>>) src(%arg6 : memref<640xf32, #tpu.memory_space<vmem>>) dst(%dma_wait3A_35 : memref<640xf32, #tpu.memory_space<hbm>>)
      tpu.yield
    }) : () -> ()
    return
  }
}

#map = affine_map<(d0, d1) -> (0, 0)>
#map1 = affine_map<(d0, d1) -> (0, 0, 0)>
module attributes {stable_mosaic.version = 14 : i64} {
  func.func @_sc_aggregate(%arg0: i32, %arg1: i32, %arg2: memref<10240x64xf32, #tpu.memory_space<hbm>>, %arg3: memref<2500x128xi32, #tpu.memory_space<hbm>>, %arg4: memref<2500x128xi32, #tpu.memory_space<hbm>>, %arg5: memref<2x10240x64xf32, #tpu.memory_space<hbm>>, %arg6: memref<79x128xi32, #tpu.memory_space<vmem>>, %arg7: memref<79x128xi32, #tpu.memory_space<vmem>>, %arg8: memref<6x128x64xf32, #tpu.memory_space<vmem>>, %arg9: memref<10240x64xf32, #tpu.memory_space<vmem_shared>>, %arg10: memref<!tpu.dma_semaphore, #tpu.memory_space<semaphore_mem>>, %arg11: memref<!tpu.dma_semaphore, #tpu.memory_space<semaphore_mem>>, %arg12: memref<!tpu.dma_semaphore, #tpu.memory_space<semaphore_mem>>, %arg13: memref<!tpu.dma_semaphore, #tpu.memory_space<semaphore_mem>>, %arg14: memref<!tpu.dma_semaphore, #tpu.memory_space<semaphore_mem>>, %arg15: memref<!tpu.dma_semaphore, #tpu.memory_space<semaphore_mem>>, %arg16: memref<!tpu.dma_semaphore, #tpu.memory_space<semaphore_mem>>, %arg17: memref<!tpu.dma_semaphore, #tpu.memory_space<semaphore_mem>>, %arg18: memref<!tpu.dma_semaphore, #tpu.memory_space<semaphore_mem>>, %arg19: memref<!tpu.dma_semaphore, #tpu.memory_space<semaphore_mem>>, %arg20: memref<!tpu.dma_semaphore, #tpu.memory_space<semaphore_mem>>, %arg21: memref<!tpu.dma_semaphore, #tpu.memory_space<semaphore_mem>>, %arg22: memref<!tpu.dma_semaphore, #tpu.memory_space<semaphore_mem>>) attributes {dimension_semantics = [#tpu.dimension_semantics<core_parallel>, #tpu.dimension_semantics<subcore_parallel>], iteration_bounds = array<i64: 2, 16>, scalar_prefetch = 0 : i64, scratch_operands = 17 : i64, tpu.core_type = #tpu.core_type<sc_vector_subcore>, window_params = [{transform_indices = #map}, {transform_indices = #map}, {transform_indices = #map}, {transform_indices = #map1}]} {
    %mul3A = arith.constant 16 : i32
    %mul3A_0 = arith.muli %arg0, %mul3A : i32
    %add3A = arith.addi %mul3A_0, %arg1 : i32
    %lt3A = arith.constant 4 : i32
    %lt3A_1 = arith.cmpi slt, %add3A, %lt3A : i32
    %scan3A = arith.constant 0 : i32
    %scan3A_2 = arith.constant 128 : i32
    %scan3A_3 = arith.addi %scan3A, %scan3A_2 : i32
    %scan3A_4 = arith.constant 1 : i32
    scf.for %scan3A_316 = %scan3A to %scan3A_3 step %scan3A_4  : i32 {
      %mul3A_317 = arith.constant 1 : i32
      %mul3A_318 = arith.muli %scan3A_316, %mul3A_317 : i32
      %add3A_319 = arith.constant 0 : i32
      %add3A_320 = arith.addi %add3A_319, %mul3A_318 : i32
      %scan3A_321 = arith.constant 0 : i32
      %scan3A_322 = arith.constant 4 : i32
      %scan3A_323 = arith.addi %scan3A_321, %scan3A_322 : i32
      %scan3A_324 = arith.constant 1 : i32
      scf.for %scan3A_326 = %scan3A_321 to %scan3A_323 step %scan3A_324  : i32 {
        %mul3A_327 = arith.constant 16 : i32
        %mul3A_328 = arith.muli %scan3A_326, %mul3A_327 : i32
        %add3A_329 = arith.constant 0 : i32
        %add3A_330 = arith.addi %add3A_329, %mul3A_328 : i32
        %broadcast_in_dim3A = arith.constant 0.000000e+00 : f32
        %broadcast_in_dim3A_331 = vector.broadcast %broadcast_in_dim3A : f32 to vector<16xf32>
        %swap3A = arith.constant 0 : i32
        %swap3A_332 = arith.index_cast %swap3A : i32 to index
        %swap3A_333 = arith.index_cast %add3A_320 : i32 to index
        %swap3A_334 = arith.index_cast %add3A_330 : i32 to index
        %swap3A_335 = tpu.vector_load %arg8[%swap3A_332, %swap3A_333, %swap3A_334] {strides = array<i32>} : memref<6x128x64xf32, #tpu.memory_space<vmem>>, vector<1x1x16xf32>,
        %swap3A_336 = vector.shape_cast %swap3A_335 : vector<1x1x16xf32> to vector<16xf32>
        %swap3A_337 = vector.shape_cast %broadcast_in_dim3A_331 : vector<16xf32> to vector<1x1x16xf32>
        tpu.vector_store %arg8[%swap3A_332, %swap3A_333, %swap3A_334], %swap3A_337 {strides = array<i32>} : memref<6x128x64xf32, #tpu.memory_space<vmem>>, vector<1x1x16xf32>,
      }
      %scan3A_325 = arith.constant 4 : i32
    }
    %scan3A_5 = arith.constant 128 : i32
    %scan3A_6 = arith.constant 0 : i32
    %scan3A_7 = arith.constant 5 : i32
    %scan3A_8 = arith.addi %scan3A_6, %scan3A_7 : i32
    %scan3A_9 = arith.constant 1 : i32
    scf.for %scan3A_316 = %scan3A_6 to %scan3A_8 step %scan3A_9  : i32 {
      %mul3A_317 = arith.constant 128 : i32
      %mul3A_318 = arith.muli %scan3A_316, %mul3A_317 : i32
      %add3A_319 = arith.constant 0 : i32
      %add3A_320 = arith.addi %add3A_319, %mul3A_318 : i32
      %mul3A_321 = arith.constant 640 : i32
      %mul3A_322 = arith.muli %arg1, %mul3A_321 : i32
      %add3A_323 = arith.addi %mul3A_322, %add3A_320 : i32
      %run_scoped3A = arith.constant 0 : i32
      "tpu.region"() ({
        %run_scoped3A_324 = tpu.sem_alloc : memref<!tpu.dma_semaphore, #tpu.memory_space<semaphore_mem>>
        %dma_start3A_325 = arith.constant 0 : i32
        %dma_start3A_326 = arith.constant 0 : i32
        %dma_start3A_327 = tpu.memref_slice %arg8[%run_scoped3A, %dma_start3A_325, %dma_start3A_326] : memref<6x128x64xf32, #tpu.memory_space<vmem>> -> memref<1x128x64xf32, #tpu.memory_space<vmem>>
        %dma_start3A_328 = tpu.memref_squeeze %dma_start3A_327 : memref<1x128x64xf32, #tpu.memory_space<vmem>> -> memref<128x64xf32, #tpu.memory_space<vmem>>
        %dma_start3A_329 = arith.constant 0 : i32
        %dma_start3A_330 = tpu.memref_slice %arg9[%add3A_323, %dma_start3A_329] : memref<10240x64xf32, #tpu.memory_space<vmem_shared>> -> memref<128x64xf32, #tpu.memory_space<vmem_shared>>
        %dma_start3A_331 = arith.constant 0 : i32
        %dma_start3A_332 = tpu.memref_slice %arg9[%add3A_323, %dma_start3A_331] : memref<10240x64xf32, #tpu.memory_space<vmem_shared>> -> memref<128x64xf32, #tpu.memory_space<vmem_shared>>
        %dma_start3A_333 = arith.constant 0 : i32
        %dma_start3A_334 = arith.constant 0 : i32
        %dma_start3A_335 = tpu.memref_slice %arg8[%run_scoped3A, %dma_start3A_333, %dma_start3A_334] : memref<6x128x64xf32, #tpu.memory_space<vmem>> -> memref<1x128x64xf32, #tpu.memory_space<vmem>>
        %dma_start3A_336 = tpu.memref_squeeze %dma_start3A_335 : memref<1x128x64xf32, #tpu.memory_space<vmem>> -> memref<128x64xf32, #tpu.memory_space<vmem>>
        tpu.enqueue_dma source(%dma_start3A_336 : memref<128x64xf32, #tpu.memory_space<vmem>>) target(%dma_start3A_332 : memref<128x64xf32, #tpu.memory_space<vmem_shared>>) target_semaphore(%run_scoped3A_324 : memref<!tpu.dma_semaphore, #tpu.memory_space<semaphore_mem>>)
        %dma_wait3A_337 = arith.constant 0 : i32
        %dma_wait3A_338 = arith.constant 0 : i32
        %dma_wait3A_339 = tpu.memref_slice %arg8[%run_scoped3A, %dma_wait3A_337, %dma_wait3A_338] : memref<6x128x64xf32, #tpu.memory_space<vmem>> -> memref<1x128x64xf32, #tpu.memory_space<vmem>>
        %dma_wait3A_340 = tpu.memref_squeeze %dma_wait3A_339 : memref<1x128x64xf32, #tpu.memory_space<vmem>> -> memref<128x64xf32, #tpu.memory_space<vmem>>
        %dma_wait3A_341 = arith.constant 0 : i32
        %dma_wait3A_342 = tpu.memref_slice %arg9[%add3A_323, %dma_wait3A_341] : memref<10240x64xf32, #tpu.memory_space<vmem_shared>> -> memref<128x64xf32, #tpu.memory_space<vmem_shared>>
        %dma_wait3A_343 = arith.constant 0 : i32
        %dma_wait3A_344 = tpu.memref_slice %arg9[%add3A_323, %dma_wait3A_343] : memref<10240x64xf32, #tpu.memory_space<vmem_shared>> -> memref<128x64xf32, #tpu.memory_space<vmem_shared>>
        %dma_wait3A_345 = arith.constant 0 : i32
        %dma_wait3A_346 = arith.constant 0 : i32
        %dma_wait3A_347 = tpu.memref_slice %arg8[%run_scoped3A, %dma_wait3A_345, %dma_wait3A_346] : memref<6x128x64xf32, #tpu.memory_space<vmem>> -> memref<1x128x64xf32, #tpu.memory_space<vmem>>
        %dma_wait3A_348 = tpu.memref_squeeze %dma_wait3A_347 : memref<1x128x64xf32, #tpu.memory_space<vmem>> -> memref<128x64xf32, #tpu.memory_space<vmem>>
        tpu.wait_dma2 semaphore(%run_scoped3A_324 : memref<!tpu.dma_semaphore, #tpu.memory_space<semaphore_mem>>) src(%dma_wait3A_348 : memref<128x64xf32, #tpu.memory_space<vmem>>) dst(%dma_wait3A_344 : memref<128x64xf32, #tpu.memory_space<vmem_shared>>)
        tpu.yield
      }) : () -> ()
    }
    %scan3A_10 = arith.constant 5 : i32
    %mul3A_11 = arith.constant 78 : i32
    %mul3A_12 = arith.muli %add3A, %mul3A_11 : i32
    "tpu.region"() ({
      %run_scoped3A = tpu.sem_alloc : memref<!tpu.dma_semaphore, #tpu.memory_space<semaphore_mem>>
      %dma_start3A_316 = arith.constant 0 : i32
      %dma_start3A_317 = arith.constant 0 : i32
      %dma_start3A_318 = tpu.memref_slice %arg6[%dma_start3A_316, %dma_start3A_317] : memref<79x128xi32, #tpu.memory_space<vmem>> -> memref<78x128xi32, #tpu.memory_space<vmem>>
      %dma_start3A_319 = arith.constant 0 : i32
      %dma_start3A_320 = tpu.memref_slice %arg3[%mul3A_12, %dma_start3A_319] : memref<2500x128xi32, #tpu.memory_space<hbm>> -> memref<78x128xi32, #tpu.memory_space<hbm>>
      %dma_start3A_321 = arith.constant 0 : i32
      %dma_start3A_322 = arith.constant 0 : i32
      %dma_start3A_323 = tpu.memref_slice %arg6[%dma_start3A_321, %dma_start3A_322] : memref<79x128xi32, #tpu.memory_space<vmem>> -> memref<78x128xi32, #tpu.memory_space<vmem>>
      %dma_start3A_324 = arith.constant 0 : i32
      %dma_start3A_325 = tpu.memref_slice %arg3[%mul3A_12, %dma_start3A_324] : memref<2500x128xi32, #tpu.memory_space<hbm>> -> memref<78x128xi32, #tpu.memory_space<hbm>>
      tpu.enqueue_dma source(%dma_start3A_325 : memref<78x128xi32, #tpu.memory_space<hbm>>) target(%dma_start3A_323 : memref<78x128xi32, #tpu.memory_space<vmem>>) target_semaphore(%run_scoped3A : memref<!tpu.dma_semaphore, #tpu.memory_space<semaphore_mem>>)
      %dma_wait3A_326 = arith.constant 0 : i32
      %dma_wait3A_327 = arith.constant 0 : i32
      %dma_wait3A_328 = tpu.memref_slice %arg6[%dma_wait3A_326, %dma_wait3A_327] : memref<79x128xi32, #tpu.memory_space<vmem>> -> memref<78x128xi32, #tpu.memory_space<vmem>>
      %dma_wait3A_329 = arith.constant 0 : i32
      %dma_wait3A_330 = tpu.memref_slice %arg3[%mul3A_12, %dma_wait3A_329] : memref<2500x128xi32, #tpu.memory_space<hbm>> -> memref<78x128xi32, #tpu.memory_space<hbm>>
      %dma_wait3A_331 = arith.constant 0 : i32
      %dma_wait3A_332 = arith.constant 0 : i32
      %dma_wait3A_333 = tpu.memref_slice %arg6[%dma_wait3A_331, %dma_wait3A_332] : memref<79x128xi32, #tpu.memory_space<vmem>> -> memref<78x128xi32, #tpu.memory_space<vmem>>
      %dma_wait3A_334 = arith.constant 0 : i32
      %dma_wait3A_335 = tpu.memref_slice %arg3[%mul3A_12, %dma_wait3A_334] : memref<2500x128xi32, #tpu.memory_space<hbm>> -> memref<78x128xi32, #tpu.memory_space<hbm>>
      tpu.wait_dma2 semaphore(%run_scoped3A : memref<!tpu.dma_semaphore, #tpu.memory_space<semaphore_mem>>) src(%dma_wait3A_335 : memref<78x128xi32, #tpu.memory_space<hbm>>) dst(%dma_wait3A_333 : memref<78x128xi32, #tpu.memory_space<vmem>>)
      tpu.yield
    }) : () -> ()
    %mul3A_13 = arith.constant 78 : i32
    %mul3A_14 = arith.muli %add3A, %mul3A_13 : i32
    "tpu.region"() ({
      %run_scoped3A = tpu.sem_alloc : memref<!tpu.dma_semaphore, #tpu.memory_space<semaphore_mem>>
      %dma_start3A_316 = arith.constant 0 : i32
      %dma_start3A_317 = arith.constant 0 : i32
      %dma_start3A_318 = tpu.memref_slice %arg7[%dma_start3A_316, %dma_start3A_317] : memref<79x128xi32, #tpu.memory_space<vmem>> -> memref<78x128xi32, #tpu.memory_space<vmem>>
      %dma_start3A_319 = arith.constant 0 : i32
      %dma_start3A_320 = tpu.memref_slice %arg4[%mul3A_14, %dma_start3A_319] : memref<2500x128xi32, #tpu.memory_space<hbm>> -> memref<78x128xi32, #tpu.memory_space<hbm>>
      %dma_start3A_321 = arith.constant 0 : i32
      %dma_start3A_322 = arith.constant 0 : i32
      %dma_start3A_323 = tpu.memref_slice %arg7[%dma_start3A_321, %dma_start3A_322] : memref<79x128xi32, #tpu.memory_space<vmem>> -> memref<78x128xi32, #tpu.memory_space<vmem>>
      %dma_start3A_324 = arith.constant 0 : i32
      %dma_start3A_325 = tpu.memref_slice %arg4[%mul3A_14, %dma_start3A_324] : memref<2500x128xi32, #tpu.memory_space<hbm>> -> memref<78x128xi32, #tpu.memory_space<hbm>>
      tpu.enqueue_dma source(%dma_start3A_325 : memref<78x128xi32, #tpu.memory_space<hbm>>) target(%dma_start3A_323 : memref<78x128xi32, #tpu.memory_space<vmem>>) target_semaphore(%run_scoped3A : memref<!tpu.dma_semaphore, #tpu.memory_space<semaphore_mem>>)
      %dma_wait3A_326 = arith.constant 0 : i32
      %dma_wait3A_327 = arith.constant 0 : i32
      %dma_wait3A_328 = tpu.memref_slice %arg7[%dma_wait3A_326, %dma_wait3A_327] : memref<79x128xi32, #tpu.memory_space<vmem>> -> memref<78x128xi32, #tpu.memory_space<vmem>>
      %dma_wait3A_329 = arith.constant 0 : i32
      %dma_wait3A_330 = tpu.memref_slice %arg4[%mul3A_14, %dma_wait3A_329] : memref<2500x128xi32, #tpu.memory_space<hbm>> -> memref<78x128xi32, #tpu.memory_space<hbm>>
      %dma_wait3A_331 = arith.constant 0 : i32
      %dma_wait3A_332 = arith.constant 0 : i32
      %dma_wait3A_333 = tpu.memref_slice %arg7[%dma_wait3A_331, %dma_wait3A_332] : memref<79x128xi32, #tpu.memory_space<vmem>> -> memref<78x128xi32, #tpu.memory_space<vmem>>
      %dma_wait3A_334 = arith.constant 0 : i32
      %dma_wait3A_335 = tpu.memref_slice %arg4[%mul3A_14, %dma_wait3A_334] : memref<2500x128xi32, #tpu.memory_space<hbm>> -> memref<78x128xi32, #tpu.memory_space<hbm>>
      tpu.wait_dma2 semaphore(%run_scoped3A : memref<!tpu.dma_semaphore, #tpu.memory_space<semaphore_mem>>) src(%dma_wait3A_335 : memref<78x128xi32, #tpu.memory_space<hbm>>) dst(%dma_wait3A_333 : memref<78x128xi32, #tpu.memory_space<vmem>>)
      tpu.yield
    }) : () -> ()
    %convert_element_type3A = arith.extui %lt3A_1 : i1 to i32
    %cond3A = arith.constant 0 : i32
    %cond3A_15 = arith.cmpi ne, %convert_element_type3A, %cond3A : i32
    scf.if %cond3A_15 {
      %add3A_316 = arith.constant 2496 : i32
      %add3A_317 = arith.addi %add3A_316, %add3A : i32
      "tpu.region"() ({
        %run_scoped3A = tpu.sem_alloc : memref<!tpu.dma_semaphore, #tpu.memory_space<semaphore_mem>>
        %dma_start3A_320 = arith.constant 78 : i32
        %dma_start3A_321 = arith.constant 0 : i32
        %dma_start3A_322 = tpu.memref_slice %arg6[%dma_start3A_320, %dma_start3A_321] : memref<79x128xi32, #tpu.memory_space<vmem>> -> memref<1x128xi32, #tpu.memory_space<vmem>>
        %dma_start3A_323 = arith.constant 0 : i32
        %dma_start3A_324 = tpu.memref_slice %arg3[%add3A_317, %dma_start3A_323] : memref<2500x128xi32, #tpu.memory_space<hbm>> -> memref<1x128xi32, #tpu.memory_space<hbm>>
        %dma_start3A_325 = arith.constant 78 : i32
        %dma_start3A_326 = arith.constant 0 : i32
        %dma_start3A_327 = tpu.memref_slice %arg6[%dma_start3A_325, %dma_start3A_326] : memref<79x128xi32, #tpu.memory_space<vmem>> -> memref<1x128xi32, #tpu.memory_space<vmem>>
        %dma_start3A_328 = arith.constant 0 : i32
        %dma_start3A_329 = tpu.memref_slice %arg3[%add3A_317, %dma_start3A_328] : memref<2500x128xi32, #tpu.memory_space<hbm>> -> memref<1x128xi32, #tpu.memory_space<hbm>>
        tpu.enqueue_dma source(%dma_start3A_329 : memref<1x128xi32, #tpu.memory_space<hbm>>) target(%dma_start3A_327 : memref<1x128xi32, #tpu.memory_space<vmem>>) target_semaphore(%run_scoped3A : memref<!tpu.dma_semaphore, #tpu.memory_space<semaphore_mem>>)
        %dma_wait3A_330 = arith.constant 78 : i32
        %dma_wait3A_331 = arith.constant 0 : i32
        %dma_wait3A_332 = tpu.memref_slice %arg6[%dma_wait3A_330, %dma_wait3A_331] : memref<79x128xi32, #tpu.memory_space<vmem>> -> memref<1x128xi32, #tpu.memory_space<vmem>>
        %dma_wait3A_333 = arith.constant 0 : i32
        %dma_wait3A_334 = tpu.memref_slice %arg3[%add3A_317, %dma_wait3A_333] : memref<2500x128xi32, #tpu.memory_space<hbm>> -> memref<1x128xi32, #tpu.memory_space<hbm>>
        %dma_wait3A_335 = arith.constant 78 : i32
        %dma_wait3A_336 = arith.constant 0 : i32
        %dma_wait3A_337 = tpu.memref_slice %arg6[%dma_wait3A_335, %dma_wait3A_336] : memref<79x128xi32, #tpu.memory_space<vmem>> -> memref<1x128xi32, #tpu.memory_space<vmem>>
        %dma_wait3A_338 = arith.constant 0 : i32
        %dma_wait3A_339 = tpu.memref_slice %arg3[%add3A_317, %dma_wait3A_338] : memref<2500x128xi32, #tpu.memory_space<hbm>> -> memref<1x128xi32, #tpu.memory_space<hbm>>
        tpu.wait_dma2 semaphore(%run_scoped3A : memref<!tpu.dma_semaphore, #tpu.memory_space<semaphore_mem>>) src(%dma_wait3A_339 : memref<1x128xi32, #tpu.memory_space<hbm>>) dst(%dma_wait3A_337 : memref<1x128xi32, #tpu.memory_space<vmem>>)
        tpu.yield
      }) : () -> ()
      %add3A_318 = arith.constant 2496 : i32
      %add3A_319 = arith.addi %add3A_318, %add3A : i32
      "tpu.region"() ({
        %run_scoped3A = tpu.sem_alloc : memref<!tpu.dma_semaphore, #tpu.memory_space<semaphore_mem>>
        %dma_start3A_320 = arith.constant 78 : i32
        %dma_start3A_321 = arith.constant 0 : i32
        %dma_start3A_322 = tpu.memref_slice %arg7[%dma_start3A_320, %dma_start3A_321] : memref<79x128xi32, #tpu.memory_space<vmem>> -> memref<1x128xi32, #tpu.memory_space<vmem>>
        %dma_start3A_323 = arith.constant 0 : i32
        %dma_start3A_324 = tpu.memref_slice %arg4[%add3A_319, %dma_start3A_323] : memref<2500x128xi32, #tpu.memory_space<hbm>> -> memref<1x128xi32, #tpu.memory_space<hbm>>
        %dma_start3A_325 = arith.constant 78 : i32
        %dma_start3A_326 = arith.constant 0 : i32
        %dma_start3A_327 = tpu.memref_slice %arg7[%dma_start3A_325, %dma_start3A_326] : memref<79x128xi32, #tpu.memory_space<vmem>> -> memref<1x128xi32, #tpu.memory_space<vmem>>
        %dma_start3A_328 = arith.constant 0 : i32
        %dma_start3A_329 = tpu.memref_slice %arg4[%add3A_319, %dma_start3A_328] : memref<2500x128xi32, #tpu.memory_space<hbm>> -> memref<1x128xi32, #tpu.memory_space<hbm>>
        tpu.enqueue_dma source(%dma_start3A_329 : memref<1x128xi32, #tpu.memory_space<hbm>>) target(%dma_start3A_327 : memref<1x128xi32, #tpu.memory_space<vmem>>) target_semaphore(%run_scoped3A : memref<!tpu.dma_semaphore, #tpu.memory_space<semaphore_mem>>)
        %dma_wait3A_330 = arith.constant 78 : i32
        %dma_wait3A_331 = arith.constant 0 : i32
        %dma_wait3A_332 = tpu.memref_slice %arg7[%dma_wait3A_330, %dma_wait3A_331] : memref<79x128xi32, #tpu.memory_space<vmem>> -> memref<1x128xi32, #tpu.memory_space<vmem>>
        %dma_wait3A_333 = arith.constant 0 : i32
        %dma_wait3A_334 = tpu.memref_slice %arg4[%add3A_319, %dma_wait3A_333] : memref<2500x128xi32, #tpu.memory_space<hbm>> -> memref<1x128xi32, #tpu.memory_space<hbm>>
        %dma_wait3A_335 = arith.constant 78 : i32
        %dma_wait3A_336 = arith.constant 0 : i32
        %dma_wait3A_337 = tpu.memref_slice %arg7[%dma_wait3A_335, %dma_wait3A_336] : memref<79x128xi32, #tpu.memory_space<vmem>> -> memref<1x128xi32, #tpu.memory_space<vmem>>
        %dma_wait3A_338 = arith.constant 0 : i32
        %dma_wait3A_339 = tpu.memref_slice %arg4[%add3A_319, %dma_wait3A_338] : memref<2500x128xi32, #tpu.memory_space<hbm>> -> memref<1x128xi32, #tpu.memory_space<hbm>>
        tpu.wait_dma2 semaphore(%run_scoped3A : memref<!tpu.dma_semaphore, #tpu.memory_space<semaphore_mem>>) src(%dma_wait3A_339 : memref<1x128xi32, #tpu.memory_space<hbm>>) dst(%dma_wait3A_337 : memref<1x128xi32, #tpu.memory_space<vmem>>)
        tpu.yield
      }) : () -> ()
    } else {
    }
    %barrier3A = arith.constant 0 : index
    tpu.barrier barrier_id(%barrier3A)
    %dma_start3A = arith.constant 0 : i32
    %dma_start3A_16 = arith.constant 0 : i32
    %dma_start3A_17 = arith.constant 0 : i32
    %dma_start3A_18 = arith.constant 0 : i32
    %dma_start3A_19 = tpu.memref_slice %arg8[%dma_start3A_16, %dma_start3A_17, %dma_start3A_18] : memref<6x128x64xf32, #tpu.memory_space<vmem>> -> memref<1x128x64xf32, #tpu.memory_space<vmem>>
    %dma_start3A_20 = tpu.memref_squeeze %dma_start3A_19 : memref<1x128x64xf32, #tpu.memory_space<vmem>> -> memref<128x64xf32, #tpu.memory_space<vmem>>
    %dma_start3A_21 = arith.constant 0 : i32
    %dma_start3A_22 = tpu.memref_slice %arg6[%dma_start3A, %dma_start3A_21] : memref<79x128xi32, #tpu.memory_space<vmem>> -> memref<1x128xi32, #tpu.memory_space<vmem>>
    %dma_start3A_23 = tpu.memref_squeeze %dma_start3A_22 : memref<1x128xi32, #tpu.memory_space<vmem>> -> memref<128xi32, #tpu.memory_space<vmem>>
    %dma_start3A_24 = arith.constant 0 : i32
    %dma_start3A_25 = arith.constant 0 : i32
    %dma_start3A_26 = tpu.memref_slice %arg2[%dma_start3A_24, %dma_start3A_25] : memref<10240x64xf32, #tpu.memory_space<hbm>> -> memref<10240x64xf32, #tpu.memory_space<hbm>>
    tpu.enqueue_indirect_dma source(%dma_start3A_26 : memref<10240x64xf32, #tpu.memory_space<hbm>>) target(%dma_start3A_20 : memref<128x64xf32, #tpu.memory_space<vmem>>) offsets(%dma_start3A_23 : memref<128xi32, #tpu.memory_space<vmem>>) semaphore(%arg11 : memref<!tpu.dma_semaphore, #tpu.memory_space<semaphore_mem>>)
    %dma_start3A_27 = arith.constant 1 : i32
    %dma_start3A_28 = arith.constant 1 : i32
    %dma_start3A_29 = arith.constant 0 : i32
    %dma_start3A_30 = arith.constant 0 : i32
    %dma_start3A_31 = tpu.memref_slice %arg8[%dma_start3A_28, %dma_start3A_29, %dma_start3A_30] : memref<6x128x64xf32, #tpu.memory_space<vmem>> -> memref<1x128x64xf32, #tpu.memory_space<vmem>>
    %dma_start3A_32 = tpu.memref_squeeze %dma_start3A_31 : memref<1x128x64xf32, #tpu.memory_space<vmem>> -> memref<128x64xf32, #tpu.memory_space<vmem>>
    %dma_start3A_33 = arith.constant 0 : i32
    %dma_start3A_34 = tpu.memref_slice %arg6[%dma_start3A_27, %dma_start3A_33] : memref<79x128xi32, #tpu.memory_space<vmem>> -> memref<1x128xi32, #tpu.memory_space<vmem>>
    %dma_start3A_35 = tpu.memref_squeeze %dma_start3A_34 : memref<1x128xi32, #tpu.memory_space<vmem>> -> memref<128xi32, #tpu.memory_space<vmem>>
    %dma_start3A_36 = arith.constant 0 : i32
    %dma_start3A_37 = arith.constant 0 : i32
    %dma_start3A_38 = tpu.memref_slice %arg2[%dma_start3A_36, %dma_start3A_37] : memref<10240x64xf32, #tpu.memory_space<hbm>> -> memref<10240x64xf32, #tpu.memory_space<hbm>>
    tpu.enqueue_indirect_dma source(%dma_start3A_38 : memref<10240x64xf32, #tpu.memory_space<hbm>>) target(%dma_start3A_32 : memref<128x64xf32, #tpu.memory_space<vmem>>) offsets(%dma_start3A_35 : memref<128xi32, #tpu.memory_space<vmem>>) semaphore(%arg12 : memref<!tpu.dma_semaphore, #tpu.memory_space<semaphore_mem>>)
    %dma_start3A_39 = arith.constant 2 : i32
    %dma_start3A_40 = arith.constant 2 : i32
    %dma_start3A_41 = arith.constant 0 : i32
    %dma_start3A_42 = arith.constant 0 : i32
    %dma_start3A_43 = tpu.memref_slice %arg8[%dma_start3A_40, %dma_start3A_41, %dma_start3A_42] : memref<6x128x64xf32, #tpu.memory_space<vmem>> -> memref<1x128x64xf32, #tpu.memory_space<vmem>>
    %dma_start3A_44 = tpu.memref_squeeze %dma_start3A_43 : memref<1x128x64xf32, #tpu.memory_space<vmem>> -> memref<128x64xf32, #tpu.memory_space<vmem>>
    %dma_start3A_45 = arith.constant 0 : i32
    %dma_start3A_46 = tpu.memref_slice %arg6[%dma_start3A_39, %dma_start3A_45] : memref<79x128xi32, #tpu.memory_space<vmem>> -> memref<1x128xi32, #tpu.memory_space<vmem>>
    %dma_start3A_47 = tpu.memref_squeeze %dma_start3A_46 : memref<1x128xi32, #tpu.memory_space<vmem>> -> memref<128xi32, #tpu.memory_space<vmem>>
    %dma_start3A_48 = arith.constant 0 : i32
    %dma_start3A_49 = arith.constant 0 : i32
    %dma_start3A_50 = tpu.memref_slice %arg2[%dma_start3A_48, %dma_start3A_49] : memref<10240x64xf32, #tpu.memory_space<hbm>> -> memref<10240x64xf32, #tpu.memory_space<hbm>>
    tpu.enqueue_indirect_dma source(%dma_start3A_50 : memref<10240x64xf32, #tpu.memory_space<hbm>>) target(%dma_start3A_44 : memref<128x64xf32, #tpu.memory_space<vmem>>) offsets(%dma_start3A_47 : memref<128xi32, #tpu.memory_space<vmem>>) semaphore(%arg13 : memref<!tpu.dma_semaphore, #tpu.memory_space<semaphore_mem>>)
    %dma_start3A_51 = arith.constant 3 : i32
    %dma_start3A_52 = arith.constant 3 : i32
    %dma_start3A_53 = arith.constant 0 : i32
    %dma_start3A_54 = arith.constant 0 : i32
    %dma_start3A_55 = tpu.memref_slice %arg8[%dma_start3A_52, %dma_start3A_53, %dma_start3A_54] : memref<6x128x64xf32, #tpu.memory_space<vmem>> -> memref<1x128x64xf32, #tpu.memory_space<vmem>>
    %dma_start3A_56 = tpu.memref_squeeze %dma_start3A_55 : memref<1x128x64xf32, #tpu.memory_space<vmem>> -> memref<128x64xf32, #tpu.memory_space<vmem>>
    %dma_start3A_57 = arith.constant 0 : i32
    %dma_start3A_58 = tpu.memref_slice %arg6[%dma_start3A_51, %dma_start3A_57] : memref<79x128xi32, #tpu.memory_space<vmem>> -> memref<1x128xi32, #tpu.memory_space<vmem>>
    %dma_start3A_59 = tpu.memref_squeeze %dma_start3A_58 : memref<1x128xi32, #tpu.memory_space<vmem>> -> memref<128xi32, #tpu.memory_space<vmem>>
    %dma_start3A_60 = arith.constant 0 : i32
    %dma_start3A_61 = arith.constant 0 : i32
    %dma_start3A_62 = tpu.memref_slice %arg2[%dma_start3A_60, %dma_start3A_61] : memref<10240x64xf32, #tpu.memory_space<hbm>> -> memref<10240x64xf32, #tpu.memory_space<hbm>>
    tpu.enqueue_indirect_dma source(%dma_start3A_62 : memref<10240x64xf32, #tpu.memory_space<hbm>>) target(%dma_start3A_56 : memref<128x64xf32, #tpu.memory_space<vmem>>) offsets(%dma_start3A_59 : memref<128xi32, #tpu.memory_space<vmem>>) semaphore(%arg14 : memref<!tpu.dma_semaphore, #tpu.memory_space<semaphore_mem>>)
    %dma_start3A_63 = arith.constant 4 : i32
    %dma_start3A_64 = arith.constant 4 : i32
    %dma_start3A_65 = arith.constant 0 : i32
    %dma_start3A_66 = arith.constant 0 : i32
    %dma_start3A_67 = tpu.memref_slice %arg8[%dma_start3A_64, %dma_start3A_65, %dma_start3A_66] : memref<6x128x64xf32, #tpu.memory_space<vmem>> -> memref<1x128x64xf32, #tpu.memory_space<vmem>>
    %dma_start3A_68 = tpu.memref_squeeze %dma_start3A_67 : memref<1x128x64xf32, #tpu.memory_space<vmem>> -> memref<128x64xf32, #tpu.memory_space<vmem>>
    %dma_start3A_69 = arith.constant 0 : i32
    %dma_start3A_70 = tpu.memref_slice %arg6[%dma_start3A_63, %dma_start3A_69] : memref<79x128xi32, #tpu.memory_space<vmem>> -> memref<1x128xi32, #tpu.memory_space<vmem>>
    %dma_start3A_71 = tpu.memref_squeeze %dma_start3A_70 : memref<1x128xi32, #tpu.memory_space<vmem>> -> memref<128xi32, #tpu.memory_space<vmem>>
    %dma_start3A_72 = arith.constant 0 : i32
    %dma_start3A_73 = arith.constant 0 : i32
    %dma_start3A_74 = tpu.memref_slice %arg2[%dma_start3A_72, %dma_start3A_73] : memref<10240x64xf32, #tpu.memory_space<hbm>> -> memref<10240x64xf32, #tpu.memory_space<hbm>>
    tpu.enqueue_indirect_dma source(%dma_start3A_74 : memref<10240x64xf32, #tpu.memory_space<hbm>>) target(%dma_start3A_68 : memref<128x64xf32, #tpu.memory_space<vmem>>) offsets(%dma_start3A_71 : memref<128xi32, #tpu.memory_space<vmem>>) semaphore(%arg15 : memref<!tpu.dma_semaphore, #tpu.memory_space<semaphore_mem>>)
    %dma_start3A_75 = arith.constant 5 : i32
    %dma_start3A_76 = arith.constant 5 : i32
    %dma_start3A_77 = arith.constant 0 : i32
    %dma_start3A_78 = arith.constant 0 : i32
    %dma_start3A_79 = tpu.memref_slice %arg8[%dma_start3A_76, %dma_start3A_77, %dma_start3A_78] : memref<6x128x64xf32, #tpu.memory_space<vmem>> -> memref<1x128x64xf32, #tpu.memory_space<vmem>>
    %dma_start3A_80 = tpu.memref_squeeze %dma_start3A_79 : memref<1x128x64xf32, #tpu.memory_space<vmem>> -> memref<128x64xf32, #tpu.memory_space<vmem>>
    %dma_start3A_81 = arith.constant 0 : i32
    %dma_start3A_82 = tpu.memref_slice %arg6[%dma_start3A_75, %dma_start3A_81] : memref<79x128xi32, #tpu.memory_space<vmem>> -> memref<1x128xi32, #tpu.memory_space<vmem>>
    %dma_start3A_83 = tpu.memref_squeeze %dma_start3A_82 : memref<1x128xi32, #tpu.memory_space<vmem>> -> memref<128xi32, #tpu.memory_space<vmem>>
    %dma_start3A_84 = arith.constant 0 : i32
    %dma_start3A_85 = arith.constant 0 : i32
    %dma_start3A_86 = tpu.memref_slice %arg2[%dma_start3A_84, %dma_start3A_85] : memref<10240x64xf32, #tpu.memory_space<hbm>> -> memref<10240x64xf32, #tpu.memory_space<hbm>>
    tpu.enqueue_indirect_dma source(%dma_start3A_86 : memref<10240x64xf32, #tpu.memory_space<hbm>>) target(%dma_start3A_80 : memref<128x64xf32, #tpu.memory_space<vmem>>) offsets(%dma_start3A_83 : memref<128xi32, #tpu.memory_space<vmem>>) semaphore(%arg16 : memref<!tpu.dma_semaphore, #tpu.memory_space<semaphore_mem>>)
    %dma_wait3A = arith.constant 0 : i32
    %dma_wait3A_87 = arith.constant 0 : i32
    %dma_wait3A_88 = arith.constant 0 : i32
    %dma_wait3A_89 = arith.constant 0 : i32
    %dma_wait3A_90 = tpu.memref_slice %arg8[%dma_wait3A_87, %dma_wait3A_88, %dma_wait3A_89] : memref<6x128x64xf32, #tpu.memory_space<vmem>> -> memref<1x128x64xf32, #tpu.memory_space<vmem>>
    %dma_wait3A_91 = tpu.memref_squeeze %dma_wait3A_90 : memref<1x128x64xf32, #tpu.memory_space<vmem>> -> memref<128x64xf32, #tpu.memory_space<vmem>>
    %dma_wait3A_92 = arith.constant 0 : i32
    %dma_wait3A_93 = tpu.memref_slice %arg6[%dma_wait3A, %dma_wait3A_92] : memref<79x128xi32, #tpu.memory_space<vmem>> -> memref<1x128xi32, #tpu.memory_space<vmem>>
    %dma_wait3A_94 = tpu.memref_squeeze %dma_wait3A_93 : memref<1x128xi32, #tpu.memory_space<vmem>> -> memref<128xi32, #tpu.memory_space<vmem>>
    %dma_wait3A_95 = arith.constant 0 : i32
    %dma_wait3A_96 = arith.constant 0 : i32
    %dma_wait3A_97 = tpu.memref_slice %arg2[%dma_wait3A_95, %dma_wait3A_96] : memref<10240x64xf32, #tpu.memory_space<hbm>> -> memref<10240x64xf32, #tpu.memory_space<hbm>>
    tpu.wait_indirect_dma semaphore(%arg11 : memref<!tpu.dma_semaphore, #tpu.memory_space<semaphore_mem>>) src(%dma_wait3A_97 : memref<10240x64xf32, #tpu.memory_space<hbm>>) dst(%dma_wait3A_91 : memref<128x64xf32, #tpu.memory_space<vmem>>)
    %dma_start3A_98 = arith.constant 0 : i32
    %dma_start3A_99 = arith.constant 0 : i32
    %dma_start3A_100 = arith.constant 0 : i32
    %dma_start3A_101 = arith.constant 0 : i32
    %dma_start3A_102 = tpu.memref_slice %arg8[%dma_start3A_98, %dma_start3A_100, %dma_start3A_101] : memref<6x128x64xf32, #tpu.memory_space<vmem>> -> memref<1x128x64xf32, #tpu.memory_space<vmem>>
    %dma_start3A_103 = tpu.memref_squeeze %dma_start3A_102 : memref<1x128x64xf32, #tpu.memory_space<vmem>> -> memref<128x64xf32, #tpu.memory_space<vmem>>
    %dma_start3A_104 = arith.constant 0 : i32
    %dma_start3A_105 = tpu.memref_slice %arg7[%dma_start3A_99, %dma_start3A_104] : memref<79x128xi32, #tpu.memory_space<vmem>> -> memref<1x128xi32, #tpu.memory_space<vmem>>
    %dma_start3A_106 = tpu.memref_squeeze %dma_start3A_105 : memref<1x128xi32, #tpu.memory_space<vmem>> -> memref<128xi32, #tpu.memory_space<vmem>>
    %dma_start3A_107 = arith.constant 0 : i32
    %dma_start3A_108 = arith.constant 0 : i32
    %dma_start3A_109 = tpu.memref_slice %arg9[%dma_start3A_107, %dma_start3A_108] : memref<10240x64xf32, #tpu.memory_space<vmem_shared>> -> memref<10240x64xf32, #tpu.memory_space<vmem_shared>>
    tpu.enqueue_indirect_dma source(%dma_start3A_103 : memref<128x64xf32, #tpu.memory_space<vmem>>) target(%dma_start3A_109 : memref<10240x64xf32, #tpu.memory_space<vmem_shared>>) offsets(%dma_start3A_106 : memref<128xi32, #tpu.memory_space<vmem>>) semaphore(%arg17 : memref<!tpu.dma_semaphore, #tpu.memory_space<semaphore_mem>>) {add = true}
    %dma_wait3A_110 = arith.constant 1 : i32
    %dma_wait3A_111 = arith.constant 1 : i32
    %dma_wait3A_112 = arith.constant 0 : i32
    %dma_wait3A_113 = arith.constant 0 : i32
    %dma_wait3A_114 = tpu.memref_slice %arg8[%dma_wait3A_111, %dma_wait3A_112, %dma_wait3A_113] : memref<6x128x64xf32, #tpu.memory_space<vmem>> -> memref<1x128x64xf32, #tpu.memory_space<vmem>>
    %dma_wait3A_115 = tpu.memref_squeeze %dma_wait3A_114 : memref<1x128x64xf32, #tpu.memory_space<vmem>> -> memref<128x64xf32, #tpu.memory_space<vmem>>
    %dma_wait3A_116 = arith.constant 0 : i32
    %dma_wait3A_117 = tpu.memref_slice %arg6[%dma_wait3A_110, %dma_wait3A_116] : memref<79x128xi32, #tpu.memory_space<vmem>> -> memref<1x128xi32, #tpu.memory_space<vmem>>
    %dma_wait3A_118 = tpu.memref_squeeze %dma_wait3A_117 : memref<1x128xi32, #tpu.memory_space<vmem>> -> memref<128xi32, #tpu.memory_space<vmem>>
    %dma_wait3A_119 = arith.constant 0 : i32
    %dma_wait3A_120 = arith.constant 0 : i32
    %dma_wait3A_121 = tpu.memref_slice %arg2[%dma_wait3A_119, %dma_wait3A_120] : memref<10240x64xf32, #tpu.memory_space<hbm>> -> memref<10240x64xf32, #tpu.memory_space<hbm>>
    tpu.wait_indirect_dma semaphore(%arg12 : memref<!tpu.dma_semaphore, #tpu.memory_space<semaphore_mem>>) src(%dma_wait3A_121 : memref<10240x64xf32, #tpu.memory_space<hbm>>) dst(%dma_wait3A_115 : memref<128x64xf32, #tpu.memory_space<vmem>>)
    %dma_start3A_122 = arith.constant 1 : i32
    %dma_start3A_123 = arith.constant 1 : i32
    %dma_start3A_124 = arith.constant 0 : i32
    %dma_start3A_125 = arith.constant 0 : i32
    %dma_start3A_126 = tpu.memref_slice %arg8[%dma_start3A_122, %dma_start3A_124, %dma_start3A_125] : memref<6x128x64xf32, #tpu.memory_space<vmem>> -> memref<1x128x64xf32, #tpu.memory_space<vmem>>
    %dma_start3A_127 = tpu.memref_squeeze %dma_start3A_126 : memref<1x128x64xf32, #tpu.memory_space<vmem>> -> memref<128x64xf32, #tpu.memory_space<vmem>>
    %dma_start3A_128 = arith.constant 0 : i32
    %dma_start3A_129 = tpu.memref_slice %arg7[%dma_start3A_123, %dma_start3A_128] : memref<79x128xi32, #tpu.memory_space<vmem>> -> memref<1x128xi32, #tpu.memory_space<vmem>>
    %dma_start3A_130 = tpu.memref_squeeze %dma_start3A_129 : memref<1x128xi32, #tpu.memory_space<vmem>> -> memref<128xi32, #tpu.memory_space<vmem>>
    %dma_start3A_131 = arith.constant 0 : i32
    %dma_start3A_132 = arith.constant 0 : i32
    %dma_start3A_133 = tpu.memref_slice %arg9[%dma_start3A_131, %dma_start3A_132] : memref<10240x64xf32, #tpu.memory_space<vmem_shared>> -> memref<10240x64xf32, #tpu.memory_space<vmem_shared>>
    tpu.enqueue_indirect_dma source(%dma_start3A_127 : memref<128x64xf32, #tpu.memory_space<vmem>>) target(%dma_start3A_133 : memref<10240x64xf32, #tpu.memory_space<vmem_shared>>) offsets(%dma_start3A_130 : memref<128xi32, #tpu.memory_space<vmem>>) semaphore(%arg18 : memref<!tpu.dma_semaphore, #tpu.memory_space<semaphore_mem>>) {add = true}
    %dma_wait3A_134 = arith.constant 2 : i32
    %dma_wait3A_135 = arith.constant 2 : i32
    %dma_wait3A_136 = arith.constant 0 : i32
    %dma_wait3A_137 = arith.constant 0 : i32
    %dma_wait3A_138 = tpu.memref_slice %arg8[%dma_wait3A_135, %dma_wait3A_136, %dma_wait3A_137] : memref<6x128x64xf32, #tpu.memory_space<vmem>> -> memref<1x128x64xf32, #tpu.memory_space<vmem>>
    %dma_wait3A_139 = tpu.memref_squeeze %dma_wait3A_138 : memref<1x128x64xf32, #tpu.memory_space<vmem>> -> memref<128x64xf32, #tpu.memory_space<vmem>>
    %dma_wait3A_140 = arith.constant 0 : i32
    %dma_wait3A_141 = tpu.memref_slice %arg6[%dma_wait3A_134, %dma_wait3A_140] : memref<79x128xi32, #tpu.memory_space<vmem>> -> memref<1x128xi32, #tpu.memory_space<vmem>>
    %dma_wait3A_142 = tpu.memref_squeeze %dma_wait3A_141 : memref<1x128xi32, #tpu.memory_space<vmem>> -> memref<128xi32, #tpu.memory_space<vmem>>
    %dma_wait3A_143 = arith.constant 0 : i32
    %dma_wait3A_144 = arith.constant 0 : i32
    %dma_wait3A_145 = tpu.memref_slice %arg2[%dma_wait3A_143, %dma_wait3A_144] : memref<10240x64xf32, #tpu.memory_space<hbm>> -> memref<10240x64xf32, #tpu.memory_space<hbm>>
    tpu.wait_indirect_dma semaphore(%arg13 : memref<!tpu.dma_semaphore, #tpu.memory_space<semaphore_mem>>) src(%dma_wait3A_145 : memref<10240x64xf32, #tpu.memory_space<hbm>>) dst(%dma_wait3A_139 : memref<128x64xf32, #tpu.memory_space<vmem>>)
    %dma_start3A_146 = arith.constant 2 : i32
    %dma_start3A_147 = arith.constant 2 : i32
    %dma_start3A_148 = arith.constant 0 : i32
    %dma_start3A_149 = arith.constant 0 : i32
    %dma_start3A_150 = tpu.memref_slice %arg8[%dma_start3A_146, %dma_start3A_148, %dma_start3A_149] : memref<6x128x64xf32, #tpu.memory_space<vmem>> -> memref<1x128x64xf32, #tpu.memory_space<vmem>>
    %dma_start3A_151 = tpu.memref_squeeze %dma_start3A_150 : memref<1x128x64xf32, #tpu.memory_space<vmem>> -> memref<128x64xf32, #tpu.memory_space<vmem>>
    %dma_start3A_152 = arith.constant 0 : i32
    %dma_start3A_153 = tpu.memref_slice %arg7[%dma_start3A_147, %dma_start3A_152] : memref<79x128xi32, #tpu.memory_space<vmem>> -> memref<1x128xi32, #tpu.memory_space<vmem>>
    %dma_start3A_154 = tpu.memref_squeeze %dma_start3A_153 : memref<1x128xi32, #tpu.memory_space<vmem>> -> memref<128xi32, #tpu.memory_space<vmem>>
    %dma_start3A_155 = arith.constant 0 : i32
    %dma_start3A_156 = arith.constant 0 : i32
    %dma_start3A_157 = tpu.memref_slice %arg9[%dma_start3A_155, %dma_start3A_156] : memref<10240x64xf32, #tpu.memory_space<vmem_shared>> -> memref<10240x64xf32, #tpu.memory_space<vmem_shared>>
    tpu.enqueue_indirect_dma source(%dma_start3A_151 : memref<128x64xf32, #tpu.memory_space<vmem>>) target(%dma_start3A_157 : memref<10240x64xf32, #tpu.memory_space<vmem_shared>>) offsets(%dma_start3A_154 : memref<128xi32, #tpu.memory_space<vmem>>) semaphore(%arg19 : memref<!tpu.dma_semaphore, #tpu.memory_space<semaphore_mem>>) {add = true}
    %dma_wait3A_158 = arith.constant 3 : i32
    %dma_wait3A_159 = arith.constant 3 : i32
    %dma_wait3A_160 = arith.constant 0 : i32
    %dma_wait3A_161 = arith.constant 0 : i32
    %dma_wait3A_162 = tpu.memref_slice %arg8[%dma_wait3A_159, %dma_wait3A_160, %dma_wait3A_161] : memref<6x128x64xf32, #tpu.memory_space<vmem>> -> memref<1x128x64xf32, #tpu.memory_space<vmem>>
    %dma_wait3A_163 = tpu.memref_squeeze %dma_wait3A_162 : memref<1x128x64xf32, #tpu.memory_space<vmem>> -> memref<128x64xf32, #tpu.memory_space<vmem>>
    %dma_wait3A_164 = arith.constant 0 : i32
    %dma_wait3A_165 = tpu.memref_slice %arg6[%dma_wait3A_158, %dma_wait3A_164] : memref<79x128xi32, #tpu.memory_space<vmem>> -> memref<1x128xi32, #tpu.memory_space<vmem>>
    %dma_wait3A_166 = tpu.memref_squeeze %dma_wait3A_165 : memref<1x128xi32, #tpu.memory_space<vmem>> -> memref<128xi32, #tpu.memory_space<vmem>>
    %dma_wait3A_167 = arith.constant 0 : i32
    %dma_wait3A_168 = arith.constant 0 : i32
    %dma_wait3A_169 = tpu.memref_slice %arg2[%dma_wait3A_167, %dma_wait3A_168] : memref<10240x64xf32, #tpu.memory_space<hbm>> -> memref<10240x64xf32, #tpu.memory_space<hbm>>
    tpu.wait_indirect_dma semaphore(%arg14 : memref<!tpu.dma_semaphore, #tpu.memory_space<semaphore_mem>>) src(%dma_wait3A_169 : memref<10240x64xf32, #tpu.memory_space<hbm>>) dst(%dma_wait3A_163 : memref<128x64xf32, #tpu.memory_space<vmem>>)
    %dma_start3A_170 = arith.constant 3 : i32
    %dma_start3A_171 = arith.constant 3 : i32
    %dma_start3A_172 = arith.constant 0 : i32
    %dma_start3A_173 = arith.constant 0 : i32
    %dma_start3A_174 = tpu.memref_slice %arg8[%dma_start3A_170, %dma_start3A_172, %dma_start3A_173] : memref<6x128x64xf32, #tpu.memory_space<vmem>> -> memref<1x128x64xf32, #tpu.memory_space<vmem>>
    %dma_start3A_175 = tpu.memref_squeeze %dma_start3A_174 : memref<1x128x64xf32, #tpu.memory_space<vmem>> -> memref<128x64xf32, #tpu.memory_space<vmem>>
    %dma_start3A_176 = arith.constant 0 : i32
    %dma_start3A_177 = tpu.memref_slice %arg7[%dma_start3A_171, %dma_start3A_176] : memref<79x128xi32, #tpu.memory_space<vmem>> -> memref<1x128xi32, #tpu.memory_space<vmem>>
    %dma_start3A_178 = tpu.memref_squeeze %dma_start3A_177 : memref<1x128xi32, #tpu.memory_space<vmem>> -> memref<128xi32, #tpu.memory_space<vmem>>
    %dma_start3A_179 = arith.constant 0 : i32
    %dma_start3A_180 = arith.constant 0 : i32
    %dma_start3A_181 = tpu.memref_slice %arg9[%dma_start3A_179, %dma_start3A_180] : memref<10240x64xf32, #tpu.memory_space<vmem_shared>> -> memref<10240x64xf32, #tpu.memory_space<vmem_shared>>
    tpu.enqueue_indirect_dma source(%dma_start3A_175 : memref<128x64xf32, #tpu.memory_space<vmem>>) target(%dma_start3A_181 : memref<10240x64xf32, #tpu.memory_space<vmem_shared>>) offsets(%dma_start3A_178 : memref<128xi32, #tpu.memory_space<vmem>>) semaphore(%arg20 : memref<!tpu.dma_semaphore, #tpu.memory_space<semaphore_mem>>) {add = true}
    %dma_wait3A_182 = arith.constant 4 : i32
    %dma_wait3A_183 = arith.constant 4 : i32
    %dma_wait3A_184 = arith.constant 0 : i32
    %dma_wait3A_185 = arith.constant 0 : i32
    %dma_wait3A_186 = tpu.memref_slice %arg8[%dma_wait3A_183, %dma_wait3A_184, %dma_wait3A_185] : memref<6x128x64xf32, #tpu.memory_space<vmem>> -> memref<1x128x64xf32, #tpu.memory_space<vmem>>
    %dma_wait3A_187 = tpu.memref_squeeze %dma_wait3A_186 : memref<1x128x64xf32, #tpu.memory_space<vmem>> -> memref<128x64xf32, #tpu.memory_space<vmem>>
    %dma_wait3A_188 = arith.constant 0 : i32
    %dma_wait3A_189 = tpu.memref_slice %arg6[%dma_wait3A_182, %dma_wait3A_188] : memref<79x128xi32, #tpu.memory_space<vmem>> -> memref<1x128xi32, #tpu.memory_space<vmem>>
    %dma_wait3A_190 = tpu.memref_squeeze %dma_wait3A_189 : memref<1x128xi32, #tpu.memory_space<vmem>> -> memref<128xi32, #tpu.memory_space<vmem>>
    %dma_wait3A_191 = arith.constant 0 : i32
    %dma_wait3A_192 = arith.constant 0 : i32
    %dma_wait3A_193 = tpu.memref_slice %arg2[%dma_wait3A_191, %dma_wait3A_192] : memref<10240x64xf32, #tpu.memory_space<hbm>> -> memref<10240x64xf32, #tpu.memory_space<hbm>>
    tpu.wait_indirect_dma semaphore(%arg15 : memref<!tpu.dma_semaphore, #tpu.memory_space<semaphore_mem>>) src(%dma_wait3A_193 : memref<10240x64xf32, #tpu.memory_space<hbm>>) dst(%dma_wait3A_187 : memref<128x64xf32, #tpu.memory_space<vmem>>)
    %dma_start3A_194 = arith.constant 4 : i32
    %dma_start3A_195 = arith.constant 4 : i32
    %dma_start3A_196 = arith.constant 0 : i32
    %dma_start3A_197 = arith.constant 0 : i32
    %dma_start3A_198 = tpu.memref_slice %arg8[%dma_start3A_194, %dma_start3A_196, %dma_start3A_197] : memref<6x128x64xf32, #tpu.memory_space<vmem>> -> memref<1x128x64xf32, #tpu.memory_space<vmem>>
    %dma_start3A_199 = tpu.memref_squeeze %dma_start3A_198 : memref<1x128x64xf32, #tpu.memory_space<vmem>> -> memref<128x64xf32, #tpu.memory_space<vmem>>
    %dma_start3A_200 = arith.constant 0 : i32
    %dma_start3A_201 = tpu.memref_slice %arg7[%dma_start3A_195, %dma_start3A_200] : memref<79x128xi32, #tpu.memory_space<vmem>> -> memref<1x128xi32, #tpu.memory_space<vmem>>
    %dma_start3A_202 = tpu.memref_squeeze %dma_start3A_201 : memref<1x128xi32, #tpu.memory_space<vmem>> -> memref<128xi32, #tpu.memory_space<vmem>>
    %dma_start3A_203 = arith.constant 0 : i32
    %dma_start3A_204 = arith.constant 0 : i32
    %dma_start3A_205 = tpu.memref_slice %arg9[%dma_start3A_203, %dma_start3A_204] : memref<10240x64xf32, #tpu.memory_space<vmem_shared>> -> memref<10240x64xf32, #tpu.memory_space<vmem_shared>>
    tpu.enqueue_indirect_dma source(%dma_start3A_199 : memref<128x64xf32, #tpu.memory_space<vmem>>) target(%dma_start3A_205 : memref<10240x64xf32, #tpu.memory_space<vmem_shared>>) offsets(%dma_start3A_202 : memref<128xi32, #tpu.memory_space<vmem>>) semaphore(%arg21 : memref<!tpu.dma_semaphore, #tpu.memory_space<semaphore_mem>>) {add = true}
    %dma_wait3A_206 = arith.constant 5 : i32
    %dma_wait3A_207 = arith.constant 5 : i32
    %dma_wait3A_208 = arith.constant 0 : i32
    %dma_wait3A_209 = arith.constant 0 : i32
    %dma_wait3A_210 = tpu.memref_slice %arg8[%dma_wait3A_207, %dma_wait3A_208, %dma_wait3A_209] : memref<6x128x64xf32, #tpu.memory_space<vmem>> -> memref<1x128x64xf32, #tpu.memory_space<vmem>>
    %dma_wait3A_211 = tpu.memref_squeeze %dma_wait3A_210 : memref<1x128x64xf32, #tpu.memory_space<vmem>> -> memref<128x64xf32, #tpu.memory_space<vmem>>
    %dma_wait3A_212 = arith.constant 0 : i32
    %dma_wait3A_213 = tpu.memref_slice %arg6[%dma_wait3A_206, %dma_wait3A_212] : memref<79x128xi32, #tpu.memory_space<vmem>> -> memref<1x128xi32, #tpu.memory_space<vmem>>
    %dma_wait3A_214 = tpu.memref_squeeze %dma_wait3A_213 : memref<1x128xi32, #tpu.memory_space<vmem>> -> memref<128xi32, #tpu.memory_space<vmem>>
    %dma_wait3A_215 = arith.constant 0 : i32
    %dma_wait3A_216 = arith.constant 0 : i32
    %dma_wait3A_217 = tpu.memref_slice %arg2[%dma_wait3A_215, %dma_wait3A_216] : memref<10240x64xf32, #tpu.memory_space<hbm>> -> memref<10240x64xf32, #tpu.memory_space<hbm>>
    tpu.wait_indirect_dma semaphore(%arg16 : memref<!tpu.dma_semaphore, #tpu.memory_space<semaphore_mem>>) src(%dma_wait3A_217 : memref<10240x64xf32, #tpu.memory_space<hbm>>) dst(%dma_wait3A_211 : memref<128x64xf32, #tpu.memory_space<vmem>>)
    %dma_start3A_218 = arith.constant 5 : i32
    %dma_start3A_219 = arith.constant 5 : i32
    %dma_start3A_220 = arith.constant 0 : i32
    %dma_start3A_221 = arith.constant 0 : i32
    %dma_start3A_222 = tpu.memref_slice %arg8[%dma_start3A_218, %dma_start3A_220, %dma_start3A_221] : memref<6x128x64xf32, #tpu.memory_space<vmem>> -> memref<1x128x64xf32, #tpu.memory_space<vmem>>
    %dma_start3A_223 = tpu.memref_squeeze %dma_start3A_222 : memref<1x128x64xf32, #tpu.memory_space<vmem>> -> memref<128x64xf32, #tpu.memory_space<vmem>>
    %dma_start3A_224 = arith.constant 0 : i32
    %dma_start3A_225 = tpu.memref_slice %arg7[%dma_start3A_219, %dma_start3A_224] : memref<79x128xi32, #tpu.memory_space<vmem>> -> memref<1x128xi32, #tpu.memory_space<vmem>>
    %dma_start3A_226 = tpu.memref_squeeze %dma_start3A_225 : memref<1x128xi32, #tpu.memory_space<vmem>> -> memref<128xi32, #tpu.memory_space<vmem>>
    %dma_start3A_227 = arith.constant 0 : i32
    %dma_start3A_228 = arith.constant 0 : i32
    %dma_start3A_229 = tpu.memref_slice %arg9[%dma_start3A_227, %dma_start3A_228] : memref<10240x64xf32, #tpu.memory_space<vmem_shared>> -> memref<10240x64xf32, #tpu.memory_space<vmem_shared>>
    tpu.enqueue_indirect_dma source(%dma_start3A_223 : memref<128x64xf32, #tpu.memory_space<vmem>>) target(%dma_start3A_229 : memref<10240x64xf32, #tpu.memory_space<vmem_shared>>) offsets(%dma_start3A_226 : memref<128xi32, #tpu.memory_space<vmem>>) semaphore(%arg22 : memref<!tpu.dma_semaphore, #tpu.memory_space<semaphore_mem>>) {add = true}
    %scan3A_230 = arith.constant 0 : i32
    %scan3A_231 = arith.constant 12 : i32
    %scan3A_232 = arith.addi %scan3A_230, %scan3A_231 : i32
    %scan3A_233 = arith.constant 1 : i32
    scf.for %scan3A_316 = %scan3A_230 to %scan3A_232 step %scan3A_233  : i32 {
      %mul3A_317 = arith.constant 6 : i32
      %mul3A_318 = arith.muli %scan3A_316, %mul3A_317 : i32
      %add3A_319 = arith.constant 6 : i32
      %add3A_320 = arith.addi %add3A_319, %mul3A_318 : i32
      %sub3A = arith.constant 6 : i32
      %sub3A_321 = arith.subi %add3A_320, %sub3A : i32
      %add3A_322 = arith.constant 0 : i32
      %add3A_323 = arith.addi %sub3A_321, %add3A_322 : i32
      %dma_wait3A_324 = arith.constant 0 : i32
      %dma_wait3A_325 = arith.constant 0 : i32
      %dma_wait3A_326 = arith.constant 0 : i32
      %dma_wait3A_327 = tpu.memref_slice %arg8[%dma_wait3A_324, %dma_wait3A_325, %dma_wait3A_326] : memref<6x128x64xf32, #tpu.memory_space<vmem>> -> memref<1x128x64xf32, #tpu.memory_space<vmem>>
      %dma_wait3A_328 = tpu.memref_squeeze %dma_wait3A_327 : memref<1x128x64xf32, #tpu.memory_space<vmem>> -> memref<128x64xf32, #tpu.memory_space<vmem>>
      %dma_wait3A_329 = arith.constant 0 : i32
      %dma_wait3A_330 = tpu.memref_slice %arg7[%add3A_323, %dma_wait3A_329] : memref<79x128xi32, #tpu.memory_space<vmem>> -> memref<1x128xi32, #tpu.memory_space<vmem>>
      %dma_wait3A_331 = tpu.memref_squeeze %dma_wait3A_330 : memref<1x128xi32, #tpu.memory_space<vmem>> -> memref<128xi32, #tpu.memory_space<vmem>>
      %dma_wait3A_332 = arith.constant 0 : i32
      %dma_wait3A_333 = arith.constant 0 : i32
      %dma_wait3A_334 = tpu.memref_slice %arg9[%dma_wait3A_332, %dma_wait3A_333] : memref<10240x64xf32, #tpu.memory_space<vmem_shared>> -> memref<10240x64xf32, #tpu.memory_space<vmem_shared>>
      tpu.wait_indirect_dma semaphore(%arg17 : memref<!tpu.dma_semaphore, #tpu.memory_space<semaphore_mem>>) src(%dma_wait3A_328 : memref<128x64xf32, #tpu.memory_space<vmem>>) dst(%dma_wait3A_334 : memref<10240x64xf32, #tpu.memory_space<vmem_shared>>)
      %add3A_335 = arith.constant 0 : i32
      %add3A_336 = arith.addi %add3A_320, %add3A_335 : i32
      %dma_start3A_337 = arith.constant 0 : i32
      %dma_start3A_338 = arith.constant 0 : i32
      %dma_start3A_339 = arith.constant 0 : i32
      %dma_start3A_340 = tpu.memref_slice %arg8[%dma_start3A_337, %dma_start3A_338, %dma_start3A_339] : memref<6x128x64xf32, #tpu.memory_space<vmem>> -> memref<1x128x64xf32, #tpu.memory_space<vmem>>
      %dma_start3A_341 = tpu.memref_squeeze %dma_start3A_340 : memref<1x128x64xf32, #tpu.memory_space<vmem>> -> memref<128x64xf32, #tpu.memory_space<vmem>>
      %dma_start3A_342 = arith.constant 0 : i32
      %dma_start3A_343 = tpu.memref_slice %arg6[%add3A_336, %dma_start3A_342] : memref<79x128xi32, #tpu.memory_space<vmem>> -> memref<1x128xi32, #tpu.memory_space<vmem>>
      %dma_start3A_344 = tpu.memref_squeeze %dma_start3A_343 : memref<1x128xi32, #tpu.memory_space<vmem>> -> memref<128xi32, #tpu.memory_space<vmem>>
      %dma_start3A_345 = arith.constant 0 : i32
      %dma_start3A_346 = arith.constant 0 : i32
      %dma_start3A_347 = tpu.memref_slice %arg2[%dma_start3A_345, %dma_start3A_346] : memref<10240x64xf32, #tpu.memory_space<hbm>> -> memref<10240x64xf32, #tpu.memory_space<hbm>>
      tpu.enqueue_indirect_dma source(%dma_start3A_347 : memref<10240x64xf32, #tpu.memory_space<hbm>>) target(%dma_start3A_341 : memref<128x64xf32, #tpu.memory_space<vmem>>) offsets(%dma_start3A_344 : memref<128xi32, #tpu.memory_space<vmem>>) semaphore(%arg11 : memref<!tpu.dma_semaphore, #tpu.memory_space<semaphore_mem>>)
      %sub3A_348 = arith.constant 6 : i32
      %sub3A_349 = arith.subi %add3A_320, %sub3A_348 : i32
      %add3A_350 = arith.constant 1 : i32
      %add3A_351 = arith.addi %sub3A_349, %add3A_350 : i32
      %dma_wait3A_352 = arith.constant 1 : i32
      %dma_wait3A_353 = arith.constant 0 : i32
      %dma_wait3A_354 = arith.constant 0 : i32
      %dma_wait3A_355 = tpu.memref_slice %arg8[%dma_wait3A_352, %dma_wait3A_353, %dma_wait3A_354] : memref<6x128x64xf32, #tpu.memory_space<vmem>> -> memref<1x128x64xf32, #tpu.memory_space<vmem>>
      %dma_wait3A_356 = tpu.memref_squeeze %dma_wait3A_355 : memref<1x128x64xf32, #tpu.memory_space<vmem>> -> memref<128x64xf32, #tpu.memory_space<vmem>>
      %dma_wait3A_357 = arith.constant 0 : i32
      %dma_wait3A_358 = tpu.memref_slice %arg7[%add3A_351, %dma_wait3A_357] : memref<79x128xi32, #tpu.memory_space<vmem>> -> memref<1x128xi32, #tpu.memory_space<vmem>>
      %dma_wait3A_359 = tpu.memref_squeeze %dma_wait3A_358 : memref<1x128xi32, #tpu.memory_space<vmem>> -> memref<128xi32, #tpu.memory_space<vmem>>
      %dma_wait3A_360 = arith.constant 0 : i32
      %dma_wait3A_361 = arith.constant 0 : i32
      %dma_wait3A_362 = tpu.memref_slice %arg9[%dma_wait3A_360, %dma_wait3A_361] : memref<10240x64xf32, #tpu.memory_space<vmem_shared>> -> memref<10240x64xf32, #tpu.memory_space<vmem_shared>>
      tpu.wait_indirect_dma semaphore(%arg18 : memref<!tpu.dma_semaphore, #tpu.memory_space<semaphore_mem>>) src(%dma_wait3A_356 : memref<128x64xf32, #tpu.memory_space<vmem>>) dst(%dma_wait3A_362 : memref<10240x64xf32, #tpu.memory_space<vmem_shared>>)
      %add3A_363 = arith.constant 1 : i32
      %add3A_364 = arith.addi %add3A_320, %add3A_363 : i32
      %dma_start3A_365 = arith.constant 1 : i32
      %dma_start3A_366 = arith.constant 0 : i32
      %dma_start3A_367 = arith.constant 0 : i32
      %dma_start3A_368 = tpu.memref_slice %arg8[%dma_start3A_365, %dma_start3A_366, %dma_start3A_367] : memref<6x128x64xf32, #tpu.memory_space<vmem>> -> memref<1x128x64xf32, #tpu.memory_space<vmem>>
      %dma_start3A_369 = tpu.memref_squeeze %dma_start3A_368 : memref<1x128x64xf32, #tpu.memory_space<vmem>> -> memref<128x64xf32, #tpu.memory_space<vmem>>
      %dma_start3A_370 = arith.constant 0 : i32
      %dma_start3A_371 = tpu.memref_slice %arg6[%add3A_364, %dma_start3A_370] : memref<79x128xi32, #tpu.memory_space<vmem>> -> memref<1x128xi32, #tpu.memory_space<vmem>>
      %dma_start3A_372 = tpu.memref_squeeze %dma_start3A_371 : memref<1x128xi32, #tpu.memory_space<vmem>> -> memref<128xi32, #tpu.memory_space<vmem>>
      %dma_start3A_373 = arith.constant 0 : i32
      %dma_start3A_374 = arith.constant 0 : i32
      %dma_start3A_375 = tpu.memref_slice %arg2[%dma_start3A_373, %dma_start3A_374] : memref<10240x64xf32, #tpu.memory_space<hbm>> -> memref<10240x64xf32, #tpu.memory_space<hbm>>
      tpu.enqueue_indirect_dma source(%dma_start3A_375 : memref<10240x64xf32, #tpu.memory_space<hbm>>) target(%dma_start3A_369 : memref<128x64xf32, #tpu.memory_space<vmem>>) offsets(%dma_start3A_372 : memref<128xi32, #tpu.memory_space<vmem>>) semaphore(%arg12 : memref<!tpu.dma_semaphore, #tpu.memory_space<semaphore_mem>>)
      %sub3A_376 = arith.constant 6 : i32
      %sub3A_377 = arith.subi %add3A_320, %sub3A_376 : i32
      %add3A_378 = arith.constant 2 : i32
      %add3A_379 = arith.addi %sub3A_377, %add3A_378 : i32
      %dma_wait3A_380 = arith.constant 2 : i32
      %dma_wait3A_381 = arith.constant 0 : i32
      %dma_wait3A_382 = arith.constant 0 : i32
      %dma_wait3A_383 = tpu.memref_slice %arg8[%dma_wait3A_380, %dma_wait3A_381, %dma_wait3A_382] : memref<6x128x64xf32, #tpu.memory_space<vmem>> -> memref<1x128x64xf32, #tpu.memory_space<vmem>>
      %dma_wait3A_384 = tpu.memref_squeeze %dma_wait3A_383 : memref<1x128x64xf32, #tpu.memory_space<vmem>> -> memref<128x64xf32, #tpu.memory_space<vmem>>
      %dma_wait3A_385 = arith.constant 0 : i32
      %dma_wait3A_386 = tpu.memref_slice %arg7[%add3A_379, %dma_wait3A_385] : memref<79x128xi32, #tpu.memory_space<vmem>> -> memref<1x128xi32, #tpu.memory_space<vmem>>
      %dma_wait3A_387 = tpu.memref_squeeze %dma_wait3A_386 : memref<1x128xi32, #tpu.memory_space<vmem>> -> memref<128xi32, #tpu.memory_space<vmem>>
      %dma_wait3A_388 = arith.constant 0 : i32
      %dma_wait3A_389 = arith.constant 0 : i32
      %dma_wait3A_390 = tpu.memref_slice %arg9[%dma_wait3A_388, %dma_wait3A_389] : memref<10240x64xf32, #tpu.memory_space<vmem_shared>> -> memref<10240x64xf32, #tpu.memory_space<vmem_shared>>
      tpu.wait_indirect_dma semaphore(%arg19 : memref<!tpu.dma_semaphore, #tpu.memory_space<semaphore_mem>>) src(%dma_wait3A_384 : memref<128x64xf32, #tpu.memory_space<vmem>>) dst(%dma_wait3A_390 : memref<10240x64xf32, #tpu.memory_space<vmem_shared>>)
      %add3A_391 = arith.constant 2 : i32
      %add3A_392 = arith.addi %add3A_320, %add3A_391 : i32
      %dma_start3A_393 = arith.constant 2 : i32
      %dma_start3A_394 = arith.constant 0 : i32
      %dma_start3A_395 = arith.constant 0 : i32
      %dma_start3A_396 = tpu.memref_slice %arg8[%dma_start3A_393, %dma_start3A_394, %dma_start3A_395] : memref<6x128x64xf32, #tpu.memory_space<vmem>> -> memref<1x128x64xf32, #tpu.memory_space<vmem>>
      %dma_start3A_397 = tpu.memref_squeeze %dma_start3A_396 : memref<1x128x64xf32, #tpu.memory_space<vmem>> -> memref<128x64xf32, #tpu.memory_space<vmem>>
      %dma_start3A_398 = arith.constant 0 : i32
      %dma_start3A_399 = tpu.memref_slice %arg6[%add3A_392, %dma_start3A_398] : memref<79x128xi32, #tpu.memory_space<vmem>> -> memref<1x128xi32, #tpu.memory_space<vmem>>
      %dma_start3A_400 = tpu.memref_squeeze %dma_start3A_399 : memref<1x128xi32, #tpu.memory_space<vmem>> -> memref<128xi32, #tpu.memory_space<vmem>>
      %dma_start3A_401 = arith.constant 0 : i32
      %dma_start3A_402 = arith.constant 0 : i32
      %dma_start3A_403 = tpu.memref_slice %arg2[%dma_start3A_401, %dma_start3A_402] : memref<10240x64xf32, #tpu.memory_space<hbm>> -> memref<10240x64xf32, #tpu.memory_space<hbm>>
      tpu.enqueue_indirect_dma source(%dma_start3A_403 : memref<10240x64xf32, #tpu.memory_space<hbm>>) target(%dma_start3A_397 : memref<128x64xf32, #tpu.memory_space<vmem>>) offsets(%dma_start3A_400 : memref<128xi32, #tpu.memory_space<vmem>>) semaphore(%arg13 : memref<!tpu.dma_semaphore, #tpu.memory_space<semaphore_mem>>)
      %sub3A_404 = arith.constant 6 : i32
      %sub3A_405 = arith.subi %add3A_320, %sub3A_404 : i32
      %add3A_406 = arith.constant 3 : i32
      %add3A_407 = arith.addi %sub3A_405, %add3A_406 : i32
      %dma_wait3A_408 = arith.constant 3 : i32
      %dma_wait3A_409 = arith.constant 0 : i32
      %dma_wait3A_410 = arith.constant 0 : i32
      %dma_wait3A_411 = tpu.memref_slice %arg8[%dma_wait3A_408, %dma_wait3A_409, %dma_wait3A_410] : memref<6x128x64xf32, #tpu.memory_space<vmem>> -> memref<1x128x64xf32, #tpu.memory_space<vmem>>
      %dma_wait3A_412 = tpu.memref_squeeze %dma_wait3A_411 : memref<1x128x64xf32, #tpu.memory_space<vmem>> -> memref<128x64xf32, #tpu.memory_space<vmem>>
      %dma_wait3A_413 = arith.constant 0 : i32
      %dma_wait3A_414 = tpu.memref_slice %arg7[%add3A_407, %dma_wait3A_413] : memref<79x128xi32, #tpu.memory_space<vmem>> -> memref<1x128xi32, #tpu.memory_space<vmem>>
      %dma_wait3A_415 = tpu.memref_squeeze %dma_wait3A_414 : memref<1x128xi32, #tpu.memory_space<vmem>> -> memref<128xi32, #tpu.memory_space<vmem>>
      %dma_wait3A_416 = arith.constant 0 : i32
      %dma_wait3A_417 = arith.constant 0 : i32
      %dma_wait3A_418 = tpu.memref_slice %arg9[%dma_wait3A_416, %dma_wait3A_417] : memref<10240x64xf32, #tpu.memory_space<vmem_shared>> -> memref<10240x64xf32, #tpu.memory_space<vmem_shared>>
      tpu.wait_indirect_dma semaphore(%arg20 : memref<!tpu.dma_semaphore, #tpu.memory_space<semaphore_mem>>) src(%dma_wait3A_412 : memref<128x64xf32, #tpu.memory_space<vmem>>) dst(%dma_wait3A_418 : memref<10240x64xf32, #tpu.memory_space<vmem_shared>>)
      %add3A_419 = arith.constant 3 : i32
      %add3A_420 = arith.addi %add3A_320, %add3A_419 : i32
      %dma_start3A_421 = arith.constant 3 : i32
      %dma_start3A_422 = arith.constant 0 : i32
      %dma_start3A_423 = arith.constant 0 : i32
      %dma_start3A_424 = tpu.memref_slice %arg8[%dma_start3A_421, %dma_start3A_422, %dma_start3A_423] : memref<6x128x64xf32, #tpu.memory_space<vmem>> -> memref<1x128x64xf32, #tpu.memory_space<vmem>>
      %dma_start3A_425 = tpu.memref_squeeze %dma_start3A_424 : memref<1x128x64xf32, #tpu.memory_space<vmem>> -> memref<128x64xf32, #tpu.memory_space<vmem>>
      %dma_start3A_426 = arith.constant 0 : i32
      %dma_start3A_427 = tpu.memref_slice %arg6[%add3A_420, %dma_start3A_426] : memref<79x128xi32, #tpu.memory_space<vmem>> -> memref<1x128xi32, #tpu.memory_space<vmem>>
      %dma_start3A_428 = tpu.memref_squeeze %dma_start3A_427 : memref<1x128xi32, #tpu.memory_space<vmem>> -> memref<128xi32, #tpu.memory_space<vmem>>
      %dma_start3A_429 = arith.constant 0 : i32
      %dma_start3A_430 = arith.constant 0 : i32
      %dma_start3A_431 = tpu.memref_slice %arg2[%dma_start3A_429, %dma_start3A_430] : memref<10240x64xf32, #tpu.memory_space<hbm>> -> memref<10240x64xf32, #tpu.memory_space<hbm>>
      tpu.enqueue_indirect_dma source(%dma_start3A_431 : memref<10240x64xf32, #tpu.memory_space<hbm>>) target(%dma_start3A_425 : memref<128x64xf32, #tpu.memory_space<vmem>>) offsets(%dma_start3A_428 : memref<128xi32, #tpu.memory_space<vmem>>) semaphore(%arg14 : memref<!tpu.dma_semaphore, #tpu.memory_space<semaphore_mem>>)
      %sub3A_432 = arith.constant 6 : i32
      %sub3A_433 = arith.subi %add3A_320, %sub3A_432 : i32
      %add3A_434 = arith.constant 4 : i32
      %add3A_435 = arith.addi %sub3A_433, %add3A_434 : i32
      %dma_wait3A_436 = arith.constant 4 : i32
      %dma_wait3A_437 = arith.constant 0 : i32
      %dma_wait3A_438 = arith.constant 0 : i32
      %dma_wait3A_439 = tpu.memref_slice %arg8[%dma_wait3A_436, %dma_wait3A_437, %dma_wait3A_438] : memref<6x128x64xf32, #tpu.memory_space<vmem>> -> memref<1x128x64xf32, #tpu.memory_space<vmem>>
      %dma_wait3A_440 = tpu.memref_squeeze %dma_wait3A_439 : memref<1x128x64xf32, #tpu.memory_space<vmem>> -> memref<128x64xf32, #tpu.memory_space<vmem>>
      %dma_wait3A_441 = arith.constant 0 : i32
      %dma_wait3A_442 = tpu.memref_slice %arg7[%add3A_435, %dma_wait3A_441] : memref<79x128xi32, #tpu.memory_space<vmem>> -> memref<1x128xi32, #tpu.memory_space<vmem>>
      %dma_wait3A_443 = tpu.memref_squeeze %dma_wait3A_442 : memref<1x128xi32, #tpu.memory_space<vmem>> -> memref<128xi32, #tpu.memory_space<vmem>>
      %dma_wait3A_444 = arith.constant 0 : i32
      %dma_wait3A_445 = arith.constant 0 : i32
      %dma_wait3A_446 = tpu.memref_slice %arg9[%dma_wait3A_444, %dma_wait3A_445] : memref<10240x64xf32, #tpu.memory_space<vmem_shared>> -> memref<10240x64xf32, #tpu.memory_space<vmem_shared>>
      tpu.wait_indirect_dma semaphore(%arg21 : memref<!tpu.dma_semaphore, #tpu.memory_space<semaphore_mem>>) src(%dma_wait3A_440 : memref<128x64xf32, #tpu.memory_space<vmem>>) dst(%dma_wait3A_446 : memref<10240x64xf32, #tpu.memory_space<vmem_shared>>)
      %add3A_447 = arith.constant 4 : i32
      %add3A_448 = arith.addi %add3A_320, %add3A_447 : i32
      %dma_start3A_449 = arith.constant 4 : i32
      %dma_start3A_450 = arith.constant 0 : i32
      %dma_start3A_451 = arith.constant 0 : i32
      %dma_start3A_452 = tpu.memref_slice %arg8[%dma_start3A_449, %dma_start3A_450, %dma_start3A_451] : memref<6x128x64xf32, #tpu.memory_space<vmem>> -> memref<1x128x64xf32, #tpu.memory_space<vmem>>
      %dma_start3A_453 = tpu.memref_squeeze %dma_start3A_452 : memref<1x128x64xf32, #tpu.memory_space<vmem>> -> memref<128x64xf32, #tpu.memory_space<vmem>>
      %dma_start3A_454 = arith.constant 0 : i32
      %dma_start3A_455 = tpu.memref_slice %arg6[%add3A_448, %dma_start3A_454] : memref<79x128xi32, #tpu.memory_space<vmem>> -> memref<1x128xi32, #tpu.memory_space<vmem>>
      %dma_start3A_456 = tpu.memref_squeeze %dma_start3A_455 : memref<1x128xi32, #tpu.memory_space<vmem>> -> memref<128xi32, #tpu.memory_space<vmem>>
      %dma_start3A_457 = arith.constant 0 : i32
      %dma_start3A_458 = arith.constant 0 : i32
      %dma_start3A_459 = tpu.memref_slice %arg2[%dma_start3A_457, %dma_start3A_458] : memref<10240x64xf32, #tpu.memory_space<hbm>> -> memref<10240x64xf32, #tpu.memory_space<hbm>>
      tpu.enqueue_indirect_dma source(%dma_start3A_459 : memref<10240x64xf32, #tpu.memory_space<hbm>>) target(%dma_start3A_453 : memref<128x64xf32, #tpu.memory_space<vmem>>) offsets(%dma_start3A_456 : memref<128xi32, #tpu.memory_space<vmem>>) semaphore(%arg15 : memref<!tpu.dma_semaphore, #tpu.memory_space<semaphore_mem>>)
      %sub3A_460 = arith.constant 6 : i32
      %sub3A_461 = arith.subi %add3A_320, %sub3A_460 : i32
      %add3A_462 = arith.constant 5 : i32
      %add3A_463 = arith.addi %sub3A_461, %add3A_462 : i32
      %dma_wait3A_464 = arith.constant 5 : i32
      %dma_wait3A_465 = arith.constant 0 : i32
      %dma_wait3A_466 = arith.constant 0 : i32
      %dma_wait3A_467 = tpu.memref_slice %arg8[%dma_wait3A_464, %dma_wait3A_465, %dma_wait3A_466] : memref<6x128x64xf32, #tpu.memory_space<vmem>> -> memref<1x128x64xf32, #tpu.memory_space<vmem>>
      %dma_wait3A_468 = tpu.memref_squeeze %dma_wait3A_467 : memref<1x128x64xf32, #tpu.memory_space<vmem>> -> memref<128x64xf32, #tpu.memory_space<vmem>>
      %dma_wait3A_469 = arith.constant 0 : i32
      %dma_wait3A_470 = tpu.memref_slice %arg7[%add3A_463, %dma_wait3A_469] : memref<79x128xi32, #tpu.memory_space<vmem>> -> memref<1x128xi32, #tpu.memory_space<vmem>>
      %dma_wait3A_471 = tpu.memref_squeeze %dma_wait3A_470 : memref<1x128xi32, #tpu.memory_space<vmem>> -> memref<128xi32, #tpu.memory_space<vmem>>
      %dma_wait3A_472 = arith.constant 0 : i32
      %dma_wait3A_473 = arith.constant 0 : i32
      %dma_wait3A_474 = tpu.memref_slice %arg9[%dma_wait3A_472, %dma_wait3A_473] : memref<10240x64xf32, #tpu.memory_space<vmem_shared>> -> memref<10240x64xf32, #tpu.memory_space<vmem_shared>>
      tpu.wait_indirect_dma semaphore(%arg22 : memref<!tpu.dma_semaphore, #tpu.memory_space<semaphore_mem>>) src(%dma_wait3A_468 : memref<128x64xf32, #tpu.memory_space<vmem>>) dst(%dma_wait3A_474 : memref<10240x64xf32, #tpu.memory_space<vmem_shared>>)
      %add3A_475 = arith.constant 5 : i32
      %add3A_476 = arith.addi %add3A_320, %add3A_475 : i32
      %dma_start3A_477 = arith.constant 5 : i32
      %dma_start3A_478 = arith.constant 0 : i32
      %dma_start3A_479 = arith.constant 0 : i32
      %dma_start3A_480 = tpu.memref_slice %arg8[%dma_start3A_477, %dma_start3A_478, %dma_start3A_479] : memref<6x128x64xf32, #tpu.memory_space<vmem>> -> memref<1x128x64xf32, #tpu.memory_space<vmem>>
      %dma_start3A_481 = tpu.memref_squeeze %dma_start3A_480 : memref<1x128x64xf32, #tpu.memory_space<vmem>> -> memref<128x64xf32, #tpu.memory_space<vmem>>
      %dma_start3A_482 = arith.constant 0 : i32
      %dma_start3A_483 = tpu.memref_slice %arg6[%add3A_476, %dma_start3A_482] : memref<79x128xi32, #tpu.memory_space<vmem>> -> memref<1x128xi32, #tpu.memory_space<vmem>>
      %dma_start3A_484 = tpu.memref_squeeze %dma_start3A_483 : memref<1x128xi32, #tpu.memory_space<vmem>> -> memref<128xi32, #tpu.memory_space<vmem>>
      %dma_start3A_485 = arith.constant 0 : i32
      %dma_start3A_486 = arith.constant 0 : i32
      %dma_start3A_487 = tpu.memref_slice %arg2[%dma_start3A_485, %dma_start3A_486] : memref<10240x64xf32, #tpu.memory_space<hbm>> -> memref<10240x64xf32, #tpu.memory_space<hbm>>
      tpu.enqueue_indirect_dma source(%dma_start3A_487 : memref<10240x64xf32, #tpu.memory_space<hbm>>) target(%dma_start3A_481 : memref<128x64xf32, #tpu.memory_space<vmem>>) offsets(%dma_start3A_484 : memref<128xi32, #tpu.memory_space<vmem>>) semaphore(%arg16 : memref<!tpu.dma_semaphore, #tpu.memory_space<semaphore_mem>>)
      %add3A_488 = arith.constant 0 : i32
      %add3A_489 = arith.addi %add3A_320, %add3A_488 : i32
      %dma_wait3A_490 = arith.constant 0 : i32
      %dma_wait3A_491 = arith.constant 0 : i32
      %dma_wait3A_492 = arith.constant 0 : i32
      %dma_wait3A_493 = tpu.memref_slice %arg8[%dma_wait3A_490, %dma_wait3A_491, %dma_wait3A_492] : memref<6x128x64xf32, #tpu.memory_space<vmem>> -> memref<1x128x64xf32, #tpu.memory_space<vmem>>
      %dma_wait3A_494 = tpu.memref_squeeze %dma_wait3A_493 : memref<1x128x64xf32, #tpu.memory_space<vmem>> -> memref<128x64xf32, #tpu.memory_space<vmem>>
      %dma_wait3A_495 = arith.constant 0 : i32
      %dma_wait3A_496 = tpu.memref_slice %arg6[%add3A_489, %dma_wait3A_495] : memref<79x128xi32, #tpu.memory_space<vmem>> -> memref<1x128xi32, #tpu.memory_space<vmem>>
      %dma_wait3A_497 = tpu.memref_squeeze %dma_wait3A_496 : memref<1x128xi32, #tpu.memory_space<vmem>> -> memref<128xi32, #tpu.memory_space<vmem>>
      %dma_wait3A_498 = arith.constant 0 : i32
      %dma_wait3A_499 = arith.constant 0 : i32
      %dma_wait3A_500 = tpu.memref_slice %arg2[%dma_wait3A_498, %dma_wait3A_499] : memref<10240x64xf32, #tpu.memory_space<hbm>> -> memref<10240x64xf32, #tpu.memory_space<hbm>>
      tpu.wait_indirect_dma semaphore(%arg11 : memref<!tpu.dma_semaphore, #tpu.memory_space<semaphore_mem>>) src(%dma_wait3A_500 : memref<10240x64xf32, #tpu.memory_space<hbm>>) dst(%dma_wait3A_494 : memref<128x64xf32, #tpu.memory_space<vmem>>)
      %add3A_501 = arith.constant 0 : i32
      %add3A_502 = arith.addi %add3A_320, %add3A_501 : i32
      %dma_start3A_503 = arith.constant 0 : i32
      %dma_start3A_504 = arith.constant 0 : i32
      %dma_start3A_505 = arith.constant 0 : i32
      %dma_start3A_506 = tpu.memref_slice %arg8[%dma_start3A_503, %dma_start3A_504, %dma_start3A_505] : memref<6x128x64xf32, #tpu.memory_space<vmem>> -> memref<1x128x64xf32, #tpu.memory_space<vmem>>
      %dma_start3A_507 = tpu.memref_squeeze %dma_start3A_506 : memref<1x128x64xf32, #tpu.memory_space<vmem>> -> memref<128x64xf32, #tpu.memory_space<vmem>>
      %dma_start3A_508 = arith.constant 0 : i32
      %dma_start3A_509 = tpu.memref_slice %arg7[%add3A_502, %dma_start3A_508] : memref<79x128xi32, #tpu.memory_space<vmem>> -> memref<1x128xi32, #tpu.memory_space<vmem>>
      %dma_start3A_510 = tpu.memref_squeeze %dma_start3A_509 : memref<1x128xi32, #tpu.memory_space<vmem>> -> memref<128xi32, #tpu.memory_space<vmem>>
      %dma_start3A_511 = arith.constant 0 : i32
      %dma_start3A_512 = arith.constant 0 : i32
      %dma_start3A_513 = tpu.memref_slice %arg9[%dma_start3A_511, %dma_start3A_512] : memref<10240x64xf32, #tpu.memory_space<vmem_shared>> -> memref<10240x64xf32, #tpu.memory_space<vmem_shared>>
      tpu.enqueue_indirect_dma source(%dma_start3A_507 : memref<128x64xf32, #tpu.memory_space<vmem>>) target(%dma_start3A_513 : memref<10240x64xf32, #tpu.memory_space<vmem_shared>>) offsets(%dma_start3A_510 : memref<128xi32, #tpu.memory_space<vmem>>) semaphore(%arg17 : memref<!tpu.dma_semaphore, #tpu.memory_space<semaphore_mem>>) {add = true}
      %add3A_514 = arith.constant 1 : i32
      %add3A_515 = arith.addi %add3A_320, %add3A_514 : i32
      %dma_wait3A_516 = arith.constant 1 : i32
      %dma_wait3A_517 = arith.constant 0 : i32
      %dma_wait3A_518 = arith.constant 0 : i32
      %dma_wait3A_519 = tpu.memref_slice %arg8[%dma_wait3A_516, %dma_wait3A_517, %dma_wait3A_518] : memref<6x128x64xf32, #tpu.memory_space<vmem>> -> memref<1x128x64xf32, #tpu.memory_space<vmem>>
      %dma_wait3A_520 = tpu.memref_squeeze %dma_wait3A_519 : memref<1x128x64xf32, #tpu.memory_space<vmem>> -> memref<128x64xf32, #tpu.memory_space<vmem>>
      %dma_wait3A_521 = arith.constant 0 : i32
      %dma_wait3A_522 = tpu.memref_slice %arg6[%add3A_515, %dma_wait3A_521] : memref<79x128xi32, #tpu.memory_space<vmem>> -> memref<1x128xi32, #tpu.memory_space<vmem>>
      %dma_wait3A_523 = tpu.memref_squeeze %dma_wait3A_522 : memref<1x128xi32, #tpu.memory_space<vmem>> -> memref<128xi32, #tpu.memory_space<vmem>>
      %dma_wait3A_524 = arith.constant 0 : i32
      %dma_wait3A_525 = arith.constant 0 : i32
      %dma_wait3A_526 = tpu.memref_slice %arg2[%dma_wait3A_524, %dma_wait3A_525] : memref<10240x64xf32, #tpu.memory_space<hbm>> -> memref<10240x64xf32, #tpu.memory_space<hbm>>
      tpu.wait_indirect_dma semaphore(%arg12 : memref<!tpu.dma_semaphore, #tpu.memory_space<semaphore_mem>>) src(%dma_wait3A_526 : memref<10240x64xf32, #tpu.memory_space<hbm>>) dst(%dma_wait3A_520 : memref<128x64xf32, #tpu.memory_space<vmem>>)
      %add3A_527 = arith.constant 1 : i32
      %add3A_528 = arith.addi %add3A_320, %add3A_527 : i32
      %dma_start3A_529 = arith.constant 1 : i32
      %dma_start3A_530 = arith.constant 0 : i32
      %dma_start3A_531 = arith.constant 0 : i32
      %dma_start3A_532 = tpu.memref_slice %arg8[%dma_start3A_529, %dma_start3A_530, %dma_start3A_531] : memref<6x128x64xf32, #tpu.memory_space<vmem>> -> memref<1x128x64xf32, #tpu.memory_space<vmem>>
      %dma_start3A_533 = tpu.memref_squeeze %dma_start3A_532 : memref<1x128x64xf32, #tpu.memory_space<vmem>> -> memref<128x64xf32, #tpu.memory_space<vmem>>
      %dma_start3A_534 = arith.constant 0 : i32
      %dma_start3A_535 = tpu.memref_slice %arg7[%add3A_528, %dma_start3A_534] : memref<79x128xi32, #tpu.memory_space<vmem>> -> memref<1x128xi32, #tpu.memory_space<vmem>>
      %dma_start3A_536 = tpu.memref_squeeze %dma_start3A_535 : memref<1x128xi32, #tpu.memory_space<vmem>> -> memref<128xi32, #tpu.memory_space<vmem>>
      %dma_start3A_537 = arith.constant 0 : i32
      %dma_start3A_538 = arith.constant 0 : i32
      %dma_start3A_539 = tpu.memref_slice %arg9[%dma_start3A_537, %dma_start3A_538] : memref<10240x64xf32, #tpu.memory_space<vmem_shared>> -> memref<10240x64xf32, #tpu.memory_space<vmem_shared>>
      tpu.enqueue_indirect_dma source(%dma_start3A_533 : memref<128x64xf32, #tpu.memory_space<vmem>>) target(%dma_start3A_539 : memref<10240x64xf32, #tpu.memory_space<vmem_shared>>) offsets(%dma_start3A_536 : memref<128xi32, #tpu.memory_space<vmem>>) semaphore(%arg18 : memref<!tpu.dma_semaphore, #tpu.memory_space<semaphore_mem>>) {add = true}
      %add3A_540 = arith.constant 2 : i32
      %add3A_541 = arith.addi %add3A_320, %add3A_540 : i32
      %dma_wait3A_542 = arith.constant 2 : i32
      %dma_wait3A_543 = arith.constant 0 : i32
      %dma_wait3A_544 = arith.constant 0 : i32
      %dma_wait3A_545 = tpu.memref_slice %arg8[%dma_wait3A_542, %dma_wait3A_543, %dma_wait3A_544] : memref<6x128x64xf32, #tpu.memory_space<vmem>> -> memref<1x128x64xf32, #tpu.memory_space<vmem>>
      %dma_wait3A_546 = tpu.memref_squeeze %dma_wait3A_545 : memref<1x128x64xf32, #tpu.memory_space<vmem>> -> memref<128x64xf32, #tpu.memory_space<vmem>>
      %dma_wait3A_547 = arith.constant 0 : i32
      %dma_wait3A_548 = tpu.memref_slice %arg6[%add3A_541, %dma_wait3A_547] : memref<79x128xi32, #tpu.memory_space<vmem>> -> memref<1x128xi32, #tpu.memory_space<vmem>>
      %dma_wait3A_549 = tpu.memref_squeeze %dma_wait3A_548 : memref<1x128xi32, #tpu.memory_space<vmem>> -> memref<128xi32, #tpu.memory_space<vmem>>
      %dma_wait3A_550 = arith.constant 0 : i32
      %dma_wait3A_551 = arith.constant 0 : i32
      %dma_wait3A_552 = tpu.memref_slice %arg2[%dma_wait3A_550, %dma_wait3A_551] : memref<10240x64xf32, #tpu.memory_space<hbm>> -> memref<10240x64xf32, #tpu.memory_space<hbm>>
      tpu.wait_indirect_dma semaphore(%arg13 : memref<!tpu.dma_semaphore, #tpu.memory_space<semaphore_mem>>) src(%dma_wait3A_552 : memref<10240x64xf32, #tpu.memory_space<hbm>>) dst(%dma_wait3A_546 : memref<128x64xf32, #tpu.memory_space<vmem>>)
      %add3A_553 = arith.constant 2 : i32
      %add3A_554 = arith.addi %add3A_320, %add3A_553 : i32
      %dma_start3A_555 = arith.constant 2 : i32
      %dma_start3A_556 = arith.constant 0 : i32
      %dma_start3A_557 = arith.constant 0 : i32
      %dma_start3A_558 = tpu.memref_slice %arg8[%dma_start3A_555, %dma_start3A_556, %dma_start3A_557] : memref<6x128x64xf32, #tpu.memory_space<vmem>> -> memref<1x128x64xf32, #tpu.memory_space<vmem>>
      %dma_start3A_559 = tpu.memref_squeeze %dma_start3A_558 : memref<1x128x64xf32, #tpu.memory_space<vmem>> -> memref<128x64xf32, #tpu.memory_space<vmem>>
      %dma_start3A_560 = arith.constant 0 : i32
      %dma_start3A_561 = tpu.memref_slice %arg7[%add3A_554, %dma_start3A_560] : memref<79x128xi32, #tpu.memory_space<vmem>> -> memref<1x128xi32, #tpu.memory_space<vmem>>
      %dma_start3A_562 = tpu.memref_squeeze %dma_start3A_561 : memref<1x128xi32, #tpu.memory_space<vmem>> -> memref<128xi32, #tpu.memory_space<vmem>>
      %dma_start3A_563 = arith.constant 0 : i32
      %dma_start3A_564 = arith.constant 0 : i32
      %dma_start3A_565 = tpu.memref_slice %arg9[%dma_start3A_563, %dma_start3A_564] : memref<10240x64xf32, #tpu.memory_space<vmem_shared>> -> memref<10240x64xf32, #tpu.memory_space<vmem_shared>>
      tpu.enqueue_indirect_dma source(%dma_start3A_559 : memref<128x64xf32, #tpu.memory_space<vmem>>) target(%dma_start3A_565 : memref<10240x64xf32, #tpu.memory_space<vmem_shared>>) offsets(%dma_start3A_562 : memref<128xi32, #tpu.memory_space<vmem>>) semaphore(%arg19 : memref<!tpu.dma_semaphore, #tpu.memory_space<semaphore_mem>>) {add = true}
      %add3A_566 = arith.constant 3 : i32
      %add3A_567 = arith.addi %add3A_320, %add3A_566 : i32
      %dma_wait3A_568 = arith.constant 3 : i32
      %dma_wait3A_569 = arith.constant 0 : i32
      %dma_wait3A_570 = arith.constant 0 : i32
      %dma_wait3A_571 = tpu.memref_slice %arg8[%dma_wait3A_568, %dma_wait3A_569, %dma_wait3A_570] : memref<6x128x64xf32, #tpu.memory_space<vmem>> -> memref<1x128x64xf32, #tpu.memory_space<vmem>>
      %dma_wait3A_572 = tpu.memref_squeeze %dma_wait3A_571 : memref<1x128x64xf32, #tpu.memory_space<vmem>> -> memref<128x64xf32, #tpu.memory_space<vmem>>
      %dma_wait3A_573 = arith.constant 0 : i32
      %dma_wait3A_574 = tpu.memref_slice %arg6[%add3A_567, %dma_wait3A_573] : memref<79x128xi32, #tpu.memory_space<vmem>> -> memref<1x128xi32, #tpu.memory_space<vmem>>
      %dma_wait3A_575 = tpu.memref_squeeze %dma_wait3A_574 : memref<1x128xi32, #tpu.memory_space<vmem>> -> memref<128xi32, #tpu.memory_space<vmem>>
      %dma_wait3A_576 = arith.constant 0 : i32
      %dma_wait3A_577 = arith.constant 0 : i32
      %dma_wait3A_578 = tpu.memref_slice %arg2[%dma_wait3A_576, %dma_wait3A_577] : memref<10240x64xf32, #tpu.memory_space<hbm>> -> memref<10240x64xf32, #tpu.memory_space<hbm>>
      tpu.wait_indirect_dma semaphore(%arg14 : memref<!tpu.dma_semaphore, #tpu.memory_space<semaphore_mem>>) src(%dma_wait3A_578 : memref<10240x64xf32, #tpu.memory_space<hbm>>) dst(%dma_wait3A_572 : memref<128x64xf32, #tpu.memory_space<vmem>>)
      %add3A_579 = arith.constant 3 : i32
      %add3A_580 = arith.addi %add3A_320, %add3A_579 : i32
      %dma_start3A_581 = arith.constant 3 : i32
      %dma_start3A_582 = arith.constant 0 : i32
      %dma_start3A_583 = arith.constant 0 : i32
      %dma_start3A_584 = tpu.memref_slice %arg8[%dma_start3A_581, %dma_start3A_582, %dma_start3A_583] : memref<6x128x64xf32, #tpu.memory_space<vmem>> -> memref<1x128x64xf32, #tpu.memory_space<vmem>>
      %dma_start3A_585 = tpu.memref_squeeze %dma_start3A_584 : memref<1x128x64xf32, #tpu.memory_space<vmem>> -> memref<128x64xf32, #tpu.memory_space<vmem>>
      %dma_start3A_586 = arith.constant 0 : i32
      %dma_start3A_587 = tpu.memref_slice %arg7[%add3A_580, %dma_start3A_586] : memref<79x128xi32, #tpu.memory_space<vmem>> -> memref<1x128xi32, #tpu.memory_space<vmem>>
      %dma_start3A_588 = tpu.memref_squeeze %dma_start3A_587 : memref<1x128xi32, #tpu.memory_space<vmem>> -> memref<128xi32, #tpu.memory_space<vmem>>
      %dma_start3A_589 = arith.constant 0 : i32
      %dma_start3A_590 = arith.constant 0 : i32
      %dma_start3A_591 = tpu.memref_slice %arg9[%dma_start3A_589, %dma_start3A_590] : memref<10240x64xf32, #tpu.memory_space<vmem_shared>> -> memref<10240x64xf32, #tpu.memory_space<vmem_shared>>
      tpu.enqueue_indirect_dma source(%dma_start3A_585 : memref<128x64xf32, #tpu.memory_space<vmem>>) target(%dma_start3A_591 : memref<10240x64xf32, #tpu.memory_space<vmem_shared>>) offsets(%dma_start3A_588 : memref<128xi32, #tpu.memory_space<vmem>>) semaphore(%arg20 : memref<!tpu.dma_semaphore, #tpu.memory_space<semaphore_mem>>) {add = true}
      %add3A_592 = arith.constant 4 : i32
      %add3A_593 = arith.addi %add3A_320, %add3A_592 : i32
      %dma_wait3A_594 = arith.constant 4 : i32
      %dma_wait3A_595 = arith.constant 0 : i32
      %dma_wait3A_596 = arith.constant 0 : i32
      %dma_wait3A_597 = tpu.memref_slice %arg8[%dma_wait3A_594, %dma_wait3A_595, %dma_wait3A_596] : memref<6x128x64xf32, #tpu.memory_space<vmem>> -> memref<1x128x64xf32, #tpu.memory_space<vmem>>
      %dma_wait3A_598 = tpu.memref_squeeze %dma_wait3A_597 : memref<1x128x64xf32, #tpu.memory_space<vmem>> -> memref<128x64xf32, #tpu.memory_space<vmem>>
      %dma_wait3A_599 = arith.constant 0 : i32
      %dma_wait3A_600 = tpu.memref_slice %arg6[%add3A_593, %dma_wait3A_599] : memref<79x128xi32, #tpu.memory_space<vmem>> -> memref<1x128xi32, #tpu.memory_space<vmem>>
      %dma_wait3A_601 = tpu.memref_squeeze %dma_wait3A_600 : memref<1x128xi32, #tpu.memory_space<vmem>> -> memref<128xi32, #tpu.memory_space<vmem>>
      %dma_wait3A_602 = arith.constant 0 : i32
      %dma_wait3A_603 = arith.constant 0 : i32
      %dma_wait3A_604 = tpu.memref_slice %arg2[%dma_wait3A_602, %dma_wait3A_603] : memref<10240x64xf32, #tpu.memory_space<hbm>> -> memref<10240x64xf32, #tpu.memory_space<hbm>>
      tpu.wait_indirect_dma semaphore(%arg15 : memref<!tpu.dma_semaphore, #tpu.memory_space<semaphore_mem>>) src(%dma_wait3A_604 : memref<10240x64xf32, #tpu.memory_space<hbm>>) dst(%dma_wait3A_598 : memref<128x64xf32, #tpu.memory_space<vmem>>)
      %add3A_605 = arith.constant 4 : i32
      %add3A_606 = arith.addi %add3A_320, %add3A_605 : i32
      %dma_start3A_607 = arith.constant 4 : i32
      %dma_start3A_608 = arith.constant 0 : i32
      %dma_start3A_609 = arith.constant 0 : i32
      %dma_start3A_610 = tpu.memref_slice %arg8[%dma_start3A_607, %dma_start3A_608, %dma_start3A_609] : memref<6x128x64xf32, #tpu.memory_space<vmem>> -> memref<1x128x64xf32, #tpu.memory_space<vmem>>
      %dma_start3A_611 = tpu.memref_squeeze %dma_start3A_610 : memref<1x128x64xf32, #tpu.memory_space<vmem>> -> memref<128x64xf32, #tpu.memory_space<vmem>>
      %dma_start3A_612 = arith.constant 0 : i32
      %dma_start3A_613 = tpu.memref_slice %arg7[%add3A_606, %dma_start3A_612] : memref<79x128xi32, #tpu.memory_space<vmem>> -> memref<1x128xi32, #tpu.memory_space<vmem>>
      %dma_start3A_614 = tpu.memref_squeeze %dma_start3A_613 : memref<1x128xi32, #tpu.memory_space<vmem>> -> memref<128xi32, #tpu.memory_space<vmem>>
      %dma_start3A_615 = arith.constant 0 : i32
      %dma_start3A_616 = arith.constant 0 : i32
      %dma_start3A_617 = tpu.memref_slice %arg9[%dma_start3A_615, %dma_start3A_616] : memref<10240x64xf32, #tpu.memory_space<vmem_shared>> -> memref<10240x64xf32, #tpu.memory_space<vmem_shared>>
      tpu.enqueue_indirect_dma source(%dma_start3A_611 : memref<128x64xf32, #tpu.memory_space<vmem>>) target(%dma_start3A_617 : memref<10240x64xf32, #tpu.memory_space<vmem_shared>>) offsets(%dma_start3A_614 : memref<128xi32, #tpu.memory_space<vmem>>) semaphore(%arg21 : memref<!tpu.dma_semaphore, #tpu.memory_space<semaphore_mem>>) {add = true}
      %add3A_618 = arith.constant 5 : i32
      %add3A_619 = arith.addi %add3A_320, %add3A_618 : i32
      %dma_wait3A_620 = arith.constant 5 : i32
      %dma_wait3A_621 = arith.constant 0 : i32
      %dma_wait3A_622 = arith.constant 0 : i32
      %dma_wait3A_623 = tpu.memref_slice %arg8[%dma_wait3A_620, %dma_wait3A_621, %dma_wait3A_622] : memref<6x128x64xf32, #tpu.memory_space<vmem>> -> memref<1x128x64xf32, #tpu.memory_space<vmem>>
      %dma_wait3A_624 = tpu.memref_squeeze %dma_wait3A_623 : memref<1x128x64xf32, #tpu.memory_space<vmem>> -> memref<128x64xf32, #tpu.memory_space<vmem>>
      %dma_wait3A_625 = arith.constant 0 : i32
      %dma_wait3A_626 = tpu.memref_slice %arg6[%add3A_619, %dma_wait3A_625] : memref<79x128xi32, #tpu.memory_space<vmem>> -> memref<1x128xi32, #tpu.memory_space<vmem>>
      %dma_wait3A_627 = tpu.memref_squeeze %dma_wait3A_626 : memref<1x128xi32, #tpu.memory_space<vmem>> -> memref<128xi32, #tpu.memory_space<vmem>>
      %dma_wait3A_628 = arith.constant 0 : i32
      %dma_wait3A_629 = arith.constant 0 : i32
      %dma_wait3A_630 = tpu.memref_slice %arg2[%dma_wait3A_628, %dma_wait3A_629] : memref<10240x64xf32, #tpu.memory_space<hbm>> -> memref<10240x64xf32, #tpu.memory_space<hbm>>
      tpu.wait_indirect_dma semaphore(%arg16 : memref<!tpu.dma_semaphore, #tpu.memory_space<semaphore_mem>>) src(%dma_wait3A_630 : memref<10240x64xf32, #tpu.memory_space<hbm>>) dst(%dma_wait3A_624 : memref<128x64xf32, #tpu.memory_space<vmem>>)
      %add3A_631 = arith.constant 5 : i32
      %add3A_632 = arith.addi %add3A_320, %add3A_631 : i32
      %dma_start3A_633 = arith.constant 5 : i32
      %dma_start3A_634 = arith.constant 0 : i32
      %dma_start3A_635 = arith.constant 0 : i32
      %dma_start3A_636 = tpu.memref_slice %arg8[%dma_start3A_633, %dma_start3A_634, %dma_start3A_635] : memref<6x128x64xf32, #tpu.memory_space<vmem>> -> memref<1x128x64xf32, #tpu.memory_space<vmem>>
      %dma_start3A_637 = tpu.memref_squeeze %dma_start3A_636 : memref<1x128x64xf32, #tpu.memory_space<vmem>> -> memref<128x64xf32, #tpu.memory_space<vmem>>
      %dma_start3A_638 = arith.constant 0 : i32
      %dma_start3A_639 = tpu.memref_slice %arg7[%add3A_632, %dma_start3A_638] : memref<79x128xi32, #tpu.memory_space<vmem>> -> memref<1x128xi32, #tpu.memory_space<vmem>>
      %dma_start3A_640 = tpu.memref_squeeze %dma_start3A_639 : memref<1x128xi32, #tpu.memory_space<vmem>> -> memref<128xi32, #tpu.memory_space<vmem>>
      %dma_start3A_641 = arith.constant 0 : i32
      %dma_start3A_642 = arith.constant 0 : i32
      %dma_start3A_643 = tpu.memref_slice %arg9[%dma_start3A_641, %dma_start3A_642] : memref<10240x64xf32, #tpu.memory_space<vmem_shared>> -> memref<10240x64xf32, #tpu.memory_space<vmem_shared>>
      tpu.enqueue_indirect_dma source(%dma_start3A_637 : memref<128x64xf32, #tpu.memory_space<vmem>>) target(%dma_start3A_643 : memref<10240x64xf32, #tpu.memory_space<vmem_shared>>) offsets(%dma_start3A_640 : memref<128xi32, #tpu.memory_space<vmem>>) semaphore(%arg22 : memref<!tpu.dma_semaphore, #tpu.memory_space<semaphore_mem>>) {add = true}
    }
    %scan3A_234 = arith.constant 12 : i32
    %dma_wait3A_235 = arith.constant 0 : i32
    %dma_wait3A_236 = arith.constant 72 : i32
    %dma_wait3A_237 = arith.constant 0 : i32
    %dma_wait3A_238 = arith.constant 0 : i32
    %dma_wait3A_239 = tpu.memref_slice %arg8[%dma_wait3A_235, %dma_wait3A_237, %dma_wait3A_238] : memref<6x128x64xf32, #tpu.memory_space<vmem>> -> memref<1x128x64xf32, #tpu.memory_space<vmem>>
    %dma_wait3A_240 = tpu.memref_squeeze %dma_wait3A_239 : memref<1x128x64xf32, #tpu.memory_space<vmem>> -> memref<128x64xf32, #tpu.memory_space<vmem>>
    %dma_wait3A_241 = arith.constant 0 : i32
    %dma_wait3A_242 = tpu.memref_slice %arg7[%dma_wait3A_236, %dma_wait3A_241] : memref<79x128xi32, #tpu.memory_space<vmem>> -> memref<1x128xi32, #tpu.memory_space<vmem>>
    %dma_wait3A_243 = tpu.memref_squeeze %dma_wait3A_242 : memref<1x128xi32, #tpu.memory_space<vmem>> -> memref<128xi32, #tpu.memory_space<vmem>>
    %dma_wait3A_244 = arith.constant 0 : i32
    %dma_wait3A_245 = arith.constant 0 : i32
    %dma_wait3A_246 = tpu.memref_slice %arg9[%dma_wait3A_244, %dma_wait3A_245] : memref<10240x64xf32, #tpu.memory_space<vmem_shared>> -> memref<10240x64xf32, #tpu.memory_space<vmem_shared>>
    tpu.wait_indirect_dma semaphore(%arg17 : memref<!tpu.dma_semaphore, #tpu.memory_space<semaphore_mem>>) src(%dma_wait3A_240 : memref<128x64xf32, #tpu.memory_space<vmem>>) dst(%dma_wait3A_246 : memref<10240x64xf32, #tpu.memory_space<vmem_shared>>)
    %dma_wait3A_247 = arith.constant 1 : i32
    %dma_wait3A_248 = arith.constant 73 : i32
    %dma_wait3A_249 = arith.constant 0 : i32
    %dma_wait3A_250 = arith.constant 0 : i32
    %dma_wait3A_251 = tpu.memref_slice %arg8[%dma_wait3A_247, %dma_wait3A_249, %dma_wait3A_250] : memref<6x128x64xf32, #tpu.memory_space<vmem>> -> memref<1x128x64xf32, #tpu.memory_space<vmem>>
    %dma_wait3A_252 = tpu.memref_squeeze %dma_wait3A_251 : memref<1x128x64xf32, #tpu.memory_space<vmem>> -> memref<128x64xf32, #tpu.memory_space<vmem>>
    %dma_wait3A_253 = arith.constant 0 : i32
    %dma_wait3A_254 = tpu.memref_slice %arg7[%dma_wait3A_248, %dma_wait3A_253] : memref<79x128xi32, #tpu.memory_space<vmem>> -> memref<1x128xi32, #tpu.memory_space<vmem>>
    %dma_wait3A_255 = tpu.memref_squeeze %dma_wait3A_254 : memref<1x128xi32, #tpu.memory_space<vmem>> -> memref<128xi32, #tpu.memory_space<vmem>>
    %dma_wait3A_256 = arith.constant 0 : i32
    %dma_wait3A_257 = arith.constant 0 : i32
    %dma_wait3A_258 = tpu.memref_slice %arg9[%dma_wait3A_256, %dma_wait3A_257] : memref<10240x64xf32, #tpu.memory_space<vmem_shared>> -> memref<10240x64xf32, #tpu.memory_space<vmem_shared>>
    tpu.wait_indirect_dma semaphore(%arg18 : memref<!tpu.dma_semaphore, #tpu.memory_space<semaphore_mem>>) src(%dma_wait3A_252 : memref<128x64xf32, #tpu.memory_space<vmem>>) dst(%dma_wait3A_258 : memref<10240x64xf32, #tpu.memory_space<vmem_shared>>)
    %dma_wait3A_259 = arith.constant 2 : i32
    %dma_wait3A_260 = arith.constant 74 : i32
    %dma_wait3A_261 = arith.constant 0 : i32
    %dma_wait3A_262 = arith.constant 0 : i32
    %dma_wait3A_263 = tpu.memref_slice %arg8[%dma_wait3A_259, %dma_wait3A_261, %dma_wait3A_262] : memref<6x128x64xf32, #tpu.memory_space<vmem>> -> memref<1x128x64xf32, #tpu.memory_space<vmem>>
    %dma_wait3A_264 = tpu.memref_squeeze %dma_wait3A_263 : memref<1x128x64xf32, #tpu.memory_space<vmem>> -> memref<128x64xf32, #tpu.memory_space<vmem>>
    %dma_wait3A_265 = arith.constant 0 : i32
    %dma_wait3A_266 = tpu.memref_slice %arg7[%dma_wait3A_260, %dma_wait3A_265] : memref<79x128xi32, #tpu.memory_space<vmem>> -> memref<1x128xi32, #tpu.memory_space<vmem>>
    %dma_wait3A_267 = tpu.memref_squeeze %dma_wait3A_266 : memref<1x128xi32, #tpu.memory_space<vmem>> -> memref<128xi32, #tpu.memory_space<vmem>>
    %dma_wait3A_268 = arith.constant 0 : i32
    %dma_wait3A_269 = arith.constant 0 : i32
    %dma_wait3A_270 = tpu.memref_slice %arg9[%dma_wait3A_268, %dma_wait3A_269] : memref<10240x64xf32, #tpu.memory_space<vmem_shared>> -> memref<10240x64xf32, #tpu.memory_space<vmem_shared>>
    tpu.wait_indirect_dma semaphore(%arg19 : memref<!tpu.dma_semaphore, #tpu.memory_space<semaphore_mem>>) src(%dma_wait3A_264 : memref<128x64xf32, #tpu.memory_space<vmem>>) dst(%dma_wait3A_270 : memref<10240x64xf32, #tpu.memory_space<vmem_shared>>)
    %dma_wait3A_271 = arith.constant 3 : i32
    %dma_wait3A_272 = arith.constant 75 : i32
    %dma_wait3A_273 = arith.constant 0 : i32
    %dma_wait3A_274 = arith.constant 0 : i32
    %dma_wait3A_275 = tpu.memref_slice %arg8[%dma_wait3A_271, %dma_wait3A_273, %dma_wait3A_274] : memref<6x128x64xf32, #tpu.memory_space<vmem>> -> memref<1x128x64xf32, #tpu.memory_space<vmem>>
    %dma_wait3A_276 = tpu.memref_squeeze %dma_wait3A_275 : memref<1x128x64xf32, #tpu.memory_space<vmem>> -> memref<128x64xf32, #tpu.memory_space<vmem>>
    %dma_wait3A_277 = arith.constant 0 : i32
    %dma_wait3A_278 = tpu.memref_slice %arg7[%dma_wait3A_272, %dma_wait3A_277] : memref<79x128xi32, #tpu.memory_space<vmem>> -> memref<1x128xi32, #tpu.memory_space<vmem>>
    %dma_wait3A_279 = tpu.memref_squeeze %dma_wait3A_278 : memref<1x128xi32, #tpu.memory_space<vmem>> -> memref<128xi32, #tpu.memory_space<vmem>>
    %dma_wait3A_280 = arith.constant 0 : i32
    %dma_wait3A_281 = arith.constant 0 : i32
    %dma_wait3A_282 = tpu.memref_slice %arg9[%dma_wait3A_280, %dma_wait3A_281] : memref<10240x64xf32, #tpu.memory_space<vmem_shared>> -> memref<10240x64xf32, #tpu.memory_space<vmem_shared>>
    tpu.wait_indirect_dma semaphore(%arg20 : memref<!tpu.dma_semaphore, #tpu.memory_space<semaphore_mem>>) src(%dma_wait3A_276 : memref<128x64xf32, #tpu.memory_space<vmem>>) dst(%dma_wait3A_282 : memref<10240x64xf32, #tpu.memory_space<vmem_shared>>)
    %dma_wait3A_283 = arith.constant 4 : i32
    %dma_wait3A_284 = arith.constant 76 : i32
    %dma_wait3A_285 = arith.constant 0 : i32
    %dma_wait3A_286 = arith.constant 0 : i32
    %dma_wait3A_287 = tpu.memref_slice %arg8[%dma_wait3A_283, %dma_wait3A_285, %dma_wait3A_286] : memref<6x128x64xf32, #tpu.memory_space<vmem>> -> memref<1x128x64xf32, #tpu.memory_space<vmem>>
    %dma_wait3A_288 = tpu.memref_squeeze %dma_wait3A_287 : memref<1x128x64xf32, #tpu.memory_space<vmem>> -> memref<128x64xf32, #tpu.memory_space<vmem>>
    %dma_wait3A_289 = arith.constant 0 : i32
    %dma_wait3A_290 = tpu.memref_slice %arg7[%dma_wait3A_284, %dma_wait3A_289] : memref<79x128xi32, #tpu.memory_space<vmem>> -> memref<1x128xi32, #tpu.memory_space<vmem>>
    %dma_wait3A_291 = tpu.memref_squeeze %dma_wait3A_290 : memref<1x128xi32, #tpu.memory_space<vmem>> -> memref<128xi32, #tpu.memory_space<vmem>>
    %dma_wait3A_292 = arith.constant 0 : i32
    %dma_wait3A_293 = arith.constant 0 : i32
    %dma_wait3A_294 = tpu.memref_slice %arg9[%dma_wait3A_292, %dma_wait3A_293] : memref<10240x64xf32, #tpu.memory_space<vmem_shared>> -> memref<10240x64xf32, #tpu.memory_space<vmem_shared>>
    tpu.wait_indirect_dma semaphore(%arg21 : memref<!tpu.dma_semaphore, #tpu.memory_space<semaphore_mem>>) src(%dma_wait3A_288 : memref<128x64xf32, #tpu.memory_space<vmem>>) dst(%dma_wait3A_294 : memref<10240x64xf32, #tpu.memory_space<vmem_shared>>)
    %dma_wait3A_295 = arith.constant 5 : i32
    %dma_wait3A_296 = arith.constant 77 : i32
    %dma_wait3A_297 = arith.constant 0 : i32
    %dma_wait3A_298 = arith.constant 0 : i32
    %dma_wait3A_299 = tpu.memref_slice %arg8[%dma_wait3A_295, %dma_wait3A_297, %dma_wait3A_298] : memref<6x128x64xf32, #tpu.memory_space<vmem>> -> memref<1x128x64xf32, #tpu.memory_space<vmem>>
    %dma_wait3A_300 = tpu.memref_squeeze %dma_wait3A_299 : memref<1x128x64xf32, #tpu.memory_space<vmem>> -> memref<128x64xf32, #tpu.memory_space<vmem>>
    %dma_wait3A_301 = arith.constant 0 : i32
    %dma_wait3A_302 = tpu.memref_slice %arg7[%dma_wait3A_296, %dma_wait3A_301] : memref<79x128xi32, #tpu.memory_space<vmem>> -> memref<1x128xi32, #tpu.memory_space<vmem>>
    %dma_wait3A_303 = tpu.memref_squeeze %dma_wait3A_302 : memref<1x128xi32, #tpu.memory_space<vmem>> -> memref<128xi32, #tpu.memory_space<vmem>>
    %dma_wait3A_304 = arith.constant 0 : i32
    %dma_wait3A_305 = arith.constant 0 : i32
    %dma_wait3A_306 = tpu.memref_slice %arg9[%dma_wait3A_304, %dma_wait3A_305] : memref<10240x64xf32, #tpu.memory_space<vmem_shared>> -> memref<10240x64xf32, #tpu.memory_space<vmem_shared>>
    tpu.wait_indirect_dma semaphore(%arg22 : memref<!tpu.dma_semaphore, #tpu.memory_space<semaphore_mem>>) src(%dma_wait3A_300 : memref<128x64xf32, #tpu.memory_space<vmem>>) dst(%dma_wait3A_306 : memref<10240x64xf32, #tpu.memory_space<vmem_shared>>)
    %convert_element_type3A_307 = arith.extui %lt3A_1 : i1 to i32
    %cond3A_308 = arith.constant 0 : i32
    %cond3A_309 = arith.cmpi ne, %convert_element_type3A_307, %cond3A_308 : i32
    scf.if %cond3A_309 {
      %run_scoped3A = arith.constant 78 : i32
      %run_scoped3A_316 = arith.constant 0 : i32
      "tpu.region"() ({
        %run_scoped3A_319 = tpu.sem_alloc : memref<!tpu.dma_semaphore, #tpu.memory_space<semaphore_mem>>
        %dma_start3A_320 = arith.constant 0 : i32
        %dma_start3A_321 = arith.constant 0 : i32
        %dma_start3A_322 = tpu.memref_slice %arg8[%run_scoped3A_316, %dma_start3A_320, %dma_start3A_321] : memref<6x128x64xf32, #tpu.memory_space<vmem>> -> memref<1x128x64xf32, #tpu.memory_space<vmem>>
        %dma_start3A_323 = tpu.memref_squeeze %dma_start3A_322 : memref<1x128x64xf32, #tpu.memory_space<vmem>> -> memref<128x64xf32, #tpu.memory_space<vmem>>
        %dma_start3A_324 = arith.constant 0 : i32
        %dma_start3A_325 = tpu.memref_slice %arg6[%run_scoped3A, %dma_start3A_324] : memref<79x128xi32, #tpu.memory_space<vmem>> -> memref<1x128xi32, #tpu.memory_space<vmem>>
        %dma_start3A_326 = tpu.memref_squeeze %dma_start3A_325 : memref<1x128xi32, #tpu.memory_space<vmem>> -> memref<128xi32, #tpu.memory_space<vmem>>
        %dma_start3A_327 = arith.constant 0 : i32
        %dma_start3A_328 = arith.constant 0 : i32
        %dma_start3A_329 = tpu.memref_slice %arg2[%dma_start3A_327, %dma_start3A_328] : memref<10240x64xf32, #tpu.memory_space<hbm>> -> memref<10240x64xf32, #tpu.memory_space<hbm>>
        tpu.enqueue_indirect_dma source(%dma_start3A_329 : memref<10240x64xf32, #tpu.memory_space<hbm>>) target(%dma_start3A_323 : memref<128x64xf32, #tpu.memory_space<vmem>>) offsets(%dma_start3A_326 : memref<128xi32, #tpu.memory_space<vmem>>) semaphore(%run_scoped3A_319 : memref<!tpu.dma_semaphore, #tpu.memory_space<semaphore_mem>>)
        %dma_wait3A_330 = arith.constant 0 : i32
        %dma_wait3A_331 = arith.constant 0 : i32
        %dma_wait3A_332 = tpu.memref_slice %arg8[%run_scoped3A_316, %dma_wait3A_330, %dma_wait3A_331] : memref<6x128x64xf32, #tpu.memory_space<vmem>> -> memref<1x128x64xf32, #tpu.memory_space<vmem>>
        %dma_wait3A_333 = tpu.memref_squeeze %dma_wait3A_332 : memref<1x128x64xf32, #tpu.memory_space<vmem>> -> memref<128x64xf32, #tpu.memory_space<vmem>>
        %dma_wait3A_334 = arith.constant 0 : i32
        %dma_wait3A_335 = tpu.memref_slice %arg6[%run_scoped3A, %dma_wait3A_334] : memref<79x128xi32, #tpu.memory_space<vmem>> -> memref<1x128xi32, #tpu.memory_space<vmem>>
        %dma_wait3A_336 = tpu.memref_squeeze %dma_wait3A_335 : memref<1x128xi32, #tpu.memory_space<vmem>> -> memref<128xi32, #tpu.memory_space<vmem>>
        %dma_wait3A_337 = arith.constant 0 : i32
        %dma_wait3A_338 = arith.constant 0 : i32
        %dma_wait3A_339 = tpu.memref_slice %arg2[%dma_wait3A_337, %dma_wait3A_338] : memref<10240x64xf32, #tpu.memory_space<hbm>> -> memref<10240x64xf32, #tpu.memory_space<hbm>>
        tpu.wait_indirect_dma semaphore(%run_scoped3A_319 : memref<!tpu.dma_semaphore, #tpu.memory_space<semaphore_mem>>) src(%dma_wait3A_339 : memref<10240x64xf32, #tpu.memory_space<hbm>>) dst(%dma_wait3A_333 : memref<128x64xf32, #tpu.memory_space<vmem>>)
        tpu.yield
      }) : () -> ()
      %run_scoped3A_317 = arith.constant 0 : i32
      %run_scoped3A_318 = arith.constant 78 : i32
      "tpu.region"() ({
        %run_scoped3A_319 = tpu.sem_alloc : memref<!tpu.dma_semaphore, #tpu.memory_space<semaphore_mem>>
        %dma_start3A_320 = arith.constant 0 : i32
        %dma_start3A_321 = arith.constant 0 : i32
        %dma_start3A_322 = tpu.memref_slice %arg8[%run_scoped3A_317, %dma_start3A_320, %dma_start3A_321] : memref<6x128x64xf32, #tpu.memory_space<vmem>> -> memref<1x128x64xf32, #tpu.memory_space<vmem>>
        %dma_start3A_323 = tpu.memref_squeeze %dma_start3A_322 : memref<1x128x64xf32, #tpu.memory_space<vmem>> -> memref<128x64xf32, #tpu.memory_space<vmem>>
        %dma_start3A_324 = arith.constant 0 : i32
        %dma_start3A_325 = tpu.memref_slice %arg7[%run_scoped3A_318, %dma_start3A_324] : memref<79x128xi32, #tpu.memory_space<vmem>> -> memref<1x128xi32, #tpu.memory_space<vmem>>
        %dma_start3A_326 = tpu.memref_squeeze %dma_start3A_325 : memref<1x128xi32, #tpu.memory_space<vmem>> -> memref<128xi32, #tpu.memory_space<vmem>>
        %dma_start3A_327 = arith.constant 0 : i32
        %dma_start3A_328 = arith.constant 0 : i32
        %dma_start3A_329 = tpu.memref_slice %arg9[%dma_start3A_327, %dma_start3A_328] : memref<10240x64xf32, #tpu.memory_space<vmem_shared>> -> memref<10240x64xf32, #tpu.memory_space<vmem_shared>>
        tpu.enqueue_indirect_dma source(%dma_start3A_323 : memref<128x64xf32, #tpu.memory_space<vmem>>) target(%dma_start3A_329 : memref<10240x64xf32, #tpu.memory_space<vmem_shared>>) offsets(%dma_start3A_326 : memref<128xi32, #tpu.memory_space<vmem>>) semaphore(%run_scoped3A_319 : memref<!tpu.dma_semaphore, #tpu.memory_space<semaphore_mem>>) {add = true}
        %dma_wait3A_330 = arith.constant 0 : i32
        %dma_wait3A_331 = arith.constant 0 : i32
        %dma_wait3A_332 = tpu.memref_slice %arg8[%run_scoped3A_317, %dma_wait3A_330, %dma_wait3A_331] : memref<6x128x64xf32, #tpu.memory_space<vmem>> -> memref<1x128x64xf32, #tpu.memory_space<vmem>>
        %dma_wait3A_333 = tpu.memref_squeeze %dma_wait3A_332 : memref<1x128x64xf32, #tpu.memory_space<vmem>> -> memref<128x64xf32, #tpu.memory_space<vmem>>
        %dma_wait3A_334 = arith.constant 0 : i32
        %dma_wait3A_335 = tpu.memref_slice %arg7[%run_scoped3A_318, %dma_wait3A_334] : memref<79x128xi32, #tpu.memory_space<vmem>> -> memref<1x128xi32, #tpu.memory_space<vmem>>
        %dma_wait3A_336 = tpu.memref_squeeze %dma_wait3A_335 : memref<1x128xi32, #tpu.memory_space<vmem>> -> memref<128xi32, #tpu.memory_space<vmem>>
        %dma_wait3A_337 = arith.constant 0 : i32
        %dma_wait3A_338 = arith.constant 0 : i32
        %dma_wait3A_339 = tpu.memref_slice %arg9[%dma_wait3A_337, %dma_wait3A_338] : memref<10240x64xf32, #tpu.memory_space<vmem_shared>> -> memref<10240x64xf32, #tpu.memory_space<vmem_shared>>
        tpu.wait_indirect_dma semaphore(%run_scoped3A_319 : memref<!tpu.dma_semaphore, #tpu.memory_space<semaphore_mem>>) src(%dma_wait3A_333 : memref<128x64xf32, #tpu.memory_space<vmem>>) dst(%dma_wait3A_339 : memref<10240x64xf32, #tpu.memory_space<vmem_shared>>)
        tpu.yield
      }) : () -> ()
    } else {
    }
    %barrier3A_310 = arith.constant 0 : index
    tpu.barrier barrier_id(%barrier3A_310)
    %scan3A_311 = arith.constant 0 : i32
    %scan3A_312 = arith.constant 5 : i32
    %scan3A_313 = arith.addi %scan3A_311, %scan3A_312 : i32
    %scan3A_314 = arith.constant 1 : i32
    scf.for %scan3A_316 = %scan3A_311 to %scan3A_313 step %scan3A_314  : i32 {
      %mul3A_317 = arith.constant 128 : i32
      %mul3A_318 = arith.muli %scan3A_316, %mul3A_317 : i32
      %add3A_319 = arith.constant 0 : i32
      %add3A_320 = arith.addi %add3A_319, %mul3A_318 : i32
      %mul3A_321 = arith.constant 640 : i32
      %mul3A_322 = arith.muli %arg1, %mul3A_321 : i32
      %add3A_323 = arith.addi %mul3A_322, %add3A_320 : i32
      %run_scoped3A = arith.constant 0 : i32
      "tpu.region"() ({
        %run_scoped3A_328 = tpu.sem_alloc : memref<!tpu.dma_semaphore, #tpu.memory_space<semaphore_mem>>
        %dma_start3A_329 = arith.constant 0 : i32
        %dma_start3A_330 = arith.constant 0 : i32
        %dma_start3A_331 = tpu.memref_slice %arg8[%run_scoped3A, %dma_start3A_329, %dma_start3A_330] : memref<6x128x64xf32, #tpu.memory_space<vmem>> -> memref<1x128x64xf32, #tpu.memory_space<vmem>>
        %dma_start3A_332 = tpu.memref_squeeze %dma_start3A_331 : memref<1x128x64xf32, #tpu.memory_space<vmem>> -> memref<128x64xf32, #tpu.memory_space<vmem>>
        %dma_start3A_333 = arith.constant 0 : i32
        %dma_start3A_334 = tpu.memref_slice %arg9[%add3A_323, %dma_start3A_333] : memref<10240x64xf32, #tpu.memory_space<vmem_shared>> -> memref<128x64xf32, #tpu.memory_space<vmem_shared>>
        %dma_start3A_335 = arith.constant 0 : i32
        %dma_start3A_336 = arith.constant 0 : i32
        %dma_start3A_337 = tpu.memref_slice %arg8[%run_scoped3A, %dma_start3A_335, %dma_start3A_336] : memref<6x128x64xf32, #tpu.memory_space<vmem>> -> memref<1x128x64xf32, #tpu.memory_space<vmem>>
        %dma_start3A_338 = tpu.memref_squeeze %dma_start3A_337 : memref<1x128x64xf32, #tpu.memory_space<vmem>> -> memref<128x64xf32, #tpu.memory_space<vmem>>
        %dma_start3A_339 = arith.constant 0 : i32
        %dma_start3A_340 = tpu.memref_slice %arg9[%add3A_323, %dma_start3A_339] : memref<10240x64xf32, #tpu.memory_space<vmem_shared>> -> memref<128x64xf32, #tpu.memory_space<vmem_shared>>
        tpu.enqueue_dma source(%dma_start3A_340 : memref<128x64xf32, #tpu.memory_space<vmem_shared>>) target(%dma_start3A_338 : memref<128x64xf32, #tpu.memory_space<vmem>>) target_semaphore(%run_scoped3A_328 : memref<!tpu.dma_semaphore, #tpu.memory_space<semaphore_mem>>)
        %dma_wait3A_341 = arith.constant 0 : i32
        %dma_wait3A_342 = arith.constant 0 : i32
        %dma_wait3A_343 = tpu.memref_slice %arg8[%run_scoped3A, %dma_wait3A_341, %dma_wait3A_342] : memref<6x128x64xf32, #tpu.memory_space<vmem>> -> memref<1x128x64xf32, #tpu.memory_space<vmem>>
        %dma_wait3A_344 = tpu.memref_squeeze %dma_wait3A_343 : memref<1x128x64xf32, #tpu.memory_space<vmem>> -> memref<128x64xf32, #tpu.memory_space<vmem>>
        %dma_wait3A_345 = arith.constant 0 : i32
        %dma_wait3A_346 = tpu.memref_slice %arg9[%add3A_323, %dma_wait3A_345] : memref<10240x64xf32, #tpu.memory_space<vmem_shared>> -> memref<128x64xf32, #tpu.memory_space<vmem_shared>>
        %dma_wait3A_347 = arith.constant 0 : i32
        %dma_wait3A_348 = arith.constant 0 : i32
        %dma_wait3A_349 = tpu.memref_slice %arg8[%run_scoped3A, %dma_wait3A_347, %dma_wait3A_348] : memref<6x128x64xf32, #tpu.memory_space<vmem>> -> memref<1x128x64xf32, #tpu.memory_space<vmem>>
        %dma_wait3A_350 = tpu.memref_squeeze %dma_wait3A_349 : memref<1x128x64xf32, #tpu.memory_space<vmem>> -> memref<128x64xf32, #tpu.memory_space<vmem>>
        %dma_wait3A_351 = arith.constant 0 : i32
        %dma_wait3A_352 = tpu.memref_slice %arg9[%add3A_323, %dma_wait3A_351] : memref<10240x64xf32, #tpu.memory_space<vmem_shared>> -> memref<128x64xf32, #tpu.memory_space<vmem_shared>>
        tpu.wait_dma2 semaphore(%run_scoped3A_328 : memref<!tpu.dma_semaphore, #tpu.memory_space<semaphore_mem>>) src(%dma_wait3A_352 : memref<128x64xf32, #tpu.memory_space<vmem_shared>>) dst(%dma_wait3A_350 : memref<128x64xf32, #tpu.memory_space<vmem>>)
        tpu.yield
      }) : () -> ()
      %mul3A_324 = arith.constant 640 : i32
      %mul3A_325 = arith.muli %arg1, %mul3A_324 : i32
      %add3A_326 = arith.addi %mul3A_325, %add3A_320 : i32
      %run_scoped3A_327 = arith.constant 0 : i32
      "tpu.region"() ({
        %run_scoped3A_328 = tpu.sem_alloc : memref<!tpu.dma_semaphore, #tpu.memory_space<semaphore_mem>>
        %dma_start3A_329 = arith.constant 0 : i32
        %dma_start3A_330 = arith.constant 0 : i32
        %dma_start3A_331 = tpu.memref_slice %arg8[%run_scoped3A_327, %dma_start3A_329, %dma_start3A_330] : memref<6x128x64xf32, #tpu.memory_space<vmem>> -> memref<1x128x64xf32, #tpu.memory_space<vmem>>
        %dma_start3A_332 = tpu.memref_squeeze %dma_start3A_331 : memref<1x128x64xf32, #tpu.memory_space<vmem>> -> memref<128x64xf32, #tpu.memory_space<vmem>>
        %dma_start3A_333 = arith.constant 0 : i32
        %dma_start3A_334 = tpu.memref_slice %arg5[%arg0, %add3A_326, %dma_start3A_333] : memref<2x10240x64xf32, #tpu.memory_space<hbm>> -> memref<1x128x64xf32, #tpu.memory_space<hbm>>
        %dma_start3A_335 = tpu.memref_squeeze %dma_start3A_334 : memref<1x128x64xf32, #tpu.memory_space<hbm>> -> memref<128x64xf32, #tpu.memory_space<hbm>>
        %dma_start3A_336 = arith.constant 0 : i32
        %dma_start3A_337 = tpu.memref_slice %arg5[%arg0, %add3A_326, %dma_start3A_336] : memref<2x10240x64xf32, #tpu.memory_space<hbm>> -> memref<1x128x64xf32, #tpu.memory_space<hbm>>
        %dma_start3A_338 = tpu.memref_squeeze %dma_start3A_337 : memref<1x128x64xf32, #tpu.memory_space<hbm>> -> memref<128x64xf32, #tpu.memory_space<hbm>>
        %dma_start3A_339 = arith.constant 0 : i32
        %dma_start3A_340 = arith.constant 0 : i32
        %dma_start3A_341 = tpu.memref_slice %arg8[%run_scoped3A_327, %dma_start3A_339, %dma_start3A_340] : memref<6x128x64xf32, #tpu.memory_space<vmem>> -> memref<1x128x64xf32, #tpu.memory_space<vmem>>
        %dma_start3A_342 = tpu.memref_squeeze %dma_start3A_341 : memref<1x128x64xf32, #tpu.memory_space<vmem>> -> memref<128x64xf32, #tpu.memory_space<vmem>>
        tpu.enqueue_dma source(%dma_start3A_342 : memref<128x64xf32, #tpu.memory_space<vmem>>) target(%dma_start3A_338 : memref<128x64xf32, #tpu.memory_space<hbm>>) target_semaphore(%run_scoped3A_328 : memref<!tpu.dma_semaphore, #tpu.memory_space<semaphore_mem>>)
        %dma_wait3A_343 = arith.constant 0 : i32
        %dma_wait3A_344 = arith.constant 0 : i32
        %dma_wait3A_345 = tpu.memref_slice %arg8[%run_scoped3A_327, %dma_wait3A_343, %dma_wait3A_344] : memref<6x128x64xf32, #tpu.memory_space<vmem>> -> memref<1x128x64xf32, #tpu.memory_space<vmem>>
        %dma_wait3A_346 = tpu.memref_squeeze %dma_wait3A_345 : memref<1x128x64xf32, #tpu.memory_space<vmem>> -> memref<128x64xf32, #tpu.memory_space<vmem>>
        %dma_wait3A_347 = arith.constant 0 : i32
        %dma_wait3A_348 = tpu.memref_slice %arg5[%arg0, %add3A_326, %dma_wait3A_347] : memref<2x10240x64xf32, #tpu.memory_space<hbm>> -> memref<1x128x64xf32, #tpu.memory_space<hbm>>
        %dma_wait3A_349 = tpu.memref_squeeze %dma_wait3A_348 : memref<1x128x64xf32, #tpu.memory_space<hbm>> -> memref<128x64xf32, #tpu.memory_space<hbm>>
        %dma_wait3A_350 = arith.constant 0 : i32
        %dma_wait3A_351 = tpu.memref_slice %arg5[%arg0, %add3A_326, %dma_wait3A_350] : memref<2x10240x64xf32, #tpu.memory_space<hbm>> -> memref<1x128x64xf32, #tpu.memory_space<hbm>>
        %dma_wait3A_352 = tpu.memref_squeeze %dma_wait3A_351 : memref<1x128x64xf32, #tpu.memory_space<hbm>> -> memref<128x64xf32, #tpu.memory_space<hbm>>
        %dma_wait3A_353 = arith.constant 0 : i32
        %dma_wait3A_354 = arith.constant 0 : i32
        %dma_wait3A_355 = tpu.memref_slice %arg8[%run_scoped3A_327, %dma_wait3A_353, %dma_wait3A_354] : memref<6x128x64xf32, #tpu.memory_space<vmem>> -> memref<1x128x64xf32, #tpu.memory_space<vmem>>
        %dma_wait3A_356 = tpu.memref_squeeze %dma_wait3A_355 : memref<1x128x64xf32, #tpu.memory_space<vmem>> -> memref<128x64xf32, #tpu.memory_space<vmem>>
        tpu.wait_dma2 semaphore(%run_scoped3A_328 : memref<!tpu.dma_semaphore, #tpu.memory_space<semaphore_mem>>) src(%dma_wait3A_356 : memref<128x64xf32, #tpu.memory_space<vmem>>) dst(%dma_wait3A_352 : memref<128x64xf32, #tpu.memory_space<hbm>>)
        tpu.yield
      }) : () -> ()
    }
    %scan3A_315 = arith.constant 5 : i32
    return
  }
}

module attributes {stable_mosaic.version = 14 : i64} {
  func.func @_tc_first_body(%arg0: memref<10000x128xf32, #tpu.memory_space<vmem>>, %arg1: memref<128x64xf32, #tpu.memory_space<vmem>>, %arg2: memref<20480xf32, #tpu.memory_space<vmem>>, %arg3: memref<5120x128xf32, #tpu.memory_space<vmem>>, %arg4: memref<5120x128xf32, #tpu.memory_space<vmem>>) attributes {dimension_semantics = [], scalar_prefetch = 0 : i64, scratch_operands = 0 : i64, tpu.core_type = #tpu.core_type<tc>} {
    %get3A = arith.constant 0 : index
    %get3A_0 = vector.load %arg2[%get3A] : memref<20480xf32, #tpu.memory_space<vmem>>, vector<10000xf32>
    %get3A_1 = arith.constant 10240 : index
    %get3A_2 = vector.load %arg2[%get3A_1] : memref<20480xf32, #tpu.memory_space<vmem>>, vector<10000xf32>
    %add3A = arith.addf %get3A_0, %get3A_2 : vector<10000xf32>
    %add3A_3 = arith.constant 1.000000e+00 : f32
    %add3A_4 = vector.broadcast %add3A_3 : f32 to vector<10000xf32>
    %add3A_5 = arith.addf %add3A, %add3A_4 : vector<10000xf32>
    %rsqrt3A = math.rsqrt %add3A_5 : vector<10000xf32>
    %broadcast_in_dim3A = vector.shape_cast %rsqrt3A : vector<10000xf32> to vector<10000x1xf32>
    %get3A_6 = arith.constant 0 : index
    %get3A_7 = arith.constant 0 : index
    %get3A_8 = vector.load %arg0[%get3A_6, %get3A_7] : memref<10000x128xf32, #tpu.memory_space<vmem>>, vector<10000x128xf32>
    %get3A_9 = arith.constant 0 : index
    %get3A_10 = arith.constant 0 : index
    %get3A_11 = vector.load %arg1[%get3A_9, %get3A_10] : memref<128x64xf32, #tpu.memory_space<vmem>>, vector<128x64xf32>
    %dot_general3A = arith.constant dense<0.000000e+00> : vector<10000x64xf32>
    %dot_general3A_12 = tpu.matmul %get3A_8, %get3A_11, %dot_general3A {dimension_numbers = #tpu.dot_dimension_numbers<[1], [0], [0], [1], [0, 0, 1, 1], [], []>, precision = #tpu.contract_precision<fp32>, transpose_lhs_hint = false} : vector<10000x128xf32>, vector<128x64xf32>, vector<10000x64xf32> -> vector<10000x64xf32>
    %mul3A = vector.broadcast %broadcast_in_dim3A : vector<10000x1xf32> to vector<10000x64xf32>
    %mul3A_13 = arith.mulf %mul3A, %dot_general3A_12 : vector<10000x64xf32>
    %broadcast_in_dim3A_14 = arith.constant 0.000000e+00 : f32
    %broadcast_in_dim3A_15 = vector.broadcast %broadcast_in_dim3A_14 : f32 to vector<240x64xf32>
    %slice3A = vector.extract_strided_slice %mul3A_13 {offsets = [0, 0], sizes = [5120, 64], strides = [1, 1]} : vector<10000x64xf32> to vector<5120x64xf32>
    %slice3A_16 = vector.extract_strided_slice %mul3A_13 {offsets = [5120, 0], sizes = [4880, 64], strides = [1, 1]} : vector<10000x64xf32> to vector<4880x64xf32>
    %concatenate3A = tpu.concatenate %slice3A_16, %broadcast_in_dim3A_15 in 0 : vector<4880x64xf32>, vector<240x64xf32> -> vector<5120x64xf32>
    %concatenate3A_17 = tpu.concatenate %slice3A, %concatenate3A in 1 : vector<5120x64xf32>, vector<5120x64xf32> -> vector<5120x128xf32>
    %swap3A = arith.constant 0 : index
    %swap3A_18 = arith.constant 0 : index
    %swap3A_19 = vector.load %arg3[%swap3A, %swap3A_18] : memref<5120x128xf32, #tpu.memory_space<vmem>>, vector<5120x128xf32>
    tpu.vector_store %arg3[%swap3A, %swap3A_18], %concatenate3A_17 {strides = array<i32>} : memref<5120x128xf32, #tpu.memory_space<vmem>>, vector<5120x128xf32>,
    %broadcast_in_dim3A_20 = vector.shape_cast %broadcast_in_dim3A : vector<10000x1xf32> to vector<10000x1xf32>
    %broadcast_in_dim3A_21 = vector.broadcast %broadcast_in_dim3A_20 : vector<10000x1xf32> to vector<10000x64xf32>
    %slice3A_22 = vector.extract_strided_slice %broadcast_in_dim3A_21 {offsets = [0, 0], sizes = [5120, 64], strides = [1, 1]} : vector<10000x64xf32> to vector<5120x64xf32>
    %slice3A_23 = vector.extract_strided_slice %broadcast_in_dim3A_21 {offsets = [5120, 0], sizes = [4880, 64], strides = [1, 1]} : vector<10000x64xf32> to vector<4880x64xf32>
    %add3A_24 = arith.constant 1.000000e+00 : f32
    %add3A_25 = vector.broadcast %add3A_24 : f32 to vector<240x64xf32>
    %add3A_26 = arith.addf %broadcast_in_dim3A_15, %add3A_25 : vector<240x64xf32>
    %concatenate3A_27 = tpu.concatenate %slice3A_23, %add3A_26 in 0 : vector<4880x64xf32>, vector<240x64xf32> -> vector<5120x64xf32>
    %concatenate3A_28 = tpu.concatenate %slice3A_22, %concatenate3A_27 in 1 : vector<5120x64xf32>, vector<5120x64xf32> -> vector<5120x128xf32>
    %swap3A_29 = arith.constant 0 : index
    %swap3A_30 = arith.constant 0 : index
    %swap3A_31 = vector.load %arg4[%swap3A_29, %swap3A_30] : memref<5120x128xf32, #tpu.memory_space<vmem>>, vector<5120x128xf32>
    tpu.vector_store %arg4[%swap3A_29, %swap3A_30], %concatenate3A_28 {strides = array<i32>} : memref<5120x128xf32, #tpu.memory_space<vmem>>, vector<5120x128xf32>,
    return
  }
}

module attributes {stable_mosaic.version = 14 : i64} {
  func.func @_tc_mid_body(%arg0: memref<2x5120x128xf32, #tpu.memory_space<vmem>>, %arg1: memref<5120x128xf32, #tpu.memory_space<vmem>>, %arg2: memref<5120x128xf32, #tpu.memory_space<vmem>>, %arg3: memref<64xf32, #tpu.memory_space<vmem>>, %arg4: memref<64x64xf32, #tpu.memory_space<vmem>>, %arg5: memref<5120x128xf32, #tpu.memory_space<vmem>>) attributes {dimension_semantics = [], scalar_prefetch = 0 : i64, scratch_operands = 0 : i64, tpu.core_type = #tpu.core_type<tc>} {
    %get3A = arith.constant 0 : index
    %get3A_0 = arith.constant 0 : index
    %get3A_1 = vector.load %arg2[%get3A, %get3A_0] : memref<5120x128xf32, #tpu.memory_space<vmem>>, vector<5120x128xf32>
    %get3A_2 = arith.constant 0 : index
    %get3A_3 = vector.load %arg3[%get3A_2] : memref<64xf32, #tpu.memory_space<vmem>>, vector<64xf32>
    %get3A_4 = arith.constant 0 : index
    %get3A_5 = vector.load %arg3[%get3A_4] : memref<64xf32, #tpu.memory_space<vmem>>, vector<64xf32>
    %concatenate3A = tpu.concatenate %get3A_3, %get3A_5 in 0 : vector<64xf32>, vector<64xf32> -> vector<128xf32>
    %broadcast_in_dim3A = vector.shape_cast %concatenate3A : vector<128xf32> to vector<1x128xf32>
    %get3A_6 = arith.constant 0 : index
    %get3A_7 = arith.constant 0 : index
    %get3A_8 = arith.constant 0 : index
    %get3A_9 = vector.load %arg0[%get3A_6, %get3A_7, %get3A_8] : memref<2x5120x128xf32, #tpu.memory_space<vmem>>, vector<1x5120x128xf32>
    %get3A_10 = vector.shape_cast %get3A_9 : vector<1x5120x128xf32> to vector<5120x128xf32>
    %get3A_11 = arith.constant 1 : index
    %get3A_12 = arith.constant 0 : index
    %get3A_13 = arith.constant 0 : index
    %get3A_14 = vector.load %arg0[%get3A_11, %get3A_12, %get3A_13] : memref<2x5120x128xf32, #tpu.memory_space<vmem>>, vector<1x5120x128xf32>
    %get3A_15 = vector.shape_cast %get3A_14 : vector<1x5120x128xf32> to vector<5120x128xf32>
    %add3A = arith.addf %get3A_10, %get3A_15 : vector<5120x128xf32>
    %get3A_16 = arith.constant 0 : index
    %get3A_17 = arith.constant 0 : index
    %get3A_18 = vector.load %arg1[%get3A_16, %get3A_17] : memref<5120x128xf32, #tpu.memory_space<vmem>>, vector<5120x128xf32>
    %add3A_19 = arith.addf %add3A, %get3A_18 : vector<5120x128xf32>
    %mul3A = arith.mulf %get3A_1, %add3A_19 : vector<5120x128xf32>
    %add3A_20 = vector.broadcast %broadcast_in_dim3A : vector<1x128xf32> to vector<5120x128xf32>
    %add3A_21 = arith.addf %mul3A, %add3A_20 : vector<5120x128xf32>
    %max3A = arith.constant 0.000000e+00 : f32
    %max3A_22 = vector.broadcast %max3A : f32 to vector<5120x128xf32>
    %max3A_23 = arith.maximumf %add3A_21, %max3A_22 : vector<5120x128xf32>
    %get3A_24 = arith.constant 0 : index
    %get3A_25 = arith.constant 0 : index
    %get3A_26 = vector.load %arg4[%get3A_24, %get3A_25] : memref<64x64xf32, #tpu.memory_space<vmem>>, vector<64x64xf32>
    %broadcast_in_dim3A_27 = arith.constant 0.000000e+00 : f32
    %broadcast_in_dim3A_28 = vector.broadcast %broadcast_in_dim3A_27 : f32 to vector<64x64xf32>
    %concatenate3A_29 = tpu.concatenate %get3A_26, %broadcast_in_dim3A_28 in 1 : vector<64x64xf32>, vector<64x64xf32> -> vector<64x128xf32>
    %concatenate3A_30 = tpu.concatenate %broadcast_in_dim3A_28, %get3A_26 in 1 : vector<64x64xf32>, vector<64x64xf32> -> vector<64x128xf32>
    %concatenate3A_31 = tpu.concatenate %concatenate3A_29, %concatenate3A_30 in 0 : vector<64x128xf32>, vector<64x128xf32> -> vector<128x128xf32>
    %dot_general3A = arith.constant dense<0.000000e+00> : vector<5120x128xf32>
    %dot_general3A_32 = tpu.matmul %max3A_23, %concatenate3A_31, %dot_general3A {dimension_numbers = #tpu.dot_dimension_numbers<[1], [0], [0], [1], [0, 0, 1, 1], [], []>, precision = #tpu.contract_precision<fp32>, transpose_lhs_hint = false} : vector<5120x128xf32>, vector<128x128xf32>, vector<5120x128xf32> -> vector<5120x128xf32>
    %mul3A_33 = arith.mulf %get3A_1, %dot_general3A_32 : vector<5120x128xf32>
    %swap3A = arith.constant 0 : index
    %swap3A_34 = arith.constant 0 : index
    %swap3A_35 = vector.load %arg5[%swap3A, %swap3A_34] : memref<5120x128xf32, #tpu.memory_space<vmem>>, vector<5120x128xf32>
    tpu.vector_store %arg5[%swap3A, %swap3A_34], %mul3A_33 {strides = array<i32>} : memref<5120x128xf32, #tpu.memory_space<vmem>>, vector<5120x128xf32>,
    return
  }
}

module attributes {stable_mosaic.version = 14 : i64} {
  func.func @_tc_final_body(%arg0: memref<2x5120x128xf32, #tpu.memory_space<vmem>>, %arg1: memref<5120x128xf32, #tpu.memory_space<vmem>>, %arg2: memref<5120x128xf32, #tpu.memory_space<vmem>>, %arg3: memref<64xf32, #tpu.memory_space<vmem>>, %arg4: memref<5120x2xi32, #tpu.memory_space<vmem>>, %arg5: memref<64x2xf32, #tpu.memory_space<vmem>>, %arg6: memref<2xf32, #tpu.memory_space<vmem>>, %arg7: memref<16x2xf32, #tpu.memory_space<vmem>>) attributes {dimension_semantics = [], scalar_prefetch = 0 : i64, scratch_operands = 0 : i64, tpu.core_type = #tpu.core_type<tc>} {
    %get3A = arith.constant 0 : index
    %get3A_0 = vector.load %arg3[%get3A] : memref<64xf32, #tpu.memory_space<vmem>>, vector<64xf32>
    %get3A_1 = arith.constant 0 : index
    %get3A_2 = vector.load %arg3[%get3A_1] : memref<64xf32, #tpu.memory_space<vmem>>, vector<64xf32>
    %concatenate3A = tpu.concatenate %get3A_0, %get3A_2 in 0 : vector<64xf32>, vector<64xf32> -> vector<128xf32>
    %broadcast_in_dim3A = vector.shape_cast %concatenate3A : vector<128xf32> to vector<1x128xf32>
    %get3A_3 = arith.constant 0 : index
    %get3A_4 = arith.constant 0 : index
    %get3A_5 = arith.constant 0 : index
    %get3A_6 = vector.load %arg0[%get3A_3, %get3A_4, %get3A_5] : memref<2x5120x128xf32, #tpu.memory_space<vmem>>, vector<1x5120x128xf32>
    %get3A_7 = vector.shape_cast %get3A_6 : vector<1x5120x128xf32> to vector<5120x128xf32>
    %get3A_8 = arith.constant 1 : index
    %get3A_9 = arith.constant 0 : index
    %get3A_10 = arith.constant 0 : index
    %get3A_11 = vector.load %arg0[%get3A_8, %get3A_9, %get3A_10] : memref<2x5120x128xf32, #tpu.memory_space<vmem>>, vector<1x5120x128xf32>
    %get3A_12 = vector.shape_cast %get3A_11 : vector<1x5120x128xf32> to vector<5120x128xf32>
    %add3A = arith.addf %get3A_7, %get3A_12 : vector<5120x128xf32>
    %get3A_13 = arith.constant 0 : index
    %get3A_14 = arith.constant 0 : index
    %get3A_15 = vector.load %arg1[%get3A_13, %get3A_14] : memref<5120x128xf32, #tpu.memory_space<vmem>>, vector<5120x128xf32>
    %add3A_16 = arith.addf %add3A, %get3A_15 : vector<5120x128xf32>
    %get3A_17 = arith.constant 0 : index
    %get3A_18 = arith.constant 0 : index
    %get3A_19 = vector.load %arg2[%get3A_17, %get3A_18] : memref<5120x128xf32, #tpu.memory_space<vmem>>, vector<5120x128xf32>
    %mul3A = arith.mulf %get3A_19, %add3A_16 : vector<5120x128xf32>
    %add3A_20 = vector.broadcast %broadcast_in_dim3A : vector<1x128xf32> to vector<5120x128xf32>
    %add3A_21 = arith.addf %mul3A, %add3A_20 : vector<5120x128xf32>
    %max3A = arith.constant 0.000000e+00 : f32
    %max3A_22 = vector.broadcast %max3A : f32 to vector<5120x128xf32>
    %max3A_23 = arith.maximumf %add3A_21, %max3A_22 : vector<5120x128xf32>
    %iota3A = tpu.iota {dimensions = array<i32: 1>} : vector<1x16xi32>
    %get3A_24 = arith.constant 0 : index
    %get3A_25 = arith.constant 0 : index
    %get3A_26 = vector.load %arg4[%get3A_24, %get3A_25] : memref<5120x2xi32, #tpu.memory_space<vmem>>, vector<5120x1xi32>
    %get3A_27 = vector.shape_cast %get3A_26 : vector<5120x1xi32> to vector<5120xi32>
    %broadcast_in_dim3A_28 = vector.shape_cast %get3A_27 : vector<5120xi32> to vector<5120x1xi32>
    %eq3A = vector.broadcast %broadcast_in_dim3A_28 : vector<5120x1xi32> to vector<5120x16xi32>
    %eq3A_29 = vector.broadcast %iota3A : vector<1x16xi32> to vector<5120x16xi32>
    %eq3A_30 = arith.cmpi eq, %eq3A, %eq3A_29 : vector<5120x16xi32>
    %convert_element_type3A = arith.extui %eq3A_30 : vector<5120x16xi1> to vector<5120x16xi32>
    %convert_element_type3A_31 = arith.sitofp %convert_element_type3A : vector<5120x16xi32> to vector<5120x16xf32>
    %get3A_32 = arith.constant 0 : index
    %get3A_33 = arith.constant 1 : index
    %get3A_34 = vector.load %arg4[%get3A_32, %get3A_33] : memref<5120x2xi32, #tpu.memory_space<vmem>>, vector<5120x1xi32>
    %get3A_35 = vector.shape_cast %get3A_34 : vector<5120x1xi32> to vector<5120xi32>
    %broadcast_in_dim3A_36 = vector.shape_cast %get3A_35 : vector<5120xi32> to vector<5120x1xi32>
    %eq3A_37 = vector.broadcast %broadcast_in_dim3A_36 : vector<5120x1xi32> to vector<5120x16xi32>
    %eq3A_38 = vector.broadcast %iota3A : vector<1x16xi32> to vector<5120x16xi32>
    %eq3A_39 = arith.cmpi eq, %eq3A_37, %eq3A_38 : vector<5120x16xi32>
    %convert_element_type3A_40 = arith.extui %eq3A_39 : vector<5120x16xi1> to vector<5120x16xi32>
    %convert_element_type3A_41 = arith.sitofp %convert_element_type3A_40 : vector<5120x16xi32> to vector<5120x16xf32>
    %slice3A = vector.extract_strided_slice %max3A_23 {offsets = [0, 0], sizes = [5120, 64], strides = [1, 1]} : vector<5120x128xf32> to vector<5120x64xf32>
    %dot_general3A = arith.constant dense<0.000000e+00> : vector<16x64xf32>
    %dot_general3A_42 = tpu.matmul %convert_element_type3A_31, %slice3A, %dot_general3A {dimension_numbers = #tpu.dot_dimension_numbers<[0], [0], [1], [1], [0, 1, 1, 1], [], []>, precision = #tpu.contract_precision<fp32>, transpose_lhs_hint = false} : vector<5120x16xf32>, vector<5120x64xf32>, vector<16x64xf32> -> vector<16x64xf32>
    %slice3A_43 = vector.extract_strided_slice %max3A_23 {offsets = [0, 64], sizes = [5120, 64], strides = [1, 1]} : vector<5120x128xf32> to vector<5120x64xf32>
    %dot_general3A_44 = arith.constant dense<0.000000e+00> : vector<16x64xf32>
    %dot_general3A_45 = tpu.matmul %convert_element_type3A_41, %slice3A_43, %dot_general3A_44 {dimension_numbers = #tpu.dot_dimension_numbers<[0], [0], [1], [1], [0, 1, 1, 1], [], []>, precision = #tpu.contract_precision<fp32>, transpose_lhs_hint = false} : vector<5120x16xf32>, vector<5120x64xf32>, vector<16x64xf32> -> vector<16x64xf32>
    %add3A_46 = arith.addf %dot_general3A_42, %dot_general3A_45 : vector<16x64xf32>
    %reduce_sum3A = arith.constant dense<0.000000e+00> : vector<16xf32>
    %reduce_sum3A_47 = vector.multi_reduction <add>, %convert_element_type3A_31, %reduce_sum3A [0] : vector<5120x16xf32> to vector<16xf32>
    %reduce_sum3A_48 = arith.constant dense<0.000000e+00> : vector<16xf32>
    %reduce_sum3A_49 = vector.multi_reduction <add>, %convert_element_type3A_41, %reduce_sum3A_48 [0] : vector<5120x16xf32> to vector<16xf32>
    %add3A_50 = arith.addf %reduce_sum3A_47, %reduce_sum3A_49 : vector<16xf32>
    %broadcast_in_dim3A_51 = vector.shape_cast %add3A_50 : vector<16xf32> to vector<16x1xf32>
    %max3A_52 = arith.constant 1.000000e+00 : f32
    %max3A_53 = vector.broadcast %max3A_52 : f32 to vector<16x1xf32>
    %max3A_54 = arith.maximumf %broadcast_in_dim3A_51, %max3A_53 : vector<16x1xf32>
    %div3A = vector.broadcast %max3A_54 : vector<16x1xf32> to vector<16x64xf32>
    %div3A_55 = arith.divf %add3A_46, %div3A : vector<16x64xf32>
    %get3A_56 = arith.constant 0 : index
    %get3A_57 = arith.constant 0 : index
    %get3A_58 = vector.load %arg5[%get3A_56, %get3A_57] : memref<64x2xf32, #tpu.memory_space<vmem>>, vector<64x2xf32>
    %dot_general3A_59 = arith.constant dense<0.000000e+00> : vector<16x2xf32>
    %dot_general3A_60 = tpu.matmul %div3A_55, %get3A_58, %dot_general3A_59 {dimension_numbers = #tpu.dot_dimension_numbers<[1], [0], [0], [1], [0, 0, 1, 1], [], []>, precision = #tpu.contract_precision<fp32>, transpose_lhs_hint = false} : vector<16x64xf32>, vector<64x2xf32>, vector<16x2xf32> -> vector<16x2xf32>
    %get3A_61 = arith.constant 0 : index
    %get3A_62 = vector.load %arg6[%get3A_61] : memref<2xf32, #tpu.memory_space<vmem>>, vector<2xf32>
    %broadcast_in_dim3A_63 = vector.shape_cast %get3A_62 : vector<2xf32> to vector<1x2xf32>
    %add3A_64 = vector.broadcast %broadcast_in_dim3A_63 : vector<1x2xf32> to vector<16x2xf32>
    %add3A_65 = arith.addf %dot_general3A_60, %add3A_64 : vector<16x2xf32>
    %swap3A = arith.constant 0 : index
    %swap3A_66 = arith.constant 0 : index
    %swap3A_67 = vector.load %arg7[%swap3A, %swap3A_66] : memref<16x2xf32, #tpu.memory_space<vmem>>, vector<16x2xf32>
    tpu.vector_store %arg7[%swap3A, %swap3A_66], %add3A_65 {strides = array<i32>} : memref<16x2xf32, #tpu.memory_space<vmem>>, vector<16x2xf32>,
    return
  }
}

</mosaic_0001>

<sc_bundles>
// kernel: kernel.10.cloned.1.call-start
scs
__scs_entry_jumppad:
0x0: {  	(pc) =	sbr.rel $0x88, $3  }
0x1: {  	(tag) =	ssettag $0x0;
	lr =	simm.s32 $0x1  }
0x2: {  	[smem:$0x3F96] =	sst lr;
	_ =	strace $0xD0000000  }
0x3: {  	_ = 	snop  }
0x4: {  	_ = 	snop  }
0x5: {  	_ = 	snop  }
0x6: {  	_ = 	snop  }
0x7: {  	_ = 	snop  }
__scs_overlays_trampoline_lowered:
0x8: {  	[smem:$0x3FA5] =	sst s0  }
0x9: {  	[smem:$0x3FA6] =	sst s1  }
0xa: {  	[smem:$0x3FA7] =	sst s2  }
0xb: {  	[smem:$0x3FA8] =	sst s3  }
0xc: {  	[smem:$0x3FA9] =	sst s4  }
0xd: {  	[smem:$0x3FAA] =	sst s5  }
0xe: {  	[smem:$0x3FAB] =	sst s6  }
0xf: {  	[smem:$0x3FAC] =	sst s7  }
0x10: {  	[smem:$0x3FAD] =	sst s8  }
0x11: {  	[smem:$0x3FAE] =	sst s9;
	s0 =	simm.s32 @!p0 $0x0  }
0x12: {  	s1 =	sld [smem:$0x3F94];
	s0 =	simm.s32 @p0 $0x1  }
0x13: {  	[smem:$0x3FAF] =	sst s0;
	s0 =	simm.s32 @!p1 $0x0  }
0x14: {  	s2 =	sld [smem:$0x3F93];
	s0 =	simm.s32 @p1 $0x1  }
0x15: {  	[smem:$0x3FB0] =	sst s0;
	s0 =	simm.s32 @!p2 $0x0  }
0x16: {  	s3 =	sld [smem:$0x3FDB];
	s0 =	simm.s32 @p2 $0x1  }
0x17: {  	s4 =	simm.s32 $0x1BF5;
	[smem:$0x3FB2] =	sst s0  }
0x18: {  	s0 =	sld [smem:$0x3F95];
	_ =	swait.ge [sflag:s4], $0x0  }
0x19: {  	s7 =	sld [smem:$0x3F96]  }
0x1a: {  	s8 =	sadd.s32 $0xFFFFE003, lr  }
0x1b: {  	s9 =	sadd.s32 $0xFFFFFEF7, lr;
	s5 =	simm.s32 $0xFFFFFFFF;
	p2 =	slt.u32 s8, $0xFFFFF086  }
0x1c: {  	p1 =	slt.u32 s9, $0xF7A;
	s5 =	simm.s32 @!p2 $0x0  }
0x1d: {  	s5 =	simm.s32 @p1 $0x1;
	p0 =	seq.s32 s7, s2  }
0x1e: {  	s7 =	smul.u32 @!p0 $0xF7A, s2;
	p2 =	seq.s32 @!p0 s5, $0x0  }
0x1f: {  	s9 =	smul.u32 $0xF7A, s1;
	s8 =	simm.s32 @!p0 $0x1BF5;
	p2 =	por !p2, p0  }
0x20: {  	[sflag:s8] =	ssyncset.s32 @!p0 $0xFFFFF086;
	s6 =	sadd.s32 @!p0 s3, s7;
	s7 =	simm.s32 @!p0 $0x108  }
0x21: {  	s3 =	sadd.s32 s3, s9;
	s6 =	sadd.s32 @!p0 $0x88, s6;
	s7 =	simm.s32 @p2 $0x1082  }
0x22: {  	[simem:s7], [sflag:s8] =	dma.local @!p0 [hbm:s6], $0xF7A  }
0x23: {  	s9 =	sor.u32 $0xD0000000, s2;
	s6 =	simm.s32 $0x108;
	_ =	swait.ge @!p0 [sflag:s8], $0x0  }
0x24: {  	s3 =	sadd.s32 $0x88, s3;
	s6 =	simm.s32 @!p1 $0x1082;
	[sflag:s4] =	ssyncset.s32 $0xFFFFF086  }
0x25: {  	[simem:s6], [sflag:s4] =	dma.local [hbm:s3], $0xF7A  }
0x26: {  	[smem:$0x3F96] =	sst s1;
	(tag) =	ssettag s2;
	_ =	strace s9  }
0x27: {  	s1 =	sld [smem:$0x3FA6]  }
0x28: {  	s2 =	sld [smem:$0x3FA7]  }
0x29: {  	s4 =	sld [smem:$0x3FA9]  }
0x2a: {  	p0 =	seq.s32 s5, $0x0;
	s5 =	sld [smem:$0x3FAA]  }
0x2b: {  	s6 =	sld [smem:$0x3FAB]  }
0x2c: {  	s7 =	sld [smem:$0x3FAC]  }
0x2d: {  	s3 =	simm.s32 $0x108;
	s8 =	sld [smem:$0x3FAD]  }
0x2e: {  	s3 =	simm.s32 @!p0 $0x1082;
	s9 =	sld [smem:$0x3FAE]  }
0x2f: {  	lr =	sadd.s32 s0, s3;
	s0 =	sld [smem:$0x3FA5]  }
0x30: {  	s3 =	sld [smem:$0x3FA8]  }
0x31: {  	[smem:$0x3FB1] =	sst s10  }
0x32: {  	s10 =	sld [smem:$0x3FAF];
	_ =	sdelay $0x3  }
0x33: {  	p0 =	seq.s32 s10, $0x1;
	s10 =	sld [smem:$0x3FB1];
	_ =	sdelay $0x3  }
0x34: {  	[smem:$0x3FB1] =	sst s10  }
0x35: {  	s10 =	sld [smem:$0x3FB0];
	_ =	sdelay $0x3  }
0x36: {  	p1 =	seq.s32 s10, $0x1;
	s10 =	sld [smem:$0x3FB1];
	_ =	sdelay $0x3  }
0x37: {  	[smem:$0x3FB1] =	sst s10  }
0x38: {  	s10 =	sld [smem:$0x3FB2]  }
0x39: {  	_ = 	snop;
	(pc) =	sbr.ind lr, $3  }
0x3a: {  	_ = 	snop  }
0x3b: {  	_ = 	snop  }
0x3c: {  	p2 =	seq.s32 s10, $0x1;
	s10 =	sld [smem:$0x3FB1]  }
0x3d: {  	_ =	shalt  }
0x3e: {  	_ =	shalt  }
0x3f: {  	_ =	shalt  }
0x40: {  	_ =	shalt  }
0x41: {  	_ =	shalt  }
0x42: {  	_ =	shalt  }
0x43: {  	_ =	shalt  }
0x44: {  	_ =	shalt  }
0x45: {  	_ =	shalt  }
0x46: {  	_ =	shalt  }
0x47: {  	_ =	shalt  }
0x48: {  	_ =	shalt  }
0x49: {  	_ =	shalt  }
0x4a: {  	_ =	shalt  }
0x4b: {  	_ =	shalt  }
0x4c: {  	_ =	shalt  }
0x4d: {  	_ =	shalt  }
0x4e: {  	_ =	shalt  }
0x4f: {  	_ =	shalt  }
0x50: {  	_ =	shalt  }
0x51: {  	_ =	shalt  }
0x52: {  	_ =	shalt  }
0x53: {  	_ =	shalt  }
0x54: {  	_ =	shalt  }
0x55: {  	_ =	shalt  }
0x56: {  	_ =	shalt  }
0x57: {  	_ =	shalt  }
0x58: {  	_ =	shalt  }
0x59: {  	_ =	shalt  }
0x5a: {  	_ =	shalt  }
0x5b: {  	_ =	shalt  }
0x5c: {  	_ =	shalt  }
0x5d: {  	_ =	shalt  }
0x5e: {  	_ =	shalt  }
0x5f: {  	_ =	shalt  }
0x60: {  	_ =	shalt  }
0x61: {  	_ =	shalt  }
0x62: {  	_ =	shalt  }
0x63: {  	_ =	shalt  }
0x64: {  	_ =	shalt  }
0x65: {  	_ =	shalt  }
0x66: {  	_ =	shalt  }
0x67: {  	_ =	shalt  }
0x68: {  	_ =	shalt  }
0x69: {  	_ =	shalt  }
0x6a: {  	_ =	shalt  }
0x6b: {  	_ =	shalt  }
0x6c: {  	_ =	shalt  }
0x6d: {  	_ =	shalt  }
0x6e: {  	_ =	shalt  }
0x6f: {  	_ =	shalt  }
0x70: {  	_ =	shalt  }
0x71: {  	_ =	shalt  }
0x72: {  	_ =	shalt  }
0x73: {  	_ =	shalt  }
0x74: {  	_ =	shalt  }
0x75: {  	_ =	shalt  }
0x76: {  	_ =	shalt  }
0x77: {  	_ =	shalt  }
0x78: {  	_ =	shalt  }
0x79: {  	_ =	shalt  }
0x7a: {  	_ =	shalt  }
0x7b: {  	_ =	shalt  }
0x7c: {  	_ =	shalt  }
0x7d: {  	_ =	shalt  }
0x7e: {  	_ =	shalt  }
0x7f: {  	_ =	shalt  }
0x80: {  	_ =	shalt  }
0x81: {  	_ =	shalt  }
0x82: {  	_ =	shalt  }
0x83: {  	_ =	shalt  }
0x84: {  	_ =	shalt  }
0x85: {  	_ =	shalt  }
0x86: {  	_ =	shalt  }
0x87: {  	_ =	shalt  }
.Lfunc_end0:
.L_simem_size_0:
called_computation_lowered:
.L_overlay_start_0:
0x88: {  	s2 =	sld [smem:$0x3FD9]  }
0x89: {  	s3 =	sld [smem:$0x3FFE];
	_ =	sdelay $0x1  }
0x8a: {  	s1 =	srdreg.scid  }
0x8b: {  	s0 =	sand.u32 $0x1, s1  }
0x8c: {  	s16 =	sshll.u32 s0, $0xA;
	s2 =	sadd.s32 s3, s2  }
0x8d: {  	s2 =	sadd.s32 s2, s16  }
0x8e: {  	[smem:$0x3FBD] =	sst s2  }
0x8f: {  	_ = 	snop  }
0x90: {  	(tm) =	ssettm $0x1  }
0x91: {  	s17 =	sld [smem:$0x3FFB];
	_ =	sdelay $0x3  }
0x92: {  	_ =	strace s17  }
0x93: {  	s2 =	sld [smem:$0x3FFC];
	_ =	sdelay $0x3  }
0x94: {  	_ =	strace s2  }
0x95: {  	s2 =	sld [smem:$0x3FFD];
	_ =	sdelay $0x3  }
0x96: {  	_ =	strace s2  }
0x97: {  	_ =	strace $0x8FFFFFFF  }
0x98: {  	s18 =	sld [smem:$0x3FDB];
	_ =	sdelay $0x1  }
0x99: {  	s19 =	simm.s32 $_scs_section_size  }
0x9a: {  	s4 =	simm.s32 $_size__tile_overlayer_lowered;
	s5 =	simm.s32 $_tile_overlayer_lowered  }
0x9b: {  	s22 =	simm.s32 $0x1BFF;
	s21 =	sshll.u32 s5, $0x1;
	s2 =	sadd.s32 s19, s18  }
0x9c: {  	s6 =	simm.s32 $0x0;
	s20 =	sshll.u32 s4, $0x1;
	s4 =	sadd.s32 s21, s2  }
0x9d: {  	[timem:s6], [sflag:s22] =	dma.local [hbm:s4], s20  }
0x9e: {  	_ =	swait.ge [sflag:s22], s20  }
0x9f: {  	s3 =	ssub.s32 $0x0, s20;
	[sflag:s22] =	ssyncset.done $0x0  }
0xa0: {  	[sflag:s22] =	ssyncadd.s32 s3;
	_ =	sdelay $0x1  }
0xa1: {  	s23 =	simm.s32 $0x1B8B  }
0xa2: {  	_ =	swait.ge [sflag:s23], $0x1  }
0xa3: {  	[sflag:s23] =	ssyncset.done $0x0  }
0xa4: {  	s25 =	simm.s32 $0x1B8E;
	s24 =	sld [smem:$0x3FFE];
	[sflag:s23] =	ssyncadd.s32 $0xFFFFFFFF  }
0xa5: {  	s26 =	simm.s32 $execute0_lowered;
	[smem:$0x3FD2] =	sst s25  }
0xa6: {  	s4 =	sshll.u32 s26, $0x1;
	_ =	strace $0x80000046;
	[dreg:$0x1] =	wrdreg $0xFFFFFFFF  }
0xa7: {  	s28 =	simm.s32 $_size_execute0_lowered;
	s2 =	sadd.s32 s2, s4;
	[dreg:$0x0] =	wrdreg $0x0  }
0xa8: {  	s4 =	sshll.u32 s28, $0x1;
	[dreg:$0x2] =	wrdreg s2  }
0xa9: {  	[dreg:$0x3] =	wrdreg s4  }
0xaa: {  	[dreg:$0x4] =	wrdreg $0xC0  }
0xab: {  	_ =	task [dreg:s6], $0x5FFFF  }
0xac: {  	[dreg:$0x1] =	wrdreg $0xFFFFFFFF  }
0xad: {  	[dreg:$0x0] =	wrdreg $0x60  }
0xae: {  	[dreg:$0x2] =	wrdreg s24  }
0xaf: {  	[dreg:$0x3] =	wrdreg $0x2A800  }
0xb0: {  	[dreg:$0x4] =	wrdreg $0x9  }
0xb1: {  	_ =	task.clear_ibuf [dreg:s6], $0x5FFFF;
	_ =	strace $0x90000046  }
0xb2: {  	s29 =	simm.s32 $0x9;
	_ =	strace $0x80000048  }
0xb3: {  	_ =	swait.ge [sflag:s29], $0x1  }
0xb4: {  	[sflag:s29] =	ssyncadd.s32 $0xFFFFFFFF  }
0xb5: {  	_ =	strace $0x90000048  }
0xb6: {  	_ =	sfence  }
0xb7: {  	s30 =	sld [smem:$0x0];
	_ =	sdelay $0x2  }
0xb8: {  	s31 =	sshll.u32 s1, $0xD;
	s1 =	sshrl.u32 s1, $0x2  }
0xb9: {  	s3 =	sand.u32 $0x4000, s31;
	s1 =	sadd.s32 s1, s30  }
0xba: {  	s0 =	sor.u32 s3, s0;
	s1 =	sshll.u32 s1, $0x11  }
0xbb: {  	s0 =	sor.u32 s1, s0  }
0xbc: {  	s0 =	sadd.s32 $0x8F2B, s0  }
0xbd: {  	[sflag:s0] =	ssyncadd.remote.s32 $0x1  }
0xbe: {  	_ =	sfence.sel $0xFFFF  }
0xbf: {  	[dreg:$0x0] =	wrdreg $0xFFFFFFFF;
	(pc) =	sbr.abs _section_cstart, $3  }
0xc0: {  	[dreg:$0x1] =	wrdreg $0xFFFFFFFF  }
0xc1: {  	_ =	task.clear_ibuf [dreg:s6], $0x2FFFF;
	_ =	strace $0x9FFFFFFF  }
0xc2: {  	(tm) =	ssettm $0x7FFFFFFF  }
0xc3: {  	_ =	shalt  }
tec
execute0_lowered:
.L_overlay_start_1:
0x0: {  	(tag) =	ssettag $0x1  }
0x1: {  	s4 =	rddreg [dreg:$0x0]  }
0x2: {  	s2 =	rddreg [dreg:$0x1]  }
0x3: {  	s0 =	rddreg [dreg:$0x2]  }
0x4: {  	s5 =	srdreg.scid;
	s1 =	stileid.u32  }
0x5: {  	s3 =	simm.s32 $0x0;
	s13 =	simm.s32 $0x1;
	s14 =	simm.s32 $0x0  }
0x6: {  	s5 =	sand.u32 $0x1, s5;
	s6 =	smul.u32 $0x280, s1;
	[smem:$0x7FF] =	sst s3  }
0x7: {  	s8 =	sadd.s32 $0x3800, s4;
	s12 =	sshll.u32 s1, $0x4;
	s7 =	smul.u32 $0x2800, s5  }
0x8: {  	_ =	strace $0x80000047;
	s9 =	sshll.u32 s5, $0x4;
	s5 =	ssub.s32 $0x2, s5  }
0x9: {  	s12 =	sadd.s32 s12, s8;
	s9 =	sor.u32 s1, s9;
	s10 =	sshrl.u32 s5, $0x1  }
0xa: {  	s7 =	sadd.s32 s6, s7;
	s11 =	smul.u32 $0x4E0, s9;
	s10 =	ssub.s32 s5, s10  }
0xb: {  	p0 =	sgt.u32 s9, $0x3;
	s9 =	simm.s32 $0x2800;
	s7 =	sshrl.u32 s7, $0x3  }
0xc: {  	s7 =	sadd.s32 s7, s4;
	s4 =	sadd.s32 s6, s2;
	s5 =	sadd.s32 s8, s11  }
0xd: {  	s6 =	sadd.s32 $0x9C00, s12;
	s8 =	smax.u32 s10, $0x1;
	s10 =	simm.s32 $0x2  }
0xe: {  	v0 =	vimm.f32 $1.000000000e+00;
	v1 =	vimm.f32 $0.0e+00;
	s11 =	simm.s32 $0x80;
	s12 =	simm.s32 $0x2780;
	s7 =	sadd.s32 $0xD600, s7  }
.LBB2_1:
0xf: {  	[tilespmem:$0x2780] =	vst v0  }
0x10: {  	[tilespmem:$0x2790] =	vst v0  }
0x11: {  	[tilespmem:$0x27A0] =	vst v0  }
0x12: {  	[tilespmem:$0x27B0] =	vst v0  }
0x13: {  	[tilespmem:$0x27C0] =	vst v0  }
0x14: {  	[tilespmem:$0x27D0] =	vst v0  }
0x15: {  	[tilespmem:$0x27E0] =	vst v0  }
0x16: {  	[tilespmem:$0x27F0] =	vst v0  }
0x17: {  	[tilespmem:$0x2800] =	vst v1  }
0x18: {  	[tilespmem:$0x2810] =	vst v1  }
0x19: {  	[tilespmem:$0x2820] =	vst v1  }
0x1a: {  	[tilespmem:$0x2830] =	vst v1  }
0x1b: {  	[tilespmem:$0x2840] =	vst v1  }
0x1c: {  	[tilespmem:$0x2850] =	vst v1  }
0x1d: {  	[tilespmem:$0x2860] =	vst v1  }
0x1e: {  	[tilespmem:$0x2870] =	vst v1  }
0x1f: {  	[tilespmem:$0x2880] =	vst v1  }
0x20: {  	[tilespmem:$0x2890] =	vst v1  }
0x21: {  	[tilespmem:$0x28A0] =	vst v1  }
0x22: {  	[tilespmem:$0x28B0] =	vst v1  }
0x23: {  	[tilespmem:$0x28C0] =	vst v1  }
0x24: {  	[tilespmem:$0x28D0] =	vst v1  }
0x25: {  	[tilespmem:$0x28E0] =	vst v1  }
0x26: {  	[tilespmem:$0x28F0] =	vst v1  }
0x27: {  	[tilespmem:$0x2900] =	vst v1  }
0x28: {  	[tilespmem:$0x2910] =	vst v1  }
0x29: {  	[tilespmem:$0x2920] =	vst v1  }
0x2a: {  	[tilespmem:$0x2930] =	vst v1  }
0x2b: {  	[tilespmem:$0x2940] =	vst v1  }
0x2c: {  	[tilespmem:$0x2950] =	vst v1  }
0x2d: {  	[tilespmem:$0x2960] =	vst v1  }
0x2e: {  	[tilespmem:$0x2970] =	vst v1  }
0x2f: {  	[tilespmem:$0x2980] =	vst v1  }
0x30: {  	[tilespmem:$0x2990] =	vst v1  }
0x31: {  	[tilespmem:$0x29A0] =	vst v1  }
0x32: {  	[tilespmem:$0x29B0] =	vst v1  }
0x33: {  	[tilespmem:$0x29C0] =	vst v1  }
0x34: {  	[tilespmem:$0x29D0] =	vst v1  }
0x35: {  	[tilespmem:$0x29E0] =	vst v1  }
0x36: {  	[tilespmem:$0x29F0] =	vst v1  }
0x37: {  	[tilespmem:$0x2A00] =	vst v1  }
0x38: {  	[tilespmem:$0x2A10] =	vst v1  }
0x39: {  	[tilespmem:$0x2A20] =	vst v1  }
0x3a: {  	[tilespmem:$0x2A30] =	vst v1  }
0x3b: {  	[tilespmem:$0x2A40] =	vst v1  }
0x3c: {  	[tilespmem:$0x2A50] =	vst v1  }
0x3d: {  	[tilespmem:$0x2A60] =	vst v1  }
0x3e: {  	[tilespmem:$0x2A70] =	vst v1  }
0x3f: {  	[spmem:s4] =	stream.linear.scatter [tilespmem:s9], [sflag:$0x2], $0x280, $0x38;
	[tilespmem:$0x2D00] =	vst v63  }
0x40: {  	_ =	swait.ge [sflag:s10], $0x280  }
0x41: {  	[sflag:s10] =	ssyncset.done $0x0  }
0x42: {  	[sflag:s10] =	ssyncadd.s32 $0xFFFFFD80  }
0x43: {  	[tilespmem:s3], [sflag:$0x2] =	stream.linear.gather [hbm4b:s5+s3], $0x2700, $0x38;
	[tilespmem:$0x2D00] =	vst v63  }
0x44: {  	_ =	swait.ge [sflag:s10], $0x2700  }
0x45: {  	[sflag:s10] =	ssyncset.done $0x0  }
0x46: {  	s15 =	simm.s32 @!p0 $0x0;
	s16 =	simm.s32 @!p0 $0x2700;
	[sflag:s10] =	ssyncadd.s32 $0xFFFFD900  }
0x47: {  	[tilespmem:s16], [sflag:$0x2] =	stream.linear.gather @!p0 [hbm4b:s6+s15], $0x80, $0x38;
	[tilespmem:$0x2D00] =	vst v63  }
0x48: {  	s15 =	simm.s32 @!p0 $0x2  }
0x49: {  	_ =	swait.ge @!p0 [sflag:s15], $0x80  }
0x4a: {  	[sflag:s15] =	ssyncset.done @!p0 $0x0  }
0x4b: {  	[sflag:s15] =	ssyncadd.s32 @!p0 $0xFFFFFF80  }
0x4c: {  	s18 =	simm.s32 $0x0;
	[bflag:$0x0] =	sbarrier.arrive $0xFFFF  }
0x4d: {  	[spmem:s2] =	stream.indirect.scatter.add.f32 [tilespmem:s12], [sflag:$0x1], $0x1, s18, s11, $0xb8;
	[tilespmem:$0x2D00] =	vst v63  }
0x4e: {  	s19 =	simm.s32 $0x80  }
0x4f: {  	[spmem:s2] =	stream.indirect.scatter.add.f32 [tilespmem:s12], [sflag:$0x1], $0x1, s19, s11, $0xb8;
	[tilespmem:$0x2D00] =	vst v63  }
0x50: {  	s20 =	simm.s32 $0x100  }
0x51: {  	[spmem:s2] =	stream.indirect.scatter.add.f32 [tilespmem:s12], [sflag:$0x1], $0x1, s20, s11, $0xb8;
	[tilespmem:$0x2D00] =	vst v63  }
0x52: {  	s21 =	simm.s32 $0x180  }
0x53: {  	[spmem:s2] =	stream.indirect.scatter.add.f32 [tilespmem:s12], [sflag:$0x1], $0x1, s21, s11, $0xb8;
	[tilespmem:$0x2D00] =	vst v63  }
0x54: {  	s22 =	simm.s32 $0x200  }
0x55: {  	[spmem:s2] =	stream.indirect.scatter.add.f32 [tilespmem:s12], [sflag:$0x1], $0x1, s22, s11, $0xb8;
	[tilespmem:$0x2D00] =	vst v63  }
0x56: {  	s23 =	simm.s32 $0x280  }
0x57: {  	[spmem:s2] =	stream.indirect.scatter.add.f32 [tilespmem:s12], [sflag:$0x1], $0x1, s23, s11, $0xb8;
	[tilespmem:$0x2D00] =	vst v63  }
0x58: {  	s24 =	simm.s32 $0x300  }
0x59: {  	[spmem:s2] =	stream.indirect.scatter.add.f32 [tilespmem:s12], [sflag:$0x1], $0x1, s24, s11, $0xb8;
	[tilespmem:$0x2D00] =	vst v63  }
0x5a: {  	s25 =	simm.s32 $0x380  }
0x5b: {  	[spmem:s2] =	stream.indirect.scatter.add.f32 [tilespmem:s12], [sflag:$0x1], $0x1, s25, s11, $0xb8;
	[tilespmem:$0x2D00] =	vst v63  }
0x5c: {  	s26 =	simm.s32 $0x400  }
0x5d: {  	[spmem:s2] =	stream.indirect.scatter.add.f32 [tilespmem:s12], [sflag:$0x1], $0x1, s26, s11, $0xb8;
	[tilespmem:$0x2D00] =	vst v63  }
0x5e: {  	s28 =	simm.s32 $0x480  }
0x5f: {  	[spmem:s2] =	stream.indirect.scatter.add.f32 [tilespmem:s12], [sflag:$0x1], $0x1, s28, s11, $0xb8;
	[tilespmem:$0x2D00] =	vst v63  }
0x60: {  	s29 =	simm.s32 $0x500  }
0x61: {  	[spmem:s2] =	stream.indirect.scatter.add.f32 [tilespmem:s12], [sflag:$0x1], $0x1, s29, s11, $0xb8;
	[tilespmem:$0x2D00] =	vst v63  }
0x62: {  	s30 =	simm.s32 $0x580  }
0x63: {  	[spmem:s2] =	stream.indirect.scatter.add.f32 [tilespmem:s12], [sflag:$0x1], $0x1, s30, s11, $0xb8;
	[tilespmem:$0x2D00] =	vst v63  }
0x64: {  	s31 =	simm.s32 $0x600  }
0x65: {  	[spmem:s2] =	stream.indirect.scatter.add.f32 [tilespmem:s12], [sflag:$0x1], $0x1, s31, s11, $0xb8;
	[tilespmem:$0x2D00] =	vst v63  }
0x66: {  	_ =	swait.ge [sflag:s13], $0x80  }
0x67: {  	[sflag:s13] =	ssyncset.done $0x0  }
0x68: {  	[sflag:s13] =	ssyncadd.s32 $0xFFFFFF80  }
0x69: {  	_ =	swait.ge [sflag:s13], $0x80  }
0x6a: {  	[sflag:s13] =	ssyncset.done $0x0  }
0x6b: {  	[sflag:s13] =	ssyncadd.s32 $0xFFFFFF80  }
0x6c: {  	_ =	swait.ge [sflag:s13], $0x80  }
0x6d: {  	[sflag:s13] =	ssyncset.done $0x0  }
0x6e: {  	[sflag:s13] =	ssyncadd.s32 $0xFFFFFF80  }
0x6f: {  	_ =	swait.ge [sflag:s13], $0x80  }
0x70: {  	[sflag:s13] =	ssyncset.done $0x0  }
0x71: {  	[sflag:s13] =	ssyncadd.s32 $0xFFFFFF80  }
0x72: {  	_ =	swait.ge [sflag:s13], $0x80  }
0x73: {  	[sflag:s13] =	ssyncset.done $0x0  }
0x74: {  	[sflag:s13] =	ssyncadd.s32 $0xFFFFFF80  }
0x75: {  	_ =	swait.ge [sflag:s13], $0x80  }
0x76: {  	[sflag:s13] =	ssyncset.done $0x0  }
0x77: {  	[sflag:s13] =	ssyncadd.s32 $0xFFFFFF80  }
0x78: {  	_ =	swait.ge [sflag:s13], $0x80  }
0x79: {  	[sflag:s13] =	ssyncset.done $0x0  }
0x7a: {  	[sflag:s13] =	ssyncadd.s32 $0xFFFFFF80  }
0x7b: {  	_ =	swait.ge [sflag:s13], $0x80  }
0x7c: {  	[sflag:s13] =	ssyncset.done $0x0  }
0x7d: {  	[sflag:s13] =	ssyncadd.s32 $0xFFFFFF80  }
0x7e: {  	_ =	swait.ge [sflag:s13], $0x80  }
0x7f: {  	[sflag:s13] =	ssyncset.done $0x0  }
0x80: {  	[sflag:s13] =	ssyncadd.s32 $0xFFFFFF80  }
0x81: {  	_ =	swait.ge [sflag:s13], $0x80  }
0x82: {  	[sflag:s13] =	ssyncset.done $0x0  }
0x83: {  	[sflag:s13] =	ssyncadd.s32 $0xFFFFFF80  }
0x84: {  	_ =	swait.ge [sflag:s13], $0x80  }
0x85: {  	[sflag:s13] =	ssyncset.done $0x0  }
0x86: {  	[sflag:s13] =	ssyncadd.s32 $0xFFFFFF80  }
0x87: {  	_ =	swait.ge [sflag:s13], $0x80  }
0x88: {  	[sflag:s13] =	ssyncset.done $0x0  }
0x89: {  	[sflag:s13] =	ssyncadd.s32 $0xFFFFFF80  }
0x8a: {  	_ =	swait.ge [sflag:s13], $0x80  }
0x8b: {  	s17 =	simm.s32 $0x3400;
	s15 =	simm.s32 $0x1A00;
	[sflag:s13] =	ssyncset.done $0x0  }
.LBB2_2:
0x8c: {  	s18 =	sshra.s32 s15, $0x2  }
0x8d: {  	[sflag:s13] =	ssyncadd.s32 $0xFFFFFF80;
	s15 =	smov.u32 s17;
	s16 =	sadd.s32 $0x1A00, s17  }
0x8e: {  	[spmem:s2] =	stream.indirect.scatter.add.f32 [tilespmem:s12], [sflag:$0x1], $0x1, s18, s11, $0xb8;
	[tilespmem:$0x2D00] =	vst v63  }
0x8f: {  	p1 =	sne.s32 s17, $0x8200;
	s17 =	sadd.s32 $0x80, s18  }
0x90: {  	[spmem:s2] =	stream.indirect.scatter.add.f32 [tilespmem:s12], [sflag:$0x1], $0x1, s17, s11, $0xb8;
	[tilespmem:$0x2D00] =	vst v63  }
0x91: {  	s17 =	sadd.s32 $0x100, s18  }
0x92: {  	[spmem:s2] =	stream.indirect.scatter.add.f32 [tilespmem:s12], [sflag:$0x1], $0x1, s17, s11, $0xb8;
	[tilespmem:$0x2D00] =	vst v63  }
0x93: {  	s17 =	sadd.s32 $0x180, s18  }
0x94: {  	[spmem:s2] =	stream.indirect.scatter.add.f32 [tilespmem:s12], [sflag:$0x1], $0x1, s17, s11, $0xb8;
	[tilespmem:$0x2D00] =	vst v63  }
0x95: {  	s17 =	sadd.s32 $0x200, s18  }
0x96: {  	[spmem:s2] =	stream.indirect.scatter.add.f32 [tilespmem:s12], [sflag:$0x1], $0x1, s17, s11, $0xb8;
	[tilespmem:$0x2D00] =	vst v63  }
0x97: {  	s17 =	sadd.s32 $0x280, s18  }
0x98: {  	[spmem:s2] =	stream.indirect.scatter.add.f32 [tilespmem:s12], [sflag:$0x1], $0x1, s17, s11, $0xb8;
	[tilespmem:$0x2D00] =	vst v63  }
0x99: {  	s17 =	sadd.s32 $0x300, s18  }
0x9a: {  	[spmem:s2] =	stream.indirect.scatter.add.f32 [tilespmem:s12], [sflag:$0x1], $0x1, s17, s11, $0xb8;
	[tilespmem:$0x2D00] =	vst v63  }
0x9b: {  	s17 =	sadd.s32 $0x380, s18  }
0x9c: {  	[spmem:s2] =	stream.indirect.scatter.add.f32 [tilespmem:s12], [sflag:$0x1], $0x1, s17, s11, $0xb8;
	[tilespmem:$0x2D00] =	vst v63  }
0x9d: {  	s17 =	sadd.s32 $0x400, s18  }
0x9e: {  	[spmem:s2] =	stream.indirect.scatter.add.f32 [tilespmem:s12], [sflag:$0x1], $0x1, s17, s11, $0xb8;
	[tilespmem:$0x2D00] =	vst v63  }
0x9f: {  	s17 =	sadd.s32 $0x480, s18  }
0xa0: {  	[spmem:s2] =	stream.indirect.scatter.add.f32 [tilespmem:s12], [sflag:$0x1], $0x1, s17, s11, $0xb8;
	[tilespmem:$0x2D00] =	vst v63  }
0xa1: {  	s17 =	sadd.s32 $0x500, s18  }
0xa2: {  	[spmem:s2] =	stream.indirect.scatter.add.f32 [tilespmem:s12], [sflag:$0x1], $0x1, s17, s11, $0xb8;
	[tilespmem:$0x2D00] =	vst v63  }
0xa3: {  	s17 =	sadd.s32 $0x580, s18  }
0xa4: {  	[spmem:s2] =	stream.indirect.scatter.add.f32 [tilespmem:s12], [sflag:$0x1], $0x1, s17, s11, $0xb8;
	[tilespmem:$0x2D00] =	vst v63  }
0xa5: {  	s17 =	sadd.s32 $0x600, s18  }
0xa6: {  	[spmem:s2] =	stream.indirect.scatter.add.f32 [tilespmem:s12], [sflag:$0x1], $0x1, s17, s11, $0xb8;
	[tilespmem:$0x2D00] =	vst v63  }
0xa7: {  	_ =	swait.ge [sflag:s13], $0x80  }
0xa8: {  	[sflag:s13] =	ssyncset.done $0x0  }
0xa9: {  	[sflag:s13] =	ssyncadd.s32 $0xFFFFFF80  }
0xaa: {  	_ =	swait.ge [sflag:s13], $0x80  }
0xab: {  	[sflag:s13] =	ssyncset.done $0x0  }
0xac: {  	[sflag:s13] =	ssyncadd.s32 $0xFFFFFF80  }
0xad: {  	_ =	swait.ge [sflag:s13], $0x80  }
0xae: {  	[sflag:s13] =	ssyncset.done $0x0  }
0xaf: {  	[sflag:s13] =	ssyncadd.s32 $0xFFFFFF80  }
0xb0: {  	_ =	swait.ge [sflag:s13], $0x80  }
0xb1: {  	[sflag:s13] =	ssyncset.done $0x0  }
0xb2: {  	[sflag:s13] =	ssyncadd.s32 $0xFFFFFF80  }
0xb3: {  	_ =	swait.ge [sflag:s13], $0x80  }
0xb4: {  	[sflag:s13] =	ssyncset.done $0x0  }
0xb5: {  	[sflag:s13] =	ssyncadd.s32 $0xFFFFFF80  }
0xb6: {  	_ =	swait.ge [sflag:s13], $0x80  }
0xb7: {  	[sflag:s13] =	ssyncset.done $0x0  }
0xb8: {  	[sflag:s13] =	ssyncadd.s32 $0xFFFFFF80  }
0xb9: {  	_ =	swait.ge [sflag:s13], $0x80  }
0xba: {  	[sflag:s13] =	ssyncset.done $0x0  }
0xbb: {  	[sflag:s13] =	ssyncadd.s32 $0xFFFFFF80  }
0xbc: {  	_ =	swait.ge [sflag:s13], $0x80  }
0xbd: {  	[sflag:s13] =	ssyncset.done $0x0  }
0xbe: {  	[sflag:s13] =	ssyncadd.s32 $0xFFFFFF80  }
0xbf: {  	_ =	swait.ge [sflag:s13], $0x80  }
0xc0: {  	[sflag:s13] =	ssyncset.done $0x0  }
0xc1: {  	[sflag:s13] =	ssyncadd.s32 $0xFFFFFF80  }
0xc2: {  	_ =	swait.ge [sflag:s13], $0x80  }
0xc3: {  	[sflag:s13] =	ssyncset.done $0x0  }
0xc4: {  	[sflag:s13] =	ssyncadd.s32 $0xFFFFFF80  }
0xc5: {  	_ =	swait.ge [sflag:s13], $0x80  }
0xc6: {  	[sflag:s13] =	ssyncset.done $0x0  }
0xc7: {  	[sflag:s13] =	ssyncadd.s32 $0xFFFFFF80  }
.Ltmp0:
0xc8: {  	_ =	swait.ge [sflag:s13], $0x80;
	(pc) =	sbr.rel @p1 .LBB2_2-.Ltmp0, $4  }
0xc9: {  	[sflag:s13] =	ssyncset.done $0x0  }
0xca: {  	[sflag:s13] =	ssyncadd.s32 $0xFFFFFF80  }
0xcb: {  	_ =	swait.ge [sflag:s13], $0x80  }
0xcc: {  	s17 =	smov.u32 s16;
	[sflag:s13] =	ssyncset.done $0x0  }
0xcd: {  	s15 =	sshra.s32 s15, $0x2;
	[sflag:s13] =	ssyncadd.s32 $0xFFFFFF80  }
0xce: {  	[spmem:s2] =	stream.indirect.scatter.add.f32 [tilespmem:s12], [sflag:$0x1], $0x1, s15, s11, $0xb8;
	[tilespmem:$0x2D00] =	vst v63  }
0xcf: {  	s16 =	sadd.s32 $0x80, s15  }
0xd0: {  	[spmem:s2] =	stream.indirect.scatter.add.f32 [tilespmem:s12], [sflag:$0x1], $0x1, s16, s11, $0xb8;
	[tilespmem:$0x2D00] =	vst v63  }
0xd1: {  	s21 =	sadd.s32 $0x100, s15  }
0xd2: {  	[spmem:s2] =	stream.indirect.scatter.add.f32 [tilespmem:s12], [sflag:$0x1], $0x1, s21, s11, $0xb8;
	[tilespmem:$0x2D00] =	vst v63  }
0xd3: {  	s22 =	sadd.s32 $0x180, s15  }
0xd4: {  	[spmem:s2] =	stream.indirect.scatter.add.f32 [tilespmem:s12], [sflag:$0x1], $0x1, s22, s11, $0xb8;
	[tilespmem:$0x2D00] =	vst v63  }
0xd5: {  	s23 =	sadd.s32 $0x200, s15  }
0xd6: {  	[spmem:s2] =	stream.indirect.scatter.add.f32 [tilespmem:s12], [sflag:$0x1], $0x1, s23, s11, $0xb8;
	[tilespmem:$0x2D00] =	vst v63  }
0xd7: {  	s24 =	sadd.s32 $0x280, s15  }
0xd8: {  	[spmem:s2] =	stream.indirect.scatter.add.f32 [tilespmem:s12], [sflag:$0x1], $0x1, s24, s11, $0xb8;
	[tilespmem:$0x2D00] =	vst v63  }
0xd9: {  	s25 =	sadd.s32 $0x300, s15  }
0xda: {  	[spmem:s2] =	stream.indirect.scatter.add.f32 [tilespmem:s12], [sflag:$0x1], $0x1, s25, s11, $0xb8;
	[tilespmem:$0x2D00] =	vst v63  }
0xdb: {  	s26 =	sadd.s32 $0x380, s15  }
0xdc: {  	[spmem:s2] =	stream.indirect.scatter.add.f32 [tilespmem:s12], [sflag:$0x1], $0x1, s26, s11, $0xb8;
	[tilespmem:$0x2D00] =	vst v63  }
0xdd: {  	s28 =	sadd.s32 $0x400, s15  }
0xde: {  	[spmem:s2] =	stream.indirect.scatter.add.f32 [tilespmem:s12], [sflag:$0x1], $0x1, s28, s11, $0xb8;
	[tilespmem:$0x2D00] =	vst v63  }
0xdf: {  	s29 =	sadd.s32 $0x480, s15  }
0xe0: {  	[spmem:s2] =	stream.indirect.scatter.add.f32 [tilespmem:s12], [sflag:$0x1], $0x1, s29, s11, $0xb8;
	[tilespmem:$0x2D00] =	vst v63  }
0xe1: {  	s30 =	sadd.s32 $0x500, s15  }
0xe2: {  	[spmem:s2] =	stream.indirect.scatter.add.f32 [tilespmem:s12], [sflag:$0x1], $0x1, s30, s11, $0xb8;
	[tilespmem:$0x2D00] =	vst v63  }
0xe3: {  	s31 =	sadd.s32 $0x580, s15  }
0xe4: {  	[spmem:s2] =	stream.indirect.scatter.add.f32 [tilespmem:s12], [sflag:$0x1], $0x1, s31, s11, $0xb8;
	[tilespmem:$0x2D00] =	vst v63  }
0xe5: {  	s15 =	sadd.s32 $0x600, s15  }
0xe6: {  	[spmem:s2] =	stream.indirect.scatter.add.f32 [tilespmem:s12], [sflag:$0x1], $0x1, s15, s11, $0xb8;
	[tilespmem:$0x2D00] =	vst v63  }
0xe7: {  	_ =	swait.ge [sflag:s13], $0x80  }
0xe8: {  	[sflag:s13] =	ssyncset.done $0x0  }
0xe9: {  	[sflag:s13] =	ssyncadd.s32 $0xFFFFFF80  }
0xea: {  	_ =	swait.ge [sflag:s13], $0x80  }
0xeb: {  	[sflag:s13] =	ssyncset.done $0x0  }
0xec: {  	[sflag:s13] =	ssyncadd.s32 $0xFFFFFF80  }
0xed: {  	_ =	swait.ge [sflag:s13], $0x80  }
0xee: {  	[sflag:s13] =	ssyncset.done $0x0  }
0xef: {  	[sflag:s13] =	ssyncadd.s32 $0xFFFFFF80  }
0xf0: {  	_ =	swait.ge [sflag:s13], $0x80  }
0xf1: {  	[sflag:s13] =	ssyncset.done $0x0  }
0xf2: {  	[sflag:s13] =	ssyncadd.s32 $0xFFFFFF80  }
0xf3: {  	_ =	swait.ge [sflag:s13], $0x80  }
0xf4: {  	[sflag:s13] =	ssyncset.done $0x0  }
0xf5: {  	[sflag:s13] =	ssyncadd.s32 $0xFFFFFF80  }
0xf6: {  	_ =	swait.ge [sflag:s13], $0x80  }
0xf7: {  	[sflag:s13] =	ssyncset.done $0x0  }
0xf8: {  	[sflag:s13] =	ssyncadd.s32 $0xFFFFFF80  }
0xf9: {  	_ =	swait.ge [sflag:s13], $0x80  }
0xfa: {  	[sflag:s13] =	ssyncset.done $0x0  }
0xfb: {  	[sflag:s13] =	ssyncadd.s32 $0xFFFFFF80  }
0xfc: {  	_ =	swait.ge [sflag:s13], $0x80  }
0xfd: {  	[sflag:s13] =	ssyncset.done $0x0  }
0xfe: {  	[sflag:s13] =	ssyncadd.s32 $0xFFFFFF80  }
0xff: {  	_ =	swait.ge [sflag:s13], $0x80  }
0x100: {  	[sflag:s13] =	ssyncset.done $0x0  }
0x101: {  	[sflag:s13] =	ssyncadd.s32 $0xFFFFFF80  }
0x102: {  	_ =	swait.ge [sflag:s13], $0x80  }
0x103: {  	[sflag:s13] =	ssyncset.done $0x0  }
0x104: {  	[sflag:s13] =	ssyncadd.s32 $0xFFFFFF80  }
0x105: {  	_ =	swait.ge [sflag:s13], $0x80  }
0x106: {  	[sflag:s13] =	ssyncset.done $0x0  }
0x107: {  	[sflag:s13] =	ssyncadd.s32 $0xFFFFFF80  }
0x108: {  	_ =	swait.ge [sflag:s13], $0x80  }
0x109: {  	[sflag:s13] =	ssyncset.done $0x0  }
0x10a: {  	[sflag:s13] =	ssyncadd.s32 $0xFFFFFF80  }
0x10b: {  	_ =	swait.ge [sflag:s13], $0x80  }
0x10c: {  	s17 =	simm.s32 @!p0 $0x2780;
	[sflag:s13] =	ssyncset.done $0x0  }
0x10d: {  	s16 =	simm.s32 @!p0 $0x2700;
	s15 =	simm.s32 @!p0 $0x80;
	[sflag:s13] =	ssyncadd.s32 $0xFFFFFF80  }
0x10e: {  	[spmem:s2] =	stream.indirect.scatter.add.f32 @!p0 [tilespmem:s17], [sflag:$0x2], $0x1, s16, s15, $0xb8;
	[tilespmem:$0x2D00] =	vst v63  }
0x10f: {  	s15 =	simm.s32 @!p0 $0x2  }
0x110: {  	_ =	swait.ge @!p0 [sflag:s15], $0x80  }
0x111: {  	[sflag:s15] =	ssyncset.done @!p0 $0x0  }
0x112: {  	[sflag:s15] =	ssyncadd.s32 @!p0 $0xFFFFFF80  }
0x113: {  	[bflag:$0x0] =	sbarrier.arrive $0xFFFF  }
0x114: {  	[tilespmem:s9], [sflag:$0x2] =	stream.linear.gather [spmem:s4], $0x280, $0x38;
	[tilespmem:$0x2D00] =	vst v63  }
0x115: {  	s14 =	sadd.s32 $0x1, s14;
	_ =	swait.ge [sflag:s10], $0x280  }
0x116: {  	p1 =	sne.s32 s14, s8;
	[sflag:s10] =	ssyncset.done $0x0  }
.Ltmp1:
0x117: {  	[sflag:s10] =	ssyncadd.s32 $0xFFFFFD80;
	(pc) =	sbr.rel @p1 .LBB2_1-.Ltmp1, $4  }
0x118: {  	[hbm4b:s7+s3] =	stream.linear.scatter [tilespmem:s9], [sflag:$0x2], $0x280, $0x38;
	[tilespmem:$0x2D00] =	vst v63  }
0x119: {  	_ =	swait.ge [sflag:s10], $0x280  }
0x11a: {  	[sflag:s10] =	ssyncset.done $0x0  }
0x11b: {  	[sflag:s10] =	ssyncadd.s32 $0xFFFFFD80  }
0x11c: {  	_ =	sfence.sel $0x180000  }
0x11d: {  	[bflag:$0x0] =	sbarrier.arrive $0xFFFF  }
0x11e: {  	p0 =	sne.s32 s1, $0x0;
	_ =	strace $0x90000047  }
0x11f: {  	s0 =	sadd.s32 @!p0 $0x100000, s0;
	[bflag:$0x2] =	sbarrier.arrive $0xFFFF  }
0x120: {  	[sflag:s0] =	ssyncadd.tile.s32 @!p0 $0x1;
	_ =	shalt  }
.Lfunc_end2:
_tile_overlayer_lowered:
.L_overlay_start_2:
0x121: {  	(tag) =	ssettag $0x2  }
0x122: {  	s0 =	rddreg [dreg:$0x0];
	s2 =	stileid.u32  }
0x123: {  	s1 =	rddreg [dreg:$0x1];
	p0 =	sne.s32 s2, $0x0  }
0x124: {  	s3 =	rddreg [dreg:$0x2];
	[bflag:$0x3] =	sbarrier.arrive $0xFFFF;
	s2 =	simm.s32 @!p0 $0x1C02  }
0x125: {  	[timem:s3], [sflag:s2] =	dma.local @!p0 [hbm:s0], s1  }
0x126: {  	s0 =	simm.s32 @!p0 $0x2  }
0x127: {  	_ =	swait.ge @!p0 [sflag:s0], s1  }
0x128: {  	s1 =	ssub.s32 @!p0 $0x0, s1;
	[sflag:s0] =	ssyncset.done @!p0 $0x0  }
0x129: {  	[sflag:s0] =	ssyncadd.s32 @!p0 s1  }
0x12a: {  	[bflag:$0x3] =	sbarrier.arrive $0xFFFF  }
0x12b: {  	_ =	shalt  }

// kernel: kernel.13.cloned.1.call-start
scs
__scs_entry_jumppad:
0x0: {  	(pc) =	sbr.rel $0x88, $3  }
0x1: {  	(tag) =	ssettag $0x0;
	lr =	simm.s32 $0x1  }
0x2: {  	[smem:$0x3F96] =	sst lr;
	_ =	strace $0xD0000000  }
0x3: {  	_ = 	snop  }
0x4: {  	_ = 	snop  }
0x5: {  	_ = 	snop  }
0x6: {  	_ = 	snop  }
0x7: {  	_ = 	snop  }
__scs_overlays_trampoline_lowered:
0x8: {  	[smem:$0x3FA5] =	sst s0  }
0x9: {  	[smem:$0x3FA6] =	sst s1  }
0xa: {  	[smem:$0x3FA7] =	sst s2  }
0xb: {  	[smem:$0x3FA8] =	sst s3  }
0xc: {  	[smem:$0x3FA9] =	sst s4  }
0xd: {  	[smem:$0x3FAA] =	sst s5  }
0xe: {  	[smem:$0x3FAB] =	sst s6  }
0xf: {  	[smem:$0x3FAC] =	sst s7  }
0x10: {  	[smem:$0x3FAD] =	sst s8  }
0x11: {  	[smem:$0x3FAE] =	sst s9;
	s0 =	simm.s32 @!p0 $0x0  }
0x12: {  	s1 =	sld [smem:$0x3F94];
	s0 =	simm.s32 @p0 $0x1  }
0x13: {  	[smem:$0x3FAF] =	sst s0;
	s0 =	simm.s32 @!p1 $0x0  }
0x14: {  	s2 =	sld [smem:$0x3F93];
	s0 =	simm.s32 @p1 $0x1  }
0x15: {  	[smem:$0x3FB0] =	sst s0;
	s0 =	simm.s32 @!p2 $0x0  }
0x16: {  	s3 =	sld [smem:$0x3FDB];
	s0 =	simm.s32 @p2 $0x1  }
0x17: {  	s4 =	simm.s32 $0x1BF5;
	[smem:$0x3FB2] =	sst s0  }
0x18: {  	s0 =	sld [smem:$0x3F95];
	_ =	swait.ge [sflag:s4], $0x0  }
0x19: {  	s7 =	sld [smem:$0x3F96]  }
0x1a: {  	s8 =	sadd.s32 $0xFFFFE003, lr  }
0x1b: {  	s9 =	sadd.s32 $0xFFFFFEF7, lr;
	s5 =	simm.s32 $0xFFFFFFFF;
	p2 =	slt.u32 s8, $0xFFFFF086  }
0x1c: {  	p1 =	slt.u32 s9, $0xF7A;
	s5 =	simm.s32 @!p2 $0x0  }
0x1d: {  	s5 =	simm.s32 @p1 $0x1;
	p0 =	seq.s32 s7, s2  }
0x1e: {  	s7 =	smul.u32 @!p0 $0xF7A, s2;
	p2 =	seq.s32 @!p0 s5, $0x0  }
0x1f: {  	s9 =	smul.u32 $0xF7A, s1;
	s8 =	simm.s32 @!p0 $0x1BF5;
	p2 =	por !p2, p0  }
0x20: {  	[sflag:s8] =	ssyncset.s32 @!p0 $0xFFFFF086;
	s6 =	sadd.s32 @!p0 s3, s7;
	s7 =	simm.s32 @!p0 $0x108  }
0x21: {  	s3 =	sadd.s32 s3, s9;
	s6 =	sadd.s32 @!p0 $0x88, s6;
	s7 =	simm.s32 @p2 $0x1082  }
0x22: {  	[simem:s7], [sflag:s8] =	dma.local @!p0 [hbm:s6], $0xF7A  }
0x23: {  	s9 =	sor.u32 $0xD0000000, s2;
	s6 =	simm.s32 $0x108;
	_ =	swait.ge @!p0 [sflag:s8], $0x0  }
0x24: {  	s3 =	sadd.s32 $0x88, s3;
	s6 =	simm.s32 @!p1 $0x1082;
	[sflag:s4] =	ssyncset.s32 $0xFFFFF086  }
0x25: {  	[simem:s6], [sflag:s4] =	dma.local [hbm:s3], $0xF7A  }
0x26: {  	[smem:$0x3F96] =	sst s1;
	(tag) =	ssettag s2;
	_ =	strace s9  }
0x27: {  	s1 =	sld [smem:$0x3FA6]  }
0x28: {  	s2 =	sld [smem:$0x3FA7]  }
0x29: {  	s4 =	sld [smem:$0x3FA9]  }
0x2a: {  	p0 =	seq.s32 s5, $0x0;
	s5 =	sld [smem:$0x3FAA]  }
0x2b: {  	s6 =	sld [smem:$0x3FAB]  }
0x2c: {  	s7 =	sld [smem:$0x3FAC]  }
0x2d: {  	s3 =	simm.s32 $0x108;
	s8 =	sld [smem:$0x3FAD]  }
0x2e: {  	s3 =	simm.s32 @!p0 $0x1082;
	s9 =	sld [smem:$0x3FAE]  }
0x2f: {  	lr =	sadd.s32 s0, s3;
	s0 =	sld [smem:$0x3FA5]  }
0x30: {  	s3 =	sld [smem:$0x3FA8]  }
0x31: {  	[smem:$0x3FB1] =	sst s10  }
0x32: {  	s10 =	sld [smem:$0x3FAF];
	_ =	sdelay $0x3  }
0x33: {  	p0 =	seq.s32 s10, $0x1;
	s10 =	sld [smem:$0x3FB1];
	_ =	sdelay $0x3  }
0x34: {  	[smem:$0x3FB1] =	sst s10  }
0x35: {  	s10 =	sld [smem:$0x3FB0];
	_ =	sdelay $0x3  }
0x36: {  	p1 =	seq.s32 s10, $0x1;
	s10 =	sld [smem:$0x3FB1];
	_ =	sdelay $0x3  }
0x37: {  	[smem:$0x3FB1] =	sst s10  }
0x38: {  	s10 =	sld [smem:$0x3FB2]  }
0x39: {  	_ = 	snop;
	(pc) =	sbr.ind lr, $3  }
0x3a: {  	_ = 	snop  }
0x3b: {  	_ = 	snop  }
0x3c: {  	p2 =	seq.s32 s10, $0x1;
	s10 =	sld [smem:$0x3FB1]  }
0x3d: {  	_ =	shalt  }
0x3e: {  	_ =	shalt  }
0x3f: {  	_ =	shalt  }
0x40: {  	_ =	shalt  }
0x41: {  	_ =	shalt  }
0x42: {  	_ =	shalt  }
0x43: {  	_ =	shalt  }
0x44: {  	_ =	shalt  }
0x45: {  	_ =	shalt  }
0x46: {  	_ =	shalt  }
0x47: {  	_ =	shalt  }
0x48: {  	_ =	shalt  }
0x49: {  	_ =	shalt  }
0x4a: {  	_ =	shalt  }
0x4b: {  	_ =	shalt  }
0x4c: {  	_ =	shalt  }
0x4d: {  	_ =	shalt  }
0x4e: {  	_ =	shalt  }
0x4f: {  	_ =	shalt  }
0x50: {  	_ =	shalt  }
0x51: {  	_ =	shalt  }
0x52: {  	_ =	shalt  }
0x53: {  	_ =	shalt  }
0x54: {  	_ =	shalt  }
0x55: {  	_ =	shalt  }
0x56: {  	_ =	shalt  }
0x57: {  	_ =	shalt  }
0x58: {  	_ =	shalt  }
0x59: {  	_ =	shalt  }
0x5a: {  	_ =	shalt  }
0x5b: {  	_ =	shalt  }
0x5c: {  	_ =	shalt  }
0x5d: {  	_ =	shalt  }
0x5e: {  	_ =	shalt  }
0x5f: {  	_ =	shalt  }
0x60: {  	_ =	shalt  }
0x61: {  	_ =	shalt  }
0x62: {  	_ =	shalt  }
0x63: {  	_ =	shalt  }
0x64: {  	_ =	shalt  }
0x65: {  	_ =	shalt  }
0x66: {  	_ =	shalt  }
0x67: {  	_ =	shalt  }
0x68: {  	_ =	shalt  }
0x69: {  	_ =	shalt  }
0x6a: {  	_ =	shalt  }
0x6b: {  	_ =	shalt  }
0x6c: {  	_ =	shalt  }
0x6d: {  	_ =	shalt  }
0x6e: {  	_ =	shalt  }
0x6f: {  	_ =	shalt  }
0x70: {  	_ =	shalt  }
0x71: {  	_ =	shalt  }
0x72: {  	_ =	shalt  }
0x73: {  	_ =	shalt  }
0x74: {  	_ =	shalt  }
0x75: {  	_ =	shalt  }
0x76: {  	_ =	shalt  }
0x77: {  	_ =	shalt  }
0x78: {  	_ =	shalt  }
0x79: {  	_ =	shalt  }
0x7a: {  	_ =	shalt  }
0x7b: {  	_ =	shalt  }
0x7c: {  	_ =	shalt  }
0x7d: {  	_ =	shalt  }
0x7e: {  	_ =	shalt  }
0x7f: {  	_ =	shalt  }
0x80: {  	_ =	shalt  }
0x81: {  	_ =	shalt  }
0x82: {  	_ =	shalt  }
0x83: {  	_ =	shalt  }
0x84: {  	_ =	shalt  }
0x85: {  	_ =	shalt  }
0x86: {  	_ =	shalt  }
0x87: {  	_ =	shalt  }
.Lfunc_end0:
.L_simem_size_0:
called_computation.1_lowered:
.L_overlay_start_0:
0x88: {  	s2 =	sld [smem:$0x3FD9]  }
0x89: {  	s3 =	sld [smem:$0x3FFE];
	_ =	sdelay $0x1  }
0x8a: {  	s1 =	srdreg.scid  }
0x8b: {  	s0 =	sand.u32 $0x1, s1  }
0x8c: {  	s16 =	sshll.u32 s0, $0xA;
	s2 =	sadd.s32 s3, s2  }
0x8d: {  	s2 =	sadd.s32 s2, s16  }
0x8e: {  	[smem:$0x3FBD] =	sst s2  }
0x8f: {  	_ = 	snop  }
0x90: {  	(tm) =	ssettm $0x1  }
0x91: {  	s17 =	sld [smem:$0x3FFB];
	_ =	sdelay $0x3  }
0x92: {  	_ =	strace s17  }
0x93: {  	s2 =	sld [smem:$0x3FFC];
	_ =	sdelay $0x3  }
0x94: {  	_ =	strace s2  }
0x95: {  	s2 =	sld [smem:$0x3FFD];
	_ =	sdelay $0x3  }
0x96: {  	_ =	strace s2  }
0x97: {  	_ =	strace $0x8FFFFFFF  }
0x98: {  	s18 =	sld [smem:$0x3FDB];
	_ =	sdelay $0x1  }
0x99: {  	s19 =	simm.s32 $_scs_section_size  }
0x9a: {  	s4 =	simm.s32 $_size__tile_overlayer_lowered;
	s5 =	simm.s32 $_tile_overlayer_lowered  }
0x9b: {  	s22 =	simm.s32 $0x1BFF;
	s21 =	sshll.u32 s5, $0x1;
	s2 =	sadd.s32 s19, s18  }
0x9c: {  	s6 =	simm.s32 $0x0;
	s20 =	sshll.u32 s4, $0x1;
	s4 =	sadd.s32 s21, s2  }
0x9d: {  	[timem:s6], [sflag:s22] =	dma.local [hbm:s4], s20  }
0x9e: {  	_ =	swait.ge [sflag:s22], s20  }
0x9f: {  	s3 =	ssub.s32 $0x0, s20;
	[sflag:s22] =	ssyncset.done $0x0  }
0xa0: {  	[sflag:s22] =	ssyncadd.s32 s3;
	_ =	sdelay $0x1  }
0xa1: {  	s23 =	simm.s32 $0x1B8B  }
0xa2: {  	_ =	swait.ge [sflag:s23], $0x1  }
0xa3: {  	[sflag:s23] =	ssyncset.done $0x0  }
0xa4: {  	s25 =	simm.s32 $0x1B8E;
	s24 =	sld [smem:$0x3FFE];
	[sflag:s23] =	ssyncadd.s32 $0xFFFFFFFF  }
0xa5: {  	s26 =	simm.s32 $execute0_lowered;
	[smem:$0x3FD2] =	sst s25  }
0xa6: {  	s4 =	sshll.u32 s26, $0x1;
	_ =	strace $0x80000049;
	[dreg:$0x1] =	wrdreg $0xFFFFFFFF  }
0xa7: {  	s28 =	simm.s32 $_size_execute0_lowered;
	s2 =	sadd.s32 s2, s4;
	[dreg:$0x0] =	wrdreg $0x0  }
0xa8: {  	s4 =	sshll.u32 s28, $0x1;
	[dreg:$0x2] =	wrdreg s2  }
0xa9: {  	[dreg:$0x3] =	wrdreg s4  }
0xaa: {  	[dreg:$0x4] =	wrdreg $0xC0  }
0xab: {  	_ =	task [dreg:s6], $0x5FFFF  }
0xac: {  	[dreg:$0x1] =	wrdreg $0xFFFFFFFF  }
0xad: {  	[dreg:$0x0] =	wrdreg $0x60  }
0xae: {  	[dreg:$0x2] =	wrdreg s24  }
0xaf: {  	[dreg:$0x3] =	wrdreg $0x10F000  }
0xb0: {  	[dreg:$0x4] =	wrdreg $0x9  }
0xb1: {  	_ =	task.clear_ibuf [dreg:s6], $0x5FFFF;
	_ =	strace $0x90000049  }
0xb2: {  	s29 =	simm.s32 $0x9;
	_ =	strace $0x8000004B  }
0xb3: {  	_ =	swait.ge [sflag:s29], $0x1  }
0xb4: {  	[sflag:s29] =	ssyncadd.s32 $0xFFFFFFFF  }
0xb5: {  	_ =	strace $0x9000004B  }
0xb6: {  	_ =	sfence  }
0xb7: {  	s30 =	sld [smem:$0x0];
	_ =	sdelay $0x2  }
0xb8: {  	s31 =	sshll.u32 s1, $0xD;
	s1 =	sshrl.u32 s1, $0x2  }
0xb9: {  	s3 =	sand.u32 $0x4000, s31;
	s1 =	sadd.s32 s1, s30  }
0xba: {  	s0 =	sor.u32 s3, s0;
	s1 =	sshll.u32 s1, $0x11  }
0xbb: {  	s0 =	sor.u32 s1, s0  }
0xbc: {  	s0 =	sadd.s32 $0x8F2B, s0  }
0xbd: {  	[sflag:s0] =	ssyncadd.remote.s32 $0x1  }
0xbe: {  	_ =	sfence.sel $0xFFFF  }
0xbf: {  	[dreg:$0x0] =	wrdreg $0xFFFFFFFF;
	(pc) =	sbr.abs _section_cstart, $3  }
0xc0: {  	[dreg:$0x1] =	wrdreg $0xFFFFFFFF  }
0xc1: {  	_ =	task.clear_ibuf [dreg:s6], $0x2FFFF;
	_ =	strace $0x9FFFFFFF  }
0xc2: {  	(tm) =	ssettm $0x7FFFFFFF  }
0xc3: {  	_ =	shalt  }
tec
execute0_lowered:
.L_overlay_start_1:
0x0: {  	(tag) =	ssettag $0x1  }
0x1: {  	s0 =	rddreg [dreg:$0x0]  }
0x2: {  	s1 =	rddreg [dreg:$0x1];
	s2 =	simm.s32 $0x0  }
0x3: {  	s3 =	srdreg.scid;
	s12 =	stileid.u32;
	s29 =	simm.s32 $0x80  }
0x4: {  	s30 =	simm.s32 $0x6F00;
	s31 =	simm.s32 $0xAF00;
	[smem:$0x7FF] =	sst s2  }
0x5: {  	s4 =	sadd.s32 $0x21C00, s0;
	s6 =	sadd.s32 $0x17E00, s0;
	s3 =	sand.u32 $0x1, s3  }
0x6: {  	s7 =	sadd.s32 $0xE000, s0;
	s10 =	smul.u32 $0x28000, s12;
	s0 =	sadd.s32 $0x35C00, s0  }
0x7: {  	s11 =	sshll.u32 s12, $0x4;
	_ =	strace $0x8000004A;
	s5 =	ssub.s32 $0x2, s3  }
0x8: {  	s9 =	sshll.u32 s3, $0x4;
	s11 =	sor.u32 $0x9C00, s11;
	s3 =	smul.u32 $0xA0000, s3  }
0x9: {  	s8 =	sshrl.u32 s5, $0x1;
	s9 =	sor.u32 s12, s9;
	s25 =	sshrl.u32 s10, $0x2  }
0xa: {  	s12 =	smul.u32 $0xA000, s12;
	s28 =	sadd.s32 s7, s11;
	s8 =	ssub.s32 s5, s8  }
0xb: {  	s26 =	smul.u32 $0x4E0, s9;
	s5 =	sadd.s32 s25, s1;
	[dreg:$0x6] =	wrdreg s28  }
0xc: {  	p0 =	sgt.u32 s9, $0x3;
	s9 =	simm.s32 $0x3;
	s8 =	smax.u32 s8, $0x1  }
0xd: {  	s14 =	sadd.s32 s3, s12;
	s16 =	sadd.s32 $0x6000, s5;
	s18 =	sadd.s32 $0x4000, s12  }
0xe: {  	s20 =	sadd.s32 $0x6000, s12;
	s21 =	sadd.s32 $0x8000, s12;
	s24 =	sadd.s32 $0x8000, s5  }
0xf: {  	s13 =	sadd.s32 s6, s26;
	s10 =	sadd.s32 s7, s26;
	[dreg:$0x8] =	wrdreg s8  }
0x10: {  	s6 =	sadd.s32 s6, s11;
	s7 =	sadd.s32 s12, s1;
	[dreg:$0xb] =	wrdreg s16  }
0x11: {  	s11 =	sadd.s32 $0x2000, s12;
	s19 =	sadd.s32 s3, s18;
	[dreg:$0x11] =	wrdreg s24  }
0x12: {  	s22 =	sadd.s32 s3, s20;
	s26 =	sadd.s32 s18, s1;
	[dreg:$0x3] =	wrdreg s13  }
0x13: {  	s28 =	sadd.s32 s20, s1;
	s24 =	sadd.s32 s21, s1;
	[dreg:$0x4] =	wrdreg s10  }
0x14: {  	s12 =	simm.s32 $0x6;
	s16 =	simm.s32 $0xA;
	[dreg:$0x5] =	wrdreg s6  }
0x15: {  	s18 =	simm.s32 $0xC;
	[dreg:$0x7] =	wrdreg s7;
	s10 =	sadd.s32 $0x2000, s5  }
0x16: {  	s13 =	sadd.s32 $0x4000, s5;
	s15 =	sadd.s32 s3, s11;
	s7 =	sshrl.u32 s14, $0x3  }
0x17: {  	s3 =	sadd.s32 s3, s21;
	s23 =	sshrl.u32 s22, $0x3;
	[dreg:$0x13] =	wrdreg s26  }
0x18: {  	s25 =	sadd.s32 s11, s1;
	[dreg:$0x14] =	wrdreg s28;
	s26 =	simm.s32 $0xD  }
0x19: {  	s6 =	simm.s32 $0xEF00;
	s11 =	simm.s32 $0x5;
	[dreg:$0x9] =	wrdreg s10  }
0x1a: {  	s14 =	simm.s32 $0x8;
	[dreg:$0xa] =	wrdreg s13;
	s8 =	sshrl.u32 s15, $0x3  }
0x1b: {  	s7 =	sadd.s32 s0, s7;
	s3 =	sshrl.u32 s3, $0x3;
	[dreg:$0x12] =	wrdreg s25  }
0x1c: {  	s25 =	simm.s32 $0x4F00;
	s10 =	simm.s32 $0x4;
	s13 =	simm.s32 $0x7  }
0x1d: {  	s15 =	simm.s32 $0x9;
	[dreg:$0xc] =	wrdreg s7;
	s17 =	sadd.s32 s0, s8  }
0x1e: {  	s8 =	sshrl.u32 s19, $0x3;
	s7 =	simm.s32 $0x1;
	s19 =	simm.s32 $0x0  }
0x1f: {  	[dreg:$0xd] =	wrdreg s17;
	s8 =	sadd.s32 s0, s8;
	s17 =	simm.s32 $0xB  }
0x20: {  	[dreg:$0xe] =	wrdreg s8;
	s8 =	sadd.s32 s0, s23;
	s0 =	sadd.s32 s0, s3  }
0x21: {  	s3 =	simm.s32 $0xCF00;
	s23 =	simm.s32 $0x2780;
	[dreg:$0xf] =	wrdreg s8  }
0x22: {  	v0 =	vimm.f32 $0.0e+00;
	[dreg:$0x10] =	wrdreg s0;
	s0 =	simm.s32 $0x8F00;
	s8 =	simm.s32 $0x2  }
.LBB2_1:
0x23: {  	s21 =	simm.s32 $0x100;
	s20 =	simm.s32 $0x0  }
.LBB2_2:
0x24: {  	p1 =	sne.s32 s21, $0x7F00;
	[tilespmem:s20+$0x4F30] =	vst v0;
	s28 =	smov.u32 s21;
	s21 =	sadd.s32 $0x100, s21  }
.Ltmp0:
0x25: {  	[tilespmem:s20+$0x4F20] =	vst v0;
	(pc) =	sbr.rel @p1 .LBB2_2-.Ltmp0, $3  }
0x26: {  	[tilespmem:s20+$0x4F00] =	vst v0  }
0x27: {  	[tilespmem:s20+$0x4F10] =	vst v0;
	_ =	sdelay $0x1  }
0x28: {  	s20 =	sshra.s32 s28, $0x2  }
0x29: {  	[tilespmem:s20+$0x4F30] =	vst v0  }
0x2a: {  	[tilespmem:s20+$0x4F20] =	vst v0  }
0x2b: {  	[tilespmem:s20+$0x4F00] =	vst v0  }
0x2c: {  	[tilespmem:s20+$0x4F10] =	vst v0  }
0x2d: {  	[spmem:s5] =	stream.linear.scatter [tilespmem:s25], [sflag:$0xD], $0x2000, $0x38;
	[tilespmem:$0x1AF00] =	vst v63  }
0x2e: {  	_ =	swait.ge [sflag:s26], $0x2000  }
0x2f: {  	[sflag:s26] =	ssyncset.done $0x0  }
0x30: {  	s21 =	rddreg [dreg:$0x9];
	[sflag:s26] =	ssyncadd.s32 $0xFFFFE000  }
0x31: {  	[spmem:s21] =	stream.linear.scatter [tilespmem:s25], [sflag:$0xD], $0x2000, $0x38;
	[tilespmem:$0x1AF00] =	vst v63  }
0x32: {  	_ =	swait.ge [sflag:s26], $0x2000  }
0x33: {  	[sflag:s26] =	ssyncset.done $0x0  }
0x34: {  	s22 =	rddreg [dreg:$0xa];
	[sflag:s26] =	ssyncadd.s32 $0xFFFFE000  }
0x35: {  	[spmem:s22] =	stream.linear.scatter [tilespmem:s25], [sflag:$0xD], $0x2000, $0x38;
	[tilespmem:$0x1AF00] =	vst v63  }
0x36: {  	_ =	swait.ge [sflag:s26], $0x2000  }
0x37: {  	[sflag:s26] =	ssyncset.done $0x0  }
0x38: {  	s28 =	rddreg [dreg:$0xb];
	[sflag:s26] =	ssyncadd.s32 $0xFFFFE000  }
0x39: {  	[spmem:s28] =	stream.linear.scatter [tilespmem:s25], [sflag:$0xD], $0x2000, $0x38;
	[tilespmem:$0x1AF00] =	vst v63  }
0x3a: {  	_ =	swait.ge [sflag:s26], $0x2000  }
0x3b: {  	[sflag:s26] =	ssyncset.done $0x0  }
0x3c: {  	s21 =	rddreg [dreg:$0x11];
	[sflag:s26] =	ssyncadd.s32 $0xFFFFE000  }
0x3d: {  	[spmem:s21] =	stream.linear.scatter [tilespmem:s25], [sflag:$0xD], $0x2000, $0x38;
	[tilespmem:$0x1AF00] =	vst v63  }
0x3e: {  	_ =	swait.ge [sflag:s26], $0x2000  }
0x3f: {  	[sflag:s26] =	ssyncset.done $0x0  }
0x40: {  	s22 =	rddreg [dreg:$0x3];
	[sflag:s26] =	ssyncadd.s32 $0xFFFFE000  }
0x41: {  	[tilespmem:s2], [sflag:$0xD] =	stream.linear.gather [hbm4b:s22+s2], $0x2700, $0x38;
	[tilespmem:$0x1AF00] =	vst v63  }
0x42: {  	_ =	swait.ge [sflag:s26], $0x2700  }
0x43: {  	[sflag:s26] =	ssyncset.done $0x0  }
0x44: {  	s28 =	rddreg [dreg:$0x4];
	[sflag:s26] =	ssyncadd.s32 $0xFFFFD900  }
0x45: {  	[tilespmem:s23], [sflag:$0xD] =	stream.linear.gather [hbm4b:s28+s2], $0x2700, $0x38;
	[tilespmem:$0x1AF00] =	vst v63  }
0x46: {  	_ =	swait.ge [sflag:s26], $0x2700  }
0x47: {  	s20 =	simm.s32 @!p0 $0x0;
	[sflag:s26] =	ssyncset.done $0x0  }
0x48: {  	s21 =	simm.s32 @!p0 $0x2700;
	s22 =	rddreg [dreg:$0x5];
	[sflag:s26] =	ssyncadd.s32 $0xFFFFD900  }
0x49: {  	[tilespmem:s21], [sflag:$0xD] =	stream.linear.gather @!p0 [hbm4b:s22+s20], $0x80, $0x38;
	[tilespmem:$0x1AF00] =	vst v63  }
0x4a: {  	s21 =	simm.s32 @!p0 $0xD  }
0x4b: {  	_ =	swait.ge @!p0 [sflag:s21], $0x80  }
0x4c: {  	[sflag:s21] =	ssyncset.done @!p0 $0x0  }
0x4d: {  	s28 =	simm.s32 @!p0 $0x4E80;
	s22 =	rddreg [dreg:$0x6];
	[sflag:s21] =	ssyncadd.s32 @!p0 $0xFFFFFF80  }
0x4e: {  	[tilespmem:s28], [sflag:$0xD] =	stream.linear.gather @!p0 [hbm4b:s22+s20], $0x80, $0x38;
	[tilespmem:$0x1AF00] =	vst v63  }
0x4f: {  	_ =	swait.ge @!p0 [sflag:s21], $0x80  }
0x50: {  	[sflag:s21] =	ssyncset.done @!p0 $0x0  }
0x51: {  	[sflag:s21] =	ssyncadd.s32 @!p0 $0xFFFFFF80  }
0x52: {  	s21 =	simm.s32 $0x0;
	[bflag:$0x0] =	sbarrier.arrive $0xFFFF  }
0x53: {  	[tilespmem:s25], [sflag:$0x1] =	stream.indirect.gather [hbm4b:s4+s29], $0x40, s21, s29, $0xb8;
	[tilespmem:$0x1AF00] =	vst v63  }
0x54: {  	_ = 	snop  }
0x55: {  	[tilespmem:s30], [sflag:$0x2] =	stream.indirect.gather [hbm4b:s4+s29], $0x40, s29, s29, $0xb8;
	[tilespmem:$0x1AF00] =	vst v63  }
0x56: {  	s22 =	simm.s32 $0x100  }
0x57: {  	[tilespmem:s0], [sflag:$0x3] =	stream.indirect.gather [hbm4b:s4+s29], $0x40, s22, s29, $0xb8;
	[tilespmem:$0x1AF00] =	vst v63  }
0x58: {  	s28 =	simm.s32 $0x180  }
0x59: {  	[tilespmem:s31], [sflag:$0x4] =	stream.indirect.gather [hbm4b:s4+s29], $0x40, s28, s29, $0xb8;
	[tilespmem:$0x1AF00] =	vst v63  }
0x5a: {  	s21 =	simm.s32 $0x200  }
0x5b: {  	[tilespmem:s3], [sflag:$0x5] =	stream.indirect.gather [hbm4b:s4+s29], $0x40, s21, s29, $0xb8;
	[tilespmem:$0x1AF00] =	vst v63  }
0x5c: {  	s22 =	simm.s32 $0x280  }
0x5d: {  	[tilespmem:s6], [sflag:$0x6] =	stream.indirect.gather [hbm4b:s4+s29], $0x40, s22, s29, $0xb8;
	[tilespmem:$0x1AF00] =	vst v63  }
0x5e: {  	_ =	swait.ge [sflag:s7], $0x2000  }
0x5f: {  	[sflag:s7] =	ssyncset.done $0x0  }
0x60: {  	[sflag:s7] =	ssyncadd.s32 $0xFFFFE000  }
0x61: {  	[spmem:s1] =	stream.indirect.scatter.add.f32 [tilespmem:s25], [sflag:$0x7], $0x40, s23, s29, $0xb8;
	[tilespmem:$0x1AF00] =	vst v63  }
0x62: {  	_ =	swait.ge [sflag:s8], $0x2000  }
0x63: {  	[sflag:s8] =	ssyncset.done $0x0  }
0x64: {  	s28 =	simm.s32 $0x2800;
	[sflag:s8] =	ssyncadd.s32 $0xFFFFE000  }
0x65: {  	[spmem:s1] =	stream.indirect.scatter.add.f32 [tilespmem:s30], [sflag:$0x8], $0x40, s28, s29, $0xb8;
	[tilespmem:$0x1AF00] =	vst v63  }
0x66: {  	_ =	swait.ge [sflag:s9], $0x2000  }
0x67: {  	[sflag:s9] =	ssyncset.done $0x0  }
0x68: {  	s21 =	simm.s32 $0x2880;
	[sflag:s9] =	ssyncadd.s32 $0xFFFFE000  }
0x69: {  	[spmem:s1] =	stream.indirect.scatter.add.f32 [tilespmem:s0], [sflag:$0x9], $0x40, s21, s29, $0xb8;
	[tilespmem:$0x1AF00] =	vst v63  }
0x6a: {  	_ =	swait.ge [sflag:s10], $0x2000  }
0x6b: {  	[sflag:s10] =	ssyncset.done $0x0  }
0x6c: {  	s22 =	simm.s32 $0x2900;
	[sflag:s10] =	ssyncadd.s32 $0xFFFFE000  }
0x6d: {  	[spmem:s1] =	stream.indirect.scatter.add.f32 [tilespmem:s31], [sflag:$0xA], $0x40, s22, s29, $0xb8;
	[tilespmem:$0x1AF00] =	vst v63  }
0x6e: {  	_ =	swait.ge [sflag:s11], $0x2000  }
0x6f: {  	[sflag:s11] =	ssyncset.done $0x0  }
0x70: {  	s28 =	simm.s32 $0x2980;
	[sflag:s11] =	ssyncadd.s32 $0xFFFFE000  }
0x71: {  	[spmem:s1] =	stream.indirect.scatter.add.f32 [tilespmem:s3], [sflag:$0xB], $0x40, s28, s29, $0xb8;
	[tilespmem:$0x1AF00] =	vst v63  }
0x72: {  	_ =	swait.ge [sflag:s12], $0x2000  }
0x73: {  	[sflag:s12] =	ssyncset.done $0x0  }
0x74: {  	s21 =	simm.s32 $0x2A00;
	[sflag:s12] =	ssyncadd.s32 $0xFFFFE000  }
0x75: {  	[spmem:s1] =	stream.indirect.scatter.add.f32 [tilespmem:s6], [sflag:$0xC], $0x40, s21, s29, $0xb8;
	[tilespmem:$0x1AF00] =	vst v63  }
0x76: {  	_ =	swait.ge [sflag:s13], $0x2000  }
0x77: {  	[sflag:s13] =	ssyncset.done $0x0  }
0x78: {  	s22 =	simm.s32 $0x300;
	[sflag:s13] =	ssyncadd.s32 $0xFFFFE000  }
0x79: {  	[tilespmem:s25], [sflag:$0x1] =	stream.indirect.gather [hbm4b:s4+s29], $0x40, s22, s29, $0xb8;
	[tilespmem:$0x1AF00] =	vst v63  }
0x7a: {  	_ =	swait.ge [sflag:s14], $0x2000  }
0x7b: {  	[sflag:s14] =	ssyncset.done $0x0  }
0x7c: {  	s28 =	simm.s32 $0x380;
	[sflag:s14] =	ssyncadd.s32 $0xFFFFE000  }
0x7d: {  	[tilespmem:s30], [sflag:$0x2] =	stream.indirect.gather [hbm4b:s4+s29], $0x40, s28, s29, $0xb8;
	[tilespmem:$0x1AF00] =	vst v63  }
0x7e: {  	_ =	swait.ge [sflag:s15], $0x2000  }
0x7f: {  	[sflag:s15] =	ssyncset.done $0x0  }
0x80: {  	s21 =	simm.s32 $0x400;
	[sflag:s15] =	ssyncadd.s32 $0xFFFFE000  }
0x81: {  	[tilespmem:s0], [sflag:$0x3] =	stream.indirect.gather [hbm4b:s4+s29], $0x40, s21, s29, $0xb8;
	[tilespmem:$0x1AF00] =	vst v63  }
0x82: {  	_ =	swait.ge [sflag:s16], $0x2000  }
0x83: {  	[sflag:s16] =	ssyncset.done $0x0  }
0x84: {  	s22 =	simm.s32 $0x480;
	[sflag:s16] =	ssyncadd.s32 $0xFFFFE000  }
0x85: {  	[tilespmem:s31], [sflag:$0x4] =	stream.indirect.gather [hbm4b:s4+s29], $0x40, s22, s29, $0xb8;
	[tilespmem:$0x1AF00] =	vst v63  }
0x86: {  	_ =	swait.ge [sflag:s17], $0x2000  }
0x87: {  	[sflag:s17] =	ssyncset.done $0x0  }
0x88: {  	s28 =	simm.s32 $0x500;
	[sflag:s17] =	ssyncadd.s32 $0xFFFFE000  }
0x89: {  	[tilespmem:s3], [sflag:$0x5] =	stream.indirect.gather [hbm4b:s4+s29], $0x40, s28, s29, $0xb8;
	[tilespmem:$0x1AF00] =	vst v63  }
0x8a: {  	_ =	swait.ge [sflag:s18], $0x2000  }
0x8b: {  	[sflag:s18] =	ssyncset.done $0x0  }
0x8c: {  	s21 =	simm.s32 $0x580;
	[sflag:s18] =	ssyncadd.s32 $0xFFFFE000  }
0x8d: {  	[tilespmem:s6], [sflag:$0x6] =	stream.indirect.gather [hbm4b:s4+s29], $0x40, s21, s29, $0xb8;
	[tilespmem:$0x1AF00] =	vst v63  }
0x8e: {  	_ =	swait.ge [sflag:s7], $0x2000  }
0x8f: {  	[sflag:s7] =	ssyncset.done $0x0  }
0x90: {  	s22 =	simm.s32 $0x2A80;
	[sflag:s7] =	ssyncadd.s32 $0xFFFFE000  }
0x91: {  	[spmem:s1] =	stream.indirect.scatter.add.f32 [tilespmem:s25], [sflag:$0x7], $0x40, s22, s29, $0xb8;
	[tilespmem:$0x1AF00] =	vst v63  }
0x92: {  	_ =	swait.ge [sflag:s8], $0x2000  }
0x93: {  	[sflag:s8] =	ssyncset.done $0x0  }
0x94: {  	s28 =	simm.s32 $0x2B00;
	[sflag:s8] =	ssyncadd.s32 $0xFFFFE000  }
0x95: {  	[spmem:s1] =	stream.indirect.scatter.add.f32 [tilespmem:s30], [sflag:$0x8], $0x40, s28, s29, $0xb8;
	[tilespmem:$0x1AF00] =	vst v63  }
0x96: {  	_ =	swait.ge [sflag:s9], $0x2000  }
0x97: {  	[sflag:s9] =	ssyncset.done $0x0  }
0x98: {  	s21 =	simm.s32 $0x2B80;
	[sflag:s9] =	ssyncadd.s32 $0xFFFFE000  }
0x99: {  	[spmem:s1] =	stream.indirect.scatter.add.f32 [tilespmem:s0], [sflag:$0x9], $0x40, s21, s29, $0xb8;
	[tilespmem:$0x1AF00] =	vst v63  }
0x9a: {  	_ =	swait.ge [sflag:s10], $0x2000  }
0x9b: {  	[sflag:s10] =	ssyncset.done $0x0  }
0x9c: {  	s22 =	simm.s32 $0x2C00;
	[sflag:s10] =	ssyncadd.s32 $0xFFFFE000  }
0x9d: {  	[spmem:s1] =	stream.indirect.scatter.add.f32 [tilespmem:s31], [sflag:$0xA], $0x40, s22, s29, $0xb8;
	[tilespmem:$0x1AF00] =	vst v63  }
0x9e: {  	_ =	swait.ge [sflag:s11], $0x2000  }
0x9f: {  	[sflag:s11] =	ssyncset.done $0x0  }
0xa0: {  	s28 =	simm.s32 $0x2C80;
	[sflag:s11] =	ssyncadd.s32 $0xFFFFE000  }
0xa1: {  	[spmem:s1] =	stream.indirect.scatter.add.f32 [tilespmem:s3], [sflag:$0xB], $0x40, s28, s29, $0xb8;
	[tilespmem:$0x1AF00] =	vst v63  }
0xa2: {  	_ =	swait.ge [sflag:s12], $0x2000  }
0xa3: {  	[sflag:s12] =	ssyncset.done $0x0  }
0xa4: {  	s20 =	simm.s32 $0xC00;
	s21 =	simm.s32 $0x2D00;
	[sflag:s12] =	ssyncadd.s32 $0xFFFFE000  }
.LBB2_4:
0xa5: {  	[spmem:s1] =	stream.indirect.scatter.add.f32 [tilespmem:s6], [sflag:$0xC], $0x40, s21, s29, $0xb8;
	[tilespmem:$0x1AF00] =	vst v63  }
0xa6: {  	s21 =	smov.u32 s20  }
0xa7: {  	p1 =	sne.s32 s20, $0x8400;
	s20 =	sadd.s32 $0xC00, s20;
	_ =	swait.ge [sflag:s13], $0x2000  }
0xa8: {  	s21 =	sshra.s32 s21, $0x2;
	[sflag:s13] =	ssyncset.done $0x0  }
0xa9: {  	s28 =	sadd.s32 $0x300, s21;
	[sflag:s13] =	ssyncadd.s32 $0xFFFFE000  }
0xaa: {  	[tilespmem:s25], [sflag:$0x1] =	stream.indirect.gather [hbm4b:s4+s29], $0x40, s28, s29, $0xb8;
	[tilespmem:$0x1AF00] =	vst v63  }
0xab: {  	_ =	swait.ge [sflag:s14], $0x2000  }
0xac: {  	[sflag:s14] =	ssyncset.done $0x0  }
0xad: {  	s28 =	sadd.s32 $0x380, s21;
	[sflag:s14] =	ssyncadd.s32 $0xFFFFE000  }
0xae: {  	[tilespmem:s30], [sflag:$0x2] =	stream.indirect.gather [hbm4b:s4+s29], $0x40, s28, s29, $0xb8;
	[tilespmem:$0x1AF00] =	vst v63  }
0xaf: {  	_ =	swait.ge [sflag:s15], $0x2000  }
0xb0: {  	[sflag:s15] =	ssyncset.done $0x0  }
0xb1: {  	s28 =	sadd.s32 $0x400, s21;
	[sflag:s15] =	ssyncadd.s32 $0xFFFFE000  }
0xb2: {  	[tilespmem:s0], [sflag:$0x3] =	stream.indirect.gather [hbm4b:s4+s29], $0x40, s28, s29, $0xb8;
	[tilespmem:$0x1AF00] =	vst v63  }
0xb3: {  	_ =	swait.ge [sflag:s16], $0x2000  }
0xb4: {  	[sflag:s16] =	ssyncset.done $0x0  }
0xb5: {  	s28 =	sadd.s32 $0x480, s21;
	[sflag:s16] =	ssyncadd.s32 $0xFFFFE000  }
0xb6: {  	[tilespmem:s31], [sflag:$0x4] =	stream.indirect.gather [hbm4b:s4+s29], $0x40, s28, s29, $0xb8;
	[tilespmem:$0x1AF00] =	vst v63  }
0xb7: {  	_ =	swait.ge [sflag:s17], $0x2000  }
0xb8: {  	[sflag:s17] =	ssyncset.done $0x0  }
0xb9: {  	s28 =	sadd.s32 $0x500, s21;
	[sflag:s17] =	ssyncadd.s32 $0xFFFFE000  }
0xba: {  	[tilespmem:s3], [sflag:$0x5] =	stream.indirect.gather [hbm4b:s4+s29], $0x40, s28, s29, $0xb8;
	[tilespmem:$0x1AF00] =	vst v63  }
0xbb: {  	_ =	swait.ge [sflag:s18], $0x2000  }
0xbc: {  	[sflag:s18] =	ssyncset.done $0x0  }
0xbd: {  	s28 =	sadd.s32 $0x580, s21;
	[sflag:s18] =	ssyncadd.s32 $0xFFFFE000  }
0xbe: {  	[tilespmem:s6], [sflag:$0x6] =	stream.indirect.gather [hbm4b:s4+s29], $0x40, s28, s29, $0xb8;
	[tilespmem:$0x1AF00] =	vst v63  }
0xbf: {  	_ =	swait.ge [sflag:s7], $0x2000  }
0xc0: {  	[sflag:s7] =	ssyncset.done $0x0  }
0xc1: {  	s28 =	sadd.s32 $0x2A80, s21;
	[sflag:s7] =	ssyncadd.s32 $0xFFFFE000  }
0xc2: {  	[spmem:s1] =	stream.indirect.scatter.add.f32 [tilespmem:s25], [sflag:$0x7], $0x40, s28, s29, $0xb8;
	[tilespmem:$0x1AF00] =	vst v63  }
0xc3: {  	_ =	swait.ge [sflag:s8], $0x2000  }
0xc4: {  	[sflag:s8] =	ssyncset.done $0x0  }
0xc5: {  	s28 =	sadd.s32 $0x2B00, s21;
	[sflag:s8] =	ssyncadd.s32 $0xFFFFE000  }
0xc6: {  	[spmem:s1] =	stream.indirect.scatter.add.f32 [tilespmem:s30], [sflag:$0x8], $0x40, s28, s29, $0xb8;
	[tilespmem:$0x1AF00] =	vst v63  }
0xc7: {  	_ =	swait.ge [sflag:s9], $0x2000  }
0xc8: {  	[sflag:s9] =	ssyncset.done $0x0  }
0xc9: {  	s28 =	sadd.s32 $0x2B80, s21;
	[sflag:s9] =	ssyncadd.s32 $0xFFFFE000  }
0xca: {  	[spmem:s1] =	stream.indirect.scatter.add.f32 [tilespmem:s0], [sflag:$0x9], $0x40, s28, s29, $0xb8;
	[tilespmem:$0x1AF00] =	vst v63  }
0xcb: {  	_ =	swait.ge [sflag:s10], $0x2000  }
0xcc: {  	[sflag:s10] =	ssyncset.done $0x0  }
0xcd: {  	s28 =	sadd.s32 $0x2C00, s21;
	[sflag:s10] =	ssyncadd.s32 $0xFFFFE000  }
0xce: {  	[spmem:s1] =	stream.indirect.scatter.add.f32 [tilespmem:s31], [sflag:$0xA], $0x40, s28, s29, $0xb8;
	[tilespmem:$0x1AF00] =	vst v63  }
0xcf: {  	_ =	swait.ge [sflag:s11], $0x2000  }
0xd0: {  	[sflag:s11] =	ssyncset.done $0x0  }
.Ltmp1:
0xd1: {  	s28 =	sadd.s32 $0x2C80, s21;
	[sflag:s11] =	ssyncadd.s32 $0xFFFFE000;
	(pc) =	sbr.rel @p1 .LBB2_4-.Ltmp1, $4  }
0xd2: {  	[spmem:s1] =	stream.indirect.scatter.add.f32 [tilespmem:s3], [sflag:$0xB], $0x40, s28, s29, $0xb8;
	[tilespmem:$0x1AF00] =	vst v63  }
0xd3: {  	_ =	swait.ge [sflag:s12], $0x2000  }
0xd4: {  	[sflag:s12] =	ssyncset.done $0x0  }
0xd5: {  	s21 =	sadd.s32 $0x2D00, s21;
	[sflag:s12] =	ssyncadd.s32 $0xFFFFE000  }
0xd6: {  	[spmem:s1] =	stream.indirect.scatter.add.f32 [tilespmem:s6], [sflag:$0xC], $0x40, s21, s29, $0xb8;
	[tilespmem:$0x1AF00] =	vst v63  }
0xd7: {  	_ =	swait.ge [sflag:s13], $0x2000  }
0xd8: {  	[sflag:s13] =	ssyncset.done $0x0  }
0xd9: {  	[sflag:s13] =	ssyncadd.s32 $0xFFFFE000  }
0xda: {  	_ =	swait.ge [sflag:s14], $0x2000  }
0xdb: {  	[sflag:s14] =	ssyncset.done $0x0  }
0xdc: {  	[sflag:s14] =	ssyncadd.s32 $0xFFFFE000  }
0xdd: {  	_ =	swait.ge [sflag:s15], $0x2000  }
0xde: {  	[sflag:s15] =	ssyncset.done $0x0  }
0xdf: {  	[sflag:s15] =	ssyncadd.s32 $0xFFFFE000  }
0xe0: {  	_ =	swait.ge [sflag:s16], $0x2000  }
0xe1: {  	[sflag:s16] =	ssyncset.done $0x0  }
0xe2: {  	[sflag:s16] =	ssyncadd.s32 $0xFFFFE000  }
0xe3: {  	_ =	swait.ge [sflag:s17], $0x2000  }
0xe4: {  	[sflag:s17] =	ssyncset.done $0x0  }
0xe5: {  	[sflag:s17] =	ssyncadd.s32 $0xFFFFE000  }
0xe6: {  	_ =	swait.ge [sflag:s18], $0x2000  }
0xe7: {  	s20 =	simm.s32 @!p0 $0x80;
	[sflag:s18] =	ssyncset.done $0x0  }
0xe8: {  	s21 =	simm.s32 @!p0 $0x2700;
	s28 =	simm.s32 @!p0 $0x4F00;
	[sflag:s18] =	ssyncadd.s32 $0xFFFFE000  }
0xe9: {  	[tilespmem:s28], [sflag:$0xD] =	stream.indirect.gather @!p0 [hbm4b:s4+s20], $0x40, s21, s20, $0xb8;
	[tilespmem:$0x1AF00] =	vst v63  }
0xea: {  	s21 =	simm.s32 @!p0 $0xD  }
0xeb: {  	_ =	swait.ge @!p0 [sflag:s21], $0x2000  }
0xec: {  	[sflag:s21] =	ssyncset.done @!p0 $0x0  }
0xed: {  	s22 =	simm.s32 @!p0 $0x4E80;
	[sflag:s21] =	ssyncadd.s32 @!p0 $0xFFFFE000  }
0xee: {  	[spmem:s1] =	stream.indirect.scatter.add.f32 @!p0 [tilespmem:s28], [sflag:$0xD], $0x40, s22, s20, $0xb8;
	[tilespmem:$0x1AF00] =	vst v63  }
0xef: {  	_ =	swait.ge @!p0 [sflag:s21], $0x2000  }
0xf0: {  	[sflag:s21] =	ssyncset.done @!p0 $0x0  }
0xf1: {  	[sflag:s21] =	ssyncadd.s32 @!p0 $0xFFFFE000  }
0xf2: {  	[bflag:$0x0] =	sbarrier.arrive $0xFFFF  }
0xf3: {  	s28 =	rddreg [dreg:$0x7]  }
0xf4: {  	[tilespmem:s25], [sflag:$0xD] =	stream.linear.gather [spmem:s28], $0x2000, $0x38;
	[tilespmem:$0x1AF00] =	vst v63  }
0xf5: {  	_ =	swait.ge [sflag:s26], $0x2000  }
0xf6: {  	[sflag:s26] =	ssyncset.done $0x0  }
0xf7: {  	s21 =	rddreg [dreg:$0xc];
	[sflag:s26] =	ssyncadd.s32 $0xFFFFE000  }
0xf8: {  	[hbm4b:s21+s2] =	stream.linear.scatter [tilespmem:s25], [sflag:$0xD], $0x2000, $0x38;
	[tilespmem:$0x1AF00] =	vst v63  }
0xf9: {  	_ =	swait.ge [sflag:s26], $0x2000  }
0xfa: {  	[sflag:s26] =	ssyncset.done $0x0  }
0xfb: {  	s22 =	rddreg [dreg:$0x12];
	[sflag:s26] =	ssyncadd.s32 $0xFFFFE000  }
0xfc: {  	[tilespmem:s25], [sflag:$0xD] =	stream.linear.gather [spmem:s22], $0x2000, $0x38;
	[tilespmem:$0x1AF00] =	vst v63  }
0xfd: {  	_ =	swait.ge [sflag:s26], $0x2000  }
0xfe: {  	[sflag:s26] =	ssyncset.done $0x0  }
0xff: {  	s28 =	rddreg [dreg:$0xd];
	[sflag:s26] =	ssyncadd.s32 $0xFFFFE000  }
0x100: {  	[hbm4b:s28+s2] =	stream.linear.scatter [tilespmem:s25], [sflag:$0xD], $0x2000, $0x38;
	[tilespmem:$0x1AF00] =	vst v63  }
0x101: {  	_ =	swait.ge [sflag:s26], $0x2000  }
0x102: {  	[sflag:s26] =	ssyncset.done $0x0  }
0x103: {  	s21 =	rddreg [dreg:$0x13];
	[sflag:s26] =	ssyncadd.s32 $0xFFFFE000  }
0x104: {  	[tilespmem:s25], [sflag:$0xD] =	stream.linear.gather [spmem:s21], $0x2000, $0x38;
	[tilespmem:$0x1AF00] =	vst v63  }
0x105: {  	_ =	swait.ge [sflag:s26], $0x2000  }
0x106: {  	[sflag:s26] =	ssyncset.done $0x0  }
0x107: {  	s22 =	rddreg [dreg:$0xe];
	[sflag:s26] =	ssyncadd.s32 $0xFFFFE000  }
0x108: {  	[hbm4b:s22+s2] =	stream.linear.scatter [tilespmem:s25], [sflag:$0xD], $0x2000, $0x38;
	[tilespmem:$0x1AF00] =	vst v63  }
0x109: {  	_ =	swait.ge [sflag:s26], $0x2000  }
0x10a: {  	[sflag:s26] =	ssyncset.done $0x0  }
0x10b: {  	s28 =	rddreg [dreg:$0x14];
	[sflag:s26] =	ssyncadd.s32 $0xFFFFE000  }
0x10c: {  	[tilespmem:s25], [sflag:$0xD] =	stream.linear.gather [spmem:s28], $0x2000, $0x38;
	[tilespmem:$0x1AF00] =	vst v63  }
0x10d: {  	_ =	swait.ge [sflag:s26], $0x2000  }
0x10e: {  	[sflag:s26] =	ssyncset.done $0x0  }
0x10f: {  	s21 =	rddreg [dreg:$0xf];
	[sflag:s26] =	ssyncadd.s32 $0xFFFFE000  }
0x110: {  	[hbm4b:s21+s2] =	stream.linear.scatter [tilespmem:s25], [sflag:$0xD], $0x2000, $0x38;
	[tilespmem:$0x1AF00] =	vst v63  }
0x111: {  	_ =	swait.ge [sflag:s26], $0x2000  }
0x112: {  	[sflag:s26] =	ssyncset.done $0x0  }
0x113: {  	[sflag:s26] =	ssyncadd.s32 $0xFFFFE000  }
0x114: {  	[tilespmem:s25], [sflag:$0xD] =	stream.linear.gather [spmem:s24], $0x2000, $0x38;
	[tilespmem:$0x1AF00] =	vst v63  }
0x115: {  	_ =	swait.ge [sflag:s26], $0x2000  }
0x116: {  	[sflag:s26] =	ssyncset.done $0x0  }
0x117: {  	s22 =	rddreg [dreg:$0x10];
	[sflag:s26] =	ssyncadd.s32 $0xFFFFE000  }
0x118: {  	[hbm4b:s22+s2] =	stream.linear.scatter [tilespmem:s25], [sflag:$0xD], $0x2000, $0x38;
	[tilespmem:$0x1AF00] =	vst v63  }
0x119: {  	_ =	swait.ge [sflag:s26], $0x2000  }
0x11a: {  	s19 =	sadd.s32 $0x1, s19;
	s28 =	rddreg [dreg:$0x8]  }
0x11b: {  	p1 =	sne.s32 s19, s28  }
.Ltmp2:
0x11c: {  	_ = 	snop;
	(pc) =	sbr.rel @p1 .LBB2_1-.Ltmp2, $3  }
0x11d: {  	_ =	sdelay $0x1  }
0x11e: {  	[sflag:s26] =	ssyncset.done $0x0  }
0x11f: {  	[sflag:s26] =	ssyncadd.s32 $0xFFFFE000  }
0x120: {  	_ =	sfence.sel $0x180000  }
0x121: {  	[bflag:$0x0] =	sbarrier.arrive $0xFFFF  }
0x122: {  	_ =	strace $0x9000004A  }
0x123: {  	s0 =	stileid.u32;
	[bflag:$0x2] =	sbarrier.arrive $0xFFFF  }
0x124: {  	p0 =	sne.s32 s0, $0x0;
	s0 =	rddreg [dreg:$0x2]  }
0x125: {  	s0 =	sadd.s32 @!p0 $0x100000, s0  }
0x126: {  	[sflag:s0] =	ssyncadd.tile.s32 @!p0 $0x1;
	_ =	shalt  }
.Lfunc_end2:
_tile_overlayer_lowered:
.L_overlay_start_2:
0x127: {  	(tag) =	ssettag $0x2  }
0x128: {  	s0 =	rddreg [dreg:$0x0];
	s2 =	stileid.u32  }
0x129: {  	s1 =	rddreg [dreg:$0x1];
	p0 =	sne.s32 s2, $0x0  }
0x12a: {  	s3 =	rddreg [dreg:$0x2];
	[bflag:$0x3] =	sbarrier.arrive $0xFFFF;
	s2 =	simm.s32 @!p0 $0x1C0D  }
0x12b: {  	[timem:s3], [sflag:s2] =	dma.local @!p0 [hbm:s0], s1  }
0x12c: {  	s0 =	simm.s32 @!p0 $0xD  }
0x12d: {  	_ =	swait.ge @!p0 [sflag:s0], s1  }
0x12e: {  	s1 =	ssub.s32 @!p0 $0x0, s1;
	[sflag:s0] =	ssyncset.done @!p0 $0x0  }
0x12f: {  	[sflag:s0] =	ssyncadd.s32 @!p0 s1  }
0x130: {  	[bflag:$0x3] =	sbarrier.arrive $0xFFFF  }
0x131: {  	_ =	shalt  }

// kernel: kernel.16.cloned.1.call-start
scs
__scs_entry_jumppad:
0x0: {  	(pc) =	sbr.rel $0x88, $3  }
0x1: {  	(tag) =	ssettag $0x0;
	lr =	simm.s32 $0x1  }
0x2: {  	[smem:$0x3F96] =	sst lr;
	_ =	strace $0xD0000000  }
0x3: {  	_ = 	snop  }
0x4: {  	_ = 	snop  }
0x5: {  	_ = 	snop  }
0x6: {  	_ = 	snop  }
0x7: {  	_ = 	snop  }
__scs_overlays_trampoline_lowered:
0x8: {  	[smem:$0x3FA5] =	sst s0  }
0x9: {  	[smem:$0x3FA6] =	sst s1  }
0xa: {  	[smem:$0x3FA7] =	sst s2  }
0xb: {  	[smem:$0x3FA8] =	sst s3  }
0xc: {  	[smem:$0x3FA9] =	sst s4  }
0xd: {  	[smem:$0x3FAA] =	sst s5  }
0xe: {  	[smem:$0x3FAB] =	sst s6  }
0xf: {  	[smem:$0x3FAC] =	sst s7  }
0x10: {  	[smem:$0x3FAD] =	sst s8  }
0x11: {  	[smem:$0x3FAE] =	sst s9;
	s0 =	simm.s32 @!p0 $0x0  }
0x12: {  	s1 =	sld [smem:$0x3F94];
	s0 =	simm.s32 @p0 $0x1  }
0x13: {  	[smem:$0x3FAF] =	sst s0;
	s0 =	simm.s32 @!p1 $0x0  }
0x14: {  	s2 =	sld [smem:$0x3F93];
	s0 =	simm.s32 @p1 $0x1  }
0x15: {  	[smem:$0x3FB0] =	sst s0;
	s0 =	simm.s32 @!p2 $0x0  }
0x16: {  	s3 =	sld [smem:$0x3FDB];
	s0 =	simm.s32 @p2 $0x1  }
0x17: {  	s4 =	simm.s32 $0x1BF5;
	[smem:$0x3FB2] =	sst s0  }
0x18: {  	s0 =	sld [smem:$0x3F95];
	_ =	swait.ge [sflag:s4], $0x0  }
0x19: {  	s7 =	sld [smem:$0x3F96]  }
0x1a: {  	s8 =	sadd.s32 $0xFFFFE003, lr  }
0x1b: {  	s9 =	sadd.s32 $0xFFFFFEF7, lr;
	s5 =	simm.s32 $0xFFFFFFFF;
	p2 =	slt.u32 s8, $0xFFFFF086  }
0x1c: {  	p1 =	slt.u32 s9, $0xF7A;
	s5 =	simm.s32 @!p2 $0x0  }
0x1d: {  	s5 =	simm.s32 @p1 $0x1;
	p0 =	seq.s32 s7, s2  }
0x1e: {  	s7 =	smul.u32 @!p0 $0xF7A, s2;
	p2 =	seq.s32 @!p0 s5, $0x0  }
0x1f: {  	s9 =	smul.u32 $0xF7A, s1;
	s8 =	simm.s32 @!p0 $0x1BF5;
	p2 =	por !p2, p0  }
0x20: {  	[sflag:s8] =	ssyncset.s32 @!p0 $0xFFFFF086;
	s6 =	sadd.s32 @!p0 s3, s7;
	s7 =	simm.s32 @!p0 $0x108  }
0x21: {  	s3 =	sadd.s32 s3, s9;
	s6 =	sadd.s32 @!p0 $0x88, s6;
	s7 =	simm.s32 @p2 $0x1082  }
0x22: {  	[simem:s7], [sflag:s8] =	dma.local @!p0 [hbm:s6], $0xF7A  }
0x23: {  	s9 =	sor.u32 $0xD0000000, s2;
	s6 =	simm.s32 $0x108;
	_ =	swait.ge @!p0 [sflag:s8], $0x0  }
0x24: {  	s3 =	sadd.s32 $0x88, s3;
	s6 =	simm.s32 @!p1 $0x1082;
	[sflag:s4] =	ssyncset.s32 $0xFFFFF086  }
0x25: {  	[simem:s6], [sflag:s4] =	dma.local [hbm:s3], $0xF7A  }
0x26: {  	[smem:$0x3F96] =	sst s1;
	(tag) =	ssettag s2;
	_ =	strace s9  }
0x27: {  	s1 =	sld [smem:$0x3FA6]  }
0x28: {  	s2 =	sld [smem:$0x3FA7]  }
0x29: {  	s4 =	sld [smem:$0x3FA9]  }
0x2a: {  	p0 =	seq.s32 s5, $0x0;
	s5 =	sld [smem:$0x3FAA]  }
0x2b: {  	s6 =	sld [smem:$0x3FAB]  }
0x2c: {  	s7 =	sld [smem:$0x3FAC]  }
0x2d: {  	s3 =	simm.s32 $0x108;
	s8 =	sld [smem:$0x3FAD]  }
0x2e: {  	s3 =	simm.s32 @!p0 $0x1082;
	s9 =	sld [smem:$0x3FAE]  }
0x2f: {  	lr =	sadd.s32 s0, s3;
	s0 =	sld [smem:$0x3FA5]  }
0x30: {  	s3 =	sld [smem:$0x3FA8]  }
0x31: {  	[smem:$0x3FB1] =	sst s10  }
0x32: {  	s10 =	sld [smem:$0x3FAF];
	_ =	sdelay $0x3  }
0x33: {  	p0 =	seq.s32 s10, $0x1;
	s10 =	sld [smem:$0x3FB1];
	_ =	sdelay $0x3  }
0x34: {  	[smem:$0x3FB1] =	sst s10  }
0x35: {  	s10 =	sld [smem:$0x3FB0];
	_ =	sdelay $0x3  }
0x36: {  	p1 =	seq.s32 s10, $0x1;
	s10 =	sld [smem:$0x3FB1];
	_ =	sdelay $0x3  }
0x37: {  	[smem:$0x3FB1] =	sst s10  }
0x38: {  	s10 =	sld [smem:$0x3FB2]  }
0x39: {  	_ = 	snop;
	(pc) =	sbr.ind lr, $3  }
0x3a: {  	_ = 	snop  }
0x3b: {  	_ = 	snop  }
0x3c: {  	p2 =	seq.s32 s10, $0x1;
	s10 =	sld [smem:$0x3FB1]  }
0x3d: {  	_ =	shalt  }
0x3e: {  	_ =	shalt  }
0x3f: {  	_ =	shalt  }
0x40: {  	_ =	shalt  }
0x41: {  	_ =	shalt  }
0x42: {  	_ =	shalt  }
0x43: {  	_ =	shalt  }
0x44: {  	_ =	shalt  }
0x45: {  	_ =	shalt  }
0x46: {  	_ =	shalt  }
0x47: {  	_ =	shalt  }
0x48: {  	_ =	shalt  }
0x49: {  	_ =	shalt  }
0x4a: {  	_ =	shalt  }
0x4b: {  	_ =	shalt  }
0x4c: {  	_ =	shalt  }
0x4d: {  	_ =	shalt  }
0x4e: {  	_ =	shalt  }
0x4f: {  	_ =	shalt  }
0x50: {  	_ =	shalt  }
0x51: {  	_ =	shalt  }
0x52: {  	_ =	shalt  }
0x53: {  	_ =	shalt  }
0x54: {  	_ =	shalt  }
0x55: {  	_ =	shalt  }
0x56: {  	_ =	shalt  }
0x57: {  	_ =	shalt  }
0x58: {  	_ =	shalt  }
0x59: {  	_ =	shalt  }
0x5a: {  	_ =	shalt  }
0x5b: {  	_ =	shalt  }
0x5c: {  	_ =	shalt  }
0x5d: {  	_ =	shalt  }
0x5e: {  	_ =	shalt  }
0x5f: {  	_ =	shalt  }
0x60: {  	_ =	shalt  }
0x61: {  	_ =	shalt  }
0x62: {  	_ =	shalt  }
0x63: {  	_ =	shalt  }
0x64: {  	_ =	shalt  }
0x65: {  	_ =	shalt  }
0x66: {  	_ =	shalt  }
0x67: {  	_ =	shalt  }
0x68: {  	_ =	shalt  }
0x69: {  	_ =	shalt  }
0x6a: {  	_ =	shalt  }
0x6b: {  	_ =	shalt  }
0x6c: {  	_ =	shalt  }
0x6d: {  	_ =	shalt  }
0x6e: {  	_ =	shalt  }
0x6f: {  	_ =	shalt  }
0x70: {  	_ =	shalt  }
0x71: {  	_ =	shalt  }
0x72: {  	_ =	shalt  }
0x73: {  	_ =	shalt  }
0x74: {  	_ =	shalt  }
0x75: {  	_ =	shalt  }
0x76: {  	_ =	shalt  }
0x77: {  	_ =	shalt  }
0x78: {  	_ =	shalt  }
0x79: {  	_ =	shalt  }
0x7a: {  	_ =	shalt  }
0x7b: {  	_ =	shalt  }
0x7c: {  	_ =	shalt  }
0x7d: {  	_ =	shalt  }
0x7e: {  	_ =	shalt  }
0x7f: {  	_ =	shalt  }
0x80: {  	_ =	shalt  }
0x81: {  	_ =	shalt  }
0x82: {  	_ =	shalt  }
0x83: {  	_ =	shalt  }
0x84: {  	_ =	shalt  }
0x85: {  	_ =	shalt  }
0x86: {  	_ =	shalt  }
0x87: {  	_ =	shalt  }
.Lfunc_end0:
.L_simem_size_0:
called_computation.2_lowered:
.L_overlay_start_0:
0x88: {  	s2 =	sld [smem:$0x3FD9]  }
0x89: {  	s3 =	sld [smem:$0x3FFE];
	_ =	sdelay $0x1  }
0x8a: {  	s1 =	srdreg.scid  }
0x8b: {  	s0 =	sand.u32 $0x1, s1  }
0x8c: {  	s16 =	sshll.u32 s0, $0xA;
	s2 =	sadd.s32 s3, s2  }
0x8d: {  	s2 =	sadd.s32 s2, s16  }
0x8e: {  	[smem:$0x3FBD] =	sst s2  }
0x8f: {  	_ = 	snop  }
0x90: {  	(tm) =	ssettm $0x1  }
0x91: {  	s17 =	sld [smem:$0x3FFB];
	_ =	sdelay $0x3  }
0x92: {  	_ =	strace s17  }
0x93: {  	s2 =	sld [smem:$0x3FFC];
	_ =	sdelay $0x3  }
0x94: {  	_ =	strace s2  }
0x95: {  	s2 =	sld [smem:$0x3FFD];
	_ =	sdelay $0x3  }
0x96: {  	_ =	strace s2  }
0x97: {  	_ =	strace $0x8FFFFFFF  }
0x98: {  	s18 =	sld [smem:$0x3FDB];
	_ =	sdelay $0x1  }
0x99: {  	s19 =	simm.s32 $_scs_section_size  }
0x9a: {  	s4 =	simm.s32 $_size__tile_overlayer_lowered;
	s5 =	simm.s32 $_tile_overlayer_lowered  }
0x9b: {  	s22 =	simm.s32 $0x1BFF;
	s21 =	sshll.u32 s5, $0x1;
	s2 =	sadd.s32 s19, s18  }
0x9c: {  	s6 =	simm.s32 $0x0;
	s20 =	sshll.u32 s4, $0x1;
	s4 =	sadd.s32 s21, s2  }
0x9d: {  	[timem:s6], [sflag:s22] =	dma.local [hbm:s4], s20  }
0x9e: {  	_ =	swait.ge [sflag:s22], s20  }
0x9f: {  	s3 =	ssub.s32 $0x0, s20;
	[sflag:s22] =	ssyncset.done $0x0  }
0xa0: {  	[sflag:s22] =	ssyncadd.s32 s3;
	_ =	sdelay $0x1  }
0xa1: {  	s23 =	simm.s32 $0x1B8B  }
0xa2: {  	_ =	swait.ge [sflag:s23], $0x1  }
0xa3: {  	[sflag:s23] =	ssyncset.done $0x0  }
0xa4: {  	s25 =	simm.s32 $0x1B8E;
	s24 =	sld [smem:$0x3FFE];
	[sflag:s23] =	ssyncadd.s32 $0xFFFFFFFF  }
0xa5: {  	s26 =	simm.s32 $execute0_lowered;
	[smem:$0x3FD2] =	sst s25  }
0xa6: {  	s4 =	sshll.u32 s26, $0x1;
	_ =	strace $0x8000004C;
	[dreg:$0x1] =	wrdreg $0xFFFFFFFF  }
0xa7: {  	s28 =	simm.s32 $_size_execute0_lowered;
	s2 =	sadd.s32 s2, s4;
	[dreg:$0x0] =	wrdreg $0x0  }
0xa8: {  	s4 =	sshll.u32 s28, $0x1;
	[dreg:$0x2] =	wrdreg s2  }
0xa9: {  	[dreg:$0x3] =	wrdreg s4  }
0xaa: {  	[dreg:$0x4] =	wrdreg $0xC0  }
0xab: {  	_ =	task [dreg:s6], $0x5FFFF  }
0xac: {  	[dreg:$0x1] =	wrdreg $0xFFFFFFFF  }
0xad: {  	[dreg:$0x0] =	wrdreg $0x60  }
0xae: {  	[dreg:$0x2] =	wrdreg s24  }
0xaf: {  	[dreg:$0x3] =	wrdreg $0x10F000  }
0xb0: {  	[dreg:$0x4] =	wrdreg $0x9  }
0xb1: {  	_ =	task.clear_ibuf [dreg:s6], $0x5FFFF;
	_ =	strace $0x9000004C  }
0xb2: {  	s29 =	simm.s32 $0x9;
	_ =	strace $0x8000004E  }
0xb3: {  	_ =	swait.ge [sflag:s29], $0x1  }
0xb4: {  	[sflag:s29] =	ssyncadd.s32 $0xFFFFFFFF  }
0xb5: {  	_ =	strace $0x9000004E  }
0xb6: {  	_ =	sfence  }
0xb7: {  	s30 =	sld [smem:$0x0];
	_ =	sdelay $0x2  }
0xb8: {  	s31 =	sshll.u32 s1, $0xD;
	s1 =	sshrl.u32 s1, $0x2  }
0xb9: {  	s3 =	sand.u32 $0x4000, s31;
	s1 =	sadd.s32 s1, s30  }
0xba: {  	s0 =	sor.u32 s3, s0;
	s1 =	sshll.u32 s1, $0x11  }
0xbb: {  	s0 =	sor.u32 s1, s0  }
0xbc: {  	s0 =	sadd.s32 $0x8F2B, s0  }
0xbd: {  	[sflag:s0] =	ssyncadd.remote.s32 $0x1  }
0xbe: {  	_ =	sfence.sel $0xFFFF  }
0xbf: {  	[dreg:$0x0] =	wrdreg $0xFFFFFFFF;
	(pc) =	sbr.abs _section_cstart, $3  }
0xc0: {  	[dreg:$0x1] =	wrdreg $0xFFFFFFFF  }
0xc1: {  	_ =	task.clear_ibuf [dreg:s6], $0x2FFFF;
	_ =	strace $0x9FFFFFFF  }
0xc2: {  	(tm) =	ssettm $0x7FFFFFFF  }
0xc3: {  	_ =	shalt  }
tec
execute0_lowered:
.L_overlay_start_1:
0x0: {  	(tag) =	ssettag $0x1  }
0x1: {  	s0 =	rddreg [dreg:$0x0]  }
0x2: {  	s1 =	rddreg [dreg:$0x1];
	s2 =	simm.s32 $0x0  }
0x3: {  	s3 =	srdreg.scid;
	s12 =	stileid.u32;
	s29 =	simm.s32 $0x80  }
0x4: {  	s30 =	simm.s32 $0x6F00;
	s31 =	simm.s32 $0xAF00;
	[smem:$0x7FF] =	sst s2  }
0x5: {  	s4 =	sadd.s32 $0x21C00, s0;
	s6 =	sadd.s32 $0x17E00, s0;
	s3 =	sand.u32 $0x1, s3  }
0x6: {  	s7 =	sadd.s32 $0xE000, s0;
	s10 =	smul.u32 $0x28000, s12;
	s0 =	sadd.s32 $0x35C00, s0  }
0x7: {  	s11 =	sshll.u32 s12, $0x4;
	_ =	strace $0x8000004D;
	s5 =	ssub.s32 $0x2, s3  }
0x8: {  	s9 =	sshll.u32 s3, $0x4;
	s11 =	sor.u32 $0x9C00, s11;
	s3 =	smul.u32 $0xA0000, s3  }
0x9: {  	s8 =	sshrl.u32 s5, $0x1;
	s9 =	sor.u32 s12, s9;
	s25 =	sshrl.u32 s10, $0x2  }
0xa: {  	s12 =	smul.u32 $0xA000, s12;
	s28 =	sadd.s32 s7, s11;
	s8 =	ssub.s32 s5, s8  }
0xb: {  	s26 =	smul.u32 $0x4E0, s9;
	s5 =	sadd.s32 s25, s1;
	[dreg:$0x6] =	wrdreg s28  }
0xc: {  	p0 =	sgt.u32 s9, $0x3;
	s9 =	simm.s32 $0x3;
	s8 =	smax.u32 s8, $0x1  }
0xd: {  	s14 =	sadd.s32 s3, s12;
	s16 =	sadd.s32 $0x6000, s5;
	s18 =	sadd.s32 $0x4000, s12  }
0xe: {  	s20 =	sadd.s32 $0x6000, s12;
	s21 =	sadd.s32 $0x8000, s12;
	s24 =	sadd.s32 $0x8000, s5  }
0xf: {  	s13 =	sadd.s32 s6, s26;
	s10 =	sadd.s32 s7, s26;
	[dreg:$0x8] =	wrdreg s8  }
0x10: {  	s6 =	sadd.s32 s6, s11;
	s7 =	sadd.s32 s12, s1;
	[dreg:$0xb] =	wrdreg s16  }
0x11: {  	s11 =	sadd.s32 $0x2000, s12;
	s19 =	sadd.s32 s3, s18;
	[dreg:$0x11] =	wrdreg s24  }
0x12: {  	s22 =	sadd.s32 s3, s20;
	s26 =	sadd.s32 s18, s1;
	[dreg:$0x3] =	wrdreg s13  }
0x13: {  	s28 =	sadd.s32 s20, s1;
	s24 =	sadd.s32 s21, s1;
	[dreg:$0x4] =	wrdreg s10  }
0x14: {  	s12 =	simm.s32 $0x6;
	s16 =	simm.s32 $0xA;
	[dreg:$0x5] =	wrdreg s6  }
0x15: {  	s18 =	simm.s32 $0xC;
	[dreg:$0x7] =	wrdreg s7;
	s10 =	sadd.s32 $0x2000, s5  }
0x16: {  	s13 =	sadd.s32 $0x4000, s5;
	s15 =	sadd.s32 s3, s11;
	s7 =	sshrl.u32 s14, $0x3  }
0x17: {  	s3 =	sadd.s32 s3, s21;
	s23 =	sshrl.u32 s22, $0x3;
	[dreg:$0x13] =	wrdreg s26  }
0x18: {  	s25 =	sadd.s32 s11, s1;
	[dreg:$0x14] =	wrdreg s28;
	s26 =	simm.s32 $0xD  }
0x19: {  	s6 =	simm.s32 $0xEF00;
	s11 =	simm.s32 $0x5;
	[dreg:$0x9] =	wrdreg s10  }
0x1a: {  	s14 =	simm.s32 $0x8;
	[dreg:$0xa] =	wrdreg s13;
	s8 =	sshrl.u32 s15, $0x3  }
0x1b: {  	s7 =	sadd.s32 s0, s7;
	s3 =	sshrl.u32 s3, $0x3;
	[dreg:$0x12] =	wrdreg s25  }
0x1c: {  	s25 =	simm.s32 $0x4F00;
	s10 =	simm.s32 $0x4;
	s13 =	simm.s32 $0x7  }
0x1d: {  	s15 =	simm.s32 $0x9;
	[dreg:$0xc] =	wrdreg s7;
	s17 =	sadd.s32 s0, s8  }
0x1e: {  	s8 =	sshrl.u32 s19, $0x3;
	s7 =	simm.s32 $0x1;
	s19 =	simm.s32 $0x0  }
0x1f: {  	[dreg:$0xd] =	wrdreg s17;
	s8 =	sadd.s32 s0, s8;
	s17 =	simm.s32 $0xB  }
0x20: {  	[dreg:$0xe] =	wrdreg s8;
	s8 =	sadd.s32 s0, s23;
	s0 =	sadd.s32 s0, s3  }
0x21: {  	s3 =	simm.s32 $0xCF00;
	s23 =	simm.s32 $0x2780;
	[dreg:$0xf] =	wrdreg s8  }
0x22: {  	v0 =	vimm.f32 $0.0e+00;
	[dreg:$0x10] =	wrdreg s0;
	s0 =	simm.s32 $0x8F00;
	s8 =	simm.s32 $0x2  }
.LBB2_1:
0x23: {  	s21 =	simm.s32 $0x100;
	s20 =	simm.s32 $0x0  }
.LBB2_2:
0x24: {  	p1 =	sne.s32 s21, $0x7F00;
	[tilespmem:s20+$0x4F30] =	vst v0;
	s28 =	smov.u32 s21;
	s21 =	sadd.s32 $0x100, s21  }
.Ltmp0:
0x25: {  	[tilespmem:s20+$0x4F20] =	vst v0;
	(pc) =	sbr.rel @p1 .LBB2_2-.Ltmp0, $3  }
0x26: {  	[tilespmem:s20+$0x4F00] =	vst v0  }
0x27: {  	[tilespmem:s20+$0x4F10] =	vst v0;
	_ =	sdelay $0x1  }
0x28: {  	s20 =	sshra.s32 s28, $0x2  }
0x29: {  	[tilespmem:s20+$0x4F30] =	vst v0  }
0x2a: {  	[tilespmem:s20+$0x4F20] =	vst v0  }
0x2b: {  	[tilespmem:s20+$0x4F00] =	vst v0  }
0x2c: {  	[tilespmem:s20+$0x4F10] =	vst v0  }
0x2d: {  	[spmem:s5] =	stream.linear.scatter [tilespmem:s25], [sflag:$0xD], $0x2000, $0x38;
	[tilespmem:$0x1AF00] =	vst v63  }
0x2e: {  	_ =	swait.ge [sflag:s26], $0x2000  }
0x2f: {  	[sflag:s26] =	ssyncset.done $0x0  }
0x30: {  	s21 =	rddreg [dreg:$0x9];
	[sflag:s26] =	ssyncadd.s32 $0xFFFFE000  }
0x31: {  	[spmem:s21] =	stream.linear.scatter [tilespmem:s25], [sflag:$0xD], $0x2000, $0x38;
	[tilespmem:$0x1AF00] =	vst v63  }
0x32: {  	_ =	swait.ge [sflag:s26], $0x2000  }
0x33: {  	[sflag:s26] =	ssyncset.done $0x0  }
0x34: {  	s22 =	rddreg [dreg:$0xa];
	[sflag:s26] =	ssyncadd.s32 $0xFFFFE000  }
0x35: {  	[spmem:s22] =	stream.linear.scatter [tilespmem:s25], [sflag:$0xD], $0x2000, $0x38;
	[tilespmem:$0x1AF00] =	vst v63  }
0x36: {  	_ =	swait.ge [sflag:s26], $0x2000  }
0x37: {  	[sflag:s26] =	ssyncset.done $0x0  }
0x38: {  	s28 =	rddreg [dreg:$0xb];
	[sflag:s26] =	ssyncadd.s32 $0xFFFFE000  }
0x39: {  	[spmem:s28] =	stream.linear.scatter [tilespmem:s25], [sflag:$0xD], $0x2000, $0x38;
	[tilespmem:$0x1AF00] =	vst v63  }
0x3a: {  	_ =	swait.ge [sflag:s26], $0x2000  }
0x3b: {  	[sflag:s26] =	ssyncset.done $0x0  }
0x3c: {  	s21 =	rddreg [dreg:$0x11];
	[sflag:s26] =	ssyncadd.s32 $0xFFFFE000  }
0x3d: {  	[spmem:s21] =	stream.linear.scatter [tilespmem:s25], [sflag:$0xD], $0x2000, $0x38;
	[tilespmem:$0x1AF00] =	vst v63  }
0x3e: {  	_ =	swait.ge [sflag:s26], $0x2000  }
0x3f: {  	[sflag:s26] =	ssyncset.done $0x0  }
0x40: {  	s22 =	rddreg [dreg:$0x3];
	[sflag:s26] =	ssyncadd.s32 $0xFFFFE000  }
0x41: {  	[tilespmem:s2], [sflag:$0xD] =	stream.linear.gather [hbm4b:s22+s2], $0x2700, $0x38;
	[tilespmem:$0x1AF00] =	vst v63  }
0x42: {  	_ =	swait.ge [sflag:s26], $0x2700  }
0x43: {  	[sflag:s26] =	ssyncset.done $0x0  }
0x44: {  	s28 =	rddreg [dreg:$0x4];
	[sflag:s26] =	ssyncadd.s32 $0xFFFFD900  }
0x45: {  	[tilespmem:s23], [sflag:$0xD] =	stream.linear.gather [hbm4b:s28+s2], $0x2700, $0x38;
	[tilespmem:$0x1AF00] =	vst v63  }
0x46: {  	_ =	swait.ge [sflag:s26], $0x2700  }
0x47: {  	s20 =	simm.s32 @!p0 $0x0;
	[sflag:s26] =	ssyncset.done $0x0  }
0x48: {  	s21 =	simm.s32 @!p0 $0x2700;
	s22 =	rddreg [dreg:$0x5];
	[sflag:s26] =	ssyncadd.s32 $0xFFFFD900  }
0x49: {  	[tilespmem:s21], [sflag:$0xD] =	stream.linear.gather @!p0 [hbm4b:s22+s20], $0x80, $0x38;
	[tilespmem:$0x1AF00] =	vst v63  }
0x4a: {  	s21 =	simm.s32 @!p0 $0xD  }
0x4b: {  	_ =	swait.ge @!p0 [sflag:s21], $0x80  }
0x4c: {  	[sflag:s21] =	ssyncset.done @!p0 $0x0  }
0x4d: {  	s28 =	simm.s32 @!p0 $0x4E80;
	s22 =	rddreg [dreg:$0x6];
	[sflag:s21] =	ssyncadd.s32 @!p0 $0xFFFFFF80  }
0x4e: {  	[tilespmem:s28], [sflag:$0xD] =	stream.linear.gather @!p0 [hbm4b:s22+s20], $0x80, $0x38;
	[tilespmem:$0x1AF00] =	vst v63  }
0x4f: {  	_ =	swait.ge @!p0 [sflag:s21], $0x80  }
0x50: {  	[sflag:s21] =	ssyncset.done @!p0 $0x0  }
0x51: {  	[sflag:s21] =	ssyncadd.s32 @!p0 $0xFFFFFF80  }
0x52: {  	s21 =	simm.s32 $0x0;
	[bflag:$0x0] =	sbarrier.arrive $0xFFFF  }
0x53: {  	[tilespmem:s25], [sflag:$0x1] =	stream.indirect.gather [hbm4b:s4+s29], $0x40, s21, s29, $0xb8;
	[tilespmem:$0x1AF00] =	vst v63  }
0x54: {  	_ = 	snop  }
0x55: {  	[tilespmem:s30], [sflag:$0x2] =	stream.indirect.gather [hbm4b:s4+s29], $0x40, s29, s29, $0xb8;
	[tilespmem:$0x1AF00] =	vst v63  }
0x56: {  	s22 =	simm.s32 $0x100  }
0x57: {  	[tilespmem:s0], [sflag:$0x3] =	stream.indirect.gather [hbm4b:s4+s29], $0x40, s22, s29, $0xb8;
	[tilespmem:$0x1AF00] =	vst v63  }
0x58: {  	s28 =	simm.s32 $0x180  }
0x59: {  	[tilespmem:s31], [sflag:$0x4] =	stream.indirect.gather [hbm4b:s4+s29], $0x40, s28, s29, $0xb8;
	[tilespmem:$0x1AF00] =	vst v63  }
0x5a: {  	s21 =	simm.s32 $0x200  }
0x5b: {  	[tilespmem:s3], [sflag:$0x5] =	stream.indirect.gather [hbm4b:s4+s29], $0x40, s21, s29, $0xb8;
	[tilespmem:$0x1AF00] =	vst v63  }
0x5c: {  	s22 =	simm.s32 $0x280  }
0x5d: {  	[tilespmem:s6], [sflag:$0x6] =	stream.indirect.gather [hbm4b:s4+s29], $0x40, s22, s29, $0xb8;
	[tilespmem:$0x1AF00] =	vst v63  }
0x5e: {  	_ =	swait.ge [sflag:s7], $0x2000  }
0x5f: {  	[sflag:s7] =	ssyncset.done $0x0  }
0x60: {  	[sflag:s7] =	ssyncadd.s32 $0xFFFFE000  }
0x61: {  	[spmem:s1] =	stream.indirect.scatter.add.f32 [tilespmem:s25], [sflag:$0x7], $0x40, s23, s29, $0xb8;
	[tilespmem:$0x1AF00] =	vst v63  }
0x62: {  	_ =	swait.ge [sflag:s8], $0x2000  }
0x63: {  	[sflag:s8] =	ssyncset.done $0x0  }
0x64: {  	s28 =	simm.s32 $0x2800;
	[sflag:s8] =	ssyncadd.s32 $0xFFFFE000  }
0x65: {  	[spmem:s1] =	stream.indirect.scatter.add.f32 [tilespmem:s30], [sflag:$0x8], $0x40, s28, s29, $0xb8;
	[tilespmem:$0x1AF00] =	vst v63  }
0x66: {  	_ =	swait.ge [sflag:s9], $0x2000  }
0x67: {  	[sflag:s9] =	ssyncset.done $0x0  }
0x68: {  	s21 =	simm.s32 $0x2880;
	[sflag:s9] =	ssyncadd.s32 $0xFFFFE000  }
0x69: {  	[spmem:s1] =	stream.indirect.scatter.add.f32 [tilespmem:s0], [sflag:$0x9], $0x40, s21, s29, $0xb8;
	[tilespmem:$0x1AF00] =	vst v63  }
0x6a: {  	_ =	swait.ge [sflag:s10], $0x2000  }
0x6b: {  	[sflag:s10] =	ssyncset.done $0x0  }
0x6c: {  	s22 =	simm.s32 $0x2900;
	[sflag:s10] =	ssyncadd.s32 $0xFFFFE000  }
0x6d: {  	[spmem:s1] =	stream.indirect.scatter.add.f32 [tilespmem:s31], [sflag:$0xA], $0x40, s22, s29, $0xb8;
	[tilespmem:$0x1AF00] =	vst v63  }
0x6e: {  	_ =	swait.ge [sflag:s11], $0x2000  }
0x6f: {  	[sflag:s11] =	ssyncset.done $0x0  }
0x70: {  	s28 =	simm.s32 $0x2980;
	[sflag:s11] =	ssyncadd.s32 $0xFFFFE000  }
0x71: {  	[spmem:s1] =	stream.indirect.scatter.add.f32 [tilespmem:s3], [sflag:$0xB], $0x40, s28, s29, $0xb8;
	[tilespmem:$0x1AF00] =	vst v63  }
0x72: {  	_ =	swait.ge [sflag:s12], $0x2000  }
0x73: {  	[sflag:s12] =	ssyncset.done $0x0  }
0x74: {  	s21 =	simm.s32 $0x2A00;
	[sflag:s12] =	ssyncadd.s32 $0xFFFFE000  }
0x75: {  	[spmem:s1] =	stream.indirect.scatter.add.f32 [tilespmem:s6], [sflag:$0xC], $0x40, s21, s29, $0xb8;
	[tilespmem:$0x1AF00] =	vst v63  }
0x76: {  	_ =	swait.ge [sflag:s13], $0x2000  }
0x77: {  	[sflag:s13] =	ssyncset.done $0x0  }
0x78: {  	s22 =	simm.s32 $0x300;
	[sflag:s13] =	ssyncadd.s32 $0xFFFFE000  }
0x79: {  	[tilespmem:s25], [sflag:$0x1] =	stream.indirect.gather [hbm4b:s4+s29], $0x40, s22, s29, $0xb8;
	[tilespmem:$0x1AF00] =	vst v63  }
0x7a: {  	_ =	swait.ge [sflag:s14], $0x2000  }
0x7b: {  	[sflag:s14] =	ssyncset.done $0x0  }
0x7c: {  	s28 =	simm.s32 $0x380;
	[sflag:s14] =	ssyncadd.s32 $0xFFFFE000  }
0x7d: {  	[tilespmem:s30], [sflag:$0x2] =	stream.indirect.gather [hbm4b:s4+s29], $0x40, s28, s29, $0xb8;
	[tilespmem:$0x1AF00] =	vst v63  }
0x7e: {  	_ =	swait.ge [sflag:s15], $0x2000  }
0x7f: {  	[sflag:s15] =	ssyncset.done $0x0  }
0x80: {  	s21 =	simm.s32 $0x400;
	[sflag:s15] =	ssyncadd.s32 $0xFFFFE000  }
0x81: {  	[tilespmem:s0], [sflag:$0x3] =	stream.indirect.gather [hbm4b:s4+s29], $0x40, s21, s29, $0xb8;
	[tilespmem:$0x1AF00] =	vst v63  }
0x82: {  	_ =	swait.ge [sflag:s16], $0x2000  }
0x83: {  	[sflag:s16] =	ssyncset.done $0x0  }
0x84: {  	s22 =	simm.s32 $0x480;
	[sflag:s16] =	ssyncadd.s32 $0xFFFFE000  }
0x85: {  	[tilespmem:s31], [sflag:$0x4] =	stream.indirect.gather [hbm4b:s4+s29], $0x40, s22, s29, $0xb8;
	[tilespmem:$0x1AF00] =	vst v63  }
0x86: {  	_ =	swait.ge [sflag:s17], $0x2000  }
0x87: {  	[sflag:s17] =	ssyncset.done $0x0  }
0x88: {  	s28 =	simm.s32 $0x500;
	[sflag:s17] =	ssyncadd.s32 $0xFFFFE000  }
0x89: {  	[tilespmem:s3], [sflag:$0x5] =	stream.indirect.gather [hbm4b:s4+s29], $0x40, s28, s29, $0xb8;
	[tilespmem:$0x1AF00] =	vst v63  }
0x8a: {  	_ =	swait.ge [sflag:s18], $0x2000  }
0x8b: {  	[sflag:s18] =	ssyncset.done $0x0  }
0x8c: {  	s21 =	simm.s32 $0x580;
	[sflag:s18] =	ssyncadd.s32 $0xFFFFE000  }
0x8d: {  	[tilespmem:s6], [sflag:$0x6] =	stream.indirect.gather [hbm4b:s4+s29], $0x40, s21, s29, $0xb8;
	[tilespmem:$0x1AF00] =	vst v63  }
0x8e: {  	_ =	swait.ge [sflag:s7], $0x2000  }
0x8f: {  	[sflag:s7] =	ssyncset.done $0x0  }
0x90: {  	s22 =	simm.s32 $0x2A80;
	[sflag:s7] =	ssyncadd.s32 $0xFFFFE000  }
0x91: {  	[spmem:s1] =	stream.indirect.scatter.add.f32 [tilespmem:s25], [sflag:$0x7], $0x40, s22, s29, $0xb8;
	[tilespmem:$0x1AF00] =	vst v63  }
0x92: {  	_ =	swait.ge [sflag:s8], $0x2000  }
0x93: {  	[sflag:s8] =	ssyncset.done $0x0  }
0x94: {  	s28 =	simm.s32 $0x2B00;
	[sflag:s8] =	ssyncadd.s32 $0xFFFFE000  }
0x95: {  	[spmem:s1] =	stream.indirect.scatter.add.f32 [tilespmem:s30], [sflag:$0x8], $0x40, s28, s29, $0xb8;
	[tilespmem:$0x1AF00] =	vst v63  }
0x96: {  	_ =	swait.ge [sflag:s9], $0x2000  }
0x97: {  	[sflag:s9] =	ssyncset.done $0x0  }
0x98: {  	s21 =	simm.s32 $0x2B80;
	[sflag:s9] =	ssyncadd.s32 $0xFFFFE000  }
0x99: {  	[spmem:s1] =	stream.indirect.scatter.add.f32 [tilespmem:s0], [sflag:$0x9], $0x40, s21, s29, $0xb8;
	[tilespmem:$0x1AF00] =	vst v63  }
0x9a: {  	_ =	swait.ge [sflag:s10], $0x2000  }
0x9b: {  	[sflag:s10] =	ssyncset.done $0x0  }
0x9c: {  	s22 =	simm.s32 $0x2C00;
	[sflag:s10] =	ssyncadd.s32 $0xFFFFE000  }
0x9d: {  	[spmem:s1] =	stream.indirect.scatter.add.f32 [tilespmem:s31], [sflag:$0xA], $0x40, s22, s29, $0xb8;
	[tilespmem:$0x1AF00] =	vst v63  }
0x9e: {  	_ =	swait.ge [sflag:s11], $0x2000  }
0x9f: {  	[sflag:s11] =	ssyncset.done $0x0  }
0xa0: {  	s28 =	simm.s32 $0x2C80;
	[sflag:s11] =	ssyncadd.s32 $0xFFFFE000  }
0xa1: {  	[spmem:s1] =	stream.indirect.scatter.add.f32 [tilespmem:s3], [sflag:$0xB], $0x40, s28, s29, $0xb8;
	[tilespmem:$0x1AF00] =	vst v63  }
0xa2: {  	_ =	swait.ge [sflag:s12], $0x2000  }
0xa3: {  	[sflag:s12] =	ssyncset.done $0x0  }
0xa4: {  	s20 =	simm.s32 $0xC00;
	s21 =	simm.s32 $0x2D00;
	[sflag:s12] =	ssyncadd.s32 $0xFFFFE000  }
.LBB2_4:
0xa5: {  	[spmem:s1] =	stream.indirect.scatter.add.f32 [tilespmem:s6], [sflag:$0xC], $0x40, s21, s29, $0xb8;
	[tilespmem:$0x1AF00] =	vst v63  }
0xa6: {  	s21 =	smov.u32 s20  }
0xa7: {  	p1 =	sne.s32 s20, $0x8400;
	s20 =	sadd.s32 $0xC00, s20;
	_ =	swait.ge [sflag:s13], $0x2000  }
0xa8: {  	s21 =	sshra.s32 s21, $0x2;
	[sflag:s13] =	ssyncset.done $0x0  }
0xa9: {  	s28 =	sadd.s32 $0x300, s21;
	[sflag:s13] =	ssyncadd.s32 $0xFFFFE000  }
0xaa: {  	[tilespmem:s25], [sflag:$0x1] =	stream.indirect.gather [hbm4b:s4+s29], $0x40, s28, s29, $0xb8;
	[tilespmem:$0x1AF00] =	vst v63  }
0xab: {  	_ =	swait.ge [sflag:s14], $0x2000  }
0xac: {  	[sflag:s14] =	ssyncset.done $0x0  }
0xad: {  	s28 =	sadd.s32 $0x380, s21;
	[sflag:s14] =	ssyncadd.s32 $0xFFFFE000  }
0xae: {  	[tilespmem:s30], [sflag:$0x2] =	stream.indirect.gather [hbm4b:s4+s29], $0x40, s28, s29, $0xb8;
	[tilespmem:$0x1AF00] =	vst v63  }
0xaf: {  	_ =	swait.ge [sflag:s15], $0x2000  }
0xb0: {  	[sflag:s15] =	ssyncset.done $0x0  }
0xb1: {  	s28 =	sadd.s32 $0x400, s21;
	[sflag:s15] =	ssyncadd.s32 $0xFFFFE000  }
0xb2: {  	[tilespmem:s0], [sflag:$0x3] =	stream.indirect.gather [hbm4b:s4+s29], $0x40, s28, s29, $0xb8;
	[tilespmem:$0x1AF00] =	vst v63  }
0xb3: {  	_ =	swait.ge [sflag:s16], $0x2000  }
0xb4: {  	[sflag:s16] =	ssyncset.done $0x0  }
0xb5: {  	s28 =	sadd.s32 $0x480, s21;
	[sflag:s16] =	ssyncadd.s32 $0xFFFFE000  }
0xb6: {  	[tilespmem:s31], [sflag:$0x4] =	stream.indirect.gather [hbm4b:s4+s29], $0x40, s28, s29, $0xb8;
	[tilespmem:$0x1AF00] =	vst v63  }
0xb7: {  	_ =	swait.ge [sflag:s17], $0x2000  }
0xb8: {  	[sflag:s17] =	ssyncset.done $0x0  }
0xb9: {  	s28 =	sadd.s32 $0x500, s21;
	[sflag:s17] =	ssyncadd.s32 $0xFFFFE000  }
0xba: {  	[tilespmem:s3], [sflag:$0x5] =	stream.indirect.gather [hbm4b:s4+s29], $0x40, s28, s29, $0xb8;
	[tilespmem:$0x1AF00] =	vst v63  }
0xbb: {  	_ =	swait.ge [sflag:s18], $0x2000  }
0xbc: {  	[sflag:s18] =	ssyncset.done $0x0  }
0xbd: {  	s28 =	sadd.s32 $0x580, s21;
	[sflag:s18] =	ssyncadd.s32 $0xFFFFE000  }
0xbe: {  	[tilespmem:s6], [sflag:$0x6] =	stream.indirect.gather [hbm4b:s4+s29], $0x40, s28, s29, $0xb8;
	[tilespmem:$0x1AF00] =	vst v63  }
0xbf: {  	_ =	swait.ge [sflag:s7], $0x2000  }
0xc0: {  	[sflag:s7] =	ssyncset.done $0x0  }
0xc1: {  	s28 =	sadd.s32 $0x2A80, s21;
	[sflag:s7] =	ssyncadd.s32 $0xFFFFE000  }
0xc2: {  	[spmem:s1] =	stream.indirect.scatter.add.f32 [tilespmem:s25], [sflag:$0x7], $0x40, s28, s29, $0xb8;
	[tilespmem:$0x1AF00] =	vst v63  }
0xc3: {  	_ =	swait.ge [sflag:s8], $0x2000  }
0xc4: {  	[sflag:s8] =	ssyncset.done $0x0  }
0xc5: {  	s28 =	sadd.s32 $0x2B00, s21;
	[sflag:s8] =	ssyncadd.s32 $0xFFFFE000  }
0xc6: {  	[spmem:s1] =	stream.indirect.scatter.add.f32 [tilespmem:s30], [sflag:$0x8], $0x40, s28, s29, $0xb8;
	[tilespmem:$0x1AF00] =	vst v63  }
0xc7: {  	_ =	swait.ge [sflag:s9], $0x2000  }
0xc8: {  	[sflag:s9] =	ssyncset.done $0x0  }
0xc9: {  	s28 =	sadd.s32 $0x2B80, s21;
	[sflag:s9] =	ssyncadd.s32 $0xFFFFE000  }
0xca: {  	[spmem:s1] =	stream.indirect.scatter.add.f32 [tilespmem:s0], [sflag:$0x9], $0x40, s28, s29, $0xb8;
	[tilespmem:$0x1AF00] =	vst v63  }
0xcb: {  	_ =	swait.ge [sflag:s10], $0x2000  }
0xcc: {  	[sflag:s10] =	ssyncset.done $0x0  }
0xcd: {  	s28 =	sadd.s32 $0x2C00, s21;
	[sflag:s10] =	ssyncadd.s32 $0xFFFFE000  }
0xce: {  	[spmem:s1] =	stream.indirect.scatter.add.f32 [tilespmem:s31], [sflag:$0xA], $0x40, s28, s29, $0xb8;
	[tilespmem:$0x1AF00] =	vst v63  }
0xcf: {  	_ =	swait.ge [sflag:s11], $0x2000  }
0xd0: {  	[sflag:s11] =	ssyncset.done $0x0  }
.Ltmp1:
0xd1: {  	s28 =	sadd.s32 $0x2C80, s21;
	[sflag:s11] =	ssyncadd.s32 $0xFFFFE000;
	(pc) =	sbr.rel @p1 .LBB2_4-.Ltmp1, $4  }
0xd2: {  	[spmem:s1] =	stream.indirect.scatter.add.f32 [tilespmem:s3], [sflag:$0xB], $0x40, s28, s29, $0xb8;
	[tilespmem:$0x1AF00] =	vst v63  }
0xd3: {  	_ =	swait.ge [sflag:s12], $0x2000  }
0xd4: {  	[sflag:s12] =	ssyncset.done $0x0  }
0xd5: {  	s21 =	sadd.s32 $0x2D00, s21;
	[sflag:s12] =	ssyncadd.s32 $0xFFFFE000  }
0xd6: {  	[spmem:s1] =	stream.indirect.scatter.add.f32 [tilespmem:s6], [sflag:$0xC], $0x40, s21, s29, $0xb8;
	[tilespmem:$0x1AF00] =	vst v63  }
0xd7: {  	_ =	swait.ge [sflag:s13], $0x2000  }
0xd8: {  	[sflag:s13] =	ssyncset.done $0x0  }
0xd9: {  	[sflag:s13] =	ssyncadd.s32 $0xFFFFE000  }
0xda: {  	_ =	swait.ge [sflag:s14], $0x2000  }
0xdb: {  	[sflag:s14] =	ssyncset.done $0x0  }
0xdc: {  	[sflag:s14] =	ssyncadd.s32 $0xFFFFE000  }
0xdd: {  	_ =	swait.ge [sflag:s15], $0x2000  }
0xde: {  	[sflag:s15] =	ssyncset.done $0x0  }
0xdf: {  	[sflag:s15] =	ssyncadd.s32 $0xFFFFE000  }
0xe0: {  	_ =	swait.ge [sflag:s16], $0x2000  }
0xe1: {  	[sflag:s16] =	ssyncset.done $0x0  }
0xe2: {  	[sflag:s16] =	ssyncadd.s32 $0xFFFFE000  }
0xe3: {  	_ =	swait.ge [sflag:s17], $0x2000  }
0xe4: {  	[sflag:s17] =	ssyncset.done $0x0  }
0xe5: {  	[sflag:s17] =	ssyncadd.s32 $0xFFFFE000  }
0xe6: {  	_ =	swait.ge [sflag:s18], $0x2000  }
0xe7: {  	s20 =	simm.s32 @!p0 $0x80;
	[sflag:s18] =	ssyncset.done $0x0  }
0xe8: {  	s21 =	simm.s32 @!p0 $0x2700;
	s28 =	simm.s32 @!p0 $0x4F00;
	[sflag:s18] =	ssyncadd.s32 $0xFFFFE000  }
0xe9: {  	[tilespmem:s28], [sflag:$0xD] =	stream.indirect.gather @!p0 [hbm4b:s4+s20], $0x40, s21, s20, $0xb8;
	[tilespmem:$0x1AF00] =	vst v63  }
0xea: {  	s21 =	simm.s32 @!p0 $0xD  }
0xeb: {  	_ =	swait.ge @!p0 [sflag:s21], $0x2000  }
0xec: {  	[sflag:s21] =	ssyncset.done @!p0 $0x0  }
0xed: {  	s22 =	simm.s32 @!p0 $0x4E80;
	[sflag:s21] =	ssyncadd.s32 @!p0 $0xFFFFE000  }
0xee: {  	[spmem:s1] =	stream.indirect.scatter.add.f32 @!p0 [tilespmem:s28], [sflag:$0xD], $0x40, s22, s20, $0xb8;
	[tilespmem:$0x1AF00] =	vst v63  }
0xef: {  	_ =	swait.ge @!p0 [sflag:s21], $0x2000  }
0xf0: {  	[sflag:s21] =	ssyncset.done @!p0 $0x0  }
0xf1: {  	[sflag:s21] =	ssyncadd.s32 @!p0 $0xFFFFE000  }
0xf2: {  	[bflag:$0x0] =	sbarrier.arrive $0xFFFF  }
0xf3: {  	s28 =	rddreg [dreg:$0x7]  }
0xf4: {  	[tilespmem:s25], [sflag:$0xD] =	stream.linear.gather [spmem:s28], $0x2000, $0x38;
	[tilespmem:$0x1AF00] =	vst v63  }
0xf5: {  	_ =	swait.ge [sflag:s26], $0x2000  }
0xf6: {  	[sflag:s26] =	ssyncset.done $0x0  }
0xf7: {  	s21 =	rddreg [dreg:$0xc];
	[sflag:s26] =	ssyncadd.s32 $0xFFFFE000  }
0xf8: {  	[hbm4b:s21+s2] =	stream.linear.scatter [tilespmem:s25], [sflag:$0xD], $0x2000, $0x38;
	[tilespmem:$0x1AF00] =	vst v63  }
0xf9: {  	_ =	swait.ge [sflag:s26], $0x2000  }
0xfa: {  	[sflag:s26] =	ssyncset.done $0x0  }
0xfb: {  	s22 =	rddreg [dreg:$0x12];
	[sflag:s26] =	ssyncadd.s32 $0xFFFFE000  }
0xfc: {  	[tilespmem:s25], [sflag:$0xD] =	stream.linear.gather [spmem:s22], $0x2000, $0x38;
	[tilespmem:$0x1AF00] =	vst v63  }
0xfd: {  	_ =	swait.ge [sflag:s26], $0x2000  }
0xfe: {  	[sflag:s26] =	ssyncset.done $0x0  }
0xff: {  	s28 =	rddreg [dreg:$0xd];
	[sflag:s26] =	ssyncadd.s32 $0xFFFFE000  }
0x100: {  	[hbm4b:s28+s2] =	stream.linear.scatter [tilespmem:s25], [sflag:$0xD], $0x2000, $0x38;
	[tilespmem:$0x1AF00] =	vst v63  }
0x101: {  	_ =	swait.ge [sflag:s26], $0x2000  }
0x102: {  	[sflag:s26] =	ssyncset.done $0x0  }
0x103: {  	s21 =	rddreg [dreg:$0x13];
	[sflag:s26] =	ssyncadd.s32 $0xFFFFE000  }
0x104: {  	[tilespmem:s25], [sflag:$0xD] =	stream.linear.gather [spmem:s21], $0x2000, $0x38;
	[tilespmem:$0x1AF00] =	vst v63  }
0x105: {  	_ =	swait.ge [sflag:s26], $0x2000  }
0x106: {  	[sflag:s26] =	ssyncset.done $0x0  }
0x107: {  	s22 =	rddreg [dreg:$0xe];
	[sflag:s26] =	ssyncadd.s32 $0xFFFFE000  }
0x108: {  	[hbm4b:s22+s2] =	stream.linear.scatter [tilespmem:s25], [sflag:$0xD], $0x2000, $0x38;
	[tilespmem:$0x1AF00] =	vst v63  }
0x109: {  	_ =	swait.ge [sflag:s26], $0x2000  }
0x10a: {  	[sflag:s26] =	ssyncset.done $0x0  }
0x10b: {  	s28 =	rddreg [dreg:$0x14];
	[sflag:s26] =	ssyncadd.s32 $0xFFFFE000  }
0x10c: {  	[tilespmem:s25], [sflag:$0xD] =	stream.linear.gather [spmem:s28], $0x2000, $0x38;
	[tilespmem:$0x1AF00] =	vst v63  }
0x10d: {  	_ =	swait.ge [sflag:s26], $0x2000  }
0x10e: {  	[sflag:s26] =	ssyncset.done $0x0  }
0x10f: {  	s21 =	rddreg [dreg:$0xf];
	[sflag:s26] =	ssyncadd.s32 $0xFFFFE000  }
0x110: {  	[hbm4b:s21+s2] =	stream.linear.scatter [tilespmem:s25], [sflag:$0xD], $0x2000, $0x38;
	[tilespmem:$0x1AF00] =	vst v63  }
0x111: {  	_ =	swait.ge [sflag:s26], $0x2000  }
0x112: {  	[sflag:s26] =	ssyncset.done $0x0  }
0x113: {  	[sflag:s26] =	ssyncadd.s32 $0xFFFFE000  }
0x114: {  	[tilespmem:s25], [sflag:$0xD] =	stream.linear.gather [spmem:s24], $0x2000, $0x38;
	[tilespmem:$0x1AF00] =	vst v63  }
0x115: {  	_ =	swait.ge [sflag:s26], $0x2000  }
0x116: {  	[sflag:s26] =	ssyncset.done $0x0  }
0x117: {  	s22 =	rddreg [dreg:$0x10];
	[sflag:s26] =	ssyncadd.s32 $0xFFFFE000  }
0x118: {  	[hbm4b:s22+s2] =	stream.linear.scatter [tilespmem:s25], [sflag:$0xD], $0x2000, $0x38;
	[tilespmem:$0x1AF00] =	vst v63  }
0x119: {  	_ =	swait.ge [sflag:s26], $0x2000  }
0x11a: {  	s19 =	sadd.s32 $0x1, s19;
	s28 =	rddreg [dreg:$0x8]  }
0x11b: {  	p1 =	sne.s32 s19, s28  }
.Ltmp2:
0x11c: {  	_ = 	snop;
	(pc) =	sbr.rel @p1 .LBB2_1-.Ltmp2, $3  }
0x11d: {  	_ =	sdelay $0x1  }
0x11e: {  	[sflag:s26] =	ssyncset.done $0x0  }
0x11f: {  	[sflag:s26] =	ssyncadd.s32 $0xFFFFE000  }
0x120: {  	_ =	sfence.sel $0x180000  }
0x121: {  	[bflag:$0x0] =	sbarrier.arrive $0xFFFF  }
0x122: {  	_ =	strace $0x9000004D  }
0x123: {  	s0 =	stileid.u32;
	[bflag:$0x2] =	sbarrier.arrive $0xFFFF  }
0x124: {  	p0 =	sne.s32 s0, $0x0;
	s0 =	rddreg [dreg:$0x2]  }
0x125: {  	s0 =	sadd.s32 @!p0 $0x100000, s0  }
0x126: {  	[sflag:s0] =	ssyncadd.tile.s32 @!p0 $0x1;
	_ =	shalt  }
.Lfunc_end2:
_tile_overlayer_lowered:
.L_overlay_start_2:
0x127: {  	(tag) =	ssettag $0x2  }
0x128: {  	s0 =	rddreg [dreg:$0x0];
	s2 =	stileid.u32  }
0x129: {  	s1 =	rddreg [dreg:$0x1];
	p0 =	sne.s32 s2, $0x0  }
0x12a: {  	s3 =	rddreg [dreg:$0x2];
	[bflag:$0x3] =	sbarrier.arrive $0xFFFF;
	s2 =	simm.s32 @!p0 $0x1C0D  }
0x12b: {  	[timem:s3], [sflag:s2] =	dma.local @!p0 [hbm:s0], s1  }
0x12c: {  	s0 =	simm.s32 @!p0 $0xD  }
0x12d: {  	_ =	swait.ge @!p0 [sflag:s0], s1  }
0x12e: {  	s1 =	ssub.s32 @!p0 $0x0, s1;
	[sflag:s0] =	ssyncset.done @!p0 $0x0  }
0x12f: {  	[sflag:s0] =	ssyncadd.s32 @!p0 s1  }
0x130: {  	[bflag:$0x3] =	sbarrier.arrive $0xFFFF  }
0x131: {  	_ =	shalt  }

// kernel: kernel.19.cloned.1.call-start
scs
__scs_entry_jumppad:
0x0: {  	(pc) =	sbr.rel $0x88, $3  }
0x1: {  	(tag) =	ssettag $0x0;
	lr =	simm.s32 $0x1  }
0x2: {  	[smem:$0x3F96] =	sst lr;
	_ =	strace $0xD0000000  }
0x3: {  	_ = 	snop  }
0x4: {  	_ = 	snop  }
0x5: {  	_ = 	snop  }
0x6: {  	_ = 	snop  }
0x7: {  	_ = 	snop  }
__scs_overlays_trampoline_lowered:
0x8: {  	[smem:$0x3FA5] =	sst s0  }
0x9: {  	[smem:$0x3FA6] =	sst s1  }
0xa: {  	[smem:$0x3FA7] =	sst s2  }
0xb: {  	[smem:$0x3FA8] =	sst s3  }
0xc: {  	[smem:$0x3FA9] =	sst s4  }
0xd: {  	[smem:$0x3FAA] =	sst s5  }
0xe: {  	[smem:$0x3FAB] =	sst s6  }
0xf: {  	[smem:$0x3FAC] =	sst s7  }
0x10: {  	[smem:$0x3FAD] =	sst s8  }
0x11: {  	[smem:$0x3FAE] =	sst s9;
	s0 =	simm.s32 @!p0 $0x0  }
0x12: {  	s1 =	sld [smem:$0x3F94];
	s0 =	simm.s32 @p0 $0x1  }
0x13: {  	[smem:$0x3FAF] =	sst s0;
	s0 =	simm.s32 @!p1 $0x0  }
0x14: {  	s2 =	sld [smem:$0x3F93];
	s0 =	simm.s32 @p1 $0x1  }
0x15: {  	[smem:$0x3FB0] =	sst s0;
	s0 =	simm.s32 @!p2 $0x0  }
0x16: {  	s3 =	sld [smem:$0x3FDB];
	s0 =	simm.s32 @p2 $0x1  }
0x17: {  	s4 =	simm.s32 $0x1BF5;
	[smem:$0x3FB2] =	sst s0  }
0x18: {  	s0 =	sld [smem:$0x3F95];
	_ =	swait.ge [sflag:s4], $0x0  }
0x19: {  	s7 =	sld [smem:$0x3F96]  }
0x1a: {  	s8 =	sadd.s32 $0xFFFFE003, lr  }
0x1b: {  	s9 =	sadd.s32 $0xFFFFFEF7, lr;
	s5 =	simm.s32 $0xFFFFFFFF;
	p2 =	slt.u32 s8, $0xFFFFF086  }
0x1c: {  	p1 =	slt.u32 s9, $0xF7A;
	s5 =	simm.s32 @!p2 $0x0  }
0x1d: {  	s5 =	simm.s32 @p1 $0x1;
	p0 =	seq.s32 s7, s2  }
0x1e: {  	s7 =	smul.u32 @!p0 $0xF7A, s2;
	p2 =	seq.s32 @!p0 s5, $0x0  }
0x1f: {  	s9 =	smul.u32 $0xF7A, s1;
	s8 =	simm.s32 @!p0 $0x1BF5;
	p2 =	por !p2, p0  }
0x20: {  	[sflag:s8] =	ssyncset.s32 @!p0 $0xFFFFF086;
	s6 =	sadd.s32 @!p0 s3, s7;
	s7 =	simm.s32 @!p0 $0x108  }
0x21: {  	s3 =	sadd.s32 s3, s9;
	s6 =	sadd.s32 @!p0 $0x88, s6;
	s7 =	simm.s32 @p2 $0x1082  }
0x22: {  	[simem:s7], [sflag:s8] =	dma.local @!p0 [hbm:s6], $0xF7A  }
0x23: {  	s9 =	sor.u32 $0xD0000000, s2;
	s6 =	simm.s32 $0x108;
	_ =	swait.ge @!p0 [sflag:s8], $0x0  }
0x24: {  	s3 =	sadd.s32 $0x88, s3;
	s6 =	simm.s32 @!p1 $0x1082;
	[sflag:s4] =	ssyncset.s32 $0xFFFFF086  }
0x25: {  	[simem:s6], [sflag:s4] =	dma.local [hbm:s3], $0xF7A  }
0x26: {  	[smem:$0x3F96] =	sst s1;
	(tag) =	ssettag s2;
	_ =	strace s9  }
0x27: {  	s1 =	sld [smem:$0x3FA6]  }
0x28: {  	s2 =	sld [smem:$0x3FA7]  }
0x29: {  	s4 =	sld [smem:$0x3FA9]  }
0x2a: {  	p0 =	seq.s32 s5, $0x0;
	s5 =	sld [smem:$0x3FAA]  }
0x2b: {  	s6 =	sld [smem:$0x3FAB]  }
0x2c: {  	s7 =	sld [smem:$0x3FAC]  }
0x2d: {  	s3 =	simm.s32 $0x108;
	s8 =	sld [smem:$0x3FAD]  }
0x2e: {  	s3 =	simm.s32 @!p0 $0x1082;
	s9 =	sld [smem:$0x3FAE]  }
0x2f: {  	lr =	sadd.s32 s0, s3;
	s0 =	sld [smem:$0x3FA5]  }
0x30: {  	s3 =	sld [smem:$0x3FA8]  }
0x31: {  	[smem:$0x3FB1] =	sst s10  }
0x32: {  	s10 =	sld [smem:$0x3FAF];
	_ =	sdelay $0x3  }
0x33: {  	p0 =	seq.s32 s10, $0x1;
	s10 =	sld [smem:$0x3FB1];
	_ =	sdelay $0x3  }
0x34: {  	[smem:$0x3FB1] =	sst s10  }
0x35: {  	s10 =	sld [smem:$0x3FB0];
	_ =	sdelay $0x3  }
0x36: {  	p1 =	seq.s32 s10, $0x1;
	s10 =	sld [smem:$0x3FB1];
	_ =	sdelay $0x3  }
0x37: {  	[smem:$0x3FB1] =	sst s10  }
0x38: {  	s10 =	sld [smem:$0x3FB2]  }
0x39: {  	_ = 	snop;
	(pc) =	sbr.ind lr, $3  }
0x3a: {  	_ = 	snop  }
0x3b: {  	_ = 	snop  }
0x3c: {  	p2 =	seq.s32 s10, $0x1;
	s10 =	sld [smem:$0x3FB1]  }
0x3d: {  	_ =	shalt  }
0x3e: {  	_ =	shalt  }
0x3f: {  	_ =	shalt  }
0x40: {  	_ =	shalt  }
0x41: {  	_ =	shalt  }
0x42: {  	_ =	shalt  }
0x43: {  	_ =	shalt  }
0x44: {  	_ =	shalt  }
0x45: {  	_ =	shalt  }
0x46: {  	_ =	shalt  }
0x47: {  	_ =	shalt  }
0x48: {  	_ =	shalt  }
0x49: {  	_ =	shalt  }
0x4a: {  	_ =	shalt  }
0x4b: {  	_ =	shalt  }
0x4c: {  	_ =	shalt  }
0x4d: {  	_ =	shalt  }
0x4e: {  	_ =	shalt  }
0x4f: {  	_ =	shalt  }
0x50: {  	_ =	shalt  }
0x51: {  	_ =	shalt  }
0x52: {  	_ =	shalt  }
0x53: {  	_ =	shalt  }
0x54: {  	_ =	shalt  }
0x55: {  	_ =	shalt  }
0x56: {  	_ =	shalt  }
0x57: {  	_ =	shalt  }
0x58: {  	_ =	shalt  }
0x59: {  	_ =	shalt  }
0x5a: {  	_ =	shalt  }
0x5b: {  	_ =	shalt  }
0x5c: {  	_ =	shalt  }
0x5d: {  	_ =	shalt  }
0x5e: {  	_ =	shalt  }
0x5f: {  	_ =	shalt  }
0x60: {  	_ =	shalt  }
0x61: {  	_ =	shalt  }
0x62: {  	_ =	shalt  }
0x63: {  	_ =	shalt  }
0x64: {  	_ =	shalt  }
0x65: {  	_ =	shalt  }
0x66: {  	_ =	shalt  }
0x67: {  	_ =	shalt  }
0x68: {  	_ =	shalt  }
0x69: {  	_ =	shalt  }
0x6a: {  	_ =	shalt  }
0x6b: {  	_ =	shalt  }
0x6c: {  	_ =	shalt  }
0x6d: {  	_ =	shalt  }
0x6e: {  	_ =	shalt  }
0x6f: {  	_ =	shalt  }
0x70: {  	_ =	shalt  }
0x71: {  	_ =	shalt  }
0x72: {  	_ =	shalt  }
0x73: {  	_ =	shalt  }
0x74: {  	_ =	shalt  }
0x75: {  	_ =	shalt  }
0x76: {  	_ =	shalt  }
0x77: {  	_ =	shalt  }
0x78: {  	_ =	shalt  }
0x79: {  	_ =	shalt  }
0x7a: {  	_ =	shalt  }
0x7b: {  	_ =	shalt  }
0x7c: {  	_ =	shalt  }
0x7d: {  	_ =	shalt  }
0x7e: {  	_ =	shalt  }
0x7f: {  	_ =	shalt  }
0x80: {  	_ =	shalt  }
0x81: {  	_ =	shalt  }
0x82: {  	_ =	shalt  }
0x83: {  	_ =	shalt  }
0x84: {  	_ =	shalt  }
0x85: {  	_ =	shalt  }
0x86: {  	_ =	shalt  }
0x87: {  	_ =	shalt  }
.Lfunc_end0:
.L_simem_size_0:
called_computation.3_lowered:
.L_overlay_start_0:
0x88: {  	s2 =	sld [smem:$0x3FD9]  }
0x89: {  	s3 =	sld [smem:$0x3FFE];
	_ =	sdelay $0x1  }
0x8a: {  	s1 =	srdreg.scid  }
0x8b: {  	s0 =	sand.u32 $0x1, s1  }
0x8c: {  	s16 =	sshll.u32 s0, $0xA;
	s2 =	sadd.s32 s3, s2  }
0x8d: {  	s2 =	sadd.s32 s2, s16  }
0x8e: {  	[smem:$0x3FBD] =	sst s2  }
0x8f: {  	_ = 	snop  }
0x90: {  	(tm) =	ssettm $0x1  }
0x91: {  	s17 =	sld [smem:$0x3FFB];
	_ =	sdelay $0x3  }
0x92: {  	_ =	strace s17  }
0x93: {  	s2 =	sld [smem:$0x3FFC];
	_ =	sdelay $0x3  }
0x94: {  	_ =	strace s2  }
0x95: {  	s2 =	sld [smem:$0x3FFD];
	_ =	sdelay $0x3  }
0x96: {  	_ =	strace s2  }
0x97: {  	_ =	strace $0x8FFFFFFF  }
0x98: {  	s18 =	sld [smem:$0x3FDB];
	_ =	sdelay $0x1  }
0x99: {  	s19 =	simm.s32 $_scs_section_size  }
0x9a: {  	s4 =	simm.s32 $_size__tile_overlayer_lowered;
	s5 =	simm.s32 $_tile_overlayer_lowered  }
0x9b: {  	s22 =	simm.s32 $0x1BFF;
	s21 =	sshll.u32 s5, $0x1;
	s2 =	sadd.s32 s19, s18  }
0x9c: {  	s6 =	simm.s32 $0x0;
	s20 =	sshll.u32 s4, $0x1;
	s4 =	sadd.s32 s21, s2  }
0x9d: {  	[timem:s6], [sflag:s22] =	dma.local [hbm:s4], s20  }
0x9e: {  	_ =	swait.ge [sflag:s22], s20  }
0x9f: {  	s3 =	ssub.s32 $0x0, s20;
	[sflag:s22] =	ssyncset.done $0x0  }
0xa0: {  	[sflag:s22] =	ssyncadd.s32 s3;
	_ =	sdelay $0x1  }
0xa1: {  	s23 =	simm.s32 $0x1B8B  }
0xa2: {  	_ =	swait.ge [sflag:s23], $0x1  }
0xa3: {  	[sflag:s23] =	ssyncset.done $0x0  }
0xa4: {  	s25 =	simm.s32 $0x1B8E;
	s24 =	sld [smem:$0x3FFE];
	[sflag:s23] =	ssyncadd.s32 $0xFFFFFFFF  }
0xa5: {  	s26 =	simm.s32 $execute0_lowered;
	[smem:$0x3FD2] =	sst s25  }
0xa6: {  	s4 =	sshll.u32 s26, $0x1;
	_ =	strace $0x8000004F;
	[dreg:$0x1] =	wrdreg $0xFFFFFFFF  }
0xa7: {  	s28 =	simm.s32 $_size_execute0_lowered;
	s2 =	sadd.s32 s2, s4;
	[dreg:$0x0] =	wrdreg $0x0  }
0xa8: {  	s4 =	sshll.u32 s28, $0x1;
	[dreg:$0x2] =	wrdreg s2  }
0xa9: {  	[dreg:$0x3] =	wrdreg s4  }
0xaa: {  	[dreg:$0x4] =	wrdreg $0xC0  }
0xab: {  	_ =	task [dreg:s6], $0x5FFFF  }
0xac: {  	[dreg:$0x1] =	wrdreg $0xFFFFFFFF  }
0xad: {  	[dreg:$0x0] =	wrdreg $0x60  }
0xae: {  	[dreg:$0x2] =	wrdreg s24  }
0xaf: {  	[dreg:$0x3] =	wrdreg $0x10F000  }
0xb0: {  	[dreg:$0x4] =	wrdreg $0x9  }
0xb1: {  	_ =	task.clear_ibuf [dreg:s6], $0x5FFFF;
	_ =	strace $0x9000004F  }
0xb2: {  	s29 =	simm.s32 $0x9;
	_ =	strace $0x80000051  }
0xb3: {  	_ =	swait.ge [sflag:s29], $0x1  }
0xb4: {  	[sflag:s29] =	ssyncadd.s32 $0xFFFFFFFF  }
0xb5: {  	_ =	strace $0x90000051  }
0xb6: {  	_ =	sfence  }
0xb7: {  	s30 =	sld [smem:$0x0];
	_ =	sdelay $0x2  }
0xb8: {  	s31 =	sshll.u32 s1, $0xD;
	s1 =	sshrl.u32 s1, $0x2  }
0xb9: {  	s3 =	sand.u32 $0x4000, s31;
	s1 =	sadd.s32 s1, s30  }
0xba: {  	s0 =	sor.u32 s3, s0;
	s1 =	sshll.u32 s1, $0x11  }
0xbb: {  	s0 =	sor.u32 s1, s0  }
0xbc: {  	s0 =	sadd.s32 $0x8F2B, s0  }
0xbd: {  	[sflag:s0] =	ssyncadd.remote.s32 $0x1  }
0xbe: {  	_ =	sfence.sel $0xFFFF  }
0xbf: {  	[dreg:$0x0] =	wrdreg $0xFFFFFFFF;
	(pc) =	sbr.abs _section_cstart, $3  }
0xc0: {  	[dreg:$0x1] =	wrdreg $0xFFFFFFFF  }
0xc1: {  	_ =	task.clear_ibuf [dreg:s6], $0x2FFFF;
	_ =	strace $0x9FFFFFFF  }
0xc2: {  	(tm) =	ssettm $0x7FFFFFFF  }
0xc3: {  	_ =	shalt  }
tec
execute0_lowered:
.L_overlay_start_1:
0x0: {  	(tag) =	ssettag $0x1  }
0x1: {  	s0 =	rddreg [dreg:$0x0]  }
0x2: {  	s1 =	rddreg [dreg:$0x1];
	s2 =	simm.s32 $0x0  }
0x3: {  	s3 =	srdreg.scid;
	s12 =	stileid.u32;
	s29 =	simm.s32 $0x80  }
0x4: {  	s30 =	simm.s32 $0x6F00;
	s31 =	simm.s32 $0xAF00;
	[smem:$0x7FF] =	sst s2  }
0x5: {  	s4 =	sadd.s32 $0x21C00, s0;
	s6 =	sadd.s32 $0x17E00, s0;
	s3 =	sand.u32 $0x1, s3  }
0x6: {  	s7 =	sadd.s32 $0xE000, s0;
	s10 =	smul.u32 $0x28000, s12;
	s0 =	sadd.s32 $0x35C00, s0  }
0x7: {  	s11 =	sshll.u32 s12, $0x4;
	_ =	strace $0x80000050;
	s5 =	ssub.s32 $0x2, s3  }
0x8: {  	s9 =	sshll.u32 s3, $0x4;
	s11 =	sor.u32 $0x9C00, s11;
	s3 =	smul.u32 $0xA0000, s3  }
0x9: {  	s8 =	sshrl.u32 s5, $0x1;
	s9 =	sor.u32 s12, s9;
	s25 =	sshrl.u32 s10, $0x2  }
0xa: {  	s12 =	smul.u32 $0xA000, s12;
	s28 =	sadd.s32 s7, s11;
	s8 =	ssub.s32 s5, s8  }
0xb: {  	s26 =	smul.u32 $0x4E0, s9;
	s5 =	sadd.s32 s25, s1;
	[dreg:$0x6] =	wrdreg s28  }
0xc: {  	p0 =	sgt.u32 s9, $0x3;
	s9 =	simm.s32 $0x3;
	s8 =	smax.u32 s8, $0x1  }
0xd: {  	s14 =	sadd.s32 s3, s12;
	s16 =	sadd.s32 $0x6000, s5;
	s18 =	sadd.s32 $0x4000, s12  }
0xe: {  	s20 =	sadd.s32 $0x6000, s12;
	s21 =	sadd.s32 $0x8000, s12;
	s24 =	sadd.s32 $0x8000, s5  }
0xf: {  	s13 =	sadd.s32 s6, s26;
	s10 =	sadd.s32 s7, s26;
	[dreg:$0x8] =	wrdreg s8  }
0x10: {  	s6 =	sadd.s32 s6, s11;
	s7 =	sadd.s32 s12, s1;
	[dreg:$0xb] =	wrdreg s16  }
0x11: {  	s11 =	sadd.s32 $0x2000, s12;
	s19 =	sadd.s32 s3, s18;
	[dreg:$0x11] =	wrdreg s24  }
0x12: {  	s22 =	sadd.s32 s3, s20;
	s26 =	sadd.s32 s18, s1;
	[dreg:$0x3] =	wrdreg s13  }
0x13: {  	s28 =	sadd.s32 s20, s1;
	s24 =	sadd.s32 s21, s1;
	[dreg:$0x4] =	wrdreg s10  }
0x14: {  	s12 =	simm.s32 $0x6;
	s16 =	simm.s32 $0xA;
	[dreg:$0x5] =	wrdreg s6  }
0x15: {  	s18 =	simm.s32 $0xC;
	[dreg:$0x7] =	wrdreg s7;
	s10 =	sadd.s32 $0x2000, s5  }
0x16: {  	s13 =	sadd.s32 $0x4000, s5;
	s15 =	sadd.s32 s3, s11;
	s7 =	sshrl.u32 s14, $0x3  }
0x17: {  	s3 =	sadd.s32 s3, s21;
	s23 =	sshrl.u32 s22, $0x3;
	[dreg:$0x13] =	wrdreg s26  }
0x18: {  	s25 =	sadd.s32 s11, s1;
	[dreg:$0x14] =	wrdreg s28;
	s26 =	simm.s32 $0xD  }
0x19: {  	s6 =	simm.s32 $0xEF00;
	s11 =	simm.s32 $0x5;
	[dreg:$0x9] =	wrdreg s10  }
0x1a: {  	s14 =	simm.s32 $0x8;
	[dreg:$0xa] =	wrdreg s13;
	s8 =	sshrl.u32 s15, $0x3  }
0x1b: {  	s7 =	sadd.s32 s0, s7;
	s3 =	sshrl.u32 s3, $0x3;
	[dreg:$0x12] =	wrdreg s25  }
0x1c: {  	s25 =	simm.s32 $0x4F00;
	s10 =	simm.s32 $0x4;
	s13 =	simm.s32 $0x7  }
0x1d: {  	s15 =	simm.s32 $0x9;
	[dreg:$0xc] =	wrdreg s7;
	s17 =	sadd.s32 s0, s8  }
0x1e: {  	s8 =	sshrl.u32 s19, $0x3;
	s7 =	simm.s32 $0x1;
	s19 =	simm.s32 $0x0  }
0x1f: {  	[dreg:$0xd] =	wrdreg s17;
	s8 =	sadd.s32 s0, s8;
	s17 =	simm.s32 $0xB  }
0x20: {  	[dreg:$0xe] =	wrdreg s8;
	s8 =	sadd.s32 s0, s23;
	s0 =	sadd.s32 s0, s3  }
0x21: {  	s3 =	simm.s32 $0xCF00;
	s23 =	simm.s32 $0x2780;
	[dreg:$0xf] =	wrdreg s8  }
0x22: {  	v0 =	vimm.f32 $0.0e+00;
	[dreg:$0x10] =	wrdreg s0;
	s0 =	simm.s32 $0x8F00;
	s8 =	simm.s32 $0x2  }
.LBB2_1:
0x23: {  	s21 =	simm.s32 $0x100;
	s20 =	simm.s32 $0x0  }
.LBB2_2:
0x24: {  	p1 =	sne.s32 s21, $0x7F00;
	[tilespmem:s20+$0x4F30] =	vst v0;
	s28 =	smov.u32 s21;
	s21 =	sadd.s32 $0x100, s21  }
.Ltmp0:
0x25: {  	[tilespmem:s20+$0x4F20] =	vst v0;
	(pc) =	sbr.rel @p1 .LBB2_2-.Ltmp0, $3  }
0x26: {  	[tilespmem:s20+$0x4F00] =	vst v0  }
0x27: {  	[tilespmem:s20+$0x4F10] =	vst v0;
	_ =	sdelay $0x1  }
0x28: {  	s20 =	sshra.s32 s28, $0x2  }
0x29: {  	[tilespmem:s20+$0x4F30] =	vst v0  }
0x2a: {  	[tilespmem:s20+$0x4F20] =	vst v0  }
0x2b: {  	[tilespmem:s20+$0x4F00] =	vst v0  }
0x2c: {  	[tilespmem:s20+$0x4F10] =	vst v0  }
0x2d: {  	[spmem:s5] =	stream.linear.scatter [tilespmem:s25], [sflag:$0xD], $0x2000, $0x38;
	[tilespmem:$0x1AF00] =	vst v63  }
0x2e: {  	_ =	swait.ge [sflag:s26], $0x2000  }
0x2f: {  	[sflag:s26] =	ssyncset.done $0x0  }
0x30: {  	s21 =	rddreg [dreg:$0x9];
	[sflag:s26] =	ssyncadd.s32 $0xFFFFE000  }
0x31: {  	[spmem:s21] =	stream.linear.scatter [tilespmem:s25], [sflag:$0xD], $0x2000, $0x38;
	[tilespmem:$0x1AF00] =	vst v63  }
0x32: {  	_ =	swait.ge [sflag:s26], $0x2000  }
0x33: {  	[sflag:s26] =	ssyncset.done $0x0  }
0x34: {  	s22 =	rddreg [dreg:$0xa];
	[sflag:s26] =	ssyncadd.s32 $0xFFFFE000  }
0x35: {  	[spmem:s22] =	stream.linear.scatter [tilespmem:s25], [sflag:$0xD], $0x2000, $0x38;
	[tilespmem:$0x1AF00] =	vst v63  }
0x36: {  	_ =	swait.ge [sflag:s26], $0x2000  }
0x37: {  	[sflag:s26] =	ssyncset.done $0x0  }
0x38: {  	s28 =	rddreg [dreg:$0xb];
	[sflag:s26] =	ssyncadd.s32 $0xFFFFE000  }
0x39: {  	[spmem:s28] =	stream.linear.scatter [tilespmem:s25], [sflag:$0xD], $0x2000, $0x38;
	[tilespmem:$0x1AF00] =	vst v63  }
0x3a: {  	_ =	swait.ge [sflag:s26], $0x2000  }
0x3b: {  	[sflag:s26] =	ssyncset.done $0x0  }
0x3c: {  	s21 =	rddreg [dreg:$0x11];
	[sflag:s26] =	ssyncadd.s32 $0xFFFFE000  }
0x3d: {  	[spmem:s21] =	stream.linear.scatter [tilespmem:s25], [sflag:$0xD], $0x2000, $0x38;
	[tilespmem:$0x1AF00] =	vst v63  }
0x3e: {  	_ =	swait.ge [sflag:s26], $0x2000  }
0x3f: {  	[sflag:s26] =	ssyncset.done $0x0  }
0x40: {  	s22 =	rddreg [dreg:$0x3];
	[sflag:s26] =	ssyncadd.s32 $0xFFFFE000  }
0x41: {  	[tilespmem:s2], [sflag:$0xD] =	stream.linear.gather [hbm4b:s22+s2], $0x2700, $0x38;
	[tilespmem:$0x1AF00] =	vst v63  }
0x42: {  	_ =	swait.ge [sflag:s26], $0x2700  }
0x43: {  	[sflag:s26] =	ssyncset.done $0x0  }
0x44: {  	s28 =	rddreg [dreg:$0x4];
	[sflag:s26] =	ssyncadd.s32 $0xFFFFD900  }
0x45: {  	[tilespmem:s23], [sflag:$0xD] =	stream.linear.gather [hbm4b:s28+s2], $0x2700, $0x38;
	[tilespmem:$0x1AF00] =	vst v63  }
0x46: {  	_ =	swait.ge [sflag:s26], $0x2700  }
0x47: {  	s20 =	simm.s32 @!p0 $0x0;
	[sflag:s26] =	ssyncset.done $0x0  }
0x48: {  	s21 =	simm.s32 @!p0 $0x2700;
	s22 =	rddreg [dreg:$0x5];
	[sflag:s26] =	ssyncadd.s32 $0xFFFFD900  }
0x49: {  	[tilespmem:s21], [sflag:$0xD] =	stream.linear.gather @!p0 [hbm4b:s22+s20], $0x80, $0x38;
	[tilespmem:$0x1AF00] =	vst v63  }
0x4a: {  	s21 =	simm.s32 @!p0 $0xD  }
0x4b: {  	_ =	swait.ge @!p0 [sflag:s21], $0x80  }
0x4c: {  	[sflag:s21] =	ssyncset.done @!p0 $0x0  }
0x4d: {  	s28 =	simm.s32 @!p0 $0x4E80;
	s22 =	rddreg [dreg:$0x6];
	[sflag:s21] =	ssyncadd.s32 @!p0 $0xFFFFFF80  }
0x4e: {  	[tilespmem:s28], [sflag:$0xD] =	stream.linear.gather @!p0 [hbm4b:s22+s20], $0x80, $0x38;
	[tilespmem:$0x1AF00] =	vst v63  }
0x4f: {  	_ =	swait.ge @!p0 [sflag:s21], $0x80  }
0x50: {  	[sflag:s21] =	ssyncset.done @!p0 $0x0  }
0x51: {  	[sflag:s21] =	ssyncadd.s32 @!p0 $0xFFFFFF80  }
0x52: {  	s21 =	simm.s32 $0x0;
	[bflag:$0x0] =	sbarrier.arrive $0xFFFF  }
0x53: {  	[tilespmem:s25], [sflag:$0x1] =	stream.indirect.gather [hbm4b:s4+s29], $0x40, s21, s29, $0xb8;
	[tilespmem:$0x1AF00] =	vst v63  }
0x54: {  	_ = 	snop  }
0x55: {  	[tilespmem:s30], [sflag:$0x2] =	stream.indirect.gather [hbm4b:s4+s29], $0x40, s29, s29, $0xb8;
	[tilespmem:$0x1AF00] =	vst v63  }
0x56: {  	s22 =	simm.s32 $0x100  }
0x57: {  	[tilespmem:s0], [sflag:$0x3] =	stream.indirect.gather [hbm4b:s4+s29], $0x40, s22, s29, $0xb8;
	[tilespmem:$0x1AF00] =	vst v63  }
0x58: {  	s28 =	simm.s32 $0x180  }
0x59: {  	[tilespmem:s31], [sflag:$0x4] =	stream.indirect.gather [hbm4b:s4+s29], $0x40, s28, s29, $0xb8;
	[tilespmem:$0x1AF00] =	vst v63  }
0x5a: {  	s21 =	simm.s32 $0x200  }
0x5b: {  	[tilespmem:s3], [sflag:$0x5] =	stream.indirect.gather [hbm4b:s4+s29], $0x40, s21, s29, $0xb8;
	[tilespmem:$0x1AF00] =	vst v63  }
0x5c: {  	s22 =	simm.s32 $0x280  }
0x5d: {  	[tilespmem:s6], [sflag:$0x6] =	stream.indirect.gather [hbm4b:s4+s29], $0x40, s22, s29, $0xb8;
	[tilespmem:$0x1AF00] =	vst v63  }
0x5e: {  	_ =	swait.ge [sflag:s7], $0x2000  }
0x5f: {  	[sflag:s7] =	ssyncset.done $0x0  }
0x60: {  	[sflag:s7] =	ssyncadd.s32 $0xFFFFE000  }
0x61: {  	[spmem:s1] =	stream.indirect.scatter.add.f32 [tilespmem:s25], [sflag:$0x7], $0x40, s23, s29, $0xb8;
	[tilespmem:$0x1AF00] =	vst v63  }
0x62: {  	_ =	swait.ge [sflag:s8], $0x2000  }
0x63: {  	[sflag:s8] =	ssyncset.done $0x0  }
0x64: {  	s28 =	simm.s32 $0x2800;
	[sflag:s8] =	ssyncadd.s32 $0xFFFFE000  }
0x65: {  	[spmem:s1] =	stream.indirect.scatter.add.f32 [tilespmem:s30], [sflag:$0x8], $0x40, s28, s29, $0xb8;
	[tilespmem:$0x1AF00] =	vst v63  }
0x66: {  	_ =	swait.ge [sflag:s9], $0x2000  }
0x67: {  	[sflag:s9] =	ssyncset.done $0x0  }
0x68: {  	s21 =	simm.s32 $0x2880;
	[sflag:s9] =	ssyncadd.s32 $0xFFFFE000  }
0x69: {  	[spmem:s1] =	stream.indirect.scatter.add.f32 [tilespmem:s0], [sflag:$0x9], $0x40, s21, s29, $0xb8;
	[tilespmem:$0x1AF00] =	vst v63  }
0x6a: {  	_ =	swait.ge [sflag:s10], $0x2000  }
0x6b: {  	[sflag:s10] =	ssyncset.done $0x0  }
0x6c: {  	s22 =	simm.s32 $0x2900;
	[sflag:s10] =	ssyncadd.s32 $0xFFFFE000  }
0x6d: {  	[spmem:s1] =	stream.indirect.scatter.add.f32 [tilespmem:s31], [sflag:$0xA], $0x40, s22, s29, $0xb8;
	[tilespmem:$0x1AF00] =	vst v63  }
0x6e: {  	_ =	swait.ge [sflag:s11], $0x2000  }
0x6f: {  	[sflag:s11] =	ssyncset.done $0x0  }
0x70: {  	s28 =	simm.s32 $0x2980;
	[sflag:s11] =	ssyncadd.s32 $0xFFFFE000  }
0x71: {  	[spmem:s1] =	stream.indirect.scatter.add.f32 [tilespmem:s3], [sflag:$0xB], $0x40, s28, s29, $0xb8;
	[tilespmem:$0x1AF00] =	vst v63  }
0x72: {  	_ =	swait.ge [sflag:s12], $0x2000  }
0x73: {  	[sflag:s12] =	ssyncset.done $0x0  }
0x74: {  	s21 =	simm.s32 $0x2A00;
	[sflag:s12] =	ssyncadd.s32 $0xFFFFE000  }
0x75: {  	[spmem:s1] =	stream.indirect.scatter.add.f32 [tilespmem:s6], [sflag:$0xC], $0x40, s21, s29, $0xb8;
	[tilespmem:$0x1AF00] =	vst v63  }
0x76: {  	_ =	swait.ge [sflag:s13], $0x2000  }
0x77: {  	[sflag:s13] =	ssyncset.done $0x0  }
0x78: {  	s22 =	simm.s32 $0x300;
	[sflag:s13] =	ssyncadd.s32 $0xFFFFE000  }
0x79: {  	[tilespmem:s25], [sflag:$0x1] =	stream.indirect.gather [hbm4b:s4+s29], $0x40, s22, s29, $0xb8;
	[tilespmem:$0x1AF00] =	vst v63  }
0x7a: {  	_ =	swait.ge [sflag:s14], $0x2000  }
0x7b: {  	[sflag:s14] =	ssyncset.done $0x0  }
0x7c: {  	s28 =	simm.s32 $0x380;
	[sflag:s14] =	ssyncadd.s32 $0xFFFFE000  }
0x7d: {  	[tilespmem:s30], [sflag:$0x2] =	stream.indirect.gather [hbm4b:s4+s29], $0x40, s28, s29, $0xb8;
	[tilespmem:$0x1AF00] =	vst v63  }
0x7e: {  	_ =	swait.ge [sflag:s15], $0x2000  }
0x7f: {  	[sflag:s15] =	ssyncset.done $0x0  }
0x80: {  	s21 =	simm.s32 $0x400;
	[sflag:s15] =	ssyncadd.s32 $0xFFFFE000  }
0x81: {  	[tilespmem:s0], [sflag:$0x3] =	stream.indirect.gather [hbm4b:s4+s29], $0x40, s21, s29, $0xb8;
	[tilespmem:$0x1AF00] =	vst v63  }
0x82: {  	_ =	swait.ge [sflag:s16], $0x2000  }
0x83: {  	[sflag:s16] =	ssyncset.done $0x0  }
0x84: {  	s22 =	simm.s32 $0x480;
	[sflag:s16] =	ssyncadd.s32 $0xFFFFE000  }
0x85: {  	[tilespmem:s31], [sflag:$0x4] =	stream.indirect.gather [hbm4b:s4+s29], $0x40, s22, s29, $0xb8;
	[tilespmem:$0x1AF00] =	vst v63  }
0x86: {  	_ =	swait.ge [sflag:s17], $0x2000  }
0x87: {  	[sflag:s17] =	ssyncset.done $0x0  }
0x88: {  	s28 =	simm.s32 $0x500;
	[sflag:s17] =	ssyncadd.s32 $0xFFFFE000  }
0x89: {  	[tilespmem:s3], [sflag:$0x5] =	stream.indirect.gather [hbm4b:s4+s29], $0x40, s28, s29, $0xb8;
	[tilespmem:$0x1AF00] =	vst v63  }
0x8a: {  	_ =	swait.ge [sflag:s18], $0x2000  }
0x8b: {  	[sflag:s18] =	ssyncset.done $0x0  }
0x8c: {  	s21 =	simm.s32 $0x580;
	[sflag:s18] =	ssyncadd.s32 $0xFFFFE000  }
0x8d: {  	[tilespmem:s6], [sflag:$0x6] =	stream.indirect.gather [hbm4b:s4+s29], $0x40, s21, s29, $0xb8;
	[tilespmem:$0x1AF00] =	vst v63  }
0x8e: {  	_ =	swait.ge [sflag:s7], $0x2000  }
0x8f: {  	[sflag:s7] =	ssyncset.done $0x0  }
0x90: {  	s22 =	simm.s32 $0x2A80;
	[sflag:s7] =	ssyncadd.s32 $0xFFFFE000  }
0x91: {  	[spmem:s1] =	stream.indirect.scatter.add.f32 [tilespmem:s25], [sflag:$0x7], $0x40, s22, s29, $0xb8;
	[tilespmem:$0x1AF00] =	vst v63  }
0x92: {  	_ =	swait.ge [sflag:s8], $0x2000  }
0x93: {  	[sflag:s8] =	ssyncset.done $0x0  }
0x94: {  	s28 =	simm.s32 $0x2B00;
	[sflag:s8] =	ssyncadd.s32 $0xFFFFE000  }
0x95: {  	[spmem:s1] =	stream.indirect.scatter.add.f32 [tilespmem:s30], [sflag:$0x8], $0x40, s28, s29, $0xb8;
	[tilespmem:$0x1AF00] =	vst v63  }
0x96: {  	_ =	swait.ge [sflag:s9], $0x2000  }
0x97: {  	[sflag:s9] =	ssyncset.done $0x0  }
0x98: {  	s21 =	simm.s32 $0x2B80;
	[sflag:s9] =	ssyncadd.s32 $0xFFFFE000  }
0x99: {  	[spmem:s1] =	stream.indirect.scatter.add.f32 [tilespmem:s0], [sflag:$0x9], $0x40, s21, s29, $0xb8;
	[tilespmem:$0x1AF00] =	vst v63  }
0x9a: {  	_ =	swait.ge [sflag:s10], $0x2000  }
0x9b: {  	[sflag:s10] =	ssyncset.done $0x0  }
0x9c: {  	s22 =	simm.s32 $0x2C00;
	[sflag:s10] =	ssyncadd.s32 $0xFFFFE000  }
0x9d: {  	[spmem:s1] =	stream.indirect.scatter.add.f32 [tilespmem:s31], [sflag:$0xA], $0x40, s22, s29, $0xb8;
	[tilespmem:$0x1AF00] =	vst v63  }
0x9e: {  	_ =	swait.ge [sflag:s11], $0x2000  }
0x9f: {  	[sflag:s11] =	ssyncset.done $0x0  }
0xa0: {  	s28 =	simm.s32 $0x2C80;
	[sflag:s11] =	ssyncadd.s32 $0xFFFFE000  }
0xa1: {  	[spmem:s1] =	stream.indirect.scatter.add.f32 [tilespmem:s3], [sflag:$0xB], $0x40, s28, s29, $0xb8;
	[tilespmem:$0x1AF00] =	vst v63  }
0xa2: {  	_ =	swait.ge [sflag:s12], $0x2000  }
0xa3: {  	[sflag:s12] =	ssyncset.done $0x0  }
0xa4: {  	s20 =	simm.s32 $0xC00;
	s21 =	simm.s32 $0x2D00;
	[sflag:s12] =	ssyncadd.s32 $0xFFFFE000  }
.LBB2_4:
0xa5: {  	[spmem:s1] =	stream.indirect.scatter.add.f32 [tilespmem:s6], [sflag:$0xC], $0x40, s21, s29, $0xb8;
	[tilespmem:$0x1AF00] =	vst v63  }
0xa6: {  	s21 =	smov.u32 s20  }
0xa7: {  	p1 =	sne.s32 s20, $0x8400;
	s20 =	sadd.s32 $0xC00, s20;
	_ =	swait.ge [sflag:s13], $0x2000  }
0xa8: {  	s21 =	sshra.s32 s21, $0x2;
	[sflag:s13] =	ssyncset.done $0x0  }
0xa9: {  	s28 =	sadd.s32 $0x300, s21;
	[sflag:s13] =	ssyncadd.s32 $0xFFFFE000  }
0xaa: {  	[tilespmem:s25], [sflag:$0x1] =	stream.indirect.gather [hbm4b:s4+s29], $0x40, s28, s29, $0xb8;
	[tilespmem:$0x1AF00] =	vst v63  }
0xab: {  	_ =	swait.ge [sflag:s14], $0x2000  }
0xac: {  	[sflag:s14] =	ssyncset.done $0x0  }
0xad: {  	s28 =	sadd.s32 $0x380, s21;
	[sflag:s14] =	ssyncadd.s32 $0xFFFFE000  }
0xae: {  	[tilespmem:s30], [sflag:$0x2] =	stream.indirect.gather [hbm4b:s4+s29], $0x40, s28, s29, $0xb8;
	[tilespmem:$0x1AF00] =	vst v63  }
0xaf: {  	_ =	swait.ge [sflag:s15], $0x2000  }
0xb0: {  	[sflag:s15] =	ssyncset.done $0x0  }
0xb1: {  	s28 =	sadd.s32 $0x400, s21;
	[sflag:s15] =	ssyncadd.s32 $0xFFFFE000  }
0xb2: {  	[tilespmem:s0], [sflag:$0x3] =	stream.indirect.gather [hbm4b:s4+s29], $0x40, s28, s29, $0xb8;
	[tilespmem:$0x1AF00] =	vst v63  }
0xb3: {  	_ =	swait.ge [sflag:s16], $0x2000  }
0xb4: {  	[sflag:s16] =	ssyncset.done $0x0  }
0xb5: {  	s28 =	sadd.s32 $0x480, s21;
	[sflag:s16] =	ssyncadd.s32 $0xFFFFE000  }
0xb6: {  	[tilespmem:s31], [sflag:$0x4] =	stream.indirect.gather [hbm4b:s4+s29], $0x40, s28, s29, $0xb8;
	[tilespmem:$0x1AF00] =	vst v63  }
0xb7: {  	_ =	swait.ge [sflag:s17], $0x2000  }
0xb8: {  	[sflag:s17] =	ssyncset.done $0x0  }
0xb9: {  	s28 =	sadd.s32 $0x500, s21;
	[sflag:s17] =	ssyncadd.s32 $0xFFFFE000  }
0xba: {  	[tilespmem:s3], [sflag:$0x5] =	stream.indirect.gather [hbm4b:s4+s29], $0x40, s28, s29, $0xb8;
	[tilespmem:$0x1AF00] =	vst v63  }
0xbb: {  	_ =	swait.ge [sflag:s18], $0x2000  }
0xbc: {  	[sflag:s18] =	ssyncset.done $0x0  }
0xbd: {  	s28 =	sadd.s32 $0x580, s21;
	[sflag:s18] =	ssyncadd.s32 $0xFFFFE000  }
0xbe: {  	[tilespmem:s6], [sflag:$0x6] =	stream.indirect.gather [hbm4b:s4+s29], $0x40, s28, s29, $0xb8;
	[tilespmem:$0x1AF00] =	vst v63  }
0xbf: {  	_ =	swait.ge [sflag:s7], $0x2000  }
0xc0: {  	[sflag:s7] =	ssyncset.done $0x0  }
0xc1: {  	s28 =	sadd.s32 $0x2A80, s21;
	[sflag:s7] =	ssyncadd.s32 $0xFFFFE000  }
0xc2: {  	[spmem:s1] =	stream.indirect.scatter.add.f32 [tilespmem:s25], [sflag:$0x7], $0x40, s28, s29, $0xb8;
	[tilespmem:$0x1AF00] =	vst v63  }
0xc3: {  	_ =	swait.ge [sflag:s8], $0x2000  }
0xc4: {  	[sflag:s8] =	ssyncset.done $0x0  }
0xc5: {  	s28 =	sadd.s32 $0x2B00, s21;
	[sflag:s8] =	ssyncadd.s32 $0xFFFFE000  }
0xc6: {  	[spmem:s1] =	stream.indirect.scatter.add.f32 [tilespmem:s30], [sflag:$0x8], $0x40, s28, s29, $0xb8;
	[tilespmem:$0x1AF00] =	vst v63  }
0xc7: {  	_ =	swait.ge [sflag:s9], $0x2000  }
0xc8: {  	[sflag:s9] =	ssyncset.done $0x0  }
0xc9: {  	s28 =	sadd.s32 $0x2B80, s21;
	[sflag:s9] =	ssyncadd.s32 $0xFFFFE000  }
0xca: {  	[spmem:s1] =	stream.indirect.scatter.add.f32 [tilespmem:s0], [sflag:$0x9], $0x40, s28, s29, $0xb8;
	[tilespmem:$0x1AF00] =	vst v63  }
0xcb: {  	_ =	swait.ge [sflag:s10], $0x2000  }
0xcc: {  	[sflag:s10] =	ssyncset.done $0x0  }
0xcd: {  	s28 =	sadd.s32 $0x2C00, s21;
	[sflag:s10] =	ssyncadd.s32 $0xFFFFE000  }
0xce: {  	[spmem:s1] =	stream.indirect.scatter.add.f32 [tilespmem:s31], [sflag:$0xA], $0x40, s28, s29, $0xb8;
	[tilespmem:$0x1AF00] =	vst v63  }
0xcf: {  	_ =	swait.ge [sflag:s11], $0x2000  }
0xd0: {  	[sflag:s11] =	ssyncset.done $0x0  }
.Ltmp1:
0xd1: {  	s28 =	sadd.s32 $0x2C80, s21;
	[sflag:s11] =	ssyncadd.s32 $0xFFFFE000;
	(pc) =	sbr.rel @p1 .LBB2_4-.Ltmp1, $4  }
0xd2: {  	[spmem:s1] =	stream.indirect.scatter.add.f32 [tilespmem:s3], [sflag:$0xB], $0x40, s28, s29, $0xb8;
	[tilespmem:$0x1AF00] =	vst v63  }
0xd3: {  	_ =	swait.ge [sflag:s12], $0x2000  }
0xd4: {  	[sflag:s12] =	ssyncset.done $0x0  }
0xd5: {  	s21 =	sadd.s32 $0x2D00, s21;
	[sflag:s12] =	ssyncadd.s32 $0xFFFFE000  }
0xd6: {  	[spmem:s1] =	stream.indirect.scatter.add.f32 [tilespmem:s6], [sflag:$0xC], $0x40, s21, s29, $0xb8;
	[tilespmem:$0x1AF00] =	vst v63  }
0xd7: {  	_ =	swait.ge [sflag:s13], $0x2000  }
0xd8: {  	[sflag:s13] =	ssyncset.done $0x0  }
0xd9: {  	[sflag:s13] =	ssyncadd.s32 $0xFFFFE000  }
0xda: {  	_ =	swait.ge [sflag:s14], $0x2000  }
0xdb: {  	[sflag:s14] =	ssyncset.done $0x0  }
0xdc: {  	[sflag:s14] =	ssyncadd.s32 $0xFFFFE000  }
0xdd: {  	_ =	swait.ge [sflag:s15], $0x2000  }
0xde: {  	[sflag:s15] =	ssyncset.done $0x0  }
0xdf: {  	[sflag:s15] =	ssyncadd.s32 $0xFFFFE000  }
0xe0: {  	_ =	swait.ge [sflag:s16], $0x2000  }
0xe1: {  	[sflag:s16] =	ssyncset.done $0x0  }
0xe2: {  	[sflag:s16] =	ssyncadd.s32 $0xFFFFE000  }
0xe3: {  	_ =	swait.ge [sflag:s17], $0x2000  }
0xe4: {  	[sflag:s17] =	ssyncset.done $0x0  }
0xe5: {  	[sflag:s17] =	ssyncadd.s32 $0xFFFFE000  }
0xe6: {  	_ =	swait.ge [sflag:s18], $0x2000  }
0xe7: {  	s20 =	simm.s32 @!p0 $0x80;
	[sflag:s18] =	ssyncset.done $0x0  }
0xe8: {  	s21 =	simm.s32 @!p0 $0x2700;
	s28 =	simm.s32 @!p0 $0x4F00;
	[sflag:s18] =	ssyncadd.s32 $0xFFFFE000  }
0xe9: {  	[tilespmem:s28], [sflag:$0xD] =	stream.indirect.gather @!p0 [hbm4b:s4+s20], $0x40, s21, s20, $0xb8;
	[tilespmem:$0x1AF00] =	vst v63  }
0xea: {  	s21 =	simm.s32 @!p0 $0xD  }
0xeb: {  	_ =	swait.ge @!p0 [sflag:s21], $0x2000  }
0xec: {  	[sflag:s21] =	ssyncset.done @!p0 $0x0  }
0xed: {  	s22 =	simm.s32 @!p0 $0x4E80;
	[sflag:s21] =	ssyncadd.s32 @!p0 $0xFFFFE000  }
0xee: {  	[spmem:s1] =	stream.indirect.scatter.add.f32 @!p0 [tilespmem:s28], [sflag:$0xD], $0x40, s22, s20, $0xb8;
	[tilespmem:$0x1AF00] =	vst v63  }
0xef: {  	_ =	swait.ge @!p0 [sflag:s21], $0x2000  }
0xf0: {  	[sflag:s21] =	ssyncset.done @!p0 $0x0  }
0xf1: {  	[sflag:s21] =	ssyncadd.s32 @!p0 $0xFFFFE000  }
0xf2: {  	[bflag:$0x0] =	sbarrier.arrive $0xFFFF  }
0xf3: {  	s28 =	rddreg [dreg:$0x7]  }
0xf4: {  	[tilespmem:s25], [sflag:$0xD] =	stream.linear.gather [spmem:s28], $0x2000, $0x38;
	[tilespmem:$0x1AF00] =	vst v63  }
0xf5: {  	_ =	swait.ge [sflag:s26], $0x2000  }
0xf6: {  	[sflag:s26] =	ssyncset.done $0x0  }
0xf7: {  	s21 =	rddreg [dreg:$0xc];
	[sflag:s26] =	ssyncadd.s32 $0xFFFFE000  }
0xf8: {  	[hbm4b:s21+s2] =	stream.linear.scatter [tilespmem:s25], [sflag:$0xD], $0x2000, $0x38;
	[tilespmem:$0x1AF00] =	vst v63  }
0xf9: {  	_ =	swait.ge [sflag:s26], $0x2000  }
0xfa: {  	[sflag:s26] =	ssyncset.done $0x0  }
0xfb: {  	s22 =	rddreg [dreg:$0x12];
	[sflag:s26] =	ssyncadd.s32 $0xFFFFE000  }
0xfc: {  	[tilespmem:s25], [sflag:$0xD] =	stream.linear.gather [spmem:s22], $0x2000, $0x38;
	[tilespmem:$0x1AF00] =	vst v63  }
0xfd: {  	_ =	swait.ge [sflag:s26], $0x2000  }
0xfe: {  	[sflag:s26] =	ssyncset.done $0x0  }
0xff: {  	s28 =	rddreg [dreg:$0xd];
	[sflag:s26] =	ssyncadd.s32 $0xFFFFE000  }
0x100: {  	[hbm4b:s28+s2] =	stream.linear.scatter [tilespmem:s25], [sflag:$0xD], $0x2000, $0x38;
	[tilespmem:$0x1AF00] =	vst v63  }
0x101: {  	_ =	swait.ge [sflag:s26], $0x2000  }
0x102: {  	[sflag:s26] =	ssyncset.done $0x0  }
0x103: {  	s21 =	rddreg [dreg:$0x13];
	[sflag:s26] =	ssyncadd.s32 $0xFFFFE000  }
0x104: {  	[tilespmem:s25], [sflag:$0xD] =	stream.linear.gather [spmem:s21], $0x2000, $0x38;
	[tilespmem:$0x1AF00] =	vst v63  }
0x105: {  	_ =	swait.ge [sflag:s26], $0x2000  }
0x106: {  	[sflag:s26] =	ssyncset.done $0x0  }
0x107: {  	s22 =	rddreg [dreg:$0xe];
	[sflag:s26] =	ssyncadd.s32 $0xFFFFE000  }
0x108: {  	[hbm4b:s22+s2] =	stream.linear.scatter [tilespmem:s25], [sflag:$0xD], $0x2000, $0x38;
	[tilespmem:$0x1AF00] =	vst v63  }
0x109: {  	_ =	swait.ge [sflag:s26], $0x2000  }
0x10a: {  	[sflag:s26] =	ssyncset.done $0x0  }
0x10b: {  	s28 =	rddreg [dreg:$0x14];
	[sflag:s26] =	ssyncadd.s32 $0xFFFFE000  }
0x10c: {  	[tilespmem:s25], [sflag:$0xD] =	stream.linear.gather [spmem:s28], $0x2000, $0x38;
	[tilespmem:$0x1AF00] =	vst v63  }
0x10d: {  	_ =	swait.ge [sflag:s26], $0x2000  }
0x10e: {  	[sflag:s26] =	ssyncset.done $0x0  }
0x10f: {  	s21 =	rddreg [dreg:$0xf];
	[sflag:s26] =	ssyncadd.s32 $0xFFFFE000  }
0x110: {  	[hbm4b:s21+s2] =	stream.linear.scatter [tilespmem:s25], [sflag:$0xD], $0x2000, $0x38;
	[tilespmem:$0x1AF00] =	vst v63  }
0x111: {  	_ =	swait.ge [sflag:s26], $0x2000  }
0x112: {  	[sflag:s26] =	ssyncset.done $0x0  }
0x113: {  	[sflag:s26] =	ssyncadd.s32 $0xFFFFE000  }
0x114: {  	[tilespmem:s25], [sflag:$0xD] =	stream.linear.gather [spmem:s24], $0x2000, $0x38;
	[tilespmem:$0x1AF00] =	vst v63  }
0x115: {  	_ =	swait.ge [sflag:s26], $0x2000  }
0x116: {  	[sflag:s26] =	ssyncset.done $0x0  }
0x117: {  	s22 =	rddreg [dreg:$0x10];
	[sflag:s26] =	ssyncadd.s32 $0xFFFFE000  }
0x118: {  	[hbm4b:s22+s2] =	stream.linear.scatter [tilespmem:s25], [sflag:$0xD], $0x2000, $0x38;
	[tilespmem:$0x1AF00] =	vst v63  }
0x119: {  	_ =	swait.ge [sflag:s26], $0x2000  }
0x11a: {  	s19 =	sadd.s32 $0x1, s19;
	s28 =	rddreg [dreg:$0x8]  }
0x11b: {  	p1 =	sne.s32 s19, s28  }
.Ltmp2:
0x11c: {  	_ = 	snop;
	(pc) =	sbr.rel @p1 .LBB2_1-.Ltmp2, $3  }
0x11d: {  	_ =	sdelay $0x1  }
0x11e: {  	[sflag:s26] =	ssyncset.done $0x0  }
0x11f: {  	[sflag:s26] =	ssyncadd.s32 $0xFFFFE000  }
0x120: {  	_ =	sfence.sel $0x180000  }
0x121: {  	[bflag:$0x0] =	sbarrier.arrive $0xFFFF  }
0x122: {  	_ =	strace $0x90000050  }
0x123: {  	s0 =	stileid.u32;
	[bflag:$0x2] =	sbarrier.arrive $0xFFFF  }
0x124: {  	p0 =	sne.s32 s0, $0x0;
	s0 =	rddreg [dreg:$0x2]  }
0x125: {  	s0 =	sadd.s32 @!p0 $0x100000, s0  }
0x126: {  	[sflag:s0] =	ssyncadd.tile.s32 @!p0 $0x1;
	_ =	shalt  }
.Lfunc_end2:
_tile_overlayer_lowered:
.L_overlay_start_2:
0x127: {  	(tag) =	ssettag $0x2  }
0x128: {  	s0 =	rddreg [dreg:$0x0];
	s2 =	stileid.u32  }
0x129: {  	s1 =	rddreg [dreg:$0x1];
	p0 =	sne.s32 s2, $0x0  }
0x12a: {  	s3 =	rddreg [dreg:$0x2];
	[bflag:$0x3] =	sbarrier.arrive $0xFFFF;
	s2 =	simm.s32 @!p0 $0x1C0D  }
0x12b: {  	[timem:s3], [sflag:s2] =	dma.local @!p0 [hbm:s0], s1  }
0x12c: {  	s0 =	simm.s32 @!p0 $0xD  }
0x12d: {  	_ =	swait.ge @!p0 [sflag:s0], s1  }
0x12e: {  	s1 =	ssub.s32 @!p0 $0x0, s1;
	[sflag:s0] =	ssyncset.done @!p0 $0x0  }
0x12f: {  	[sflag:s0] =	ssyncadd.s32 @!p0 s1  }
0x130: {  	[bflag:$0x3] =	sbarrier.arrive $0xFFFF  }
0x131: {  	_ =	shalt  }

</sc_bundles>
